<compile_context>
chip_gen: v7x
topology: tpu7x:2x2x1
jax: 0.10.2.dev20260603
libtpu: 0.0.44.dev20260713+nightly
codegen_flags: <defaults>
</compile_context>

<pallas_src>
import functools
import math

import jax
import jax.numpy as jnp
from jax import lax
from jax.experimental import pallas as pl
from jax.experimental.pallas import tpu as pltpu
from jax.experimental.pallas import tpu_sc as plsc

_D = 64
_SCALE = math.sqrt(_D)
_LANES = 16
_IDX_W = 128
_CHUNK = 256
_K = _CHUNK // _IDX_W
_NBUF = 4
_AHEAD = 2


def _embed_sc(x2d, table):
    n_rows = x2d.shape[0]
    B = n_rows * _IDX_W
    info = plsc.get_sparse_core_info()
    nw = info.num_cores * info.num_subcores
    per_w = B // nw
    n_chunks = per_w // _CHUNK
    rpc = _CHUNK // _IDX_W
    assert per_w % _CHUNK == 0 and n_chunks % _NBUF == 0 and n_chunks >= 2 * _NBUF

    mesh = plsc.VectorSubcoreMesh(core_axis_name="c", subcore_axis_name="s")

    @functools.partial(
        pl.kernel,
        out_type=jax.ShapeDtypeStruct((B, 2 * _D), jnp.float32),
        mesh=mesh,
        scratch_types=[
            pltpu.VMEM((_NBUF, _K, _IDX_W), jnp.int32),
            pltpu.VMEM((_NBUF, _CHUNK, _D), jnp.float32),
            pltpu.SemaphoreType.DMA((_NBUF,)),
            pltpu.SemaphoreType.DMA((_NBUF,)),
        ],
        compiler_params=pltpu.CompilerParams(use_tc_tiling_on_sc=False),
    )
    def k(x_hbm, tab_hbm, out_hbm, idx_v, rows_v, sem_g, sem_o):
        wid = lax.axis_index("s") * info.num_cores + lax.axis_index("c")
        row_base_w = wid * (per_w // _IDX_W)

        def fire_gather(g, b):
            pltpu.sync_copy(
                x_hbm.at[pl.ds(row_base_w + g * rpc, rpc)], idx_v.at[b]
            )
            for j in range(_K):
                pltpu.async_copy(
                    tab_hbm.at[idx_v.at[b, j]],
                    rows_v.at[b, pl.ds(j * _IDX_W, _IDX_W)],
                    sem_g.at[b],
                )

        def drain_gather(b):
            pltpu.make_async_copy(
                tab_hbm.at[pl.ds(0, _CHUNK)], rows_v.at[b], sem_g.at[b]
            ).wait()

        def scale(b):
            def body(i, c):
                r = i * 4
                for dr in range(4):
                    for j in range(_D // _LANES):
                        sl = (b, r + dr, pl.ds(j * _LANES, _LANES))
                        rows_v[sl] = rows_v[sl] * _SCALE
                return c

            lax.fori_loop(0, _CHUNK // 4, body, 0, unroll=False)

        def fire_out(g, b):
            pltpu.async_copy(
                rows_v.at[b],
                out_hbm.at[
                    pl.ds((row_base_w + g * rpc) * _IDX_W, _CHUNK),
                    pl.ds(0, _D),
                ],
                sem_o.at[b],
            )

        def drain_out(b):
            pltpu.make_async_copy(
                rows_v.at[b],
                out_hbm.at[pl.ds(0, _CHUNK), pl.ds(0, _D)],
                sem_o.at[b],
            ).wait()

        for g in range(_AHEAD):
            fire_gather(g, g)

        for g in range(_AHEAD):
            b = g % _NBUF
            drain_gather(b)
            scale(b)
            fire_out(g, b)
            fire_gather(g + _AHEAD, (g + _AHEAD) % _NBUF)

        n_steady = n_chunks - 2 * _AHEAD
        assert n_steady % _NBUF == 0

        def super_step(s, carry):
            for p in range(_NBUF):
                g = _AHEAD + s * _NBUF + p
                b = (_AHEAD + p) % _NBUF
                drain_gather(b)
                scale(b)
                fire_out(g, b)
                drain_out(p)
                fire_gather(g + _AHEAD, p)
            return carry

        lax.fori_loop(0, n_steady // _NBUF, super_step, 0, unroll=False)

        for g in range(n_chunks - _AHEAD, n_chunks):
            b = g % _NBUF
            drain_gather(b)
            scale(b)
            fire_out(g, b)

        for b in range(_NBUF):
            drain_out(b)

    return k(x2d, table)


def kernel(x, table):
    b, t = x.shape
    x2d = x.reshape(-1, _IDX_W).astype(jnp.int32)
    out = _embed_sc(x2d, table)
    return out[:, :_D].reshape(b, t, _D)

# --- scband reference (transcript-rebuilt; emitter-appended) ---
"""Pipeline reference for scband-input-embedding-85100482003221 (READ-ONLY COPY).

The authoritative reference and input builder live on the scoring server;
editing this copy changes nothing except your own understanding.
"""

import jax, jax.numpy as jnp
import numpy as np
import math

VOCAB = 1000000
D_MODEL = 64

def setup_inputs(seed: int = 0) -> dict:
    key = jax.random.key(seed)
    k_idx, k_tab = jax.random.split(key)
    x = jax.random.randint(k_idx, (4096, 200), 0, VOCAB, dtype=jnp.int64 if jax.config.jax_enable_x64 else jnp.int32)
    table = jax.random.normal(k_tab, (VOCAB, D_MODEL), dtype=jnp.float32)
    return {"x": x, "table": table}

def reference(x, table):
    emb = jnp.take(table, x, axis=0)
    return emb * math.sqrt(D_MODEL)

if __name__ == "__main__":
    import jax
    _d = setup_inputs()
    print(jax.jit(kernel)(*tuple(_d.values())))

</pallas_src>

<mosaic_0001>
#map = affine_map<(d0, d1) -> (0, 0)>
module attributes {stable_mosaic.version = 14 : i64} {
  func.func @k(%arg0: i32, %arg1: i32, %arg2: memref<6400x128xi32, #tpu.memory_space<hbm>>, %arg3: memref<1000000x64xf32, #tpu.memory_space<hbm>>, %arg4: memref<819200x128xf32, #tpu.memory_space<hbm>>, %arg5: memref<4x2x128xi32, #tpu.memory_space<vmem>>, %arg6: memref<4x256x64xf32, #tpu.memory_space<vmem>>, %arg7: memref<4x!tpu.dma_semaphore, #tpu.memory_space<semaphore_mem>>, %arg8: memref<4x!tpu.dma_semaphore, #tpu.memory_space<semaphore_mem>>) attributes {dimension_semantics = [#tpu.dimension_semantics<core_parallel>, #tpu.dimension_semantics<subcore_parallel>], iteration_bounds = array<i64: 2, 16>, scalar_prefetch = 0 : i64, scratch_operands = 4 : i64, tpu.core_type = #tpu.core_type<sc_vector_subcore>, window_params = [{transform_indices = #map}, {transform_indices = #map}, {transform_indices = #map}]} {
    %mul3A = arith.constant 2 : i32
    %mul3A_0 = arith.muli %arg1, %mul3A : i32
    %add3A = arith.addi %mul3A_0, %arg0 : i32
    %mul3A_1 = arith.constant 200 : i32
    %mul3A_2 = arith.muli %add3A, %mul3A_1 : i32
    %add3A_3 = arith.constant 0 : i32
    %add3A_4 = arith.addi %mul3A_2, %add3A_3 : i32
    %run_scoped3A = arith.constant 0 : i32
    "tpu.region"() ({
      %run_scoped3A_393 = tpu.sem_alloc : memref<!tpu.dma_semaphore, #tpu.memory_space<semaphore_mem>>
      %dma_start3A_394 = arith.constant 0 : i32
      %dma_start3A_395 = arith.constant 0 : i32
      %dma_start3A_396 = tpu.memref_slice %arg5[%run_scoped3A, %dma_start3A_394, %dma_start3A_395] : memref<4x2x128xi32, #tpu.memory_space<vmem>> -> memref<1x2x128xi32, #tpu.memory_space<vmem>>
      %dma_start3A_397 = tpu.memref_squeeze %dma_start3A_396 : memref<1x2x128xi32, #tpu.memory_space<vmem>> -> memref<2x128xi32, #tpu.memory_space<vmem>>
      %dma_start3A_398 = arith.constant 0 : i32
      %dma_start3A_399 = tpu.memref_slice %arg2[%add3A_4, %dma_start3A_398] : memref<6400x128xi32, #tpu.memory_space<hbm>> -> memref<2x128xi32, #tpu.memory_space<hbm>>
      %dma_start3A_400 = arith.constant 0 : i32
      %dma_start3A_401 = arith.constant 0 : i32
      %dma_start3A_402 = tpu.memref_slice %arg5[%run_scoped3A, %dma_start3A_400, %dma_start3A_401] : memref<4x2x128xi32, #tpu.memory_space<vmem>> -> memref<1x2x128xi32, #tpu.memory_space<vmem>>
      %dma_start3A_403 = tpu.memref_squeeze %dma_start3A_402 : memref<1x2x128xi32, #tpu.memory_space<vmem>> -> memref<2x128xi32, #tpu.memory_space<vmem>>
      %dma_start3A_404 = arith.constant 0 : i32
      %dma_start3A_405 = tpu.memref_slice %arg2[%add3A_4, %dma_start3A_404] : memref<6400x128xi32, #tpu.memory_space<hbm>> -> memref<2x128xi32, #tpu.memory_space<hbm>>
      tpu.enqueue_dma source(%dma_start3A_405 : memref<2x128xi32, #tpu.memory_space<hbm>>) target(%dma_start3A_403 : memref<2x128xi32, #tpu.memory_space<vmem>>) target_semaphore(%run_scoped3A_393 : memref<!tpu.dma_semaphore, #tpu.memory_space<semaphore_mem>>)
      %dma_wait3A_406 = arith.constant 0 : i32
      %dma_wait3A_407 = arith.constant 0 : i32
      %dma_wait3A_408 = tpu.memref_slice %arg5[%run_scoped3A, %dma_wait3A_406, %dma_wait3A_407] : memref<4x2x128xi32, #tpu.memory_space<vmem>> -> memref<1x2x128xi32, #tpu.memory_space<vmem>>
      %dma_wait3A_409 = tpu.memref_squeeze %dma_wait3A_408 : memref<1x2x128xi32, #tpu.memory_space<vmem>> -> memref<2x128xi32, #tpu.memory_space<vmem>>
      %dma_wait3A_410 = arith.constant 0 : i32
      %dma_wait3A_411 = tpu.memref_slice %arg2[%add3A_4, %dma_wait3A_410] : memref<6400x128xi32, #tpu.memory_space<hbm>> -> memref<2x128xi32, #tpu.memory_space<hbm>>
      %dma_wait3A_412 = arith.constant 0 : i32
      %dma_wait3A_413 = arith.constant 0 : i32
      %dma_wait3A_414 = tpu.memref_slice %arg5[%run_scoped3A, %dma_wait3A_412, %dma_wait3A_413] : memref<4x2x128xi32, #tpu.memory_space<vmem>> -> memref<1x2x128xi32, #tpu.memory_space<vmem>>
      %dma_wait3A_415 = tpu.memref_squeeze %dma_wait3A_414 : memref<1x2x128xi32, #tpu.memory_space<vmem>> -> memref<2x128xi32, #tpu.memory_space<vmem>>
      %dma_wait3A_416 = arith.constant 0 : i32
      %dma_wait3A_417 = tpu.memref_slice %arg2[%add3A_4, %dma_wait3A_416] : memref<6400x128xi32, #tpu.memory_space<hbm>> -> memref<2x128xi32, #tpu.memory_space<hbm>>
      tpu.wait_dma2 semaphore(%run_scoped3A_393 : memref<!tpu.dma_semaphore, #tpu.memory_space<semaphore_mem>>) src(%dma_wait3A_417 : memref<2x128xi32, #tpu.memory_space<hbm>>) dst(%dma_wait3A_415 : memref<2x128xi32, #tpu.memory_space<vmem>>)
      tpu.yield
    }) : () -> ()
    %dma_start3A = arith.constant 0 : i32
    %dma_start3A_5 = arith.constant 0 : i32
    %dma_start3A_6 = arith.constant 0 : i32
    %dma_start3A_7 = arith.constant 0 : i32
    %dma_start3A_8 = arith.constant 0 : i32
    %dma_start3A_9 = arith.constant 0 : i32
    %dma_start3A_10 = tpu.memref_slice %arg6[%dma_start3A_6, %dma_start3A_8, %dma_start3A_9] : memref<4x256x64xf32, #tpu.memory_space<vmem>> -> memref<1x128x64xf32, #tpu.memory_space<vmem>>
    %dma_start3A_11 = tpu.memref_squeeze %dma_start3A_10 : memref<1x128x64xf32, #tpu.memory_space<vmem>> -> memref<128x64xf32, #tpu.memory_space<vmem>>
    %dma_start3A_12 = arith.constant 0 : i32
    %dma_start3A_13 = tpu.memref_slice %arg5[%dma_start3A, %dma_start3A_5, %dma_start3A_12] : memref<4x2x128xi32, #tpu.memory_space<vmem>> -> memref<1x1x128xi32, #tpu.memory_space<vmem>>
    %dma_start3A_14 = tpu.memref_squeeze %dma_start3A_13 : memref<1x1x128xi32, #tpu.memory_space<vmem>> -> memref<128xi32, #tpu.memory_space<vmem>>
    %dma_start3A_15 = arith.constant 0 : i32
    %dma_start3A_16 = arith.constant 0 : i32
    %dma_start3A_17 = tpu.memref_slice %arg3[%dma_start3A_15, %dma_start3A_16] : memref<1000000x64xf32, #tpu.memory_space<hbm>> -> memref<1000000x64xf32, #tpu.memory_space<hbm>>
    %dma_start3A_18 = tpu.memref_slice %arg7[%dma_start3A_7] : memref<4x!tpu.dma_semaphore, #tpu.memory_space<semaphore_mem>> -> memref<1x!tpu.dma_semaphore, #tpu.memory_space<semaphore_mem>>
    %dma_start3A_19 = tpu.memref_squeeze %dma_start3A_18 : memref<1x!tpu.dma_semaphore, #tpu.memory_space<semaphore_mem>> -> memref<!tpu.dma_semaphore, #tpu.memory_space<semaphore_mem>>
    tpu.enqueue_indirect_dma source(%dma_start3A_17 : memref<1000000x64xf32, #tpu.memory_space<hbm>>) target(%dma_start3A_11 : memref<128x64xf32, #tpu.memory_space<vmem>>) offsets(%dma_start3A_14 : memref<128xi32, #tpu.memory_space<vmem>>) semaphore(%dma_start3A_19 : memref<!tpu.dma_semaphore, #tpu.memory_space<semaphore_mem>>)
    %dma_start3A_20 = arith.constant 0 : i32
    %dma_start3A_21 = arith.constant 1 : i32
    %dma_start3A_22 = arith.constant 0 : i32
    %dma_start3A_23 = arith.constant 0 : i32
    %dma_start3A_24 = arith.constant 128 : i32
    %dma_start3A_25 = arith.constant 0 : i32
    %dma_start3A_26 = tpu.memref_slice %arg6[%dma_start3A_22, %dma_start3A_24, %dma_start3A_25] : memref<4x256x64xf32, #tpu.memory_space<vmem>> -> memref<1x128x64xf32, #tpu.memory_space<vmem>>
    %dma_start3A_27 = tpu.memref_squeeze %dma_start3A_26 : memref<1x128x64xf32, #tpu.memory_space<vmem>> -> memref<128x64xf32, #tpu.memory_space<vmem>>
    %dma_start3A_28 = arith.constant 0 : i32
    %dma_start3A_29 = tpu.memref_slice %arg5[%dma_start3A_20, %dma_start3A_21, %dma_start3A_28] : memref<4x2x128xi32, #tpu.memory_space<vmem>> -> memref<1x1x128xi32, #tpu.memory_space<vmem>>
    %dma_start3A_30 = tpu.memref_squeeze %dma_start3A_29 : memref<1x1x128xi32, #tpu.memory_space<vmem>> -> memref<128xi32, #tpu.memory_space<vmem>>
    %dma_start3A_31 = arith.constant 0 : i32
    %dma_start3A_32 = arith.constant 0 : i32
    %dma_start3A_33 = tpu.memref_slice %arg3[%dma_start3A_31, %dma_start3A_32] : memref<1000000x64xf32, #tpu.memory_space<hbm>> -> memref<1000000x64xf32, #tpu.memory_space<hbm>>
    %dma_start3A_34 = tpu.memref_slice %arg7[%dma_start3A_23] : memref<4x!tpu.dma_semaphore, #tpu.memory_space<semaphore_mem>> -> memref<1x!tpu.dma_semaphore, #tpu.memory_space<semaphore_mem>>
    %dma_start3A_35 = tpu.memref_squeeze %dma_start3A_34 : memref<1x!tpu.dma_semaphore, #tpu.memory_space<semaphore_mem>> -> memref<!tpu.dma_semaphore, #tpu.memory_space<semaphore_mem>>
    tpu.enqueue_indirect_dma source(%dma_start3A_33 : memref<1000000x64xf32, #tpu.memory_space<hbm>>) target(%dma_start3A_27 : memref<128x64xf32, #tpu.memory_space<vmem>>) offsets(%dma_start3A_30 : memref<128xi32, #tpu.memory_space<vmem>>) semaphore(%dma_start3A_35 : memref<!tpu.dma_semaphore, #tpu.memory_space<semaphore_mem>>)
    %add3A_36 = arith.constant 2 : i32
    %add3A_37 = arith.addi %mul3A_2, %add3A_36 : i32
    %run_scoped3A_38 = arith.constant 1 : i32
    "tpu.region"() ({
      %run_scoped3A_393 = tpu.sem_alloc : memref<!tpu.dma_semaphore, #tpu.memory_space<semaphore_mem>>
      %dma_start3A_394 = arith.constant 0 : i32
      %dma_start3A_395 = arith.constant 0 : i32
      %dma_start3A_396 = tpu.memref_slice %arg5[%run_scoped3A_38, %dma_start3A_394, %dma_start3A_395] : memref<4x2x128xi32, #tpu.memory_space<vmem>> -> memref<1x2x128xi32, #tpu.memory_space<vmem>>
      %dma_start3A_397 = tpu.memref_squeeze %dma_start3A_396 : memref<1x2x128xi32, #tpu.memory_space<vmem>> -> memref<2x128xi32, #tpu.memory_space<vmem>>
      %dma_start3A_398 = arith.constant 0 : i32
      %dma_start3A_399 = tpu.memref_slice %arg2[%add3A_37, %dma_start3A_398] : memref<6400x128xi32, #tpu.memory_space<hbm>> -> memref<2x128xi32, #tpu.memory_space<hbm>>
      %dma_start3A_400 = arith.constant 0 : i32
      %dma_start3A_401 = arith.constant 0 : i32
      %dma_start3A_402 = tpu.memref_slice %arg5[%run_scoped3A_38, %dma_start3A_400, %dma_start3A_401] : memref<4x2x128xi32, #tpu.memory_space<vmem>> -> memref<1x2x128xi32, #tpu.memory_space<vmem>>
      %dma_start3A_403 = tpu.memref_squeeze %dma_start3A_402 : memref<1x2x128xi32, #tpu.memory_space<vmem>> -> memref<2x128xi32, #tpu.memory_space<vmem>>
      %dma_start3A_404 = arith.constant 0 : i32
      %dma_start3A_405 = tpu.memref_slice %arg2[%add3A_37, %dma_start3A_404] : memref<6400x128xi32, #tpu.memory_space<hbm>> -> memref<2x128xi32, #tpu.memory_space<hbm>>
      tpu.enqueue_dma source(%dma_start3A_405 : memref<2x128xi32, #tpu.memory_space<hbm>>) target(%dma_start3A_403 : memref<2x128xi32, #tpu.memory_space<vmem>>) target_semaphore(%run_scoped3A_393 : memref<!tpu.dma_semaphore, #tpu.memory_space<semaphore_mem>>)
      %dma_wait3A_406 = arith.constant 0 : i32
      %dma_wait3A_407 = arith.constant 0 : i32
      %dma_wait3A_408 = tpu.memref_slice %arg5[%run_scoped3A_38, %dma_wait3A_406, %dma_wait3A_407] : memref<4x2x128xi32, #tpu.memory_space<vmem>> -> memref<1x2x128xi32, #tpu.memory_space<vmem>>
      %dma_wait3A_409 = tpu.memref_squeeze %dma_wait3A_408 : memref<1x2x128xi32, #tpu.memory_space<vmem>> -> memref<2x128xi32, #tpu.memory_space<vmem>>
      %dma_wait3A_410 = arith.constant 0 : i32
      %dma_wait3A_411 = tpu.memref_slice %arg2[%add3A_37, %dma_wait3A_410] : memref<6400x128xi32, #tpu.memory_space<hbm>> -> memref<2x128xi32, #tpu.memory_space<hbm>>
      %dma_wait3A_412 = arith.constant 0 : i32
      %dma_wait3A_413 = arith.constant 0 : i32
      %dma_wait3A_414 = tpu.memref_slice %arg5[%run_scoped3A_38, %dma_wait3A_412, %dma_wait3A_413] : memref<4x2x128xi32, #tpu.memory_space<vmem>> -> memref<1x2x128xi32, #tpu.memory_space<vmem>>
      %dma_wait3A_415 = tpu.memref_squeeze %dma_wait3A_414 : memref<1x2x128xi32, #tpu.memory_space<vmem>> -> memref<2x128xi32, #tpu.memory_space<vmem>>
      %dma_wait3A_416 = arith.constant 0 : i32
      %dma_wait3A_417 = tpu.memref_slice %arg2[%add3A_37, %dma_wait3A_416] : memref<6400x128xi32, #tpu.memory_space<hbm>> -> memref<2x128xi32, #tpu.memory_space<hbm>>
      tpu.wait_dma2 semaphore(%run_scoped3A_393 : memref<!tpu.dma_semaphore, #tpu.memory_space<semaphore_mem>>) src(%dma_wait3A_417 : memref<2x128xi32, #tpu.memory_space<hbm>>) dst(%dma_wait3A_415 : memref<2x128xi32, #tpu.memory_space<vmem>>)
      tpu.yield
    }) : () -> ()
    %dma_start3A_39 = arith.constant 1 : i32
    %dma_start3A_40 = arith.constant 0 : i32
    %dma_start3A_41 = arith.constant 1 : i32
    %dma_start3A_42 = arith.constant 1 : i32
    %dma_start3A_43 = arith.constant 0 : i32
    %dma_start3A_44 = arith.constant 0 : i32
    %dma_start3A_45 = tpu.memref_slice %arg6[%dma_start3A_41, %dma_start3A_43, %dma_start3A_44] : memref<4x256x64xf32, #tpu.memory_space<vmem>> -> memref<1x128x64xf32, #tpu.memory_space<vmem>>
    %dma_start3A_46 = tpu.memref_squeeze %dma_start3A_45 : memref<1x128x64xf32, #tpu.memory_space<vmem>> -> memref<128x64xf32, #tpu.memory_space<vmem>>
    %dma_start3A_47 = arith.constant 0 : i32
    %dma_start3A_48 = tpu.memref_slice %arg5[%dma_start3A_39, %dma_start3A_40, %dma_start3A_47] : memref<4x2x128xi32, #tpu.memory_space<vmem>> -> memref<1x1x128xi32, #tpu.memory_space<vmem>>
    %dma_start3A_49 = tpu.memref_squeeze %dma_start3A_48 : memref<1x1x128xi32, #tpu.memory_space<vmem>> -> memref<128xi32, #tpu.memory_space<vmem>>
    %dma_start3A_50 = arith.constant 0 : i32
    %dma_start3A_51 = arith.constant 0 : i32
    %dma_start3A_52 = tpu.memref_slice %arg3[%dma_start3A_50, %dma_start3A_51] : memref<1000000x64xf32, #tpu.memory_space<hbm>> -> memref<1000000x64xf32, #tpu.memory_space<hbm>>
    %dma_start3A_53 = tpu.memref_slice %arg7[%dma_start3A_42] : memref<4x!tpu.dma_semaphore, #tpu.memory_space<semaphore_mem>> -> memref<1x!tpu.dma_semaphore, #tpu.memory_space<semaphore_mem>>
    %dma_start3A_54 = tpu.memref_squeeze %dma_start3A_53 : memref<1x!tpu.dma_semaphore, #tpu.memory_space<semaphore_mem>> -> memref<!tpu.dma_semaphore, #tpu.memory_space<semaphore_mem>>
    tpu.enqueue_indirect_dma source(%dma_start3A_52 : memref<1000000x64xf32, #tpu.memory_space<hbm>>) target(%dma_start3A_46 : memref<128x64xf32, #tpu.memory_space<vmem>>) offsets(%dma_start3A_49 : memref<128xi32, #tpu.memory_space<vmem>>) semaphore(%dma_start3A_54 : memref<!tpu.dma_semaphore, #tpu.memory_space<semaphore_mem>>)
    %dma_start3A_55 = arith.constant 1 : i32
    %dma_start3A_56 = arith.constant 1 : i32
    %dma_start3A_57 = arith.constant 1 : i32
    %dma_start3A_58 = arith.constant 1 : i32
    %dma_start3A_59 = arith.constant 128 : i32
    %dma_start3A_60 = arith.constant 0 : i32
    %dma_start3A_61 = tpu.memref_slice %arg6[%dma_start3A_57, %dma_start3A_59, %dma_start3A_60] : memref<4x256x64xf32, #tpu.memory_space<vmem>> -> memref<1x128x64xf32, #tpu.memory_space<vmem>>
    %dma_start3A_62 = tpu.memref_squeeze %dma_start3A_61 : memref<1x128x64xf32, #tpu.memory_space<vmem>> -> memref<128x64xf32, #tpu.memory_space<vmem>>
    %dma_start3A_63 = arith.constant 0 : i32
    %dma_start3A_64 = tpu.memref_slice %arg5[%dma_start3A_55, %dma_start3A_56, %dma_start3A_63] : memref<4x2x128xi32, #tpu.memory_space<vmem>> -> memref<1x1x128xi32, #tpu.memory_space<vmem>>
    %dma_start3A_65 = tpu.memref_squeeze %dma_start3A_64 : memref<1x1x128xi32, #tpu.memory_space<vmem>> -> memref<128xi32, #tpu.memory_space<vmem>>
    %dma_start3A_66 = arith.constant 0 : i32
    %dma_start3A_67 = arith.constant 0 : i32
    %dma_start3A_68 = tpu.memref_slice %arg3[%dma_start3A_66, %dma_start3A_67] : memref<1000000x64xf32, #tpu.memory_space<hbm>> -> memref<1000000x64xf32, #tpu.memory_space<hbm>>
    %dma_start3A_69 = tpu.memref_slice %arg7[%dma_start3A_58] : memref<4x!tpu.dma_semaphore, #tpu.memory_space<semaphore_mem>> -> memref<1x!tpu.dma_semaphore, #tpu.memory_space<semaphore_mem>>
    %dma_start3A_70 = tpu.memref_squeeze %dma_start3A_69 : memref<1x!tpu.dma_semaphore, #tpu.memory_space<semaphore_mem>> -> memref<!tpu.dma_semaphore, #tpu.memory_space<semaphore_mem>>
    tpu.enqueue_indirect_dma source(%dma_start3A_68 : memref<1000000x64xf32, #tpu.memory_space<hbm>>) target(%dma_start3A_62 : memref<128x64xf32, #tpu.memory_space<vmem>>) offsets(%dma_start3A_65 : memref<128xi32, #tpu.memory_space<vmem>>) semaphore(%dma_start3A_70 : memref<!tpu.dma_semaphore, #tpu.memory_space<semaphore_mem>>)
    %dma_wait3A = arith.constant 0 : i32
    %dma_wait3A_71 = arith.constant 0 : i32
    %dma_wait3A_72 = arith.constant 0 : i32
    %dma_wait3A_73 = arith.constant 0 : i32
    %dma_wait3A_74 = tpu.memref_slice %arg6[%dma_wait3A, %dma_wait3A_72, %dma_wait3A_73] : memref<4x256x64xf32, #tpu.memory_space<vmem>> -> memref<1x256x64xf32, #tpu.memory_space<vmem>>
    %dma_wait3A_75 = tpu.memref_squeeze %dma_wait3A_74 : memref<1x256x64xf32, #tpu.memory_space<vmem>> -> memref<256x64xf32, #tpu.memory_space<vmem>>
    %dma_wait3A_76 = arith.constant 0 : i32
    %dma_wait3A_77 = arith.constant 0 : i32
    %dma_wait3A_78 = tpu.memref_slice %arg3[%dma_wait3A_76, %dma_wait3A_77] : memref<1000000x64xf32, #tpu.memory_space<hbm>> -> memref<256x64xf32, #tpu.memory_space<hbm>>
    %dma_wait3A_79 = tpu.memref_slice %arg7[%dma_wait3A_71] : memref<4x!tpu.dma_semaphore, #tpu.memory_space<semaphore_mem>> -> memref<1x!tpu.dma_semaphore, #tpu.memory_space<semaphore_mem>>
    %dma_wait3A_80 = tpu.memref_squeeze %dma_wait3A_79 : memref<1x!tpu.dma_semaphore, #tpu.memory_space<semaphore_mem>> -> memref<!tpu.dma_semaphore, #tpu.memory_space<semaphore_mem>>
    %dma_wait3A_81 = arith.constant 0 : i32
    %dma_wait3A_82 = arith.constant 0 : i32
    %dma_wait3A_83 = tpu.memref_slice %arg6[%dma_wait3A, %dma_wait3A_81, %dma_wait3A_82] : memref<4x256x64xf32, #tpu.memory_space<vmem>> -> memref<1x256x64xf32, #tpu.memory_space<vmem>>
    %dma_wait3A_84 = tpu.memref_squeeze %dma_wait3A_83 : memref<1x256x64xf32, #tpu.memory_space<vmem>> -> memref<256x64xf32, #tpu.memory_space<vmem>>
    %dma_wait3A_85 = arith.constant 0 : i32
    %dma_wait3A_86 = arith.constant 0 : i32
    %dma_wait3A_87 = tpu.memref_slice %arg3[%dma_wait3A_85, %dma_wait3A_86] : memref<1000000x64xf32, #tpu.memory_space<hbm>> -> memref<256x64xf32, #tpu.memory_space<hbm>>
    tpu.wait_dma2 semaphore(%dma_wait3A_80 : memref<!tpu.dma_semaphore, #tpu.memory_space<semaphore_mem>>) src(%dma_wait3A_87 : memref<256x64xf32, #tpu.memory_space<hbm>>) dst(%dma_wait3A_84 : memref<256x64xf32, #tpu.memory_space<vmem>>)
    %scan3A = arith.constant 0 : i32
    %scan3A_88 = arith.constant 0 : i32
    %scan3A_89 = arith.constant 64 : i32
    %scan3A_90 = arith.addi %scan3A_88, %scan3A_89 : i32
    %scan3A_91 = arith.constant 1 : i32
    scf.for %scan3A_393 = %scan3A_88 to %scan3A_90 step %scan3A_91  : i32 {
      %mul3A_394 = arith.constant 4 : i32
      %mul3A_395 = arith.muli %scan3A_393, %mul3A_394 : i32
      %add3A_396 = arith.constant 0 : i32
      %add3A_397 = arith.addi %mul3A_395, %add3A_396 : i32
      %get3A = arith.constant 0 : i32
      %get3A_398 = arith.index_cast %get3A : i32 to index
      %get3A_399 = arith.index_cast %add3A_397 : i32 to index
      %get3A_400 = arith.constant 0 : index
      %get3A_401 = tpu.vector_load %arg6[%get3A_398, %get3A_399, %get3A_400] {strides = array<i32>} : memref<4x256x64xf32, #tpu.memory_space<vmem>>, vector<1x1x16xf32>,
      %get3A_402 = vector.shape_cast %get3A_401 : vector<1x1x16xf32> to vector<16xf32>
      %mul3A_403 = arith.constant 8.000000e+00 : f32
      %mul3A_404 = vector.broadcast %mul3A_403 : f32 to vector<16xf32>
      %mul3A_405 = arith.mulf %get3A_402, %mul3A_404 : vector<16xf32>
      %swap3A = arith.constant 0 : i32
      %swap3A_406 = arith.index_cast %swap3A : i32 to index
      %swap3A_407 = arith.index_cast %add3A_397 : i32 to index
      %swap3A_408 = arith.constant 0 : index
      %swap3A_409 = tpu.vector_load %arg6[%swap3A_406, %swap3A_407, %swap3A_408] {strides = array<i32>} : memref<4x256x64xf32, #tpu.memory_space<vmem>>, vector<1x1x16xf32>,
      %swap3A_410 = vector.shape_cast %swap3A_409 : vector<1x1x16xf32> to vector<16xf32>
      %swap3A_411 = vector.shape_cast %mul3A_405 : vector<16xf32> to vector<1x1x16xf32>
      tpu.vector_store %arg6[%swap3A_406, %swap3A_407, %swap3A_408], %swap3A_411 {strides = array<i32>} : memref<4x256x64xf32, #tpu.memory_space<vmem>>, vector<1x1x16xf32>,
      %add3A_412 = arith.constant 0 : i32
      %add3A_413 = arith.addi %mul3A_395, %add3A_412 : i32
      %get3A_414 = arith.constant 0 : i32
      %get3A_415 = arith.index_cast %get3A_414 : i32 to index
      %get3A_416 = arith.index_cast %add3A_413 : i32 to index
      %get3A_417 = arith.constant 16 : index
      %get3A_418 = tpu.vector_load %arg6[%get3A_415, %get3A_416, %get3A_417] {strides = array<i32>} : memref<4x256x64xf32, #tpu.memory_space<vmem>>, vector<1x1x16xf32>,
      %get3A_419 = vector.shape_cast %get3A_418 : vector<1x1x16xf32> to vector<16xf32>
      %mul3A_420 = arith.constant 8.000000e+00 : f32
      %mul3A_421 = vector.broadcast %mul3A_420 : f32 to vector<16xf32>
      %mul3A_422 = arith.mulf %get3A_419, %mul3A_421 : vector<16xf32>
      %swap3A_423 = arith.constant 0 : i32
      %swap3A_424 = arith.index_cast %swap3A_423 : i32 to index
      %swap3A_425 = arith.index_cast %add3A_413 : i32 to index
      %swap3A_426 = arith.constant 16 : index
      %swap3A_427 = tpu.vector_load %arg6[%swap3A_424, %swap3A_425, %swap3A_426] {strides = array<i32>} : memref<4x256x64xf32, #tpu.memory_space<vmem>>, vector<1x1x16xf32>,
      %swap3A_428 = vector.shape_cast %swap3A_427 : vector<1x1x16xf32> to vector<16xf32>
      %swap3A_429 = vector.shape_cast %mul3A_422 : vector<16xf32> to vector<1x1x16xf32>
      tpu.vector_store %arg6[%swap3A_424, %swap3A_425, %swap3A_426], %swap3A_429 {strides = array<i32>} : memref<4x256x64xf32, #tpu.memory_space<vmem>>, vector<1x1x16xf32>,
      %add3A_430 = arith.constant 0 : i32
      %add3A_431 = arith.addi %mul3A_395, %add3A_430 : i32
      %get3A_432 = arith.constant 0 : i32
      %get3A_433 = arith.index_cast %get3A_432 : i32 to index
      %get3A_434 = arith.index_cast %add3A_431 : i32 to index
      %get3A_435 = arith.constant 32 : index
      %get3A_436 = tpu.vector_load %arg6[%get3A_433, %get3A_434, %get3A_435] {strides = array<i32>} : memref<4x256x64xf32, #tpu.memory_space<vmem>>, vector<1x1x16xf32>,
      %get3A_437 = vector.shape_cast %get3A_436 : vector<1x1x16xf32> to vector<16xf32>
      %mul3A_438 = arith.constant 8.000000e+00 : f32
      %mul3A_439 = vector.broadcast %mul3A_438 : f32 to vector<16xf32>
      %mul3A_440 = arith.mulf %get3A_437, %mul3A_439 : vector<16xf32>
      %swap3A_441 = arith.constant 0 : i32
      %swap3A_442 = arith.index_cast %swap3A_441 : i32 to index
      %swap3A_443 = arith.index_cast %add3A_431 : i32 to index
      %swap3A_444 = arith.constant 32 : index
      %swap3A_445 = tpu.vector_load %arg6[%swap3A_442, %swap3A_443, %swap3A_444] {strides = array<i32>} : memref<4x256x64xf32, #tpu.memory_space<vmem>>, vector<1x1x16xf32>,
      %swap3A_446 = vector.shape_cast %swap3A_445 : vector<1x1x16xf32> to vector<16xf32>
      %swap3A_447 = vector.shape_cast %mul3A_440 : vector<16xf32> to vector<1x1x16xf32>
      tpu.vector_store %arg6[%swap3A_442, %swap3A_443, %swap3A_444], %swap3A_447 {strides = array<i32>} : memref<4x256x64xf32, #tpu.memory_space<vmem>>, vector<1x1x16xf32>,
      %add3A_448 = arith.constant 0 : i32
      %add3A_449 = arith.addi %mul3A_395, %add3A_448 : i32
      %get3A_450 = arith.constant 0 : i32
      %get3A_451 = arith.index_cast %get3A_450 : i32 to index
      %get3A_452 = arith.index_cast %add3A_449 : i32 to index
      %get3A_453 = arith.constant 48 : index
      %get3A_454 = tpu.vector_load %arg6[%get3A_451, %get3A_452, %get3A_453] {strides = array<i32>} : memref<4x256x64xf32, #tpu.memory_space<vmem>>, vector<1x1x16xf32>,
      %get3A_455 = vector.shape_cast %get3A_454 : vector<1x1x16xf32> to vector<16xf32>
      %mul3A_456 = arith.constant 8.000000e+00 : f32
      %mul3A_457 = vector.broadcast %mul3A_456 : f32 to vector<16xf32>
      %mul3A_458 = arith.mulf %get3A_455, %mul3A_457 : vector<16xf32>
      %swap3A_459 = arith.constant 0 : i32
      %swap3A_460 = arith.index_cast %swap3A_459 : i32 to index
      %swap3A_461 = arith.index_cast %add3A_449 : i32 to index
      %swap3A_462 = arith.constant 48 : index
      %swap3A_463 = tpu.vector_load %arg6[%swap3A_460, %swap3A_461, %swap3A_462] {strides = array<i32>} : memref<4x256x64xf32, #tpu.memory_space<vmem>>, vector<1x1x16xf32>,
      %swap3A_464 = vector.shape_cast %swap3A_463 : vector<1x1x16xf32> to vector<16xf32>
      %swap3A_465 = vector.shape_cast %mul3A_458 : vector<16xf32> to vector<1x1x16xf32>
      tpu.vector_store %arg6[%swap3A_460, %swap3A_461, %swap3A_462], %swap3A_465 {strides = array<i32>} : memref<4x256x64xf32, #tpu.memory_space<vmem>>, vector<1x1x16xf32>,
      %add3A_466 = arith.constant 1 : i32
      %add3A_467 = arith.addi %mul3A_395, %add3A_466 : i32
      %get3A_468 = arith.constant 0 : i32
      %get3A_469 = arith.index_cast %get3A_468 : i32 to index
      %get3A_470 = arith.index_cast %add3A_467 : i32 to index
      %get3A_471 = arith.constant 0 : index
      %get3A_472 = tpu.vector_load %arg6[%get3A_469, %get3A_470, %get3A_471] {strides = array<i32>} : memref<4x256x64xf32, #tpu.memory_space<vmem>>, vector<1x1x16xf32>,
      %get3A_473 = vector.shape_cast %get3A_472 : vector<1x1x16xf32> to vector<16xf32>
      %mul3A_474 = arith.constant 8.000000e+00 : f32
      %mul3A_475 = vector.broadcast %mul3A_474 : f32 to vector<16xf32>
      %mul3A_476 = arith.mulf %get3A_473, %mul3A_475 : vector<16xf32>
      %swap3A_477 = arith.constant 0 : i32
      %swap3A_478 = arith.index_cast %swap3A_477 : i32 to index
      %swap3A_479 = arith.index_cast %add3A_467 : i32 to index
      %swap3A_480 = arith.constant 0 : index
      %swap3A_481 = tpu.vector_load %arg6[%swap3A_478, %swap3A_479, %swap3A_480] {strides = array<i32>} : memref<4x256x64xf32, #tpu.memory_space<vmem>>, vector<1x1x16xf32>,
      %swap3A_482 = vector.shape_cast %swap3A_481 : vector<1x1x16xf32> to vector<16xf32>
      %swap3A_483 = vector.shape_cast %mul3A_476 : vector<16xf32> to vector<1x1x16xf32>
      tpu.vector_store %arg6[%swap3A_478, %swap3A_479, %swap3A_480], %swap3A_483 {strides = array<i32>} : memref<4x256x64xf32, #tpu.memory_space<vmem>>, vector<1x1x16xf32>,
      %add3A_484 = arith.constant 1 : i32
      %add3A_485 = arith.addi %mul3A_395, %add3A_484 : i32
      %get3A_486 = arith.constant 0 : i32
      %get3A_487 = arith.index_cast %get3A_486 : i32 to index
      %get3A_488 = arith.index_cast %add3A_485 : i32 to index
      %get3A_489 = arith.constant 16 : index
      %get3A_490 = tpu.vector_load %arg6[%get3A_487, %get3A_488, %get3A_489] {strides = array<i32>} : memref<4x256x64xf32, #tpu.memory_space<vmem>>, vector<1x1x16xf32>,
      %get3A_491 = vector.shape_cast %get3A_490 : vector<1x1x16xf32> to vector<16xf32>
      %mul3A_492 = arith.constant 8.000000e+00 : f32
      %mul3A_493 = vector.broadcast %mul3A_492 : f32 to vector<16xf32>
      %mul3A_494 = arith.mulf %get3A_491, %mul3A_493 : vector<16xf32>
      %swap3A_495 = arith.constant 0 : i32
      %swap3A_496 = arith.index_cast %swap3A_495 : i32 to index
      %swap3A_497 = arith.index_cast %add3A_485 : i32 to index
      %swap3A_498 = arith.constant 16 : index
      %swap3A_499 = tpu.vector_load %arg6[%swap3A_496, %swap3A_497, %swap3A_498] {strides = array<i32>} : memref<4x256x64xf32, #tpu.memory_space<vmem>>, vector<1x1x16xf32>,
      %swap3A_500 = vector.shape_cast %swap3A_499 : vector<1x1x16xf32> to vector<16xf32>
      %swap3A_501 = vector.shape_cast %mul3A_494 : vector<16xf32> to vector<1x1x16xf32>
      tpu.vector_store %arg6[%swap3A_496, %swap3A_497, %swap3A_498], %swap3A_501 {strides = array<i32>} : memref<4x256x64xf32, #tpu.memory_space<vmem>>, vector<1x1x16xf32>,
      %add3A_502 = arith.constant 1 : i32
      %add3A_503 = arith.addi %mul3A_395, %add3A_502 : i32
      %get3A_504 = arith.constant 0 : i32
      %get3A_505 = arith.index_cast %get3A_504 : i32 to index
      %get3A_506 = arith.index_cast %add3A_503 : i32 to index
      %get3A_507 = arith.constant 32 : index
      %get3A_508 = tpu.vector_load %arg6[%get3A_505, %get3A_506, %get3A_507] {strides = array<i32>} : memref<4x256x64xf32, #tpu.memory_space<vmem>>, vector<1x1x16xf32>,
      %get3A_509 = vector.shape_cast %get3A_508 : vector<1x1x16xf32> to vector<16xf32>
      %mul3A_510 = arith.constant 8.000000e+00 : f32
      %mul3A_511 = vector.broadcast %mul3A_510 : f32 to vector<16xf32>
      %mul3A_512 = arith.mulf %get3A_509, %mul3A_511 : vector<16xf32>
      %swap3A_513 = arith.constant 0 : i32
      %swap3A_514 = arith.index_cast %swap3A_513 : i32 to index
      %swap3A_515 = arith.index_cast %add3A_503 : i32 to index
      %swap3A_516 = arith.constant 32 : index
      %swap3A_517 = tpu.vector_load %arg6[%swap3A_514, %swap3A_515, %swap3A_516] {strides = array<i32>} : memref<4x256x64xf32, #tpu.memory_space<vmem>>, vector<1x1x16xf32>,
      %swap3A_518 = vector.shape_cast %swap3A_517 : vector<1x1x16xf32> to vector<16xf32>
      %swap3A_519 = vector.shape_cast %mul3A_512 : vector<16xf32> to vector<1x1x16xf32>
      tpu.vector_store %arg6[%swap3A_514, %swap3A_515, %swap3A_516], %swap3A_519 {strides = array<i32>} : memref<4x256x64xf32, #tpu.memory_space<vmem>>, vector<1x1x16xf32>,
      %add3A_520 = arith.constant 1 : i32
      %add3A_521 = arith.addi %mul3A_395, %add3A_520 : i32
      %get3A_522 = arith.constant 0 : i32
      %get3A_523 = arith.index_cast %get3A_522 : i32 to index
      %get3A_524 = arith.index_cast %add3A_521 : i32 to index
      %get3A_525 = arith.constant 48 : index
      %get3A_526 = tpu.vector_load %arg6[%get3A_523, %get3A_524, %get3A_525] {strides = array<i32>} : memref<4x256x64xf32, #tpu.memory_space<vmem>>, vector<1x1x16xf32>,
      %get3A_527 = vector.shape_cast %get3A_526 : vector<1x1x16xf32> to vector<16xf32>
      %mul3A_528 = arith.constant 8.000000e+00 : f32
      %mul3A_529 = vector.broadcast %mul3A_528 : f32 to vector<16xf32>
      %mul3A_530 = arith.mulf %get3A_527, %mul3A_529 : vector<16xf32>
      %swap3A_531 = arith.constant 0 : i32
      %swap3A_532 = arith.index_cast %swap3A_531 : i32 to index
      %swap3A_533 = arith.index_cast %add3A_521 : i32 to index
      %swap3A_534 = arith.constant 48 : index
      %swap3A_535 = tpu.vector_load %arg6[%swap3A_532, %swap3A_533, %swap3A_534] {strides = array<i32>} : memref<4x256x64xf32, #tpu.memory_space<vmem>>, vector<1x1x16xf32>,
      %swap3A_536 = vector.shape_cast %swap3A_535 : vector<1x1x16xf32> to vector<16xf32>
      %swap3A_537 = vector.shape_cast %mul3A_530 : vector<16xf32> to vector<1x1x16xf32>
      tpu.vector_store %arg6[%swap3A_532, %swap3A_533, %swap3A_534], %swap3A_537 {strides = array<i32>} : memref<4x256x64xf32, #tpu.memory_space<vmem>>, vector<1x1x16xf32>,
      %add3A_538 = arith.constant 2 : i32
      %add3A_539 = arith.addi %mul3A_395, %add3A_538 : i32
      %get3A_540 = arith.constant 0 : i32
      %get3A_541 = arith.index_cast %get3A_540 : i32 to index
      %get3A_542 = arith.index_cast %add3A_539 : i32 to index
      %get3A_543 = arith.constant 0 : index
      %get3A_544 = tpu.vector_load %arg6[%get3A_541, %get3A_542, %get3A_543] {strides = array<i32>} : memref<4x256x64xf32, #tpu.memory_space<vmem>>, vector<1x1x16xf32>,
      %get3A_545 = vector.shape_cast %get3A_544 : vector<1x1x16xf32> to vector<16xf32>
      %mul3A_546 = arith.constant 8.000000e+00 : f32
      %mul3A_547 = vector.broadcast %mul3A_546 : f32 to vector<16xf32>
      %mul3A_548 = arith.mulf %get3A_545, %mul3A_547 : vector<16xf32>
      %swap3A_549 = arith.constant 0 : i32
      %swap3A_550 = arith.index_cast %swap3A_549 : i32 to index
      %swap3A_551 = arith.index_cast %add3A_539 : i32 to index
      %swap3A_552 = arith.constant 0 : index
      %swap3A_553 = tpu.vector_load %arg6[%swap3A_550, %swap3A_551, %swap3A_552] {strides = array<i32>} : memref<4x256x64xf32, #tpu.memory_space<vmem>>, vector<1x1x16xf32>,
      %swap3A_554 = vector.shape_cast %swap3A_553 : vector<1x1x16xf32> to vector<16xf32>
      %swap3A_555 = vector.shape_cast %mul3A_548 : vector<16xf32> to vector<1x1x16xf32>
      tpu.vector_store %arg6[%swap3A_550, %swap3A_551, %swap3A_552], %swap3A_555 {strides = array<i32>} : memref<4x256x64xf32, #tpu.memory_space<vmem>>, vector<1x1x16xf32>,
      %add3A_556 = arith.constant 2 : i32
      %add3A_557 = arith.addi %mul3A_395, %add3A_556 : i32
      %get3A_558 = arith.constant 0 : i32
      %get3A_559 = arith.index_cast %get3A_558 : i32 to index
      %get3A_560 = arith.index_cast %add3A_557 : i32 to index
      %get3A_561 = arith.constant 16 : index
      %get3A_562 = tpu.vector_load %arg6[%get3A_559, %get3A_560, %get3A_561] {strides = array<i32>} : memref<4x256x64xf32, #tpu.memory_space<vmem>>, vector<1x1x16xf32>,
      %get3A_563 = vector.shape_cast %get3A_562 : vector<1x1x16xf32> to vector<16xf32>
      %mul3A_564 = arith.constant 8.000000e+00 : f32
      %mul3A_565 = vector.broadcast %mul3A_564 : f32 to vector<16xf32>
      %mul3A_566 = arith.mulf %get3A_563, %mul3A_565 : vector<16xf32>
      %swap3A_567 = arith.constant 0 : i32
      %swap3A_568 = arith.index_cast %swap3A_567 : i32 to index
      %swap3A_569 = arith.index_cast %add3A_557 : i32 to index
      %swap3A_570 = arith.constant 16 : index
      %swap3A_571 = tpu.vector_load %arg6[%swap3A_568, %swap3A_569, %swap3A_570] {strides = array<i32>} : memref<4x256x64xf32, #tpu.memory_space<vmem>>, vector<1x1x16xf32>,
      %swap3A_572 = vector.shape_cast %swap3A_571 : vector<1x1x16xf32> to vector<16xf32>
      %swap3A_573 = vector.shape_cast %mul3A_566 : vector<16xf32> to vector<1x1x16xf32>
      tpu.vector_store %arg6[%swap3A_568, %swap3A_569, %swap3A_570], %swap3A_573 {strides = array<i32>} : memref<4x256x64xf32, #tpu.memory_space<vmem>>, vector<1x1x16xf32>,
      %add3A_574 = arith.constant 2 : i32
      %add3A_575 = arith.addi %mul3A_395, %add3A_574 : i32
      %get3A_576 = arith.constant 0 : i32
      %get3A_577 = arith.index_cast %get3A_576 : i32 to index
      %get3A_578 = arith.index_cast %add3A_575 : i32 to index
      %get3A_579 = arith.constant 32 : index
      %get3A_580 = tpu.vector_load %arg6[%get3A_577, %get3A_578, %get3A_579] {strides = array<i32>} : memref<4x256x64xf32, #tpu.memory_space<vmem>>, vector<1x1x16xf32>,
      %get3A_581 = vector.shape_cast %get3A_580 : vector<1x1x16xf32> to vector<16xf32>
      %mul3A_582 = arith.constant 8.000000e+00 : f32
      %mul3A_583 = vector.broadcast %mul3A_582 : f32 to vector<16xf32>
      %mul3A_584 = arith.mulf %get3A_581, %mul3A_583 : vector<16xf32>
      %swap3A_585 = arith.constant 0 : i32
      %swap3A_586 = arith.index_cast %swap3A_585 : i32 to index
      %swap3A_587 = arith.index_cast %add3A_575 : i32 to index
      %swap3A_588 = arith.constant 32 : index
      %swap3A_589 = tpu.vector_load %arg6[%swap3A_586, %swap3A_587, %swap3A_588] {strides = array<i32>} : memref<4x256x64xf32, #tpu.memory_space<vmem>>, vector<1x1x16xf32>,
      %swap3A_590 = vector.shape_cast %swap3A_589 : vector<1x1x16xf32> to vector<16xf32>
      %swap3A_591 = vector.shape_cast %mul3A_584 : vector<16xf32> to vector<1x1x16xf32>
      tpu.vector_store %arg6[%swap3A_586, %swap3A_587, %swap3A_588], %swap3A_591 {strides = array<i32>} : memref<4x256x64xf32, #tpu.memory_space<vmem>>, vector<1x1x16xf32>,
      %add3A_592 = arith.constant 2 : i32
      %add3A_593 = arith.addi %mul3A_395, %add3A_592 : i32
      %get3A_594 = arith.constant 0 : i32
      %get3A_595 = arith.index_cast %get3A_594 : i32 to index
      %get3A_596 = arith.index_cast %add3A_593 : i32 to index
      %get3A_597 = arith.constant 48 : index
      %get3A_598 = tpu.vector_load %arg6[%get3A_595, %get3A_596, %get3A_597] {strides = array<i32>} : memref<4x256x64xf32, #tpu.memory_space<vmem>>, vector<1x1x16xf32>,
      %get3A_599 = vector.shape_cast %get3A_598 : vector<1x1x16xf32> to vector<16xf32>
      %mul3A_600 = arith.constant 8.000000e+00 : f32
      %mul3A_601 = vector.broadcast %mul3A_600 : f32 to vector<16xf32>
      %mul3A_602 = arith.mulf %get3A_599, %mul3A_601 : vector<16xf32>
      %swap3A_603 = arith.constant 0 : i32
      %swap3A_604 = arith.index_cast %swap3A_603 : i32 to index
      %swap3A_605 = arith.index_cast %add3A_593 : i32 to index
      %swap3A_606 = arith.constant 48 : index
      %swap3A_607 = tpu.vector_load %arg6[%swap3A_604, %swap3A_605, %swap3A_606] {strides = array<i32>} : memref<4x256x64xf32, #tpu.memory_space<vmem>>, vector<1x1x16xf32>,
      %swap3A_608 = vector.shape_cast %swap3A_607 : vector<1x1x16xf32> to vector<16xf32>
      %swap3A_609 = vector.shape_cast %mul3A_602 : vector<16xf32> to vector<1x1x16xf32>
      tpu.vector_store %arg6[%swap3A_604, %swap3A_605, %swap3A_606], %swap3A_609 {strides = array<i32>} : memref<4x256x64xf32, #tpu.memory_space<vmem>>, vector<1x1x16xf32>,
      %add3A_610 = arith.constant 3 : i32
      %add3A_611 = arith.addi %mul3A_395, %add3A_610 : i32
      %get3A_612 = arith.constant 0 : i32
      %get3A_613 = arith.index_cast %get3A_612 : i32 to index
      %get3A_614 = arith.index_cast %add3A_611 : i32 to index
      %get3A_615 = arith.constant 0 : index
      %get3A_616 = tpu.vector_load %arg6[%get3A_613, %get3A_614, %get3A_615] {strides = array<i32>} : memref<4x256x64xf32, #tpu.memory_space<vmem>>, vector<1x1x16xf32>,
      %get3A_617 = vector.shape_cast %get3A_616 : vector<1x1x16xf32> to vector<16xf32>
      %mul3A_618 = arith.constant 8.000000e+00 : f32
      %mul3A_619 = vector.broadcast %mul3A_618 : f32 to vector<16xf32>
      %mul3A_620 = arith.mulf %get3A_617, %mul3A_619 : vector<16xf32>
      %swap3A_621 = arith.constant 0 : i32
      %swap3A_622 = arith.index_cast %swap3A_621 : i32 to index
      %swap3A_623 = arith.index_cast %add3A_611 : i32 to index
      %swap3A_624 = arith.constant 0 : index
      %swap3A_625 = tpu.vector_load %arg6[%swap3A_622, %swap3A_623, %swap3A_624] {strides = array<i32>} : memref<4x256x64xf32, #tpu.memory_space<vmem>>, vector<1x1x16xf32>,
      %swap3A_626 = vector.shape_cast %swap3A_625 : vector<1x1x16xf32> to vector<16xf32>
      %swap3A_627 = vector.shape_cast %mul3A_620 : vector<16xf32> to vector<1x1x16xf32>
      tpu.vector_store %arg6[%swap3A_622, %swap3A_623, %swap3A_624], %swap3A_627 {strides = array<i32>} : memref<4x256x64xf32, #tpu.memory_space<vmem>>, vector<1x1x16xf32>,
      %add3A_628 = arith.constant 3 : i32
      %add3A_629 = arith.addi %mul3A_395, %add3A_628 : i32
      %get3A_630 = arith.constant 0 : i32
      %get3A_631 = arith.index_cast %get3A_630 : i32 to index
      %get3A_632 = arith.index_cast %add3A_629 : i32 to index
      %get3A_633 = arith.constant 16 : index
      %get3A_634 = tpu.vector_load %arg6[%get3A_631, %get3A_632, %get3A_633] {strides = array<i32>} : memref<4x256x64xf32, #tpu.memory_space<vmem>>, vector<1x1x16xf32>,
      %get3A_635 = vector.shape_cast %get3A_634 : vector<1x1x16xf32> to vector<16xf32>
      %mul3A_636 = arith.constant 8.000000e+00 : f32
      %mul3A_637 = vector.broadcast %mul3A_636 : f32 to vector<16xf32>
      %mul3A_638 = arith.mulf %get3A_635, %mul3A_637 : vector<16xf32>
      %swap3A_639 = arith.constant 0 : i32
      %swap3A_640 = arith.index_cast %swap3A_639 : i32 to index
      %swap3A_641 = arith.index_cast %add3A_629 : i32 to index
      %swap3A_642 = arith.constant 16 : index
      %swap3A_643 = tpu.vector_load %arg6[%swap3A_640, %swap3A_641, %swap3A_642] {strides = array<i32>} : memref<4x256x64xf32, #tpu.memory_space<vmem>>, vector<1x1x16xf32>,
      %swap3A_644 = vector.shape_cast %swap3A_643 : vector<1x1x16xf32> to vector<16xf32>
      %swap3A_645 = vector.shape_cast %mul3A_638 : vector<16xf32> to vector<1x1x16xf32>
      tpu.vector_store %arg6[%swap3A_640, %swap3A_641, %swap3A_642], %swap3A_645 {strides = array<i32>} : memref<4x256x64xf32, #tpu.memory_space<vmem>>, vector<1x1x16xf32>,
      %add3A_646 = arith.constant 3 : i32
      %add3A_647 = arith.addi %mul3A_395, %add3A_646 : i32
      %get3A_648 = arith.constant 0 : i32
      %get3A_649 = arith.index_cast %get3A_648 : i32 to index
      %get3A_650 = arith.index_cast %add3A_647 : i32 to index
      %get3A_651 = arith.constant 32 : index
      %get3A_652 = tpu.vector_load %arg6[%get3A_649, %get3A_650, %get3A_651] {strides = array<i32>} : memref<4x256x64xf32, #tpu.memory_space<vmem>>, vector<1x1x16xf32>,
      %get3A_653 = vector.shape_cast %get3A_652 : vector<1x1x16xf32> to vector<16xf32>
      %mul3A_654 = arith.constant 8.000000e+00 : f32
      %mul3A_655 = vector.broadcast %mul3A_654 : f32 to vector<16xf32>
      %mul3A_656 = arith.mulf %get3A_653, %mul3A_655 : vector<16xf32>
      %swap3A_657 = arith.constant 0 : i32
      %swap3A_658 = arith.index_cast %swap3A_657 : i32 to index
      %swap3A_659 = arith.index_cast %add3A_647 : i32 to index
      %swap3A_660 = arith.constant 32 : index
      %swap3A_661 = tpu.vector_load %arg6[%swap3A_658, %swap3A_659, %swap3A_660] {strides = array<i32>} : memref<4x256x64xf32, #tpu.memory_space<vmem>>, vector<1x1x16xf32>,
      %swap3A_662 = vector.shape_cast %swap3A_661 : vector<1x1x16xf32> to vector<16xf32>
      %swap3A_663 = vector.shape_cast %mul3A_656 : vector<16xf32> to vector<1x1x16xf32>
      tpu.vector_store %arg6[%swap3A_658, %swap3A_659, %swap3A_660], %swap3A_663 {strides = array<i32>} : memref<4x256x64xf32, #tpu.memory_space<vmem>>, vector<1x1x16xf32>,
      %add3A_664 = arith.constant 3 : i32
      %add3A_665 = arith.addi %mul3A_395, %add3A_664 : i32
      %get3A_666 = arith.constant 0 : i32
      %get3A_667 = arith.index_cast %get3A_666 : i32 to index
      %get3A_668 = arith.index_cast %add3A_665 : i32 to index
      %get3A_669 = arith.constant 48 : index
      %get3A_670 = tpu.vector_load %arg6[%get3A_667, %get3A_668, %get3A_669] {strides = array<i32>} : memref<4x256x64xf32, #tpu.memory_space<vmem>>, vector<1x1x16xf32>,
      %get3A_671 = vector.shape_cast %get3A_670 : vector<1x1x16xf32> to vector<16xf32>
      %mul3A_672 = arith.constant 8.000000e+00 : f32
      %mul3A_673 = vector.broadcast %mul3A_672 : f32 to vector<16xf32>
      %mul3A_674 = arith.mulf %get3A_671, %mul3A_673 : vector<16xf32>
      %swap3A_675 = arith.constant 0 : i32
      %swap3A_676 = arith.index_cast %swap3A_675 : i32 to index
      %swap3A_677 = arith.index_cast %add3A_665 : i32 to index
      %swap3A_678 = arith.constant 48 : index
      %swap3A_679 = tpu.vector_load %arg6[%swap3A_676, %swap3A_677, %swap3A_678] {strides = array<i32>} : memref<4x256x64xf32, #tpu.memory_space<vmem>>, vector<1x1x16xf32>,
      %swap3A_680 = vector.shape_cast %swap3A_679 : vector<1x1x16xf32> to vector<16xf32>
      %swap3A_681 = vector.shape_cast %mul3A_674 : vector<16xf32> to vector<1x1x16xf32>
      tpu.vector_store %arg6[%swap3A_676, %swap3A_677, %swap3A_678], %swap3A_681 {strides = array<i32>} : memref<4x256x64xf32, #tpu.memory_space<vmem>>, vector<1x1x16xf32>,
    }
    %scan3A_92 = arith.constant 64 : i32
    %add3A_93 = arith.constant 0 : i32
    %add3A_94 = arith.addi %mul3A_2, %add3A_93 : i32
    %mul3A_95 = arith.constant 128 : i32
    %mul3A_96 = arith.muli %add3A_94, %mul3A_95 : i32
    %dma_start3A_97 = arith.constant 0 : i32
    %dma_start3A_98 = arith.constant 0 : i32
    %dma_start3A_99 = arith.constant 0 : i32
    %dma_start3A_100 = arith.constant 0 : i32
    %dma_start3A_101 = tpu.memref_slice %arg6[%dma_start3A_97, %dma_start3A_99, %dma_start3A_100] : memref<4x256x64xf32, #tpu.memory_space<vmem>> -> memref<1x256x64xf32, #tpu.memory_space<vmem>>
    %dma_start3A_102 = tpu.memref_squeeze %dma_start3A_101 : memref<1x256x64xf32, #tpu.memory_space<vmem>> -> memref<256x64xf32, #tpu.memory_space<vmem>>
    %dma_start3A_103 = arith.constant 0 : i32
    %dma_start3A_104 = tpu.memref_slice %arg4[%mul3A_96, %dma_start3A_103] : memref<819200x128xf32, #tpu.memory_space<hbm>> -> memref<256x64xf32, #tpu.memory_space<hbm>>
    %dma_start3A_105 = tpu.memref_slice %arg8[%dma_start3A_98] : memref<4x!tpu.dma_semaphore, #tpu.memory_space<semaphore_mem>> -> memref<1x!tpu.dma_semaphore, #tpu.memory_space<semaphore_mem>>
    %dma_start3A_106 = tpu.memref_squeeze %dma_start3A_105 : memref<1x!tpu.dma_semaphore, #tpu.memory_space<semaphore_mem>> -> memref<!tpu.dma_semaphore, #tpu.memory_space<semaphore_mem>>
    %dma_start3A_107 = arith.constant 0 : i32
    %dma_start3A_108 = tpu.memref_slice %arg4[%mul3A_96, %dma_start3A_107] : memref<819200x128xf32, #tpu.memory_space<hbm>> -> memref<256x64xf32, #tpu.memory_space<hbm>>
    %dma_start3A_109 = arith.constant 0 : i32
    %dma_start3A_110 = arith.constant 0 : i32
    %dma_start3A_111 = tpu.memref_slice %arg6[%dma_start3A_97, %dma_start3A_109, %dma_start3A_110] : memref<4x256x64xf32, #tpu.memory_space<vmem>> -> memref<1x256x64xf32, #tpu.memory_space<vmem>>
    %dma_start3A_112 = tpu.memref_squeeze %dma_start3A_111 : memref<1x256x64xf32, #tpu.memory_space<vmem>> -> memref<256x64xf32, #tpu.memory_space<vmem>>
    tpu.enqueue_dma source(%dma_start3A_112 : memref<256x64xf32, #tpu.memory_space<vmem>>) target(%dma_start3A_108 : memref<256x64xf32, #tpu.memory_space<hbm>>) target_semaphore(%dma_start3A_106 : memref<!tpu.dma_semaphore, #tpu.memory_space<semaphore_mem>>)
    %add3A_113 = arith.constant 4 : i32
    %add3A_114 = arith.addi %mul3A_2, %add3A_113 : i32
    %run_scoped3A_115 = arith.constant 2 : i32
    "tpu.region"() ({
      %run_scoped3A_393 = tpu.sem_alloc : memref<!tpu.dma_semaphore, #tpu.memory_space<semaphore_mem>>
      %dma_start3A_394 = arith.constant 0 : i32
      %dma_start3A_395 = arith.constant 0 : i32
      %dma_start3A_396 = tpu.memref_slice %arg5[%run_scoped3A_115, %dma_start3A_394, %dma_start3A_395] : memref<4x2x128xi32, #tpu.memory_space<vmem>> -> memref<1x2x128xi32, #tpu.memory_space<vmem>>
      %dma_start3A_397 = tpu.memref_squeeze %dma_start3A_396 : memref<1x2x128xi32, #tpu.memory_space<vmem>> -> memref<2x128xi32, #tpu.memory_space<vmem>>
      %dma_start3A_398 = arith.constant 0 : i32
      %dma_start3A_399 = tpu.memref_slice %arg2[%add3A_114, %dma_start3A_398] : memref<6400x128xi32, #tpu.memory_space<hbm>> -> memref<2x128xi32, #tpu.memory_space<hbm>>
      %dma_start3A_400 = arith.constant 0 : i32
      %dma_start3A_401 = arith.constant 0 : i32
      %dma_start3A_402 = tpu.memref_slice %arg5[%run_scoped3A_115, %dma_start3A_400, %dma_start3A_401] : memref<4x2x128xi32, #tpu.memory_space<vmem>> -> memref<1x2x128xi32, #tpu.memory_space<vmem>>
      %dma_start3A_403 = tpu.memref_squeeze %dma_start3A_402 : memref<1x2x128xi32, #tpu.memory_space<vmem>> -> memref<2x128xi32, #tpu.memory_space<vmem>>
      %dma_start3A_404 = arith.constant 0 : i32
      %dma_start3A_405 = tpu.memref_slice %arg2[%add3A_114, %dma_start3A_404] : memref<6400x128xi32, #tpu.memory_space<hbm>> -> memref<2x128xi32, #tpu.memory_space<hbm>>
      tpu.enqueue_dma source(%dma_start3A_405 : memref<2x128xi32, #tpu.memory_space<hbm>>) target(%dma_start3A_403 : memref<2x128xi32, #tpu.memory_space<vmem>>) target_semaphore(%run_scoped3A_393 : memref<!tpu.dma_semaphore, #tpu.memory_space<semaphore_mem>>)
      %dma_wait3A_406 = arith.constant 0 : i32
      %dma_wait3A_407 = arith.constant 0 : i32
      %dma_wait3A_408 = tpu.memref_slice %arg5[%run_scoped3A_115, %dma_wait3A_406, %dma_wait3A_407] : memref<4x2x128xi32, #tpu.memory_space<vmem>> -> memref<1x2x128xi32, #tpu.memory_space<vmem>>
      %dma_wait3A_409 = tpu.memref_squeeze %dma_wait3A_408 : memref<1x2x128xi32, #tpu.memory_space<vmem>> -> memref<2x128xi32, #tpu.memory_space<vmem>>
      %dma_wait3A_410 = arith.constant 0 : i32
      %dma_wait3A_411 = tpu.memref_slice %arg2[%add3A_114, %dma_wait3A_410] : memref<6400x128xi32, #tpu.memory_space<hbm>> -> memref<2x128xi32, #tpu.memory_space<hbm>>
      %dma_wait3A_412 = arith.constant 0 : i32
      %dma_wait3A_413 = arith.constant 0 : i32
      %dma_wait3A_414 = tpu.memref_slice %arg5[%run_scoped3A_115, %dma_wait3A_412, %dma_wait3A_413] : memref<4x2x128xi32, #tpu.memory_space<vmem>> -> memref<1x2x128xi32, #tpu.memory_space<vmem>>
      %dma_wait3A_415 = tpu.memref_squeeze %dma_wait3A_414 : memref<1x2x128xi32, #tpu.memory_space<vmem>> -> memref<2x128xi32, #tpu.memory_space<vmem>>
      %dma_wait3A_416 = arith.constant 0 : i32
      %dma_wait3A_417 = tpu.memref_slice %arg2[%add3A_114, %dma_wait3A_416] : memref<6400x128xi32, #tpu.memory_space<hbm>> -> memref<2x128xi32, #tpu.memory_space<hbm>>
      tpu.wait_dma2 semaphore(%run_scoped3A_393 : memref<!tpu.dma_semaphore, #tpu.memory_space<semaphore_mem>>) src(%dma_wait3A_417 : memref<2x128xi32, #tpu.memory_space<hbm>>) dst(%dma_wait3A_415 : memref<2x128xi32, #tpu.memory_space<vmem>>)
      tpu.yield
    }) : () -> ()
    %dma_start3A_116 = arith.constant 2 : i32
    %dma_start3A_117 = arith.constant 0 : i32
    %dma_start3A_118 = arith.constant 2 : i32
    %dma_start3A_119 = arith.constant 2 : i32
    %dma_start3A_120 = arith.constant 0 : i32
    %dma_start3A_121 = arith.constant 0 : i32
    %dma_start3A_122 = tpu.memref_slice %arg6[%dma_start3A_118, %dma_start3A_120, %dma_start3A_121] : memref<4x256x64xf32, #tpu.memory_space<vmem>> -> memref<1x128x64xf32, #tpu.memory_space<vmem>>
    %dma_start3A_123 = tpu.memref_squeeze %dma_start3A_122 : memref<1x128x64xf32, #tpu.memory_space<vmem>> -> memref<128x64xf32, #tpu.memory_space<vmem>>
    %dma_start3A_124 = arith.constant 0 : i32
    %dma_start3A_125 = tpu.memref_slice %arg5[%dma_start3A_116, %dma_start3A_117, %dma_start3A_124] : memref<4x2x128xi32, #tpu.memory_space<vmem>> -> memref<1x1x128xi32, #tpu.memory_space<vmem>>
    %dma_start3A_126 = tpu.memref_squeeze %dma_start3A_125 : memref<1x1x128xi32, #tpu.memory_space<vmem>> -> memref<128xi32, #tpu.memory_space<vmem>>
    %dma_start3A_127 = arith.constant 0 : i32
    %dma_start3A_128 = arith.constant 0 : i32
    %dma_start3A_129 = tpu.memref_slice %arg3[%dma_start3A_127, %dma_start3A_128] : memref<1000000x64xf32, #tpu.memory_space<hbm>> -> memref<1000000x64xf32, #tpu.memory_space<hbm>>
    %dma_start3A_130 = tpu.memref_slice %arg7[%dma_start3A_119] : memref<4x!tpu.dma_semaphore, #tpu.memory_space<semaphore_mem>> -> memref<1x!tpu.dma_semaphore, #tpu.memory_space<semaphore_mem>>
    %dma_start3A_131 = tpu.memref_squeeze %dma_start3A_130 : memref<1x!tpu.dma_semaphore, #tpu.memory_space<semaphore_mem>> -> memref<!tpu.dma_semaphore, #tpu.memory_space<semaphore_mem>>
    tpu.enqueue_indirect_dma source(%dma_start3A_129 : memref<1000000x64xf32, #tpu.memory_space<hbm>>) target(%dma_start3A_123 : memref<128x64xf32, #tpu.memory_space<vmem>>) offsets(%dma_start3A_126 : memref<128xi32, #tpu.memory_space<vmem>>) semaphore(%dma_start3A_131 : memref<!tpu.dma_semaphore, #tpu.memory_space<semaphore_mem>>)
    %dma_start3A_132 = arith.constant 2 : i32
    %dma_start3A_133 = arith.constant 1 : i32
    %dma_start3A_134 = arith.constant 2 : i32
    %dma_start3A_135 = arith.constant 2 : i32
    %dma_start3A_136 = arith.constant 128 : i32
    %dma_start3A_137 = arith.constant 0 : i32
    %dma_start3A_138 = tpu.memref_slice %arg6[%dma_start3A_134, %dma_start3A_136, %dma_start3A_137] : memref<4x256x64xf32, #tpu.memory_space<vmem>> -> memref<1x128x64xf32, #tpu.memory_space<vmem>>
    %dma_start3A_139 = tpu.memref_squeeze %dma_start3A_138 : memref<1x128x64xf32, #tpu.memory_space<vmem>> -> memref<128x64xf32, #tpu.memory_space<vmem>>
    %dma_start3A_140 = arith.constant 0 : i32
    %dma_start3A_141 = tpu.memref_slice %arg5[%dma_start3A_132, %dma_start3A_133, %dma_start3A_140] : memref<4x2x128xi32, #tpu.memory_space<vmem>> -> memref<1x1x128xi32, #tpu.memory_space<vmem>>
    %dma_start3A_142 = tpu.memref_squeeze %dma_start3A_141 : memref<1x1x128xi32, #tpu.memory_space<vmem>> -> memref<128xi32, #tpu.memory_space<vmem>>
    %dma_start3A_143 = arith.constant 0 : i32
    %dma_start3A_144 = arith.constant 0 : i32
    %dma_start3A_145 = tpu.memref_slice %arg3[%dma_start3A_143, %dma_start3A_144] : memref<1000000x64xf32, #tpu.memory_space<hbm>> -> memref<1000000x64xf32, #tpu.memory_space<hbm>>
    %dma_start3A_146 = tpu.memref_slice %arg7[%dma_start3A_135] : memref<4x!tpu.dma_semaphore, #tpu.memory_space<semaphore_mem>> -> memref<1x!tpu.dma_semaphore, #tpu.memory_space<semaphore_mem>>
    %dma_start3A_147 = tpu.memref_squeeze %dma_start3A_146 : memref<1x!tpu.dma_semaphore, #tpu.memory_space<semaphore_mem>> -> memref<!tpu.dma_semaphore, #tpu.memory_space<semaphore_mem>>
    tpu.enqueue_indirect_dma source(%dma_start3A_145 : memref<1000000x64xf32, #tpu.memory_space<hbm>>) target(%dma_start3A_139 : memref<128x64xf32, #tpu.memory_space<vmem>>) offsets(%dma_start3A_142 : memref<128xi32, #tpu.memory_space<vmem>>) semaphore(%dma_start3A_147 : memref<!tpu.dma_semaphore, #tpu.memory_space<semaphore_mem>>)
    %dma_wait3A_148 = arith.constant 1 : i32
    %dma_wait3A_149 = arith.constant 1 : i32
    %dma_wait3A_150 = arith.constant 0 : i32
    %dma_wait3A_151 = arith.constant 0 : i32
    %dma_wait3A_152 = tpu.memref_slice %arg6[%dma_wait3A_148, %dma_wait3A_150, %dma_wait3A_151] : memref<4x256x64xf32, #tpu.memory_space<vmem>> -> memref<1x256x64xf32, #tpu.memory_space<vmem>>
    %dma_wait3A_153 = tpu.memref_squeeze %dma_wait3A_152 : memref<1x256x64xf32, #tpu.memory_space<vmem>> -> memref<256x64xf32, #tpu.memory_space<vmem>>
    %dma_wait3A_154 = arith.constant 0 : i32
    %dma_wait3A_155 = arith.constant 0 : i32
    %dma_wait3A_156 = tpu.memref_slice %arg3[%dma_wait3A_154, %dma_wait3A_155] : memref<1000000x64xf32, #tpu.memory_space<hbm>> -> memref<256x64xf32, #tpu.memory_space<hbm>>
    %dma_wait3A_157 = tpu.memref_slice %arg7[%dma_wait3A_149] : memref<4x!tpu.dma_semaphore, #tpu.memory_space<semaphore_mem>> -> memref<1x!tpu.dma_semaphore, #tpu.memory_space<semaphore_mem>>
    %dma_wait3A_158 = tpu.memref_squeeze %dma_wait3A_157 : memref<1x!tpu.dma_semaphore, #tpu.memory_space<semaphore_mem>> -> memref<!tpu.dma_semaphore, #tpu.memory_space<semaphore_mem>>
    %dma_wait3A_159 = arith.constant 0 : i32
    %dma_wait3A_160 = arith.constant 0 : i32
    %dma_wait3A_161 = tpu.memref_slice %arg6[%dma_wait3A_148, %dma_wait3A_159, %dma_wait3A_160] : memref<4x256x64xf32, #tpu.memory_space<vmem>> -> memref<1x256x64xf32, #tpu.memory_space<vmem>>
    %dma_wait3A_162 = tpu.memref_squeeze %dma_wait3A_161 : memref<1x256x64xf32, #tpu.memory_space<vmem>> -> memref<256x64xf32, #tpu.memory_space<vmem>>
    %dma_wait3A_163 = arith.constant 0 : i32
    %dma_wait3A_164 = arith.constant 0 : i32
    %dma_wait3A_165 = tpu.memref_slice %arg3[%dma_wait3A_163, %dma_wait3A_164] : memref<1000000x64xf32, #tpu.memory_space<hbm>> -> memref<256x64xf32, #tpu.memory_space<hbm>>
    tpu.wait_dma2 semaphore(%dma_wait3A_158 : memref<!tpu.dma_semaphore, #tpu.memory_space<semaphore_mem>>) src(%dma_wait3A_165 : memref<256x64xf32, #tpu.memory_space<hbm>>) dst(%dma_wait3A_162 : memref<256x64xf32, #tpu.memory_space<vmem>>)
    %scan3A_166 = arith.constant 0 : i32
    %scan3A_167 = arith.constant 0 : i32
    %scan3A_168 = arith.constant 64 : i32
    %scan3A_169 = arith.addi %scan3A_167, %scan3A_168 : i32
    %scan3A_170 = arith.constant 1 : i32
    scf.for %scan3A_393 = %scan3A_167 to %scan3A_169 step %scan3A_170  : i32 {
      %mul3A_394 = arith.constant 4 : i32
      %mul3A_395 = arith.muli %scan3A_393, %mul3A_394 : i32
      %add3A_396 = arith.constant 0 : i32
      %add3A_397 = arith.addi %mul3A_395, %add3A_396 : i32
      %get3A = arith.constant 1 : i32
      %get3A_398 = arith.index_cast %get3A : i32 to index
      %get3A_399 = arith.index_cast %add3A_397 : i32 to index
      %get3A_400 = arith.constant 0 : index
      %get3A_401 = tpu.vector_load %arg6[%get3A_398, %get3A_399, %get3A_400] {strides = array<i32>} : memref<4x256x64xf32, #tpu.memory_space<vmem>>, vector<1x1x16xf32>,
      %get3A_402 = vector.shape_cast %get3A_401 : vector<1x1x16xf32> to vector<16xf32>
      %mul3A_403 = arith.constant 8.000000e+00 : f32
      %mul3A_404 = vector.broadcast %mul3A_403 : f32 to vector<16xf32>
      %mul3A_405 = arith.mulf %get3A_402, %mul3A_404 : vector<16xf32>
      %swap3A = arith.constant 1 : i32
      %swap3A_406 = arith.index_cast %swap3A : i32 to index
      %swap3A_407 = arith.index_cast %add3A_397 : i32 to index
      %swap3A_408 = arith.constant 0 : index
      %swap3A_409 = tpu.vector_load %arg6[%swap3A_406, %swap3A_407, %swap3A_408] {strides = array<i32>} : memref<4x256x64xf32, #tpu.memory_space<vmem>>, vector<1x1x16xf32>,
      %swap3A_410 = vector.shape_cast %swap3A_409 : vector<1x1x16xf32> to vector<16xf32>
      %swap3A_411 = vector.shape_cast %mul3A_405 : vector<16xf32> to vector<1x1x16xf32>
      tpu.vector_store %arg6[%swap3A_406, %swap3A_407, %swap3A_408], %swap3A_411 {strides = array<i32>} : memref<4x256x64xf32, #tpu.memory_space<vmem>>, vector<1x1x16xf32>,
      %add3A_412 = arith.constant 0 : i32
      %add3A_413 = arith.addi %mul3A_395, %add3A_412 : i32
      %get3A_414 = arith.constant 1 : i32
      %get3A_415 = arith.index_cast %get3A_414 : i32 to index
      %get3A_416 = arith.index_cast %add3A_413 : i32 to index
      %get3A_417 = arith.constant 16 : index
      %get3A_418 = tpu.vector_load %arg6[%get3A_415, %get3A_416, %get3A_417] {strides = array<i32>} : memref<4x256x64xf32, #tpu.memory_space<vmem>>, vector<1x1x16xf32>,
      %get3A_419 = vector.shape_cast %get3A_418 : vector<1x1x16xf32> to vector<16xf32>
      %mul3A_420 = arith.constant 8.000000e+00 : f32
      %mul3A_421 = vector.broadcast %mul3A_420 : f32 to vector<16xf32>
      %mul3A_422 = arith.mulf %get3A_419, %mul3A_421 : vector<16xf32>
      %swap3A_423 = arith.constant 1 : i32
      %swap3A_424 = arith.index_cast %swap3A_423 : i32 to index
      %swap3A_425 = arith.index_cast %add3A_413 : i32 to index
      %swap3A_426 = arith.constant 16 : index
      %swap3A_427 = tpu.vector_load %arg6[%swap3A_424, %swap3A_425, %swap3A_426] {strides = array<i32>} : memref<4x256x64xf32, #tpu.memory_space<vmem>>, vector<1x1x16xf32>,
      %swap3A_428 = vector.shape_cast %swap3A_427 : vector<1x1x16xf32> to vector<16xf32>
      %swap3A_429 = vector.shape_cast %mul3A_422 : vector<16xf32> to vector<1x1x16xf32>
      tpu.vector_store %arg6[%swap3A_424, %swap3A_425, %swap3A_426], %swap3A_429 {strides = array<i32>} : memref<4x256x64xf32, #tpu.memory_space<vmem>>, vector<1x1x16xf32>,
      %add3A_430 = arith.constant 0 : i32
      %add3A_431 = arith.addi %mul3A_395, %add3A_430 : i32
      %get3A_432 = arith.constant 1 : i32
      %get3A_433 = arith.index_cast %get3A_432 : i32 to index
      %get3A_434 = arith.index_cast %add3A_431 : i32 to index
      %get3A_435 = arith.constant 32 : index
      %get3A_436 = tpu.vector_load %arg6[%get3A_433, %get3A_434, %get3A_435] {strides = array<i32>} : memref<4x256x64xf32, #tpu.memory_space<vmem>>, vector<1x1x16xf32>,
      %get3A_437 = vector.shape_cast %get3A_436 : vector<1x1x16xf32> to vector<16xf32>
      %mul3A_438 = arith.constant 8.000000e+00 : f32
      %mul3A_439 = vector.broadcast %mul3A_438 : f32 to vector<16xf32>
      %mul3A_440 = arith.mulf %get3A_437, %mul3A_439 : vector<16xf32>
      %swap3A_441 = arith.constant 1 : i32
      %swap3A_442 = arith.index_cast %swap3A_441 : i32 to index
      %swap3A_443 = arith.index_cast %add3A_431 : i32 to index
      %swap3A_444 = arith.constant 32 : index
      %swap3A_445 = tpu.vector_load %arg6[%swap3A_442, %swap3A_443, %swap3A_444] {strides = array<i32>} : memref<4x256x64xf32, #tpu.memory_space<vmem>>, vector<1x1x16xf32>,
      %swap3A_446 = vector.shape_cast %swap3A_445 : vector<1x1x16xf32> to vector<16xf32>
      %swap3A_447 = vector.shape_cast %mul3A_440 : vector<16xf32> to vector<1x1x16xf32>
      tpu.vector_store %arg6[%swap3A_442, %swap3A_443, %swap3A_444], %swap3A_447 {strides = array<i32>} : memref<4x256x64xf32, #tpu.memory_space<vmem>>, vector<1x1x16xf32>,
      %add3A_448 = arith.constant 0 : i32
      %add3A_449 = arith.addi %mul3A_395, %add3A_448 : i32
      %get3A_450 = arith.constant 1 : i32
      %get3A_451 = arith.index_cast %get3A_450 : i32 to index
      %get3A_452 = arith.index_cast %add3A_449 : i32 to index
      %get3A_453 = arith.constant 48 : index
      %get3A_454 = tpu.vector_load %arg6[%get3A_451, %get3A_452, %get3A_453] {strides = array<i32>} : memref<4x256x64xf32, #tpu.memory_space<vmem>>, vector<1x1x16xf32>,
      %get3A_455 = vector.shape_cast %get3A_454 : vector<1x1x16xf32> to vector<16xf32>
      %mul3A_456 = arith.constant 8.000000e+00 : f32
      %mul3A_457 = vector.broadcast %mul3A_456 : f32 to vector<16xf32>
      %mul3A_458 = arith.mulf %get3A_455, %mul3A_457 : vector<16xf32>
      %swap3A_459 = arith.constant 1 : i32
      %swap3A_460 = arith.index_cast %swap3A_459 : i32 to index
      %swap3A_461 = arith.index_cast %add3A_449 : i32 to index
      %swap3A_462 = arith.constant 48 : index
      %swap3A_463 = tpu.vector_load %arg6[%swap3A_460, %swap3A_461, %swap3A_462] {strides = array<i32>} : memref<4x256x64xf32, #tpu.memory_space<vmem>>, vector<1x1x16xf32>,
      %swap3A_464 = vector.shape_cast %swap3A_463 : vector<1x1x16xf32> to vector<16xf32>
      %swap3A_465 = vector.shape_cast %mul3A_458 : vector<16xf32> to vector<1x1x16xf32>
      tpu.vector_store %arg6[%swap3A_460, %swap3A_461, %swap3A_462], %swap3A_465 {strides = array<i32>} : memref<4x256x64xf32, #tpu.memory_space<vmem>>, vector<1x1x16xf32>,
      %add3A_466 = arith.constant 1 : i32
      %add3A_467 = arith.addi %mul3A_395, %add3A_466 : i32
      %get3A_468 = arith.constant 1 : i32
      %get3A_469 = arith.index_cast %get3A_468 : i32 to index
      %get3A_470 = arith.index_cast %add3A_467 : i32 to index
      %get3A_471 = arith.constant 0 : index
      %get3A_472 = tpu.vector_load %arg6[%get3A_469, %get3A_470, %get3A_471] {strides = array<i32>} : memref<4x256x64xf32, #tpu.memory_space<vmem>>, vector<1x1x16xf32>,
      %get3A_473 = vector.shape_cast %get3A_472 : vector<1x1x16xf32> to vector<16xf32>
      %mul3A_474 = arith.constant 8.000000e+00 : f32
      %mul3A_475 = vector.broadcast %mul3A_474 : f32 to vector<16xf32>
      %mul3A_476 = arith.mulf %get3A_473, %mul3A_475 : vector<16xf32>
      %swap3A_477 = arith.constant 1 : i32
      %swap3A_478 = arith.index_cast %swap3A_477 : i32 to index
      %swap3A_479 = arith.index_cast %add3A_467 : i32 to index
      %swap3A_480 = arith.constant 0 : index
      %swap3A_481 = tpu.vector_load %arg6[%swap3A_478, %swap3A_479, %swap3A_480] {strides = array<i32>} : memref<4x256x64xf32, #tpu.memory_space<vmem>>, vector<1x1x16xf32>,
      %swap3A_482 = vector.shape_cast %swap3A_481 : vector<1x1x16xf32> to vector<16xf32>
      %swap3A_483 = vector.shape_cast %mul3A_476 : vector<16xf32> to vector<1x1x16xf32>
      tpu.vector_store %arg6[%swap3A_478, %swap3A_479, %swap3A_480], %swap3A_483 {strides = array<i32>} : memref<4x256x64xf32, #tpu.memory_space<vmem>>, vector<1x1x16xf32>,
      %add3A_484 = arith.constant 1 : i32
      %add3A_485 = arith.addi %mul3A_395, %add3A_484 : i32
      %get3A_486 = arith.constant 1 : i32
      %get3A_487 = arith.index_cast %get3A_486 : i32 to index
      %get3A_488 = arith.index_cast %add3A_485 : i32 to index
      %get3A_489 = arith.constant 16 : index
      %get3A_490 = tpu.vector_load %arg6[%get3A_487, %get3A_488, %get3A_489] {strides = array<i32>} : memref<4x256x64xf32, #tpu.memory_space<vmem>>, vector<1x1x16xf32>,
      %get3A_491 = vector.shape_cast %get3A_490 : vector<1x1x16xf32> to vector<16xf32>
      %mul3A_492 = arith.constant 8.000000e+00 : f32
      %mul3A_493 = vector.broadcast %mul3A_492 : f32 to vector<16xf32>
      %mul3A_494 = arith.mulf %get3A_491, %mul3A_493 : vector<16xf32>
      %swap3A_495 = arith.constant 1 : i32
      %swap3A_496 = arith.index_cast %swap3A_495 : i32 to index
      %swap3A_497 = arith.index_cast %add3A_485 : i32 to index
      %swap3A_498 = arith.constant 16 : index
      %swap3A_499 = tpu.vector_load %arg6[%swap3A_496, %swap3A_497, %swap3A_498] {strides = array<i32>} : memref<4x256x64xf32, #tpu.memory_space<vmem>>, vector<1x1x16xf32>,
      %swap3A_500 = vector.shape_cast %swap3A_499 : vector<1x1x16xf32> to vector<16xf32>
      %swap3A_501 = vector.shape_cast %mul3A_494 : vector<16xf32> to vector<1x1x16xf32>
      tpu.vector_store %arg6[%swap3A_496, %swap3A_497, %swap3A_498], %swap3A_501 {strides = array<i32>} : memref<4x256x64xf32, #tpu.memory_space<vmem>>, vector<1x1x16xf32>,
      %add3A_502 = arith.constant 1 : i32
      %add3A_503 = arith.addi %mul3A_395, %add3A_502 : i32
      %get3A_504 = arith.constant 1 : i32
      %get3A_505 = arith.index_cast %get3A_504 : i32 to index
      %get3A_506 = arith.index_cast %add3A_503 : i32 to index
      %get3A_507 = arith.constant 32 : index
      %get3A_508 = tpu.vector_load %arg6[%get3A_505, %get3A_506, %get3A_507] {strides = array<i32>} : memref<4x256x64xf32, #tpu.memory_space<vmem>>, vector<1x1x16xf32>,
      %get3A_509 = vector.shape_cast %get3A_508 : vector<1x1x16xf32> to vector<16xf32>
      %mul3A_510 = arith.constant 8.000000e+00 : f32
      %mul3A_511 = vector.broadcast %mul3A_510 : f32 to vector<16xf32>
      %mul3A_512 = arith.mulf %get3A_509, %mul3A_511 : vector<16xf32>
      %swap3A_513 = arith.constant 1 : i32
      %swap3A_514 = arith.index_cast %swap3A_513 : i32 to index
      %swap3A_515 = arith.index_cast %add3A_503 : i32 to index
      %swap3A_516 = arith.constant 32 : index
      %swap3A_517 = tpu.vector_load %arg6[%swap3A_514, %swap3A_515, %swap3A_516] {strides = array<i32>} : memref<4x256x64xf32, #tpu.memory_space<vmem>>, vector<1x1x16xf32>,
      %swap3A_518 = vector.shape_cast %swap3A_517 : vector<1x1x16xf32> to vector<16xf32>
      %swap3A_519 = vector.shape_cast %mul3A_512 : vector<16xf32> to vector<1x1x16xf32>
      tpu.vector_store %arg6[%swap3A_514, %swap3A_515, %swap3A_516], %swap3A_519 {strides = array<i32>} : memref<4x256x64xf32, #tpu.memory_space<vmem>>, vector<1x1x16xf32>,
      %add3A_520 = arith.constant 1 : i32
      %add3A_521 = arith.addi %mul3A_395, %add3A_520 : i32
      %get3A_522 = arith.constant 1 : i32
      %get3A_523 = arith.index_cast %get3A_522 : i32 to index
      %get3A_524 = arith.index_cast %add3A_521 : i32 to index
      %get3A_525 = arith.constant 48 : index
      %get3A_526 = tpu.vector_load %arg6[%get3A_523, %get3A_524, %get3A_525] {strides = array<i32>} : memref<4x256x64xf32, #tpu.memory_space<vmem>>, vector<1x1x16xf32>,
      %get3A_527 = vector.shape_cast %get3A_526 : vector<1x1x16xf32> to vector<16xf32>
      %mul3A_528 = arith.constant 8.000000e+00 : f32
      %mul3A_529 = vector.broadcast %mul3A_528 : f32 to vector<16xf32>
      %mul3A_530 = arith.mulf %get3A_527, %mul3A_529 : vector<16xf32>
      %swap3A_531 = arith.constant 1 : i32
      %swap3A_532 = arith.index_cast %swap3A_531 : i32 to index
      %swap3A_533 = arith.index_cast %add3A_521 : i32 to index
      %swap3A_534 = arith.constant 48 : index
      %swap3A_535 = tpu.vector_load %arg6[%swap3A_532, %swap3A_533, %swap3A_534] {strides = array<i32>} : memref<4x256x64xf32, #tpu.memory_space<vmem>>, vector<1x1x16xf32>,
      %swap3A_536 = vector.shape_cast %swap3A_535 : vector<1x1x16xf32> to vector<16xf32>
      %swap3A_537 = vector.shape_cast %mul3A_530 : vector<16xf32> to vector<1x1x16xf32>
      tpu.vector_store %arg6[%swap3A_532, %swap3A_533, %swap3A_534], %swap3A_537 {strides = array<i32>} : memref<4x256x64xf32, #tpu.memory_space<vmem>>, vector<1x1x16xf32>,
      %add3A_538 = arith.constant 2 : i32
      %add3A_539 = arith.addi %mul3A_395, %add3A_538 : i32
      %get3A_540 = arith.constant 1 : i32
      %get3A_541 = arith.index_cast %get3A_540 : i32 to index
      %get3A_542 = arith.index_cast %add3A_539 : i32 to index
      %get3A_543 = arith.constant 0 : index
      %get3A_544 = tpu.vector_load %arg6[%get3A_541, %get3A_542, %get3A_543] {strides = array<i32>} : memref<4x256x64xf32, #tpu.memory_space<vmem>>, vector<1x1x16xf32>,
      %get3A_545 = vector.shape_cast %get3A_544 : vector<1x1x16xf32> to vector<16xf32>
      %mul3A_546 = arith.constant 8.000000e+00 : f32
      %mul3A_547 = vector.broadcast %mul3A_546 : f32 to vector<16xf32>
      %mul3A_548 = arith.mulf %get3A_545, %mul3A_547 : vector<16xf32>
      %swap3A_549 = arith.constant 1 : i32
      %swap3A_550 = arith.index_cast %swap3A_549 : i32 to index
      %swap3A_551 = arith.index_cast %add3A_539 : i32 to index
      %swap3A_552 = arith.constant 0 : index
      %swap3A_553 = tpu.vector_load %arg6[%swap3A_550, %swap3A_551, %swap3A_552] {strides = array<i32>} : memref<4x256x64xf32, #tpu.memory_space<vmem>>, vector<1x1x16xf32>,
      %swap3A_554 = vector.shape_cast %swap3A_553 : vector<1x1x16xf32> to vector<16xf32>
      %swap3A_555 = vector.shape_cast %mul3A_548 : vector<16xf32> to vector<1x1x16xf32>
      tpu.vector_store %arg6[%swap3A_550, %swap3A_551, %swap3A_552], %swap3A_555 {strides = array<i32>} : memref<4x256x64xf32, #tpu.memory_space<vmem>>, vector<1x1x16xf32>,
      %add3A_556 = arith.constant 2 : i32
      %add3A_557 = arith.addi %mul3A_395, %add3A_556 : i32
      %get3A_558 = arith.constant 1 : i32
      %get3A_559 = arith.index_cast %get3A_558 : i32 to index
      %get3A_560 = arith.index_cast %add3A_557 : i32 to index
      %get3A_561 = arith.constant 16 : index
      %get3A_562 = tpu.vector_load %arg6[%get3A_559, %get3A_560, %get3A_561] {strides = array<i32>} : memref<4x256x64xf32, #tpu.memory_space<vmem>>, vector<1x1x16xf32>,
      %get3A_563 = vector.shape_cast %get3A_562 : vector<1x1x16xf32> to vector<16xf32>
      %mul3A_564 = arith.constant 8.000000e+00 : f32
      %mul3A_565 = vector.broadcast %mul3A_564 : f32 to vector<16xf32>
      %mul3A_566 = arith.mulf %get3A_563, %mul3A_565 : vector<16xf32>
      %swap3A_567 = arith.constant 1 : i32
      %swap3A_568 = arith.index_cast %swap3A_567 : i32 to index
      %swap3A_569 = arith.index_cast %add3A_557 : i32 to index
      %swap3A_570 = arith.constant 16 : index
      %swap3A_571 = tpu.vector_load %arg6[%swap3A_568, %swap3A_569, %swap3A_570] {strides = array<i32>} : memref<4x256x64xf32, #tpu.memory_space<vmem>>, vector<1x1x16xf32>,
      %swap3A_572 = vector.shape_cast %swap3A_571 : vector<1x1x16xf32> to vector<16xf32>
      %swap3A_573 = vector.shape_cast %mul3A_566 : vector<16xf32> to vector<1x1x16xf32>
      tpu.vector_store %arg6[%swap3A_568, %swap3A_569, %swap3A_570], %swap3A_573 {strides = array<i32>} : memref<4x256x64xf32, #tpu.memory_space<vmem>>, vector<1x1x16xf32>,
      %add3A_574 = arith.constant 2 : i32
      %add3A_575 = arith.addi %mul3A_395, %add3A_574 : i32
      %get3A_576 = arith.constant 1 : i32
      %get3A_577 = arith.index_cast %get3A_576 : i32 to index
      %get3A_578 = arith.index_cast %add3A_575 : i32 to index
      %get3A_579 = arith.constant 32 : index
      %get3A_580 = tpu.vector_load %arg6[%get3A_577, %get3A_578, %get3A_579] {strides = array<i32>} : memref<4x256x64xf32, #tpu.memory_space<vmem>>, vector<1x1x16xf32>,
      %get3A_581 = vector.shape_cast %get3A_580 : vector<1x1x16xf32> to vector<16xf32>
      %mul3A_582 = arith.constant 8.000000e+00 : f32
      %mul3A_583 = vector.broadcast %mul3A_582 : f32 to vector<16xf32>
      %mul3A_584 = arith.mulf %get3A_581, %mul3A_583 : vector<16xf32>
      %swap3A_585 = arith.constant 1 : i32
      %swap3A_586 = arith.index_cast %swap3A_585 : i32 to index
      %swap3A_587 = arith.index_cast %add3A_575 : i32 to index
      %swap3A_588 = arith.constant 32 : index
      %swap3A_589 = tpu.vector_load %arg6[%swap3A_586, %swap3A_587, %swap3A_588] {strides = array<i32>} : memref<4x256x64xf32, #tpu.memory_space<vmem>>, vector<1x1x16xf32>,
      %swap3A_590 = vector.shape_cast %swap3A_589 : vector<1x1x16xf32> to vector<16xf32>
      %swap3A_591 = vector.shape_cast %mul3A_584 : vector<16xf32> to vector<1x1x16xf32>
      tpu.vector_store %arg6[%swap3A_586, %swap3A_587, %swap3A_588], %swap3A_591 {strides = array<i32>} : memref<4x256x64xf32, #tpu.memory_space<vmem>>, vector<1x1x16xf32>,
      %add3A_592 = arith.constant 2 : i32
      %add3A_593 = arith.addi %mul3A_395, %add3A_592 : i32
      %get3A_594 = arith.constant 1 : i32
      %get3A_595 = arith.index_cast %get3A_594 : i32 to index
      %get3A_596 = arith.index_cast %add3A_593 : i32 to index
      %get3A_597 = arith.constant 48 : index
      %get3A_598 = tpu.vector_load %arg6[%get3A_595, %get3A_596, %get3A_597] {strides = array<i32>} : memref<4x256x64xf32, #tpu.memory_space<vmem>>, vector<1x1x16xf32>,
      %get3A_599 = vector.shape_cast %get3A_598 : vector<1x1x16xf32> to vector<16xf32>
      %mul3A_600 = arith.constant 8.000000e+00 : f32
      %mul3A_601 = vector.broadcast %mul3A_600 : f32 to vector<16xf32>
      %mul3A_602 = arith.mulf %get3A_599, %mul3A_601 : vector<16xf32>
      %swap3A_603 = arith.constant 1 : i32
      %swap3A_604 = arith.index_cast %swap3A_603 : i32 to index
      %swap3A_605 = arith.index_cast %add3A_593 : i32 to index
      %swap3A_606 = arith.constant 48 : index
      %swap3A_607 = tpu.vector_load %arg6[%swap3A_604, %swap3A_605, %swap3A_606] {strides = array<i32>} : memref<4x256x64xf32, #tpu.memory_space<vmem>>, vector<1x1x16xf32>,
      %swap3A_608 = vector.shape_cast %swap3A_607 : vector<1x1x16xf32> to vector<16xf32>
      %swap3A_609 = vector.shape_cast %mul3A_602 : vector<16xf32> to vector<1x1x16xf32>
      tpu.vector_store %arg6[%swap3A_604, %swap3A_605, %swap3A_606], %swap3A_609 {strides = array<i32>} : memref<4x256x64xf32, #tpu.memory_space<vmem>>, vector<1x1x16xf32>,
      %add3A_610 = arith.constant 3 : i32
      %add3A_611 = arith.addi %mul3A_395, %add3A_610 : i32
      %get3A_612 = arith.constant 1 : i32
      %get3A_613 = arith.index_cast %get3A_612 : i32 to index
      %get3A_614 = arith.index_cast %add3A_611 : i32 to index
      %get3A_615 = arith.constant 0 : index
      %get3A_616 = tpu.vector_load %arg6[%get3A_613, %get3A_614, %get3A_615] {strides = array<i32>} : memref<4x256x64xf32, #tpu.memory_space<vmem>>, vector<1x1x16xf32>,
      %get3A_617 = vector.shape_cast %get3A_616 : vector<1x1x16xf32> to vector<16xf32>
      %mul3A_618 = arith.constant 8.000000e+00 : f32
      %mul3A_619 = vector.broadcast %mul3A_618 : f32 to vector<16xf32>
      %mul3A_620 = arith.mulf %get3A_617, %mul3A_619 : vector<16xf32>
      %swap3A_621 = arith.constant 1 : i32
      %swap3A_622 = arith.index_cast %swap3A_621 : i32 to index
      %swap3A_623 = arith.index_cast %add3A_611 : i32 to index
      %swap3A_624 = arith.constant 0 : index
      %swap3A_625 = tpu.vector_load %arg6[%swap3A_622, %swap3A_623, %swap3A_624] {strides = array<i32>} : memref<4x256x64xf32, #tpu.memory_space<vmem>>, vector<1x1x16xf32>,
      %swap3A_626 = vector.shape_cast %swap3A_625 : vector<1x1x16xf32> to vector<16xf32>
      %swap3A_627 = vector.shape_cast %mul3A_620 : vector<16xf32> to vector<1x1x16xf32>
      tpu.vector_store %arg6[%swap3A_622, %swap3A_623, %swap3A_624], %swap3A_627 {strides = array<i32>} : memref<4x256x64xf32, #tpu.memory_space<vmem>>, vector<1x1x16xf32>,
      %add3A_628 = arith.constant 3 : i32
      %add3A_629 = arith.addi %mul3A_395, %add3A_628 : i32
      %get3A_630 = arith.constant 1 : i32
      %get3A_631 = arith.index_cast %get3A_630 : i32 to index
      %get3A_632 = arith.index_cast %add3A_629 : i32 to index
      %get3A_633 = arith.constant 16 : index
      %get3A_634 = tpu.vector_load %arg6[%get3A_631, %get3A_632, %get3A_633] {strides = array<i32>} : memref<4x256x64xf32, #tpu.memory_space<vmem>>, vector<1x1x16xf32>,
      %get3A_635 = vector.shape_cast %get3A_634 : vector<1x1x16xf32> to vector<16xf32>
      %mul3A_636 = arith.constant 8.000000e+00 : f32
      %mul3A_637 = vector.broadcast %mul3A_636 : f32 to vector<16xf32>
      %mul3A_638 = arith.mulf %get3A_635, %mul3A_637 : vector<16xf32>
      %swap3A_639 = arith.constant 1 : i32
      %swap3A_640 = arith.index_cast %swap3A_639 : i32 to index
      %swap3A_641 = arith.index_cast %add3A_629 : i32 to index
      %swap3A_642 = arith.constant 16 : index
      %swap3A_643 = tpu.vector_load %arg6[%swap3A_640, %swap3A_641, %swap3A_642] {strides = array<i32>} : memref<4x256x64xf32, #tpu.memory_space<vmem>>, vector<1x1x16xf32>,
      %swap3A_644 = vector.shape_cast %swap3A_643 : vector<1x1x16xf32> to vector<16xf32>
      %swap3A_645 = vector.shape_cast %mul3A_638 : vector<16xf32> to vector<1x1x16xf32>
      tpu.vector_store %arg6[%swap3A_640, %swap3A_641, %swap3A_642], %swap3A_645 {strides = array<i32>} : memref<4x256x64xf32, #tpu.memory_space<vmem>>, vector<1x1x16xf32>,
      %add3A_646 = arith.constant 3 : i32
      %add3A_647 = arith.addi %mul3A_395, %add3A_646 : i32
      %get3A_648 = arith.constant 1 : i32
      %get3A_649 = arith.index_cast %get3A_648 : i32 to index
      %get3A_650 = arith.index_cast %add3A_647 : i32 to index
      %get3A_651 = arith.constant 32 : index
      %get3A_652 = tpu.vector_load %arg6[%get3A_649, %get3A_650, %get3A_651] {strides = array<i32>} : memref<4x256x64xf32, #tpu.memory_space<vmem>>, vector<1x1x16xf32>,
      %get3A_653 = vector.shape_cast %get3A_652 : vector<1x1x16xf32> to vector<16xf32>
      %mul3A_654 = arith.constant 8.000000e+00 : f32
      %mul3A_655 = vector.broadcast %mul3A_654 : f32 to vector<16xf32>
      %mul3A_656 = arith.mulf %get3A_653, %mul3A_655 : vector<16xf32>
      %swap3A_657 = arith.constant 1 : i32
      %swap3A_658 = arith.index_cast %swap3A_657 : i32 to index
      %swap3A_659 = arith.index_cast %add3A_647 : i32 to index
      %swap3A_660 = arith.constant 32 : index
      %swap3A_661 = tpu.vector_load %arg6[%swap3A_658, %swap3A_659, %swap3A_660] {strides = array<i32>} : memref<4x256x64xf32, #tpu.memory_space<vmem>>, vector<1x1x16xf32>,
      %swap3A_662 = vector.shape_cast %swap3A_661 : vector<1x1x16xf32> to vector<16xf32>
      %swap3A_663 = vector.shape_cast %mul3A_656 : vector<16xf32> to vector<1x1x16xf32>
      tpu.vector_store %arg6[%swap3A_658, %swap3A_659, %swap3A_660], %swap3A_663 {strides = array<i32>} : memref<4x256x64xf32, #tpu.memory_space<vmem>>, vector<1x1x16xf32>,
      %add3A_664 = arith.constant 3 : i32
      %add3A_665 = arith.addi %mul3A_395, %add3A_664 : i32
      %get3A_666 = arith.constant 1 : i32
      %get3A_667 = arith.index_cast %get3A_666 : i32 to index
      %get3A_668 = arith.index_cast %add3A_665 : i32 to index
      %get3A_669 = arith.constant 48 : index
      %get3A_670 = tpu.vector_load %arg6[%get3A_667, %get3A_668, %get3A_669] {strides = array<i32>} : memref<4x256x64xf32, #tpu.memory_space<vmem>>, vector<1x1x16xf32>,
      %get3A_671 = vector.shape_cast %get3A_670 : vector<1x1x16xf32> to vector<16xf32>
      %mul3A_672 = arith.constant 8.000000e+00 : f32
      %mul3A_673 = vector.broadcast %mul3A_672 : f32 to vector<16xf32>
      %mul3A_674 = arith.mulf %get3A_671, %mul3A_673 : vector<16xf32>
      %swap3A_675 = arith.constant 1 : i32
      %swap3A_676 = arith.index_cast %swap3A_675 : i32 to index
      %swap3A_677 = arith.index_cast %add3A_665 : i32 to index
      %swap3A_678 = arith.constant 48 : index
      %swap3A_679 = tpu.vector_load %arg6[%swap3A_676, %swap3A_677, %swap3A_678] {strides = array<i32>} : memref<4x256x64xf32, #tpu.memory_space<vmem>>, vector<1x1x16xf32>,
      %swap3A_680 = vector.shape_cast %swap3A_679 : vector<1x1x16xf32> to vector<16xf32>
      %swap3A_681 = vector.shape_cast %mul3A_674 : vector<16xf32> to vector<1x1x16xf32>
      tpu.vector_store %arg6[%swap3A_676, %swap3A_677, %swap3A_678], %swap3A_681 {strides = array<i32>} : memref<4x256x64xf32, #tpu.memory_space<vmem>>, vector<1x1x16xf32>,
    }
    %scan3A_171 = arith.constant 64 : i32
    %add3A_172 = arith.constant 2 : i32
    %add3A_173 = arith.addi %mul3A_2, %add3A_172 : i32
    %mul3A_174 = arith.constant 128 : i32
    %mul3A_175 = arith.muli %add3A_173, %mul3A_174 : i32
    %dma_start3A_176 = arith.constant 1 : i32
    %dma_start3A_177 = arith.constant 1 : i32
    %dma_start3A_178 = arith.constant 0 : i32
    %dma_start3A_179 = arith.constant 0 : i32
    %dma_start3A_180 = tpu.memref_slice %arg6[%dma_start3A_176, %dma_start3A_178, %dma_start3A_179] : memref<4x256x64xf32, #tpu.memory_space<vmem>> -> memref<1x256x64xf32, #tpu.memory_space<vmem>>
    %dma_start3A_181 = tpu.memref_squeeze %dma_start3A_180 : memref<1x256x64xf32, #tpu.memory_space<vmem>> -> memref<256x64xf32, #tpu.memory_space<vmem>>
    %dma_start3A_182 = arith.constant 0 : i32
    %dma_start3A_183 = tpu.memref_slice %arg4[%mul3A_175, %dma_start3A_182] : memref<819200x128xf32, #tpu.memory_space<hbm>> -> memref<256x64xf32, #tpu.memory_space<hbm>>
    %dma_start3A_184 = tpu.memref_slice %arg8[%dma_start3A_177] : memref<4x!tpu.dma_semaphore, #tpu.memory_space<semaphore_mem>> -> memref<1x!tpu.dma_semaphore, #tpu.memory_space<semaphore_mem>>
    %dma_start3A_185 = tpu.memref_squeeze %dma_start3A_184 : memref<1x!tpu.dma_semaphore, #tpu.memory_space<semaphore_mem>> -> memref<!tpu.dma_semaphore, #tpu.memory_space<semaphore_mem>>
    %dma_start3A_186 = arith.constant 0 : i32
    %dma_start3A_187 = tpu.memref_slice %arg4[%mul3A_175, %dma_start3A_186] : memref<819200x128xf32, #tpu.memory_space<hbm>> -> memref<256x64xf32, #tpu.memory_space<hbm>>
    %dma_start3A_188 = arith.constant 0 : i32
    %dma_start3A_189 = arith.constant 0 : i32
    %dma_start3A_190 = tpu.memref_slice %arg6[%dma_start3A_176, %dma_start3A_188, %dma_start3A_189] : memref<4x256x64xf32, #tpu.memory_space<vmem>> -> memref<1x256x64xf32, #tpu.memory_space<vmem>>
    %dma_start3A_191 = tpu.memref_squeeze %dma_start3A_190 : memref<1x256x64xf32, #tpu.memory_space<vmem>> -> memref<256x64xf32, #tpu.memory_space<vmem>>
    tpu.enqueue_dma source(%dma_start3A_191 : memref<256x64xf32, #tpu.memory_space<vmem>>) target(%dma_start3A_187 : memref<256x64xf32, #tpu.memory_space<hbm>>) target_semaphore(%dma_start3A_185 : memref<!tpu.dma_semaphore, #tpu.memory_space<semaphore_mem>>)
    %add3A_192 = arith.constant 6 : i32
    %add3A_193 = arith.addi %mul3A_2, %add3A_192 : i32
    %run_scoped3A_194 = arith.constant 3 : i32
    "tpu.region"() ({
      %run_scoped3A_393 = tpu.sem_alloc : memref<!tpu.dma_semaphore, #tpu.memory_space<semaphore_mem>>
      %dma_start3A_394 = arith.constant 0 : i32
      %dma_start3A_395 = arith.constant 0 : i32
      %dma_start3A_396 = tpu.memref_slice %arg5[%run_scoped3A_194, %dma_start3A_394, %dma_start3A_395] : memref<4x2x128xi32, #tpu.memory_space<vmem>> -> memref<1x2x128xi32, #tpu.memory_space<vmem>>
      %dma_start3A_397 = tpu.memref_squeeze %dma_start3A_396 : memref<1x2x128xi32, #tpu.memory_space<vmem>> -> memref<2x128xi32, #tpu.memory_space<vmem>>
      %dma_start3A_398 = arith.constant 0 : i32
      %dma_start3A_399 = tpu.memref_slice %arg2[%add3A_193, %dma_start3A_398] : memref<6400x128xi32, #tpu.memory_space<hbm>> -> memref<2x128xi32, #tpu.memory_space<hbm>>
      %dma_start3A_400 = arith.constant 0 : i32
      %dma_start3A_401 = arith.constant 0 : i32
      %dma_start3A_402 = tpu.memref_slice %arg5[%run_scoped3A_194, %dma_start3A_400, %dma_start3A_401] : memref<4x2x128xi32, #tpu.memory_space<vmem>> -> memref<1x2x128xi32, #tpu.memory_space<vmem>>
      %dma_start3A_403 = tpu.memref_squeeze %dma_start3A_402 : memref<1x2x128xi32, #tpu.memory_space<vmem>> -> memref<2x128xi32, #tpu.memory_space<vmem>>
      %dma_start3A_404 = arith.constant 0 : i32
      %dma_start3A_405 = tpu.memref_slice %arg2[%add3A_193, %dma_start3A_404] : memref<6400x128xi32, #tpu.memory_space<hbm>> -> memref<2x128xi32, #tpu.memory_space<hbm>>
      tpu.enqueue_dma source(%dma_start3A_405 : memref<2x128xi32, #tpu.memory_space<hbm>>) target(%dma_start3A_403 : memref<2x128xi32, #tpu.memory_space<vmem>>) target_semaphore(%run_scoped3A_393 : memref<!tpu.dma_semaphore, #tpu.memory_space<semaphore_mem>>)
      %dma_wait3A_406 = arith.constant 0 : i32
      %dma_wait3A_407 = arith.constant 0 : i32
      %dma_wait3A_408 = tpu.memref_slice %arg5[%run_scoped3A_194, %dma_wait3A_406, %dma_wait3A_407] : memref<4x2x128xi32, #tpu.memory_space<vmem>> -> memref<1x2x128xi32, #tpu.memory_space<vmem>>
      %dma_wait3A_409 = tpu.memref_squeeze %dma_wait3A_408 : memref<1x2x128xi32, #tpu.memory_space<vmem>> -> memref<2x128xi32, #tpu.memory_space<vmem>>
      %dma_wait3A_410 = arith.constant 0 : i32
      %dma_wait3A_411 = tpu.memref_slice %arg2[%add3A_193, %dma_wait3A_410] : memref<6400x128xi32, #tpu.memory_space<hbm>> -> memref<2x128xi32, #tpu.memory_space<hbm>>
      %dma_wait3A_412 = arith.constant 0 : i32
      %dma_wait3A_413 = arith.constant 0 : i32
      %dma_wait3A_414 = tpu.memref_slice %arg5[%run_scoped3A_194, %dma_wait3A_412, %dma_wait3A_413] : memref<4x2x128xi32, #tpu.memory_space<vmem>> -> memref<1x2x128xi32, #tpu.memory_space<vmem>>
      %dma_wait3A_415 = tpu.memref_squeeze %dma_wait3A_414 : memref<1x2x128xi32, #tpu.memory_space<vmem>> -> memref<2x128xi32, #tpu.memory_space<vmem>>
      %dma_wait3A_416 = arith.constant 0 : i32
      %dma_wait3A_417 = tpu.memref_slice %arg2[%add3A_193, %dma_wait3A_416] : memref<6400x128xi32, #tpu.memory_space<hbm>> -> memref<2x128xi32, #tpu.memory_space<hbm>>
      tpu.wait_dma2 semaphore(%run_scoped3A_393 : memref<!tpu.dma_semaphore, #tpu.memory_space<semaphore_mem>>) src(%dma_wait3A_417 : memref<2x128xi32, #tpu.memory_space<hbm>>) dst(%dma_wait3A_415 : memref<2x128xi32, #tpu.memory_space<vmem>>)
      tpu.yield
    }) : () -> ()
    %dma_start3A_195 = arith.constant 3 : i32
    %dma_start3A_196 = arith.constant 0 : i32
    %dma_start3A_197 = arith.constant 3 : i32
    %dma_start3A_198 = arith.constant 3 : i32
    %dma_start3A_199 = arith.constant 0 : i32
    %dma_start3A_200 = arith.constant 0 : i32
    %dma_start3A_201 = tpu.memref_slice %arg6[%dma_start3A_197, %dma_start3A_199, %dma_start3A_200] : memref<4x256x64xf32, #tpu.memory_space<vmem>> -> memref<1x128x64xf32, #tpu.memory_space<vmem>>
    %dma_start3A_202 = tpu.memref_squeeze %dma_start3A_201 : memref<1x128x64xf32, #tpu.memory_space<vmem>> -> memref<128x64xf32, #tpu.memory_space<vmem>>
    %dma_start3A_203 = arith.constant 0 : i32
    %dma_start3A_204 = tpu.memref_slice %arg5[%dma_start3A_195, %dma_start3A_196, %dma_start3A_203] : memref<4x2x128xi32, #tpu.memory_space<vmem>> -> memref<1x1x128xi32, #tpu.memory_space<vmem>>
    %dma_start3A_205 = tpu.memref_squeeze %dma_start3A_204 : memref<1x1x128xi32, #tpu.memory_space<vmem>> -> memref<128xi32, #tpu.memory_space<vmem>>
    %dma_start3A_206 = arith.constant 0 : i32
    %dma_start3A_207 = arith.constant 0 : i32
    %dma_start3A_208 = tpu.memref_slice %arg3[%dma_start3A_206, %dma_start3A_207] : memref<1000000x64xf32, #tpu.memory_space<hbm>> -> memref<1000000x64xf32, #tpu.memory_space<hbm>>
    %dma_start3A_209 = tpu.memref_slice %arg7[%dma_start3A_198] : memref<4x!tpu.dma_semaphore, #tpu.memory_space<semaphore_mem>> -> memref<1x!tpu.dma_semaphore, #tpu.memory_space<semaphore_mem>>
    %dma_start3A_210 = tpu.memref_squeeze %dma_start3A_209 : memref<1x!tpu.dma_semaphore, #tpu.memory_space<semaphore_mem>> -> memref<!tpu.dma_semaphore, #tpu.memory_space<semaphore_mem>>
    tpu.enqueue_indirect_dma source(%dma_start3A_208 : memref<1000000x64xf32, #tpu.memory_space<hbm>>) target(%dma_start3A_202 : memref<128x64xf32, #tpu.memory_space<vmem>>) offsets(%dma_start3A_205 : memref<128xi32, #tpu.memory_space<vmem>>) semaphore(%dma_start3A_210 : memref<!tpu.dma_semaphore, #tpu.memory_space<semaphore_mem>>)
    %dma_start3A_211 = arith.constant 3 : i32
    %dma_start3A_212 = arith.constant 1 : i32
    %dma_start3A_213 = arith.constant 3 : i32
    %dma_start3A_214 = arith.constant 3 : i32
    %dma_start3A_215 = arith.constant 128 : i32
    %dma_start3A_216 = arith.constant 0 : i32
    %dma_start3A_217 = tpu.memref_slice %arg6[%dma_start3A_213, %dma_start3A_215, %dma_start3A_216] : memref<4x256x64xf32, #tpu.memory_space<vmem>> -> memref<1x128x64xf32, #tpu.memory_space<vmem>>
    %dma_start3A_218 = tpu.memref_squeeze %dma_start3A_217 : memref<1x128x64xf32, #tpu.memory_space<vmem>> -> memref<128x64xf32, #tpu.memory_space<vmem>>
    %dma_start3A_219 = arith.constant 0 : i32
    %dma_start3A_220 = tpu.memref_slice %arg5[%dma_start3A_211, %dma_start3A_212, %dma_start3A_219] : memref<4x2x128xi32, #tpu.memory_space<vmem>> -> memref<1x1x128xi32, #tpu.memory_space<vmem>>
    %dma_start3A_221 = tpu.memref_squeeze %dma_start3A_220 : memref<1x1x128xi32, #tpu.memory_space<vmem>> -> memref<128xi32, #tpu.memory_space<vmem>>
    %dma_start3A_222 = arith.constant 0 : i32
    %dma_start3A_223 = arith.constant 0 : i32
    %dma_start3A_224 = tpu.memref_slice %arg3[%dma_start3A_222, %dma_start3A_223] : memref<1000000x64xf32, #tpu.memory_space<hbm>> -> memref<1000000x64xf32, #tpu.memory_space<hbm>>
    %dma_start3A_225 = tpu.memref_slice %arg7[%dma_start3A_214] : memref<4x!tpu.dma_semaphore, #tpu.memory_space<semaphore_mem>> -> memref<1x!tpu.dma_semaphore, #tpu.memory_space<semaphore_mem>>
    %dma_start3A_226 = tpu.memref_squeeze %dma_start3A_225 : memref<1x!tpu.dma_semaphore, #tpu.memory_space<semaphore_mem>> -> memref<!tpu.dma_semaphore, #tpu.memory_space<semaphore_mem>>
    tpu.enqueue_indirect_dma source(%dma_start3A_224 : memref<1000000x64xf32, #tpu.memory_space<hbm>>) target(%dma_start3A_218 : memref<128x64xf32, #tpu.memory_space<vmem>>) offsets(%dma_start3A_221 : memref<128xi32, #tpu.memory_space<vmem>>) semaphore(%dma_start3A_226 : memref<!tpu.dma_semaphore, #tpu.memory_space<semaphore_mem>>)
    %scan3A_227 = arith.constant 0 : i32
    %scan3A_228 = arith.constant 0 : i32
    %scan3A_229 = arith.constant 24 : i32
    %scan3A_230 = arith.addi %scan3A_228, %scan3A_229 : i32
    %scan3A_231 = arith.constant 1 : i32
    scf.for %scan3A_393 = %scan3A_228 to %scan3A_230 step %scan3A_231  : i32 {
      %mul3A_394 = arith.constant 4 : i32
      %mul3A_395 = arith.muli %scan3A_393, %mul3A_394 : i32
      %add3A_396 = arith.constant 2 : i32
      %add3A_397 = arith.addi %add3A_396, %mul3A_395 : i32
      %add3A_398 = arith.constant 0 : i32
      %add3A_399 = arith.addi %add3A_397, %add3A_398 : i32
      %dma_wait3A_400 = arith.constant 2 : i32
      %dma_wait3A_401 = arith.constant 2 : i32
      %dma_wait3A_402 = arith.constant 0 : i32
      %dma_wait3A_403 = arith.constant 0 : i32
      %dma_wait3A_404 = tpu.memref_slice %arg6[%dma_wait3A_400, %dma_wait3A_402, %dma_wait3A_403] : memref<4x256x64xf32, #tpu.memory_space<vmem>> -> memref<1x256x64xf32, #tpu.memory_space<vmem>>
      %dma_wait3A_405 = tpu.memref_squeeze %dma_wait3A_404 : memref<1x256x64xf32, #tpu.memory_space<vmem>> -> memref<256x64xf32, #tpu.memory_space<vmem>>
      %dma_wait3A_406 = arith.constant 0 : i32
      %dma_wait3A_407 = arith.constant 0 : i32
      %dma_wait3A_408 = tpu.memref_slice %arg3[%dma_wait3A_406, %dma_wait3A_407] : memref<1000000x64xf32, #tpu.memory_space<hbm>> -> memref<256x64xf32, #tpu.memory_space<hbm>>
      %dma_wait3A_409 = tpu.memref_slice %arg7[%dma_wait3A_401] : memref<4x!tpu.dma_semaphore, #tpu.memory_space<semaphore_mem>> -> memref<1x!tpu.dma_semaphore, #tpu.memory_space<semaphore_mem>>
      %dma_wait3A_410 = tpu.memref_squeeze %dma_wait3A_409 : memref<1x!tpu.dma_semaphore, #tpu.memory_space<semaphore_mem>> -> memref<!tpu.dma_semaphore, #tpu.memory_space<semaphore_mem>>
      %dma_wait3A_411 = arith.constant 0 : i32
      %dma_wait3A_412 = arith.constant 0 : i32
      %dma_wait3A_413 = tpu.memref_slice %arg6[%dma_wait3A_400, %dma_wait3A_411, %dma_wait3A_412] : memref<4x256x64xf32, #tpu.memory_space<vmem>> -> memref<1x256x64xf32, #tpu.memory_space<vmem>>
      %dma_wait3A_414 = tpu.memref_squeeze %dma_wait3A_413 : memref<1x256x64xf32, #tpu.memory_space<vmem>> -> memref<256x64xf32, #tpu.memory_space<vmem>>
      %dma_wait3A_415 = arith.constant 0 : i32
      %dma_wait3A_416 = arith.constant 0 : i32
      %dma_wait3A_417 = tpu.memref_slice %arg3[%dma_wait3A_415, %dma_wait3A_416] : memref<1000000x64xf32, #tpu.memory_space<hbm>> -> memref<256x64xf32, #tpu.memory_space<hbm>>
      tpu.wait_dma2 semaphore(%dma_wait3A_410 : memref<!tpu.dma_semaphore, #tpu.memory_space<semaphore_mem>>) src(%dma_wait3A_417 : memref<256x64xf32, #tpu.memory_space<hbm>>) dst(%dma_wait3A_414 : memref<256x64xf32, #tpu.memory_space<vmem>>)
      %scan3A_418 = arith.constant 0 : i32
      %scan3A_419 = arith.constant 0 : i32
      %scan3A_420 = arith.constant 64 : i32
      %scan3A_421 = arith.addi %scan3A_419, %scan3A_420 : i32
      %scan3A_422 = arith.constant 1 : i32
      scf.for %scan3A_822 = %scan3A_419 to %scan3A_421 step %scan3A_422  : i32 {
        %mul3A_823 = arith.constant 4 : i32
        %mul3A_824 = arith.muli %scan3A_822, %mul3A_823 : i32
        %add3A_825 = arith.constant 0 : i32
        %add3A_826 = arith.addi %mul3A_824, %add3A_825 : i32
        %get3A = arith.constant 2 : i32
        %get3A_827 = arith.index_cast %get3A : i32 to index
        %get3A_828 = arith.index_cast %add3A_826 : i32 to index
        %get3A_829 = arith.constant 0 : index
        %get3A_830 = tpu.vector_load %arg6[%get3A_827, %get3A_828, %get3A_829] {strides = array<i32>} : memref<4x256x64xf32, #tpu.memory_space<vmem>>, vector<1x1x16xf32>,
        %get3A_831 = vector.shape_cast %get3A_830 : vector<1x1x16xf32> to vector<16xf32>
        %mul3A_832 = arith.constant 8.000000e+00 : f32
        %mul3A_833 = vector.broadcast %mul3A_832 : f32 to vector<16xf32>
        %mul3A_834 = arith.mulf %get3A_831, %mul3A_833 : vector<16xf32>
        %swap3A = arith.constant 2 : i32
        %swap3A_835 = arith.index_cast %swap3A : i32 to index
        %swap3A_836 = arith.index_cast %add3A_826 : i32 to index
        %swap3A_837 = arith.constant 0 : index
        %swap3A_838 = tpu.vector_load %arg6[%swap3A_835, %swap3A_836, %swap3A_837] {strides = array<i32>} : memref<4x256x64xf32, #tpu.memory_space<vmem>>, vector<1x1x16xf32>,
        %swap3A_839 = vector.shape_cast %swap3A_838 : vector<1x1x16xf32> to vector<16xf32>
        %swap3A_840 = vector.shape_cast %mul3A_834 : vector<16xf32> to vector<1x1x16xf32>
        tpu.vector_store %arg6[%swap3A_835, %swap3A_836, %swap3A_837], %swap3A_840 {strides = array<i32>} : memref<4x256x64xf32, #tpu.memory_space<vmem>>, vector<1x1x16xf32>,
        %add3A_841 = arith.constant 0 : i32
        %add3A_842 = arith.addi %mul3A_824, %add3A_841 : i32
        %get3A_843 = arith.constant 2 : i32
        %get3A_844 = arith.index_cast %get3A_843 : i32 to index
        %get3A_845 = arith.index_cast %add3A_842 : i32 to index
        %get3A_846 = arith.constant 16 : index
        %get3A_847 = tpu.vector_load %arg6[%get3A_844, %get3A_845, %get3A_846] {strides = array<i32>} : memref<4x256x64xf32, #tpu.memory_space<vmem>>, vector<1x1x16xf32>,
        %get3A_848 = vector.shape_cast %get3A_847 : vector<1x1x16xf32> to vector<16xf32>
        %mul3A_849 = arith.constant 8.000000e+00 : f32
        %mul3A_850 = vector.broadcast %mul3A_849 : f32 to vector<16xf32>
        %mul3A_851 = arith.mulf %get3A_848, %mul3A_850 : vector<16xf32>
        %swap3A_852 = arith.constant 2 : i32
        %swap3A_853 = arith.index_cast %swap3A_852 : i32 to index
        %swap3A_854 = arith.index_cast %add3A_842 : i32 to index
        %swap3A_855 = arith.constant 16 : index
        %swap3A_856 = tpu.vector_load %arg6[%swap3A_853, %swap3A_854, %swap3A_855] {strides = array<i32>} : memref<4x256x64xf32, #tpu.memory_space<vmem>>, vector<1x1x16xf32>,
        %swap3A_857 = vector.shape_cast %swap3A_856 : vector<1x1x16xf32> to vector<16xf32>
        %swap3A_858 = vector.shape_cast %mul3A_851 : vector<16xf32> to vector<1x1x16xf32>
        tpu.vector_store %arg6[%swap3A_853, %swap3A_854, %swap3A_855], %swap3A_858 {strides = array<i32>} : memref<4x256x64xf32, #tpu.memory_space<vmem>>, vector<1x1x16xf32>,
        %add3A_859 = arith.constant 0 : i32
        %add3A_860 = arith.addi %mul3A_824, %add3A_859 : i32
        %get3A_861 = arith.constant 2 : i32
        %get3A_862 = arith.index_cast %get3A_861 : i32 to index
        %get3A_863 = arith.index_cast %add3A_860 : i32 to index
        %get3A_864 = arith.constant 32 : index
        %get3A_865 = tpu.vector_load %arg6[%get3A_862, %get3A_863, %get3A_864] {strides = array<i32>} : memref<4x256x64xf32, #tpu.memory_space<vmem>>, vector<1x1x16xf32>,
        %get3A_866 = vector.shape_cast %get3A_865 : vector<1x1x16xf32> to vector<16xf32>
        %mul3A_867 = arith.constant 8.000000e+00 : f32
        %mul3A_868 = vector.broadcast %mul3A_867 : f32 to vector<16xf32>
        %mul3A_869 = arith.mulf %get3A_866, %mul3A_868 : vector<16xf32>
        %swap3A_870 = arith.constant 2 : i32
        %swap3A_871 = arith.index_cast %swap3A_870 : i32 to index
        %swap3A_872 = arith.index_cast %add3A_860 : i32 to index
        %swap3A_873 = arith.constant 32 : index
        %swap3A_874 = tpu.vector_load %arg6[%swap3A_871, %swap3A_872, %swap3A_873] {strides = array<i32>} : memref<4x256x64xf32, #tpu.memory_space<vmem>>, vector<1x1x16xf32>,
        %swap3A_875 = vector.shape_cast %swap3A_874 : vector<1x1x16xf32> to vector<16xf32>
        %swap3A_876 = vector.shape_cast %mul3A_869 : vector<16xf32> to vector<1x1x16xf32>
        tpu.vector_store %arg6[%swap3A_871, %swap3A_872, %swap3A_873], %swap3A_876 {strides = array<i32>} : memref<4x256x64xf32, #tpu.memory_space<vmem>>, vector<1x1x16xf32>,
        %add3A_877 = arith.constant 0 : i32
        %add3A_878 = arith.addi %mul3A_824, %add3A_877 : i32
        %get3A_879 = arith.constant 2 : i32
        %get3A_880 = arith.index_cast %get3A_879 : i32 to index
        %get3A_881 = arith.index_cast %add3A_878 : i32 to index
        %get3A_882 = arith.constant 48 : index
        %get3A_883 = tpu.vector_load %arg6[%get3A_880, %get3A_881, %get3A_882] {strides = array<i32>} : memref<4x256x64xf32, #tpu.memory_space<vmem>>, vector<1x1x16xf32>,
        %get3A_884 = vector.shape_cast %get3A_883 : vector<1x1x16xf32> to vector<16xf32>
        %mul3A_885 = arith.constant 8.000000e+00 : f32
        %mul3A_886 = vector.broadcast %mul3A_885 : f32 to vector<16xf32>
        %mul3A_887 = arith.mulf %get3A_884, %mul3A_886 : vector<16xf32>
        %swap3A_888 = arith.constant 2 : i32
        %swap3A_889 = arith.index_cast %swap3A_888 : i32 to index
        %swap3A_890 = arith.index_cast %add3A_878 : i32 to index
        %swap3A_891 = arith.constant 48 : index
        %swap3A_892 = tpu.vector_load %arg6[%swap3A_889, %swap3A_890, %swap3A_891] {strides = array<i32>} : memref<4x256x64xf32, #tpu.memory_space<vmem>>, vector<1x1x16xf32>,
        %swap3A_893 = vector.shape_cast %swap3A_892 : vector<1x1x16xf32> to vector<16xf32>
        %swap3A_894 = vector.shape_cast %mul3A_887 : vector<16xf32> to vector<1x1x16xf32>
        tpu.vector_store %arg6[%swap3A_889, %swap3A_890, %swap3A_891], %swap3A_894 {strides = array<i32>} : memref<4x256x64xf32, #tpu.memory_space<vmem>>, vector<1x1x16xf32>,
        %add3A_895 = arith.constant 1 : i32
        %add3A_896 = arith.addi %mul3A_824, %add3A_895 : i32
        %get3A_897 = arith.constant 2 : i32
        %get3A_898 = arith.index_cast %get3A_897 : i32 to index
        %get3A_899 = arith.index_cast %add3A_896 : i32 to index
        %get3A_900 = arith.constant 0 : index
        %get3A_901 = tpu.vector_load %arg6[%get3A_898, %get3A_899, %get3A_900] {strides = array<i32>} : memref<4x256x64xf32, #tpu.memory_space<vmem>>, vector<1x1x16xf32>,
        %get3A_902 = vector.shape_cast %get3A_901 : vector<1x1x16xf32> to vector<16xf32>
        %mul3A_903 = arith.constant 8.000000e+00 : f32
        %mul3A_904 = vector.broadcast %mul3A_903 : f32 to vector<16xf32>
        %mul3A_905 = arith.mulf %get3A_902, %mul3A_904 : vector<16xf32>
        %swap3A_906 = arith.constant 2 : i32
        %swap3A_907 = arith.index_cast %swap3A_906 : i32 to index
        %swap3A_908 = arith.index_cast %add3A_896 : i32 to index
        %swap3A_909 = arith.constant 0 : index
        %swap3A_910 = tpu.vector_load %arg6[%swap3A_907, %swap3A_908, %swap3A_909] {strides = array<i32>} : memref<4x256x64xf32, #tpu.memory_space<vmem>>, vector<1x1x16xf32>,
        %swap3A_911 = vector.shape_cast %swap3A_910 : vector<1x1x16xf32> to vector<16xf32>
        %swap3A_912 = vector.shape_cast %mul3A_905 : vector<16xf32> to vector<1x1x16xf32>
        tpu.vector_store %arg6[%swap3A_907, %swap3A_908, %swap3A_909], %swap3A_912 {strides = array<i32>} : memref<4x256x64xf32, #tpu.memory_space<vmem>>, vector<1x1x16xf32>,
        %add3A_913 = arith.constant 1 : i32
        %add3A_914 = arith.addi %mul3A_824, %add3A_913 : i32
        %get3A_915 = arith.constant 2 : i32
        %get3A_916 = arith.index_cast %get3A_915 : i32 to index
        %get3A_917 = arith.index_cast %add3A_914 : i32 to index
        %get3A_918 = arith.constant 16 : index
        %get3A_919 = tpu.vector_load %arg6[%get3A_916, %get3A_917, %get3A_918] {strides = array<i32>} : memref<4x256x64xf32, #tpu.memory_space<vmem>>, vector<1x1x16xf32>,
        %get3A_920 = vector.shape_cast %get3A_919 : vector<1x1x16xf32> to vector<16xf32>
        %mul3A_921 = arith.constant 8.000000e+00 : f32
        %mul3A_922 = vector.broadcast %mul3A_921 : f32 to vector<16xf32>
        %mul3A_923 = arith.mulf %get3A_920, %mul3A_922 : vector<16xf32>
        %swap3A_924 = arith.constant 2 : i32
        %swap3A_925 = arith.index_cast %swap3A_924 : i32 to index
        %swap3A_926 = arith.index_cast %add3A_914 : i32 to index
        %swap3A_927 = arith.constant 16 : index
        %swap3A_928 = tpu.vector_load %arg6[%swap3A_925, %swap3A_926, %swap3A_927] {strides = array<i32>} : memref<4x256x64xf32, #tpu.memory_space<vmem>>, vector<1x1x16xf32>,
        %swap3A_929 = vector.shape_cast %swap3A_928 : vector<1x1x16xf32> to vector<16xf32>
        %swap3A_930 = vector.shape_cast %mul3A_923 : vector<16xf32> to vector<1x1x16xf32>
        tpu.vector_store %arg6[%swap3A_925, %swap3A_926, %swap3A_927], %swap3A_930 {strides = array<i32>} : memref<4x256x64xf32, #tpu.memory_space<vmem>>, vector<1x1x16xf32>,
        %add3A_931 = arith.constant 1 : i32
        %add3A_932 = arith.addi %mul3A_824, %add3A_931 : i32
        %get3A_933 = arith.constant 2 : i32
        %get3A_934 = arith.index_cast %get3A_933 : i32 to index
        %get3A_935 = arith.index_cast %add3A_932 : i32 to index
        %get3A_936 = arith.constant 32 : index
        %get3A_937 = tpu.vector_load %arg6[%get3A_934, %get3A_935, %get3A_936] {strides = array<i32>} : memref<4x256x64xf32, #tpu.memory_space<vmem>>, vector<1x1x16xf32>,
        %get3A_938 = vector.shape_cast %get3A_937 : vector<1x1x16xf32> to vector<16xf32>
        %mul3A_939 = arith.constant 8.000000e+00 : f32
        %mul3A_940 = vector.broadcast %mul3A_939 : f32 to vector<16xf32>
        %mul3A_941 = arith.mulf %get3A_938, %mul3A_940 : vector<16xf32>
        %swap3A_942 = arith.constant 2 : i32
        %swap3A_943 = arith.index_cast %swap3A_942 : i32 to index
        %swap3A_944 = arith.index_cast %add3A_932 : i32 to index
        %swap3A_945 = arith.constant 32 : index
        %swap3A_946 = tpu.vector_load %arg6[%swap3A_943, %swap3A_944, %swap3A_945] {strides = array<i32>} : memref<4x256x64xf32, #tpu.memory_space<vmem>>, vector<1x1x16xf32>,
        %swap3A_947 = vector.shape_cast %swap3A_946 : vector<1x1x16xf32> to vector<16xf32>
        %swap3A_948 = vector.shape_cast %mul3A_941 : vector<16xf32> to vector<1x1x16xf32>
        tpu.vector_store %arg6[%swap3A_943, %swap3A_944, %swap3A_945], %swap3A_948 {strides = array<i32>} : memref<4x256x64xf32, #tpu.memory_space<vmem>>, vector<1x1x16xf32>,
        %add3A_949 = arith.constant 1 : i32
        %add3A_950 = arith.addi %mul3A_824, %add3A_949 : i32
        %get3A_951 = arith.constant 2 : i32
        %get3A_952 = arith.index_cast %get3A_951 : i32 to index
        %get3A_953 = arith.index_cast %add3A_950 : i32 to index
        %get3A_954 = arith.constant 48 : index
        %get3A_955 = tpu.vector_load %arg6[%get3A_952, %get3A_953, %get3A_954] {strides = array<i32>} : memref<4x256x64xf32, #tpu.memory_space<vmem>>, vector<1x1x16xf32>,
        %get3A_956 = vector.shape_cast %get3A_955 : vector<1x1x16xf32> to vector<16xf32>
        %mul3A_957 = arith.constant 8.000000e+00 : f32
        %mul3A_958 = vector.broadcast %mul3A_957 : f32 to vector<16xf32>
        %mul3A_959 = arith.mulf %get3A_956, %mul3A_958 : vector<16xf32>
        %swap3A_960 = arith.constant 2 : i32
        %swap3A_961 = arith.index_cast %swap3A_960 : i32 to index
        %swap3A_962 = arith.index_cast %add3A_950 : i32 to index
        %swap3A_963 = arith.constant 48 : index
        %swap3A_964 = tpu.vector_load %arg6[%swap3A_961, %swap3A_962, %swap3A_963] {strides = array<i32>} : memref<4x256x64xf32, #tpu.memory_space<vmem>>, vector<1x1x16xf32>,
        %swap3A_965 = vector.shape_cast %swap3A_964 : vector<1x1x16xf32> to vector<16xf32>
        %swap3A_966 = vector.shape_cast %mul3A_959 : vector<16xf32> to vector<1x1x16xf32>
        tpu.vector_store %arg6[%swap3A_961, %swap3A_962, %swap3A_963], %swap3A_966 {strides = array<i32>} : memref<4x256x64xf32, #tpu.memory_space<vmem>>, vector<1x1x16xf32>,
        %add3A_967 = arith.constant 2 : i32
        %add3A_968 = arith.addi %mul3A_824, %add3A_967 : i32
        %get3A_969 = arith.constant 2 : i32
        %get3A_970 = arith.index_cast %get3A_969 : i32 to index
        %get3A_971 = arith.index_cast %add3A_968 : i32 to index
        %get3A_972 = arith.constant 0 : index
        %get3A_973 = tpu.vector_load %arg6[%get3A_970, %get3A_971, %get3A_972] {strides = array<i32>} : memref<4x256x64xf32, #tpu.memory_space<vmem>>, vector<1x1x16xf32>,
        %get3A_974 = vector.shape_cast %get3A_973 : vector<1x1x16xf32> to vector<16xf32>
        %mul3A_975 = arith.constant 8.000000e+00 : f32
        %mul3A_976 = vector.broadcast %mul3A_975 : f32 to vector<16xf32>
        %mul3A_977 = arith.mulf %get3A_974, %mul3A_976 : vector<16xf32>
        %swap3A_978 = arith.constant 2 : i32
        %swap3A_979 = arith.index_cast %swap3A_978 : i32 to index
        %swap3A_980 = arith.index_cast %add3A_968 : i32 to index
        %swap3A_981 = arith.constant 0 : index
        %swap3A_982 = tpu.vector_load %arg6[%swap3A_979, %swap3A_980, %swap3A_981] {strides = array<i32>} : memref<4x256x64xf32, #tpu.memory_space<vmem>>, vector<1x1x16xf32>,
        %swap3A_983 = vector.shape_cast %swap3A_982 : vector<1x1x16xf32> to vector<16xf32>
        %swap3A_984 = vector.shape_cast %mul3A_977 : vector<16xf32> to vector<1x1x16xf32>
        tpu.vector_store %arg6[%swap3A_979, %swap3A_980, %swap3A_981], %swap3A_984 {strides = array<i32>} : memref<4x256x64xf32, #tpu.memory_space<vmem>>, vector<1x1x16xf32>,
        %add3A_985 = arith.constant 2 : i32
        %add3A_986 = arith.addi %mul3A_824, %add3A_985 : i32
        %get3A_987 = arith.constant 2 : i32
        %get3A_988 = arith.index_cast %get3A_987 : i32 to index
        %get3A_989 = arith.index_cast %add3A_986 : i32 to index
        %get3A_990 = arith.constant 16 : index
        %get3A_991 = tpu.vector_load %arg6[%get3A_988, %get3A_989, %get3A_990] {strides = array<i32>} : memref<4x256x64xf32, #tpu.memory_space<vmem>>, vector<1x1x16xf32>,
        %get3A_992 = vector.shape_cast %get3A_991 : vector<1x1x16xf32> to vector<16xf32>
        %mul3A_993 = arith.constant 8.000000e+00 : f32
        %mul3A_994 = vector.broadcast %mul3A_993 : f32 to vector<16xf32>
        %mul3A_995 = arith.mulf %get3A_992, %mul3A_994 : vector<16xf32>
        %swap3A_996 = arith.constant 2 : i32
        %swap3A_997 = arith.index_cast %swap3A_996 : i32 to index
        %swap3A_998 = arith.index_cast %add3A_986 : i32 to index
        %swap3A_999 = arith.constant 16 : index
        %swap3A_1000 = tpu.vector_load %arg6[%swap3A_997, %swap3A_998, %swap3A_999] {strides = array<i32>} : memref<4x256x64xf32, #tpu.memory_space<vmem>>, vector<1x1x16xf32>,
        %swap3A_1001 = vector.shape_cast %swap3A_1000 : vector<1x1x16xf32> to vector<16xf32>
        %swap3A_1002 = vector.shape_cast %mul3A_995 : vector<16xf32> to vector<1x1x16xf32>
        tpu.vector_store %arg6[%swap3A_997, %swap3A_998, %swap3A_999], %swap3A_1002 {strides = array<i32>} : memref<4x256x64xf32, #tpu.memory_space<vmem>>, vector<1x1x16xf32>,
        %add3A_1003 = arith.constant 2 : i32
        %add3A_1004 = arith.addi %mul3A_824, %add3A_1003 : i32
        %get3A_1005 = arith.constant 2 : i32
        %get3A_1006 = arith.index_cast %get3A_1005 : i32 to index
        %get3A_1007 = arith.index_cast %add3A_1004 : i32 to index
        %get3A_1008 = arith.constant 32 : index
        %get3A_1009 = tpu.vector_load %arg6[%get3A_1006, %get3A_1007, %get3A_1008] {strides = array<i32>} : memref<4x256x64xf32, #tpu.memory_space<vmem>>, vector<1x1x16xf32>,
        %get3A_1010 = vector.shape_cast %get3A_1009 : vector<1x1x16xf32> to vector<16xf32>
        %mul3A_1011 = arith.constant 8.000000e+00 : f32
        %mul3A_1012 = vector.broadcast %mul3A_1011 : f32 to vector<16xf32>
        %mul3A_1013 = arith.mulf %get3A_1010, %mul3A_1012 : vector<16xf32>
        %swap3A_1014 = arith.constant 2 : i32
        %swap3A_1015 = arith.index_cast %swap3A_1014 : i32 to index
        %swap3A_1016 = arith.index_cast %add3A_1004 : i32 to index
        %swap3A_1017 = arith.constant 32 : index
        %swap3A_1018 = tpu.vector_load %arg6[%swap3A_1015, %swap3A_1016, %swap3A_1017] {strides = array<i32>} : memref<4x256x64xf32, #tpu.memory_space<vmem>>, vector<1x1x16xf32>,
        %swap3A_1019 = vector.shape_cast %swap3A_1018 : vector<1x1x16xf32> to vector<16xf32>
        %swap3A_1020 = vector.shape_cast %mul3A_1013 : vector<16xf32> to vector<1x1x16xf32>
        tpu.vector_store %arg6[%swap3A_1015, %swap3A_1016, %swap3A_1017], %swap3A_1020 {strides = array<i32>} : memref<4x256x64xf32, #tpu.memory_space<vmem>>, vector<1x1x16xf32>,
        %add3A_1021 = arith.constant 2 : i32
        %add3A_1022 = arith.addi %mul3A_824, %add3A_1021 : i32
        %get3A_1023 = arith.constant 2 : i32
        %get3A_1024 = arith.index_cast %get3A_1023 : i32 to index
        %get3A_1025 = arith.index_cast %add3A_1022 : i32 to index
        %get3A_1026 = arith.constant 48 : index
        %get3A_1027 = tpu.vector_load %arg6[%get3A_1024, %get3A_1025, %get3A_1026] {strides = array<i32>} : memref<4x256x64xf32, #tpu.memory_space<vmem>>, vector<1x1x16xf32>,
        %get3A_1028 = vector.shape_cast %get3A_1027 : vector<1x1x16xf32> to vector<16xf32>
        %mul3A_1029 = arith.constant 8.000000e+00 : f32
        %mul3A_1030 = vector.broadcast %mul3A_1029 : f32 to vector<16xf32>
        %mul3A_1031 = arith.mulf %get3A_1028, %mul3A_1030 : vector<16xf32>
        %swap3A_1032 = arith.constant 2 : i32
        %swap3A_1033 = arith.index_cast %swap3A_1032 : i32 to index
        %swap3A_1034 = arith.index_cast %add3A_1022 : i32 to index
        %swap3A_1035 = arith.constant 48 : index
        %swap3A_1036 = tpu.vector_load %arg6[%swap3A_1033, %swap3A_1034, %swap3A_1035] {strides = array<i32>} : memref<4x256x64xf32, #tpu.memory_space<vmem>>, vector<1x1x16xf32>,
        %swap3A_1037 = vector.shape_cast %swap3A_1036 : vector<1x1x16xf32> to vector<16xf32>
        %swap3A_1038 = vector.shape_cast %mul3A_1031 : vector<16xf32> to vector<1x1x16xf32>
        tpu.vector_store %arg6[%swap3A_1033, %swap3A_1034, %swap3A_1035], %swap3A_1038 {strides = array<i32>} : memref<4x256x64xf32, #tpu.memory_space<vmem>>, vector<1x1x16xf32>,
        %add3A_1039 = arith.constant 3 : i32
        %add3A_1040 = arith.addi %mul3A_824, %add3A_1039 : i32
        %get3A_1041 = arith.constant 2 : i32
        %get3A_1042 = arith.index_cast %get3A_1041 : i32 to index
        %get3A_1043 = arith.index_cast %add3A_1040 : i32 to index
        %get3A_1044 = arith.constant 0 : index
        %get3A_1045 = tpu.vector_load %arg6[%get3A_1042, %get3A_1043, %get3A_1044] {strides = array<i32>} : memref<4x256x64xf32, #tpu.memory_space<vmem>>, vector<1x1x16xf32>,
        %get3A_1046 = vector.shape_cast %get3A_1045 : vector<1x1x16xf32> to vector<16xf32>
        %mul3A_1047 = arith.constant 8.000000e+00 : f32
        %mul3A_1048 = vector.broadcast %mul3A_1047 : f32 to vector<16xf32>
        %mul3A_1049 = arith.mulf %get3A_1046, %mul3A_1048 : vector<16xf32>
        %swap3A_1050 = arith.constant 2 : i32
        %swap3A_1051 = arith.index_cast %swap3A_1050 : i32 to index
        %swap3A_1052 = arith.index_cast %add3A_1040 : i32 to index
        %swap3A_1053 = arith.constant 0 : index
        %swap3A_1054 = tpu.vector_load %arg6[%swap3A_1051, %swap3A_1052, %swap3A_1053] {strides = array<i32>} : memref<4x256x64xf32, #tpu.memory_space<vmem>>, vector<1x1x16xf32>,
        %swap3A_1055 = vector.shape_cast %swap3A_1054 : vector<1x1x16xf32> to vector<16xf32>
        %swap3A_1056 = vector.shape_cast %mul3A_1049 : vector<16xf32> to vector<1x1x16xf32>
        tpu.vector_store %arg6[%swap3A_1051, %swap3A_1052, %swap3A_1053], %swap3A_1056 {strides = array<i32>} : memref<4x256x64xf32, #tpu.memory_space<vmem>>, vector<1x1x16xf32>,
        %add3A_1057 = arith.constant 3 : i32
        %add3A_1058 = arith.addi %mul3A_824, %add3A_1057 : i32
        %get3A_1059 = arith.constant 2 : i32
        %get3A_1060 = arith.index_cast %get3A_1059 : i32 to index
        %get3A_1061 = arith.index_cast %add3A_1058 : i32 to index
        %get3A_1062 = arith.constant 16 : index
        %get3A_1063 = tpu.vector_load %arg6[%get3A_1060, %get3A_1061, %get3A_1062] {strides = array<i32>} : memref<4x256x64xf32, #tpu.memory_space<vmem>>, vector<1x1x16xf32>,
        %get3A_1064 = vector.shape_cast %get3A_1063 : vector<1x1x16xf32> to vector<16xf32>
        %mul3A_1065 = arith.constant 8.000000e+00 : f32
        %mul3A_1066 = vector.broadcast %mul3A_1065 : f32 to vector<16xf32>
        %mul3A_1067 = arith.mulf %get3A_1064, %mul3A_1066 : vector<16xf32>
        %swap3A_1068 = arith.constant 2 : i32
        %swap3A_1069 = arith.index_cast %swap3A_1068 : i32 to index
        %swap3A_1070 = arith.index_cast %add3A_1058 : i32 to index
        %swap3A_1071 = arith.constant 16 : index
        %swap3A_1072 = tpu.vector_load %arg6[%swap3A_1069, %swap3A_1070, %swap3A_1071] {strides = array<i32>} : memref<4x256x64xf32, #tpu.memory_space<vmem>>, vector<1x1x16xf32>,
        %swap3A_1073 = vector.shape_cast %swap3A_1072 : vector<1x1x16xf32> to vector<16xf32>
        %swap3A_1074 = vector.shape_cast %mul3A_1067 : vector<16xf32> to vector<1x1x16xf32>
        tpu.vector_store %arg6[%swap3A_1069, %swap3A_1070, %swap3A_1071], %swap3A_1074 {strides = array<i32>} : memref<4x256x64xf32, #tpu.memory_space<vmem>>, vector<1x1x16xf32>,
        %add3A_1075 = arith.constant 3 : i32
        %add3A_1076 = arith.addi %mul3A_824, %add3A_1075 : i32
        %get3A_1077 = arith.constant 2 : i32
        %get3A_1078 = arith.index_cast %get3A_1077 : i32 to index
        %get3A_1079 = arith.index_cast %add3A_1076 : i32 to index
        %get3A_1080 = arith.constant 32 : index
        %get3A_1081 = tpu.vector_load %arg6[%get3A_1078, %get3A_1079, %get3A_1080] {strides = array<i32>} : memref<4x256x64xf32, #tpu.memory_space<vmem>>, vector<1x1x16xf32>,
        %get3A_1082 = vector.shape_cast %get3A_1081 : vector<1x1x16xf32> to vector<16xf32>
        %mul3A_1083 = arith.constant 8.000000e+00 : f32
        %mul3A_1084 = vector.broadcast %mul3A_1083 : f32 to vector<16xf32>
        %mul3A_1085 = arith.mulf %get3A_1082, %mul3A_1084 : vector<16xf32>
        %swap3A_1086 = arith.constant 2 : i32
        %swap3A_1087 = arith.index_cast %swap3A_1086 : i32 to index
        %swap3A_1088 = arith.index_cast %add3A_1076 : i32 to index
        %swap3A_1089 = arith.constant 32 : index
        %swap3A_1090 = tpu.vector_load %arg6[%swap3A_1087, %swap3A_1088, %swap3A_1089] {strides = array<i32>} : memref<4x256x64xf32, #tpu.memory_space<vmem>>, vector<1x1x16xf32>,
        %swap3A_1091 = vector.shape_cast %swap3A_1090 : vector<1x1x16xf32> to vector<16xf32>
        %swap3A_1092 = vector.shape_cast %mul3A_1085 : vector<16xf32> to vector<1x1x16xf32>
        tpu.vector_store %arg6[%swap3A_1087, %swap3A_1088, %swap3A_1089], %swap3A_1092 {strides = array<i32>} : memref<4x256x64xf32, #tpu.memory_space<vmem>>, vector<1x1x16xf32>,
        %add3A_1093 = arith.constant 3 : i32
        %add3A_1094 = arith.addi %mul3A_824, %add3A_1093 : i32
        %get3A_1095 = arith.constant 2 : i32
        %get3A_1096 = arith.index_cast %get3A_1095 : i32 to index
        %get3A_1097 = arith.index_cast %add3A_1094 : i32 to index
        %get3A_1098 = arith.constant 48 : index
        %get3A_1099 = tpu.vector_load %arg6[%get3A_1096, %get3A_1097, %get3A_1098] {strides = array<i32>} : memref<4x256x64xf32, #tpu.memory_space<vmem>>, vector<1x1x16xf32>,
        %get3A_1100 = vector.shape_cast %get3A_1099 : vector<1x1x16xf32> to vector<16xf32>
        %mul3A_1101 = arith.constant 8.000000e+00 : f32
        %mul3A_1102 = vector.broadcast %mul3A_1101 : f32 to vector<16xf32>
        %mul3A_1103 = arith.mulf %get3A_1100, %mul3A_1102 : vector<16xf32>
        %swap3A_1104 = arith.constant 2 : i32
        %swap3A_1105 = arith.index_cast %swap3A_1104 : i32 to index
        %swap3A_1106 = arith.index_cast %add3A_1094 : i32 to index
        %swap3A_1107 = arith.constant 48 : index
        %swap3A_1108 = tpu.vector_load %arg6[%swap3A_1105, %swap3A_1106, %swap3A_1107] {strides = array<i32>} : memref<4x256x64xf32, #tpu.memory_space<vmem>>, vector<1x1x16xf32>,
        %swap3A_1109 = vector.shape_cast %swap3A_1108 : vector<1x1x16xf32> to vector<16xf32>
        %swap3A_1110 = vector.shape_cast %mul3A_1103 : vector<16xf32> to vector<1x1x16xf32>
        tpu.vector_store %arg6[%swap3A_1105, %swap3A_1106, %swap3A_1107], %swap3A_1110 {strides = array<i32>} : memref<4x256x64xf32, #tpu.memory_space<vmem>>, vector<1x1x16xf32>,
      }
      %scan3A_423 = arith.constant 64 : i32
      %mul3A_424 = arith.constant 2 : i32
      %mul3A_425 = arith.muli %add3A_399, %mul3A_424 : i32
      %add3A_426 = arith.addi %mul3A_2, %mul3A_425 : i32
      %mul3A_427 = arith.constant 128 : i32
      %mul3A_428 = arith.muli %add3A_426, %mul3A_427 : i32
      %dma_start3A_429 = arith.constant 2 : i32
      %dma_start3A_430 = arith.constant 2 : i32
      %dma_start3A_431 = arith.constant 0 : i32
      %dma_start3A_432 = arith.constant 0 : i32
      %dma_start3A_433 = tpu.memref_slice %arg6[%dma_start3A_429, %dma_start3A_431, %dma_start3A_432] : memref<4x256x64xf32, #tpu.memory_space<vmem>> -> memref<1x256x64xf32, #tpu.memory_space<vmem>>
      %dma_start3A_434 = tpu.memref_squeeze %dma_start3A_433 : memref<1x256x64xf32, #tpu.memory_space<vmem>> -> memref<256x64xf32, #tpu.memory_space<vmem>>
      %dma_start3A_435 = arith.constant 0 : i32
      %dma_start3A_436 = tpu.memref_slice %arg4[%mul3A_428, %dma_start3A_435] : memref<819200x128xf32, #tpu.memory_space<hbm>> -> memref<256x64xf32, #tpu.memory_space<hbm>>
      %dma_start3A_437 = tpu.memref_slice %arg8[%dma_start3A_430] : memref<4x!tpu.dma_semaphore, #tpu.memory_space<semaphore_mem>> -> memref<1x!tpu.dma_semaphore, #tpu.memory_space<semaphore_mem>>
      %dma_start3A_438 = tpu.memref_squeeze %dma_start3A_437 : memref<1x!tpu.dma_semaphore, #tpu.memory_space<semaphore_mem>> -> memref<!tpu.dma_semaphore, #tpu.memory_space<semaphore_mem>>
      %dma_start3A_439 = arith.constant 0 : i32
      %dma_start3A_440 = tpu.memref_slice %arg4[%mul3A_428, %dma_start3A_439] : memref<819200x128xf32, #tpu.memory_space<hbm>> -> memref<256x64xf32, #tpu.memory_space<hbm>>
      %dma_start3A_441 = arith.constant 0 : i32
      %dma_start3A_442 = arith.constant 0 : i32
      %dma_start3A_443 = tpu.memref_slice %arg6[%dma_start3A_429, %dma_start3A_441, %dma_start3A_442] : memref<4x256x64xf32, #tpu.memory_space<vmem>> -> memref<1x256x64xf32, #tpu.memory_space<vmem>>
      %dma_start3A_444 = tpu.memref_squeeze %dma_start3A_443 : memref<1x256x64xf32, #tpu.memory_space<vmem>> -> memref<256x64xf32, #tpu.memory_space<vmem>>
      tpu.enqueue_dma source(%dma_start3A_444 : memref<256x64xf32, #tpu.memory_space<vmem>>) target(%dma_start3A_440 : memref<256x64xf32, #tpu.memory_space<hbm>>) target_semaphore(%dma_start3A_438 : memref<!tpu.dma_semaphore, #tpu.memory_space<semaphore_mem>>)
      %dma_wait3A_445 = arith.constant 0 : i32
      %dma_wait3A_446 = arith.constant 0 : i32
      %dma_wait3A_447 = arith.constant 0 : i32
      %dma_wait3A_448 = arith.constant 0 : i32
      %dma_wait3A_449 = tpu.memref_slice %arg6[%dma_wait3A_445, %dma_wait3A_447, %dma_wait3A_448] : memref<4x256x64xf32, #tpu.memory_space<vmem>> -> memref<1x256x64xf32, #tpu.memory_space<vmem>>
      %dma_wait3A_450 = tpu.memref_squeeze %dma_wait3A_449 : memref<1x256x64xf32, #tpu.memory_space<vmem>> -> memref<256x64xf32, #tpu.memory_space<vmem>>
      %dma_wait3A_451 = arith.constant 0 : i32
      %dma_wait3A_452 = arith.constant 0 : i32
      %dma_wait3A_453 = tpu.memref_slice %arg4[%dma_wait3A_451, %dma_wait3A_452] : memref<819200x128xf32, #tpu.memory_space<hbm>> -> memref<256x64xf32, #tpu.memory_space<hbm>>
      %dma_wait3A_454 = tpu.memref_slice %arg8[%dma_wait3A_446] : memref<4x!tpu.dma_semaphore, #tpu.memory_space<semaphore_mem>> -> memref<1x!tpu.dma_semaphore, #tpu.memory_space<semaphore_mem>>
      %dma_wait3A_455 = tpu.memref_squeeze %dma_wait3A_454 : memref<1x!tpu.dma_semaphore, #tpu.memory_space<semaphore_mem>> -> memref<!tpu.dma_semaphore, #tpu.memory_space<semaphore_mem>>
      %dma_wait3A_456 = arith.constant 0 : i32
      %dma_wait3A_457 = arith.constant 0 : i32
      %dma_wait3A_458 = tpu.memref_slice %arg4[%dma_wait3A_456, %dma_wait3A_457] : memref<819200x128xf32, #tpu.memory_space<hbm>> -> memref<256x64xf32, #tpu.memory_space<hbm>>
      %dma_wait3A_459 = arith.constant 0 : i32
      %dma_wait3A_460 = arith.constant 0 : i32
      %dma_wait3A_461 = tpu.memref_slice %arg6[%dma_wait3A_445, %dma_wait3A_459, %dma_wait3A_460] : memref<4x256x64xf32, #tpu.memory_space<vmem>> -> memref<1x256x64xf32, #tpu.memory_space<vmem>>
      %dma_wait3A_462 = tpu.memref_squeeze %dma_wait3A_461 : memref<1x256x64xf32, #tpu.memory_space<vmem>> -> memref<256x64xf32, #tpu.memory_space<vmem>>
      tpu.wait_dma2 semaphore(%dma_wait3A_455 : memref<!tpu.dma_semaphore, #tpu.memory_space<semaphore_mem>>) src(%dma_wait3A_462 : memref<256x64xf32, #tpu.memory_space<vmem>>) dst(%dma_wait3A_458 : memref<256x64xf32, #tpu.memory_space<hbm>>)
      %add3A_463 = arith.constant 2 : i32
      %add3A_464 = arith.addi %add3A_399, %add3A_463 : i32
      %mul3A_465 = arith.constant 2 : i32
      %mul3A_466 = arith.muli %add3A_464, %mul3A_465 : i32
      %add3A_467 = arith.addi %mul3A_2, %mul3A_466 : i32
      %run_scoped3A_468 = arith.constant 0 : i32
      "tpu.region"() ({
        %run_scoped3A_822 = tpu.sem_alloc : memref<!tpu.dma_semaphore, #tpu.memory_space<semaphore_mem>>
        %dma_start3A_823 = arith.constant 0 : i32
        %dma_start3A_824 = arith.constant 0 : i32
        %dma_start3A_825 = tpu.memref_slice %arg5[%run_scoped3A_468, %dma_start3A_823, %dma_start3A_824] : memref<4x2x128xi32, #tpu.memory_space<vmem>> -> memref<1x2x128xi32, #tpu.memory_space<vmem>>
        %dma_start3A_826 = tpu.memref_squeeze %dma_start3A_825 : memref<1x2x128xi32, #tpu.memory_space<vmem>> -> memref<2x128xi32, #tpu.memory_space<vmem>>
        %dma_start3A_827 = arith.constant 0 : i32
        %dma_start3A_828 = tpu.memref_slice %arg2[%add3A_467, %dma_start3A_827] : memref<6400x128xi32, #tpu.memory_space<hbm>> -> memref<2x128xi32, #tpu.memory_space<hbm>>
        %dma_start3A_829 = arith.constant 0 : i32
        %dma_start3A_830 = arith.constant 0 : i32
        %dma_start3A_831 = tpu.memref_slice %arg5[%run_scoped3A_468, %dma_start3A_829, %dma_start3A_830] : memref<4x2x128xi32, #tpu.memory_space<vmem>> -> memref<1x2x128xi32, #tpu.memory_space<vmem>>
        %dma_start3A_832 = tpu.memref_squeeze %dma_start3A_831 : memref<1x2x128xi32, #tpu.memory_space<vmem>> -> memref<2x128xi32, #tpu.memory_space<vmem>>
        %dma_start3A_833 = arith.constant 0 : i32
        %dma_start3A_834 = tpu.memref_slice %arg2[%add3A_467, %dma_start3A_833] : memref<6400x128xi32, #tpu.memory_space<hbm>> -> memref<2x128xi32, #tpu.memory_space<hbm>>
        tpu.enqueue_dma source(%dma_start3A_834 : memref<2x128xi32, #tpu.memory_space<hbm>>) target(%dma_start3A_832 : memref<2x128xi32, #tpu.memory_space<vmem>>) target_semaphore(%run_scoped3A_822 : memref<!tpu.dma_semaphore, #tpu.memory_space<semaphore_mem>>)
        %dma_wait3A_835 = arith.constant 0 : i32
        %dma_wait3A_836 = arith.constant 0 : i32
        %dma_wait3A_837 = tpu.memref_slice %arg5[%run_scoped3A_468, %dma_wait3A_835, %dma_wait3A_836] : memref<4x2x128xi32, #tpu.memory_space<vmem>> -> memref<1x2x128xi32, #tpu.memory_space<vmem>>
        %dma_wait3A_838 = tpu.memref_squeeze %dma_wait3A_837 : memref<1x2x128xi32, #tpu.memory_space<vmem>> -> memref<2x128xi32, #tpu.memory_space<vmem>>
        %dma_wait3A_839 = arith.constant 0 : i32
        %dma_wait3A_840 = tpu.memref_slice %arg2[%add3A_467, %dma_wait3A_839] : memref<6400x128xi32, #tpu.memory_space<hbm>> -> memref<2x128xi32, #tpu.memory_space<hbm>>
        %dma_wait3A_841 = arith.constant 0 : i32
        %dma_wait3A_842 = arith.constant 0 : i32
        %dma_wait3A_843 = tpu.memref_slice %arg5[%run_scoped3A_468, %dma_wait3A_841, %dma_wait3A_842] : memref<4x2x128xi32, #tpu.memory_space<vmem>> -> memref<1x2x128xi32, #tpu.memory_space<vmem>>
        %dma_wait3A_844 = tpu.memref_squeeze %dma_wait3A_843 : memref<1x2x128xi32, #tpu.memory_space<vmem>> -> memref<2x128xi32, #tpu.memory_space<vmem>>
        %dma_wait3A_845 = arith.constant 0 : i32
        %dma_wait3A_846 = tpu.memref_slice %arg2[%add3A_467, %dma_wait3A_845] : memref<6400x128xi32, #tpu.memory_space<hbm>> -> memref<2x128xi32, #tpu.memory_space<hbm>>
        tpu.wait_dma2 semaphore(%run_scoped3A_822 : memref<!tpu.dma_semaphore, #tpu.memory_space<semaphore_mem>>) src(%dma_wait3A_846 : memref<2x128xi32, #tpu.memory_space<hbm>>) dst(%dma_wait3A_844 : memref<2x128xi32, #tpu.memory_space<vmem>>)
        tpu.yield
      }) : () -> ()
      %dma_start3A_469 = arith.constant 0 : i32
      %dma_start3A_470 = arith.constant 0 : i32
      %dma_start3A_471 = arith.constant 0 : i32
      %dma_start3A_472 = arith.constant 0 : i32
      %dma_start3A_473 = arith.constant 0 : i32
      %dma_start3A_474 = arith.constant 0 : i32
      %dma_start3A_475 = tpu.memref_slice %arg6[%dma_start3A_471, %dma_start3A_473, %dma_start3A_474] : memref<4x256x64xf32, #tpu.memory_space<vmem>> -> memref<1x128x64xf32, #tpu.memory_space<vmem>>
      %dma_start3A_476 = tpu.memref_squeeze %dma_start3A_475 : memref<1x128x64xf32, #tpu.memory_space<vmem>> -> memref<128x64xf32, #tpu.memory_space<vmem>>
      %dma_start3A_477 = arith.constant 0 : i32
      %dma_start3A_478 = tpu.memref_slice %arg5[%dma_start3A_469, %dma_start3A_470, %dma_start3A_477] : memref<4x2x128xi32, #tpu.memory_space<vmem>> -> memref<1x1x128xi32, #tpu.memory_space<vmem>>
      %dma_start3A_479 = tpu.memref_squeeze %dma_start3A_478 : memref<1x1x128xi32, #tpu.memory_space<vmem>> -> memref<128xi32, #tpu.memory_space<vmem>>
      %dma_start3A_480 = arith.constant 0 : i32
      %dma_start3A_481 = arith.constant 0 : i32
      %dma_start3A_482 = tpu.memref_slice %arg3[%dma_start3A_480, %dma_start3A_481] : memref<1000000x64xf32, #tpu.memory_space<hbm>> -> memref<1000000x64xf32, #tpu.memory_space<hbm>>
      %dma_start3A_483 = tpu.memref_slice %arg7[%dma_start3A_472] : memref<4x!tpu.dma_semaphore, #tpu.memory_space<semaphore_mem>> -> memref<1x!tpu.dma_semaphore, #tpu.memory_space<semaphore_mem>>
      %dma_start3A_484 = tpu.memref_squeeze %dma_start3A_483 : memref<1x!tpu.dma_semaphore, #tpu.memory_space<semaphore_mem>> -> memref<!tpu.dma_semaphore, #tpu.memory_space<semaphore_mem>>
      tpu.enqueue_indirect_dma source(%dma_start3A_482 : memref<1000000x64xf32, #tpu.memory_space<hbm>>) target(%dma_start3A_476 : memref<128x64xf32, #tpu.memory_space<vmem>>) offsets(%dma_start3A_479 : memref<128xi32, #tpu.memory_space<vmem>>) semaphore(%dma_start3A_484 : memref<!tpu.dma_semaphore, #tpu.memory_space<semaphore_mem>>)
      %dma_start3A_485 = arith.constant 0 : i32
      %dma_start3A_486 = arith.constant 1 : i32
      %dma_start3A_487 = arith.constant 0 : i32
      %dma_start3A_488 = arith.constant 0 : i32
      %dma_start3A_489 = arith.constant 128 : i32
      %dma_start3A_490 = arith.constant 0 : i32
      %dma_start3A_491 = tpu.memref_slice %arg6[%dma_start3A_487, %dma_start3A_489, %dma_start3A_490] : memref<4x256x64xf32, #tpu.memory_space<vmem>> -> memref<1x128x64xf32, #tpu.memory_space<vmem>>
      %dma_start3A_492 = tpu.memref_squeeze %dma_start3A_491 : memref<1x128x64xf32, #tpu.memory_space<vmem>> -> memref<128x64xf32, #tpu.memory_space<vmem>>
      %dma_start3A_493 = arith.constant 0 : i32
      %dma_start3A_494 = tpu.memref_slice %arg5[%dma_start3A_485, %dma_start3A_486, %dma_start3A_493] : memref<4x2x128xi32, #tpu.memory_space<vmem>> -> memref<1x1x128xi32, #tpu.memory_space<vmem>>
      %dma_start3A_495 = tpu.memref_squeeze %dma_start3A_494 : memref<1x1x128xi32, #tpu.memory_space<vmem>> -> memref<128xi32, #tpu.memory_space<vmem>>
      %dma_start3A_496 = arith.constant 0 : i32
      %dma_start3A_497 = arith.constant 0 : i32
      %dma_start3A_498 = tpu.memref_slice %arg3[%dma_start3A_496, %dma_start3A_497] : memref<1000000x64xf32, #tpu.memory_space<hbm>> -> memref<1000000x64xf32, #tpu.memory_space<hbm>>
      %dma_start3A_499 = tpu.memref_slice %arg7[%dma_start3A_488] : memref<4x!tpu.dma_semaphore, #tpu.memory_space<semaphore_mem>> -> memref<1x!tpu.dma_semaphore, #tpu.memory_space<semaphore_mem>>
      %dma_start3A_500 = tpu.memref_squeeze %dma_start3A_499 : memref<1x!tpu.dma_semaphore, #tpu.memory_space<semaphore_mem>> -> memref<!tpu.dma_semaphore, #tpu.memory_space<semaphore_mem>>
      tpu.enqueue_indirect_dma source(%dma_start3A_498 : memref<1000000x64xf32, #tpu.memory_space<hbm>>) target(%dma_start3A_492 : memref<128x64xf32, #tpu.memory_space<vmem>>) offsets(%dma_start3A_495 : memref<128xi32, #tpu.memory_space<vmem>>) semaphore(%dma_start3A_500 : memref<!tpu.dma_semaphore, #tpu.memory_space<semaphore_mem>>)
      %mul3A_501 = arith.constant 4 : i32
      %mul3A_502 = arith.muli %scan3A_393, %mul3A_501 : i32
      %add3A_503 = arith.constant 2 : i32
      %add3A_504 = arith.addi %add3A_503, %mul3A_502 : i32
      %add3A_505 = arith.constant 1 : i32
      %add3A_506 = arith.addi %add3A_504, %add3A_505 : i32
      %dma_wait3A_507 = arith.constant 3 : i32
      %dma_wait3A_508 = arith.constant 3 : i32
      %dma_wait3A_509 = arith.constant 0 : i32
      %dma_wait3A_510 = arith.constant 0 : i32
      %dma_wait3A_511 = tpu.memref_slice %arg6[%dma_wait3A_507, %dma_wait3A_509, %dma_wait3A_510] : memref<4x256x64xf32, #tpu.memory_space<vmem>> -> memref<1x256x64xf32, #tpu.memory_space<vmem>>
      %dma_wait3A_512 = tpu.memref_squeeze %dma_wait3A_511 : memref<1x256x64xf32, #tpu.memory_space<vmem>> -> memref<256x64xf32, #tpu.memory_space<vmem>>
      %dma_wait3A_513 = arith.constant 0 : i32
      %dma_wait3A_514 = arith.constant 0 : i32
      %dma_wait3A_515 = tpu.memref_slice %arg3[%dma_wait3A_513, %dma_wait3A_514] : memref<1000000x64xf32, #tpu.memory_space<hbm>> -> memref<256x64xf32, #tpu.memory_space<hbm>>
      %dma_wait3A_516 = tpu.memref_slice %arg7[%dma_wait3A_508] : memref<4x!tpu.dma_semaphore, #tpu.memory_space<semaphore_mem>> -> memref<1x!tpu.dma_semaphore, #tpu.memory_space<semaphore_mem>>
      %dma_wait3A_517 = tpu.memref_squeeze %dma_wait3A_516 : memref<1x!tpu.dma_semaphore, #tpu.memory_space<semaphore_mem>> -> memref<!tpu.dma_semaphore, #tpu.memory_space<semaphore_mem>>
      %dma_wait3A_518 = arith.constant 0 : i32
      %dma_wait3A_519 = arith.constant 0 : i32
      %dma_wait3A_520 = tpu.memref_slice %arg6[%dma_wait3A_507, %dma_wait3A_518, %dma_wait3A_519] : memref<4x256x64xf32, #tpu.memory_space<vmem>> -> memref<1x256x64xf32, #tpu.memory_space<vmem>>
      %dma_wait3A_521 = tpu.memref_squeeze %dma_wait3A_520 : memref<1x256x64xf32, #tpu.memory_space<vmem>> -> memref<256x64xf32, #tpu.memory_space<vmem>>
      %dma_wait3A_522 = arith.constant 0 : i32
      %dma_wait3A_523 = arith.constant 0 : i32
      %dma_wait3A_524 = tpu.memref_slice %arg3[%dma_wait3A_522, %dma_wait3A_523] : memref<1000000x64xf32, #tpu.memory_space<hbm>> -> memref<256x64xf32, #tpu.memory_space<hbm>>
      tpu.wait_dma2 semaphore(%dma_wait3A_517 : memref<!tpu.dma_semaphore, #tpu.memory_space<semaphore_mem>>) src(%dma_wait3A_524 : memref<256x64xf32, #tpu.memory_space<hbm>>) dst(%dma_wait3A_521 : memref<256x64xf32, #tpu.memory_space<vmem>>)
      %scan3A_525 = arith.constant 0 : i32
      %scan3A_526 = arith.constant 0 : i32
      %scan3A_527 = arith.constant 64 : i32
      %scan3A_528 = arith.addi %scan3A_526, %scan3A_527 : i32
      %scan3A_529 = arith.constant 1 : i32
      scf.for %scan3A_822 = %scan3A_526 to %scan3A_528 step %scan3A_529  : i32 {
        %mul3A_823 = arith.constant 4 : i32
        %mul3A_824 = arith.muli %scan3A_822, %mul3A_823 : i32
        %add3A_825 = arith.constant 0 : i32
        %add3A_826 = arith.addi %mul3A_824, %add3A_825 : i32
        %get3A = arith.constant 3 : i32
        %get3A_827 = arith.index_cast %get3A : i32 to index
        %get3A_828 = arith.index_cast %add3A_826 : i32 to index
        %get3A_829 = arith.constant 0 : index
        %get3A_830 = tpu.vector_load %arg6[%get3A_827, %get3A_828, %get3A_829] {strides = array<i32>} : memref<4x256x64xf32, #tpu.memory_space<vmem>>, vector<1x1x16xf32>,
        %get3A_831 = vector.shape_cast %get3A_830 : vector<1x1x16xf32> to vector<16xf32>
        %mul3A_832 = arith.constant 8.000000e+00 : f32
        %mul3A_833 = vector.broadcast %mul3A_832 : f32 to vector<16xf32>
        %mul3A_834 = arith.mulf %get3A_831, %mul3A_833 : vector<16xf32>
        %swap3A = arith.constant 3 : i32
        %swap3A_835 = arith.index_cast %swap3A : i32 to index
        %swap3A_836 = arith.index_cast %add3A_826 : i32 to index
        %swap3A_837 = arith.constant 0 : index
        %swap3A_838 = tpu.vector_load %arg6[%swap3A_835, %swap3A_836, %swap3A_837] {strides = array<i32>} : memref<4x256x64xf32, #tpu.memory_space<vmem>>, vector<1x1x16xf32>,
        %swap3A_839 = vector.shape_cast %swap3A_838 : vector<1x1x16xf32> to vector<16xf32>
        %swap3A_840 = vector.shape_cast %mul3A_834 : vector<16xf32> to vector<1x1x16xf32>
        tpu.vector_store %arg6[%swap3A_835, %swap3A_836, %swap3A_837], %swap3A_840 {strides = array<i32>} : memref<4x256x64xf32, #tpu.memory_space<vmem>>, vector<1x1x16xf32>,
        %add3A_841 = arith.constant 0 : i32
        %add3A_842 = arith.addi %mul3A_824, %add3A_841 : i32
        %get3A_843 = arith.constant 3 : i32
        %get3A_844 = arith.index_cast %get3A_843 : i32 to index
        %get3A_845 = arith.index_cast %add3A_842 : i32 to index
        %get3A_846 = arith.constant 16 : index
        %get3A_847 = tpu.vector_load %arg6[%get3A_844, %get3A_845, %get3A_846] {strides = array<i32>} : memref<4x256x64xf32, #tpu.memory_space<vmem>>, vector<1x1x16xf32>,
        %get3A_848 = vector.shape_cast %get3A_847 : vector<1x1x16xf32> to vector<16xf32>
        %mul3A_849 = arith.constant 8.000000e+00 : f32
        %mul3A_850 = vector.broadcast %mul3A_849 : f32 to vector<16xf32>
        %mul3A_851 = arith.mulf %get3A_848, %mul3A_850 : vector<16xf32>
        %swap3A_852 = arith.constant 3 : i32
        %swap3A_853 = arith.index_cast %swap3A_852 : i32 to index
        %swap3A_854 = arith.index_cast %add3A_842 : i32 to index
        %swap3A_855 = arith.constant 16 : index
        %swap3A_856 = tpu.vector_load %arg6[%swap3A_853, %swap3A_854, %swap3A_855] {strides = array<i32>} : memref<4x256x64xf32, #tpu.memory_space<vmem>>, vector<1x1x16xf32>,
        %swap3A_857 = vector.shape_cast %swap3A_856 : vector<1x1x16xf32> to vector<16xf32>
        %swap3A_858 = vector.shape_cast %mul3A_851 : vector<16xf32> to vector<1x1x16xf32>
        tpu.vector_store %arg6[%swap3A_853, %swap3A_854, %swap3A_855], %swap3A_858 {strides = array<i32>} : memref<4x256x64xf32, #tpu.memory_space<vmem>>, vector<1x1x16xf32>,
        %add3A_859 = arith.constant 0 : i32
        %add3A_860 = arith.addi %mul3A_824, %add3A_859 : i32
        %get3A_861 = arith.constant 3 : i32
        %get3A_862 = arith.index_cast %get3A_861 : i32 to index
        %get3A_863 = arith.index_cast %add3A_860 : i32 to index
        %get3A_864 = arith.constant 32 : index
        %get3A_865 = tpu.vector_load %arg6[%get3A_862, %get3A_863, %get3A_864] {strides = array<i32>} : memref<4x256x64xf32, #tpu.memory_space<vmem>>, vector<1x1x16xf32>,
        %get3A_866 = vector.shape_cast %get3A_865 : vector<1x1x16xf32> to vector<16xf32>
        %mul3A_867 = arith.constant 8.000000e+00 : f32
        %mul3A_868 = vector.broadcast %mul3A_867 : f32 to vector<16xf32>
        %mul3A_869 = arith.mulf %get3A_866, %mul3A_868 : vector<16xf32>
        %swap3A_870 = arith.constant 3 : i32
        %swap3A_871 = arith.index_cast %swap3A_870 : i32 to index
        %swap3A_872 = arith.index_cast %add3A_860 : i32 to index
        %swap3A_873 = arith.constant 32 : index
        %swap3A_874 = tpu.vector_load %arg6[%swap3A_871, %swap3A_872, %swap3A_873] {strides = array<i32>} : memref<4x256x64xf32, #tpu.memory_space<vmem>>, vector<1x1x16xf32>,
        %swap3A_875 = vector.shape_cast %swap3A_874 : vector<1x1x16xf32> to vector<16xf32>
        %swap3A_876 = vector.shape_cast %mul3A_869 : vector<16xf32> to vector<1x1x16xf32>
        tpu.vector_store %arg6[%swap3A_871, %swap3A_872, %swap3A_873], %swap3A_876 {strides = array<i32>} : memref<4x256x64xf32, #tpu.memory_space<vmem>>, vector<1x1x16xf32>,
        %add3A_877 = arith.constant 0 : i32
        %add3A_878 = arith.addi %mul3A_824, %add3A_877 : i32
        %get3A_879 = arith.constant 3 : i32
        %get3A_880 = arith.index_cast %get3A_879 : i32 to index
        %get3A_881 = arith.index_cast %add3A_878 : i32 to index
        %get3A_882 = arith.constant 48 : index
        %get3A_883 = tpu.vector_load %arg6[%get3A_880, %get3A_881, %get3A_882] {strides = array<i32>} : memref<4x256x64xf32, #tpu.memory_space<vmem>>, vector<1x1x16xf32>,
        %get3A_884 = vector.shape_cast %get3A_883 : vector<1x1x16xf32> to vector<16xf32>
        %mul3A_885 = arith.constant 8.000000e+00 : f32
        %mul3A_886 = vector.broadcast %mul3A_885 : f32 to vector<16xf32>
        %mul3A_887 = arith.mulf %get3A_884, %mul3A_886 : vector<16xf32>
        %swap3A_888 = arith.constant 3 : i32
        %swap3A_889 = arith.index_cast %swap3A_888 : i32 to index
        %swap3A_890 = arith.index_cast %add3A_878 : i32 to index
        %swap3A_891 = arith.constant 48 : index
        %swap3A_892 = tpu.vector_load %arg6[%swap3A_889, %swap3A_890, %swap3A_891] {strides = array<i32>} : memref<4x256x64xf32, #tpu.memory_space<vmem>>, vector<1x1x16xf32>,
        %swap3A_893 = vector.shape_cast %swap3A_892 : vector<1x1x16xf32> to vector<16xf32>
        %swap3A_894 = vector.shape_cast %mul3A_887 : vector<16xf32> to vector<1x1x16xf32>
        tpu.vector_store %arg6[%swap3A_889, %swap3A_890, %swap3A_891], %swap3A_894 {strides = array<i32>} : memref<4x256x64xf32, #tpu.memory_space<vmem>>, vector<1x1x16xf32>,
        %add3A_895 = arith.constant 1 : i32
        %add3A_896 = arith.addi %mul3A_824, %add3A_895 : i32
        %get3A_897 = arith.constant 3 : i32
        %get3A_898 = arith.index_cast %get3A_897 : i32 to index
        %get3A_899 = arith.index_cast %add3A_896 : i32 to index
        %get3A_900 = arith.constant 0 : index
        %get3A_901 = tpu.vector_load %arg6[%get3A_898, %get3A_899, %get3A_900] {strides = array<i32>} : memref<4x256x64xf32, #tpu.memory_space<vmem>>, vector<1x1x16xf32>,
        %get3A_902 = vector.shape_cast %get3A_901 : vector<1x1x16xf32> to vector<16xf32>
        %mul3A_903 = arith.constant 8.000000e+00 : f32
        %mul3A_904 = vector.broadcast %mul3A_903 : f32 to vector<16xf32>
        %mul3A_905 = arith.mulf %get3A_902, %mul3A_904 : vector<16xf32>
        %swap3A_906 = arith.constant 3 : i32
        %swap3A_907 = arith.index_cast %swap3A_906 : i32 to index
        %swap3A_908 = arith.index_cast %add3A_896 : i32 to index
        %swap3A_909 = arith.constant 0 : index
        %swap3A_910 = tpu.vector_load %arg6[%swap3A_907, %swap3A_908, %swap3A_909] {strides = array<i32>} : memref<4x256x64xf32, #tpu.memory_space<vmem>>, vector<1x1x16xf32>,
        %swap3A_911 = vector.shape_cast %swap3A_910 : vector<1x1x16xf32> to vector<16xf32>
        %swap3A_912 = vector.shape_cast %mul3A_905 : vector<16xf32> to vector<1x1x16xf32>
        tpu.vector_store %arg6[%swap3A_907, %swap3A_908, %swap3A_909], %swap3A_912 {strides = array<i32>} : memref<4x256x64xf32, #tpu.memory_space<vmem>>, vector<1x1x16xf32>,
        %add3A_913 = arith.constant 1 : i32
        %add3A_914 = arith.addi %mul3A_824, %add3A_913 : i32
        %get3A_915 = arith.constant 3 : i32
        %get3A_916 = arith.index_cast %get3A_915 : i32 to index
        %get3A_917 = arith.index_cast %add3A_914 : i32 to index
        %get3A_918 = arith.constant 16 : index
        %get3A_919 = tpu.vector_load %arg6[%get3A_916, %get3A_917, %get3A_918] {strides = array<i32>} : memref<4x256x64xf32, #tpu.memory_space<vmem>>, vector<1x1x16xf32>,
        %get3A_920 = vector.shape_cast %get3A_919 : vector<1x1x16xf32> to vector<16xf32>
        %mul3A_921 = arith.constant 8.000000e+00 : f32
        %mul3A_922 = vector.broadcast %mul3A_921 : f32 to vector<16xf32>
        %mul3A_923 = arith.mulf %get3A_920, %mul3A_922 : vector<16xf32>
        %swap3A_924 = arith.constant 3 : i32
        %swap3A_925 = arith.index_cast %swap3A_924 : i32 to index
        %swap3A_926 = arith.index_cast %add3A_914 : i32 to index
        %swap3A_927 = arith.constant 16 : index
        %swap3A_928 = tpu.vector_load %arg6[%swap3A_925, %swap3A_926, %swap3A_927] {strides = array<i32>} : memref<4x256x64xf32, #tpu.memory_space<vmem>>, vector<1x1x16xf32>,
        %swap3A_929 = vector.shape_cast %swap3A_928 : vector<1x1x16xf32> to vector<16xf32>
        %swap3A_930 = vector.shape_cast %mul3A_923 : vector<16xf32> to vector<1x1x16xf32>
        tpu.vector_store %arg6[%swap3A_925, %swap3A_926, %swap3A_927], %swap3A_930 {strides = array<i32>} : memref<4x256x64xf32, #tpu.memory_space<vmem>>, vector<1x1x16xf32>,
        %add3A_931 = arith.constant 1 : i32
        %add3A_932 = arith.addi %mul3A_824, %add3A_931 : i32
        %get3A_933 = arith.constant 3 : i32
        %get3A_934 = arith.index_cast %get3A_933 : i32 to index
        %get3A_935 = arith.index_cast %add3A_932 : i32 to index
        %get3A_936 = arith.constant 32 : index
        %get3A_937 = tpu.vector_load %arg6[%get3A_934, %get3A_935, %get3A_936] {strides = array<i32>} : memref<4x256x64xf32, #tpu.memory_space<vmem>>, vector<1x1x16xf32>,
        %get3A_938 = vector.shape_cast %get3A_937 : vector<1x1x16xf32> to vector<16xf32>
        %mul3A_939 = arith.constant 8.000000e+00 : f32
        %mul3A_940 = vector.broadcast %mul3A_939 : f32 to vector<16xf32>
        %mul3A_941 = arith.mulf %get3A_938, %mul3A_940 : vector<16xf32>
        %swap3A_942 = arith.constant 3 : i32
        %swap3A_943 = arith.index_cast %swap3A_942 : i32 to index
        %swap3A_944 = arith.index_cast %add3A_932 : i32 to index
        %swap3A_945 = arith.constant 32 : index
        %swap3A_946 = tpu.vector_load %arg6[%swap3A_943, %swap3A_944, %swap3A_945] {strides = array<i32>} : memref<4x256x64xf32, #tpu.memory_space<vmem>>, vector<1x1x16xf32>,
        %swap3A_947 = vector.shape_cast %swap3A_946 : vector<1x1x16xf32> to vector<16xf32>
        %swap3A_948 = vector.shape_cast %mul3A_941 : vector<16xf32> to vector<1x1x16xf32>
        tpu.vector_store %arg6[%swap3A_943, %swap3A_944, %swap3A_945], %swap3A_948 {strides = array<i32>} : memref<4x256x64xf32, #tpu.memory_space<vmem>>, vector<1x1x16xf32>,
        %add3A_949 = arith.constant 1 : i32
        %add3A_950 = arith.addi %mul3A_824, %add3A_949 : i32
        %get3A_951 = arith.constant 3 : i32
        %get3A_952 = arith.index_cast %get3A_951 : i32 to index
        %get3A_953 = arith.index_cast %add3A_950 : i32 to index
        %get3A_954 = arith.constant 48 : index
        %get3A_955 = tpu.vector_load %arg6[%get3A_952, %get3A_953, %get3A_954] {strides = array<i32>} : memref<4x256x64xf32, #tpu.memory_space<vmem>>, vector<1x1x16xf32>,
        %get3A_956 = vector.shape_cast %get3A_955 : vector<1x1x16xf32> to vector<16xf32>
        %mul3A_957 = arith.constant 8.000000e+00 : f32
        %mul3A_958 = vector.broadcast %mul3A_957 : f32 to vector<16xf32>
        %mul3A_959 = arith.mulf %get3A_956, %mul3A_958 : vector<16xf32>
        %swap3A_960 = arith.constant 3 : i32
        %swap3A_961 = arith.index_cast %swap3A_960 : i32 to index
        %swap3A_962 = arith.index_cast %add3A_950 : i32 to index
        %swap3A_963 = arith.constant 48 : index
        %swap3A_964 = tpu.vector_load %arg6[%swap3A_961, %swap3A_962, %swap3A_963] {strides = array<i32>} : memref<4x256x64xf32, #tpu.memory_space<vmem>>, vector<1x1x16xf32>,
        %swap3A_965 = vector.shape_cast %swap3A_964 : vector<1x1x16xf32> to vector<16xf32>
        %swap3A_966 = vector.shape_cast %mul3A_959 : vector<16xf32> to vector<1x1x16xf32>
        tpu.vector_store %arg6[%swap3A_961, %swap3A_962, %swap3A_963], %swap3A_966 {strides = array<i32>} : memref<4x256x64xf32, #tpu.memory_space<vmem>>, vector<1x1x16xf32>,
        %add3A_967 = arith.constant 2 : i32
        %add3A_968 = arith.addi %mul3A_824, %add3A_967 : i32
        %get3A_969 = arith.constant 3 : i32
        %get3A_970 = arith.index_cast %get3A_969 : i32 to index
        %get3A_971 = arith.index_cast %add3A_968 : i32 to index
        %get3A_972 = arith.constant 0 : index
        %get3A_973 = tpu.vector_load %arg6[%get3A_970, %get3A_971, %get3A_972] {strides = array<i32>} : memref<4x256x64xf32, #tpu.memory_space<vmem>>, vector<1x1x16xf32>,
        %get3A_974 = vector.shape_cast %get3A_973 : vector<1x1x16xf32> to vector<16xf32>
        %mul3A_975 = arith.constant 8.000000e+00 : f32
        %mul3A_976 = vector.broadcast %mul3A_975 : f32 to vector<16xf32>
        %mul3A_977 = arith.mulf %get3A_974, %mul3A_976 : vector<16xf32>
        %swap3A_978 = arith.constant 3 : i32
        %swap3A_979 = arith.index_cast %swap3A_978 : i32 to index
        %swap3A_980 = arith.index_cast %add3A_968 : i32 to index
        %swap3A_981 = arith.constant 0 : index
        %swap3A_982 = tpu.vector_load %arg6[%swap3A_979, %swap3A_980, %swap3A_981] {strides = array<i32>} : memref<4x256x64xf32, #tpu.memory_space<vmem>>, vector<1x1x16xf32>,
        %swap3A_983 = vector.shape_cast %swap3A_982 : vector<1x1x16xf32> to vector<16xf32>
        %swap3A_984 = vector.shape_cast %mul3A_977 : vector<16xf32> to vector<1x1x16xf32>
        tpu.vector_store %arg6[%swap3A_979, %swap3A_980, %swap3A_981], %swap3A_984 {strides = array<i32>} : memref<4x256x64xf32, #tpu.memory_space<vmem>>, vector<1x1x16xf32>,
        %add3A_985 = arith.constant 2 : i32
        %add3A_986 = arith.addi %mul3A_824, %add3A_985 : i32
        %get3A_987 = arith.constant 3 : i32
        %get3A_988 = arith.index_cast %get3A_987 : i32 to index
        %get3A_989 = arith.index_cast %add3A_986 : i32 to index
        %get3A_990 = arith.constant 16 : index
        %get3A_991 = tpu.vector_load %arg6[%get3A_988, %get3A_989, %get3A_990] {strides = array<i32>} : memref<4x256x64xf32, #tpu.memory_space<vmem>>, vector<1x1x16xf32>,
        %get3A_992 = vector.shape_cast %get3A_991 : vector<1x1x16xf32> to vector<16xf32>
        %mul3A_993 = arith.constant 8.000000e+00 : f32
        %mul3A_994 = vector.broadcast %mul3A_993 : f32 to vector<16xf32>
        %mul3A_995 = arith.mulf %get3A_992, %mul3A_994 : vector<16xf32>
        %swap3A_996 = arith.constant 3 : i32
        %swap3A_997 = arith.index_cast %swap3A_996 : i32 to index
        %swap3A_998 = arith.index_cast %add3A_986 : i32 to index
        %swap3A_999 = arith.constant 16 : index
        %swap3A_1000 = tpu.vector_load %arg6[%swap3A_997, %swap3A_998, %swap3A_999] {strides = array<i32>} : memref<4x256x64xf32, #tpu.memory_space<vmem>>, vector<1x1x16xf32>,
        %swap3A_1001 = vector.shape_cast %swap3A_1000 : vector<1x1x16xf32> to vector<16xf32>
        %swap3A_1002 = vector.shape_cast %mul3A_995 : vector<16xf32> to vector<1x1x16xf32>
        tpu.vector_store %arg6[%swap3A_997, %swap3A_998, %swap3A_999], %swap3A_1002 {strides = array<i32>} : memref<4x256x64xf32, #tpu.memory_space<vmem>>, vector<1x1x16xf32>,
        %add3A_1003 = arith.constant 2 : i32
        %add3A_1004 = arith.addi %mul3A_824, %add3A_1003 : i32
        %get3A_1005 = arith.constant 3 : i32
        %get3A_1006 = arith.index_cast %get3A_1005 : i32 to index
        %get3A_1007 = arith.index_cast %add3A_1004 : i32 to index
        %get3A_1008 = arith.constant 32 : index
        %get3A_1009 = tpu.vector_load %arg6[%get3A_1006, %get3A_1007, %get3A_1008] {strides = array<i32>} : memref<4x256x64xf32, #tpu.memory_space<vmem>>, vector<1x1x16xf32>,
        %get3A_1010 = vector.shape_cast %get3A_1009 : vector<1x1x16xf32> to vector<16xf32>
        %mul3A_1011 = arith.constant 8.000000e+00 : f32
        %mul3A_1012 = vector.broadcast %mul3A_1011 : f32 to vector<16xf32>
        %mul3A_1013 = arith.mulf %get3A_1010, %mul3A_1012 : vector<16xf32>
        %swap3A_1014 = arith.constant 3 : i32
        %swap3A_1015 = arith.index_cast %swap3A_1014 : i32 to index
        %swap3A_1016 = arith.index_cast %add3A_1004 : i32 to index
        %swap3A_1017 = arith.constant 32 : index
        %swap3A_1018 = tpu.vector_load %arg6[%swap3A_1015, %swap3A_1016, %swap3A_1017] {strides = array<i32>} : memref<4x256x64xf32, #tpu.memory_space<vmem>>, vector<1x1x16xf32>,
        %swap3A_1019 = vector.shape_cast %swap3A_1018 : vector<1x1x16xf32> to vector<16xf32>
        %swap3A_1020 = vector.shape_cast %mul3A_1013 : vector<16xf32> to vector<1x1x16xf32>
        tpu.vector_store %arg6[%swap3A_1015, %swap3A_1016, %swap3A_1017], %swap3A_1020 {strides = array<i32>} : memref<4x256x64xf32, #tpu.memory_space<vmem>>, vector<1x1x16xf32>,
        %add3A_1021 = arith.constant 2 : i32
        %add3A_1022 = arith.addi %mul3A_824, %add3A_1021 : i32
        %get3A_1023 = arith.constant 3 : i32
        %get3A_1024 = arith.index_cast %get3A_1023 : i32 to index
        %get3A_1025 = arith.index_cast %add3A_1022 : i32 to index
        %get3A_1026 = arith.constant 48 : index
        %get3A_1027 = tpu.vector_load %arg6[%get3A_1024, %get3A_1025, %get3A_1026] {strides = array<i32>} : memref<4x256x64xf32, #tpu.memory_space<vmem>>, vector<1x1x16xf32>,
        %get3A_1028 = vector.shape_cast %get3A_1027 : vector<1x1x16xf32> to vector<16xf32>
        %mul3A_1029 = arith.constant 8.000000e+00 : f32
        %mul3A_1030 = vector.broadcast %mul3A_1029 : f32 to vector<16xf32>
        %mul3A_1031 = arith.mulf %get3A_1028, %mul3A_1030 : vector<16xf32>
        %swap3A_1032 = arith.constant 3 : i32
        %swap3A_1033 = arith.index_cast %swap3A_1032 : i32 to index
        %swap3A_1034 = arith.index_cast %add3A_1022 : i32 to index
        %swap3A_1035 = arith.constant 48 : index
        %swap3A_1036 = tpu.vector_load %arg6[%swap3A_1033, %swap3A_1034, %swap3A_1035] {strides = array<i32>} : memref<4x256x64xf32, #tpu.memory_space<vmem>>, vector<1x1x16xf32>,
        %swap3A_1037 = vector.shape_cast %swap3A_1036 : vector<1x1x16xf32> to vector<16xf32>
        %swap3A_1038 = vector.shape_cast %mul3A_1031 : vector<16xf32> to vector<1x1x16xf32>
        tpu.vector_store %arg6[%swap3A_1033, %swap3A_1034, %swap3A_1035], %swap3A_1038 {strides = array<i32>} : memref<4x256x64xf32, #tpu.memory_space<vmem>>, vector<1x1x16xf32>,
        %add3A_1039 = arith.constant 3 : i32
        %add3A_1040 = arith.addi %mul3A_824, %add3A_1039 : i32
        %get3A_1041 = arith.constant 3 : i32
        %get3A_1042 = arith.index_cast %get3A_1041 : i32 to index
        %get3A_1043 = arith.index_cast %add3A_1040 : i32 to index
        %get3A_1044 = arith.constant 0 : index
        %get3A_1045 = tpu.vector_load %arg6[%get3A_1042, %get3A_1043, %get3A_1044] {strides = array<i32>} : memref<4x256x64xf32, #tpu.memory_space<vmem>>, vector<1x1x16xf32>,
        %get3A_1046 = vector.shape_cast %get3A_1045 : vector<1x1x16xf32> to vector<16xf32>
        %mul3A_1047 = arith.constant 8.000000e+00 : f32
        %mul3A_1048 = vector.broadcast %mul3A_1047 : f32 to vector<16xf32>
        %mul3A_1049 = arith.mulf %get3A_1046, %mul3A_1048 : vector<16xf32>
        %swap3A_1050 = arith.constant 3 : i32
        %swap3A_1051 = arith.index_cast %swap3A_1050 : i32 to index
        %swap3A_1052 = arith.index_cast %add3A_1040 : i32 to index
        %swap3A_1053 = arith.constant 0 : index
        %swap3A_1054 = tpu.vector_load %arg6[%swap3A_1051, %swap3A_1052, %swap3A_1053] {strides = array<i32>} : memref<4x256x64xf32, #tpu.memory_space<vmem>>, vector<1x1x16xf32>,
        %swap3A_1055 = vector.shape_cast %swap3A_1054 : vector<1x1x16xf32> to vector<16xf32>
        %swap3A_1056 = vector.shape_cast %mul3A_1049 : vector<16xf32> to vector<1x1x16xf32>
        tpu.vector_store %arg6[%swap3A_1051, %swap3A_1052, %swap3A_1053], %swap3A_1056 {strides = array<i32>} : memref<4x256x64xf32, #tpu.memory_space<vmem>>, vector<1x1x16xf32>,
        %add3A_1057 = arith.constant 3 : i32
        %add3A_1058 = arith.addi %mul3A_824, %add3A_1057 : i32
        %get3A_1059 = arith.constant 3 : i32
        %get3A_1060 = arith.index_cast %get3A_1059 : i32 to index
        %get3A_1061 = arith.index_cast %add3A_1058 : i32 to index
        %get3A_1062 = arith.constant 16 : index
        %get3A_1063 = tpu.vector_load %arg6[%get3A_1060, %get3A_1061, %get3A_1062] {strides = array<i32>} : memref<4x256x64xf32, #tpu.memory_space<vmem>>, vector<1x1x16xf32>,
        %get3A_1064 = vector.shape_cast %get3A_1063 : vector<1x1x16xf32> to vector<16xf32>
        %mul3A_1065 = arith.constant 8.000000e+00 : f32
        %mul3A_1066 = vector.broadcast %mul3A_1065 : f32 to vector<16xf32>
        %mul3A_1067 = arith.mulf %get3A_1064, %mul3A_1066 : vector<16xf32>
        %swap3A_1068 = arith.constant 3 : i32
        %swap3A_1069 = arith.index_cast %swap3A_1068 : i32 to index
        %swap3A_1070 = arith.index_cast %add3A_1058 : i32 to index
        %swap3A_1071 = arith.constant 16 : index
        %swap3A_1072 = tpu.vector_load %arg6[%swap3A_1069, %swap3A_1070, %swap3A_1071] {strides = array<i32>} : memref<4x256x64xf32, #tpu.memory_space<vmem>>, vector<1x1x16xf32>,
        %swap3A_1073 = vector.shape_cast %swap3A_1072 : vector<1x1x16xf32> to vector<16xf32>
        %swap3A_1074 = vector.shape_cast %mul3A_1067 : vector<16xf32> to vector<1x1x16xf32>
        tpu.vector_store %arg6[%swap3A_1069, %swap3A_1070, %swap3A_1071], %swap3A_1074 {strides = array<i32>} : memref<4x256x64xf32, #tpu.memory_space<vmem>>, vector<1x1x16xf32>,
        %add3A_1075 = arith.constant 3 : i32
        %add3A_1076 = arith.addi %mul3A_824, %add3A_1075 : i32
        %get3A_1077 = arith.constant 3 : i32
        %get3A_1078 = arith.index_cast %get3A_1077 : i32 to index
        %get3A_1079 = arith.index_cast %add3A_1076 : i32 to index
        %get3A_1080 = arith.constant 32 : index
        %get3A_1081 = tpu.vector_load %arg6[%get3A_1078, %get3A_1079, %get3A_1080] {strides = array<i32>} : memref<4x256x64xf32, #tpu.memory_space<vmem>>, vector<1x1x16xf32>,
        %get3A_1082 = vector.shape_cast %get3A_1081 : vector<1x1x16xf32> to vector<16xf32>
        %mul3A_1083 = arith.constant 8.000000e+00 : f32
        %mul3A_1084 = vector.broadcast %mul3A_1083 : f32 to vector<16xf32>
        %mul3A_1085 = arith.mulf %get3A_1082, %mul3A_1084 : vector<16xf32>
        %swap3A_1086 = arith.constant 3 : i32
        %swap3A_1087 = arith.index_cast %swap3A_1086 : i32 to index
        %swap3A_1088 = arith.index_cast %add3A_1076 : i32 to index
        %swap3A_1089 = arith.constant 32 : index
        %swap3A_1090 = tpu.vector_load %arg6[%swap3A_1087, %swap3A_1088, %swap3A_1089] {strides = array<i32>} : memref<4x256x64xf32, #tpu.memory_space<vmem>>, vector<1x1x16xf32>,
        %swap3A_1091 = vector.shape_cast %swap3A_1090 : vector<1x1x16xf32> to vector<16xf32>
        %swap3A_1092 = vector.shape_cast %mul3A_1085 : vector<16xf32> to vector<1x1x16xf32>
        tpu.vector_store %arg6[%swap3A_1087, %swap3A_1088, %swap3A_1089], %swap3A_1092 {strides = array<i32>} : memref<4x256x64xf32, #tpu.memory_space<vmem>>, vector<1x1x16xf32>,
        %add3A_1093 = arith.constant 3 : i32
        %add3A_1094 = arith.addi %mul3A_824, %add3A_1093 : i32
        %get3A_1095 = arith.constant 3 : i32
        %get3A_1096 = arith.index_cast %get3A_1095 : i32 to index
        %get3A_1097 = arith.index_cast %add3A_1094 : i32 to index
        %get3A_1098 = arith.constant 48 : index
        %get3A_1099 = tpu.vector_load %arg6[%get3A_1096, %get3A_1097, %get3A_1098] {strides = array<i32>} : memref<4x256x64xf32, #tpu.memory_space<vmem>>, vector<1x1x16xf32>,
        %get3A_1100 = vector.shape_cast %get3A_1099 : vector<1x1x16xf32> to vector<16xf32>
        %mul3A_1101 = arith.constant 8.000000e+00 : f32
        %mul3A_1102 = vector.broadcast %mul3A_1101 : f32 to vector<16xf32>
        %mul3A_1103 = arith.mulf %get3A_1100, %mul3A_1102 : vector<16xf32>
        %swap3A_1104 = arith.constant 3 : i32
        %swap3A_1105 = arith.index_cast %swap3A_1104 : i32 to index
        %swap3A_1106 = arith.index_cast %add3A_1094 : i32 to index
        %swap3A_1107 = arith.constant 48 : index
        %swap3A_1108 = tpu.vector_load %arg6[%swap3A_1105, %swap3A_1106, %swap3A_1107] {strides = array<i32>} : memref<4x256x64xf32, #tpu.memory_space<vmem>>, vector<1x1x16xf32>,
        %swap3A_1109 = vector.shape_cast %swap3A_1108 : vector<1x1x16xf32> to vector<16xf32>
        %swap3A_1110 = vector.shape_cast %mul3A_1103 : vector<16xf32> to vector<1x1x16xf32>
        tpu.vector_store %arg6[%swap3A_1105, %swap3A_1106, %swap3A_1107], %swap3A_1110 {strides = array<i32>} : memref<4x256x64xf32, #tpu.memory_space<vmem>>, vector<1x1x16xf32>,
      }
      %scan3A_530 = arith.constant 64 : i32
      %mul3A_531 = arith.constant 2 : i32
      %mul3A_532 = arith.muli %add3A_506, %mul3A_531 : i32
      %add3A_533 = arith.addi %mul3A_2, %mul3A_532 : i32
      %mul3A_534 = arith.constant 128 : i32
      %mul3A_535 = arith.muli %add3A_533, %mul3A_534 : i32
      %dma_start3A_536 = arith.constant 3 : i32
      %dma_start3A_537 = arith.constant 3 : i32
      %dma_start3A_538 = arith.constant 0 : i32
      %dma_start3A_539 = arith.constant 0 : i32
      %dma_start3A_540 = tpu.memref_slice %arg6[%dma_start3A_536, %dma_start3A_538, %dma_start3A_539] : memref<4x256x64xf32, #tpu.memory_space<vmem>> -> memref<1x256x64xf32, #tpu.memory_space<vmem>>
      %dma_start3A_541 = tpu.memref_squeeze %dma_start3A_540 : memref<1x256x64xf32, #tpu.memory_space<vmem>> -> memref<256x64xf32, #tpu.memory_space<vmem>>
      %dma_start3A_542 = arith.constant 0 : i32
      %dma_start3A_543 = tpu.memref_slice %arg4[%mul3A_535, %dma_start3A_542] : memref<819200x128xf32, #tpu.memory_space<hbm>> -> memref<256x64xf32, #tpu.memory_space<hbm>>
      %dma_start3A_544 = tpu.memref_slice %arg8[%dma_start3A_537] : memref<4x!tpu.dma_semaphore, #tpu.memory_space<semaphore_mem>> -> memref<1x!tpu.dma_semaphore, #tpu.memory_space<semaphore_mem>>
      %dma_start3A_545 = tpu.memref_squeeze %dma_start3A_544 : memref<1x!tpu.dma_semaphore, #tpu.memory_space<semaphore_mem>> -> memref<!tpu.dma_semaphore, #tpu.memory_space<semaphore_mem>>
      %dma_start3A_546 = arith.constant 0 : i32
      %dma_start3A_547 = tpu.memref_slice %arg4[%mul3A_535, %dma_start3A_546] : memref<819200x128xf32, #tpu.memory_space<hbm>> -> memref<256x64xf32, #tpu.memory_space<hbm>>
      %dma_start3A_548 = arith.constant 0 : i32
      %dma_start3A_549 = arith.constant 0 : i32
      %dma_start3A_550 = tpu.memref_slice %arg6[%dma_start3A_536, %dma_start3A_548, %dma_start3A_549] : memref<4x256x64xf32, #tpu.memory_space<vmem>> -> memref<1x256x64xf32, #tpu.memory_space<vmem>>
      %dma_start3A_551 = tpu.memref_squeeze %dma_start3A_550 : memref<1x256x64xf32, #tpu.memory_space<vmem>> -> memref<256x64xf32, #tpu.memory_space<vmem>>
      tpu.enqueue_dma source(%dma_start3A_551 : memref<256x64xf32, #tpu.memory_space<vmem>>) target(%dma_start3A_547 : memref<256x64xf32, #tpu.memory_space<hbm>>) target_semaphore(%dma_start3A_545 : memref<!tpu.dma_semaphore, #tpu.memory_space<semaphore_mem>>)
      %dma_wait3A_552 = arith.constant 1 : i32
      %dma_wait3A_553 = arith.constant 1 : i32
      %dma_wait3A_554 = arith.constant 0 : i32
      %dma_wait3A_555 = arith.constant 0 : i32
      %dma_wait3A_556 = tpu.memref_slice %arg6[%dma_wait3A_552, %dma_wait3A_554, %dma_wait3A_555] : memref<4x256x64xf32, #tpu.memory_space<vmem>> -> memref<1x256x64xf32, #tpu.memory_space<vmem>>
      %dma_wait3A_557 = tpu.memref_squeeze %dma_wait3A_556 : memref<1x256x64xf32, #tpu.memory_space<vmem>> -> memref<256x64xf32, #tpu.memory_space<vmem>>
      %dma_wait3A_558 = arith.constant 0 : i32
      %dma_wait3A_559 = arith.constant 0 : i32
      %dma_wait3A_560 = tpu.memref_slice %arg4[%dma_wait3A_558, %dma_wait3A_559] : memref<819200x128xf32, #tpu.memory_space<hbm>> -> memref<256x64xf32, #tpu.memory_space<hbm>>
      %dma_wait3A_561 = tpu.memref_slice %arg8[%dma_wait3A_553] : memref<4x!tpu.dma_semaphore, #tpu.memory_space<semaphore_mem>> -> memref<1x!tpu.dma_semaphore, #tpu.memory_space<semaphore_mem>>
      %dma_wait3A_562 = tpu.memref_squeeze %dma_wait3A_561 : memref<1x!tpu.dma_semaphore, #tpu.memory_space<semaphore_mem>> -> memref<!tpu.dma_semaphore, #tpu.memory_space<semaphore_mem>>
      %dma_wait3A_563 = arith.constant 0 : i32
      %dma_wait3A_564 = arith.constant 0 : i32
      %dma_wait3A_565 = tpu.memref_slice %arg4[%dma_wait3A_563, %dma_wait3A_564] : memref<819200x128xf32, #tpu.memory_space<hbm>> -> memref<256x64xf32, #tpu.memory_space<hbm>>
      %dma_wait3A_566 = arith.constant 0 : i32
      %dma_wait3A_567 = arith.constant 0 : i32
      %dma_wait3A_568 = tpu.memref_slice %arg6[%dma_wait3A_552, %dma_wait3A_566, %dma_wait3A_567] : memref<4x256x64xf32, #tpu.memory_space<vmem>> -> memref<1x256x64xf32, #tpu.memory_space<vmem>>
      %dma_wait3A_569 = tpu.memref_squeeze %dma_wait3A_568 : memref<1x256x64xf32, #tpu.memory_space<vmem>> -> memref<256x64xf32, #tpu.memory_space<vmem>>
      tpu.wait_dma2 semaphore(%dma_wait3A_562 : memref<!tpu.dma_semaphore, #tpu.memory_space<semaphore_mem>>) src(%dma_wait3A_569 : memref<256x64xf32, #tpu.memory_space<vmem>>) dst(%dma_wait3A_565 : memref<256x64xf32, #tpu.memory_space<hbm>>)
      %add3A_570 = arith.constant 2 : i32
      %add3A_571 = arith.addi %add3A_506, %add3A_570 : i32
      %mul3A_572 = arith.constant 2 : i32
      %mul3A_573 = arith.muli %add3A_571, %mul3A_572 : i32
      %add3A_574 = arith.addi %mul3A_2, %mul3A_573 : i32
      %run_scoped3A_575 = arith.constant 1 : i32
      "tpu.region"() ({
        %run_scoped3A_822 = tpu.sem_alloc : memref<!tpu.dma_semaphore, #tpu.memory_space<semaphore_mem>>
        %dma_start3A_823 = arith.constant 0 : i32
        %dma_start3A_824 = arith.constant 0 : i32
        %dma_start3A_825 = tpu.memref_slice %arg5[%run_scoped3A_575, %dma_start3A_823, %dma_start3A_824] : memref<4x2x128xi32, #tpu.memory_space<vmem>> -> memref<1x2x128xi32, #tpu.memory_space<vmem>>
        %dma_start3A_826 = tpu.memref_squeeze %dma_start3A_825 : memref<1x2x128xi32, #tpu.memory_space<vmem>> -> memref<2x128xi32, #tpu.memory_space<vmem>>
        %dma_start3A_827 = arith.constant 0 : i32
        %dma_start3A_828 = tpu.memref_slice %arg2[%add3A_574, %dma_start3A_827] : memref<6400x128xi32, #tpu.memory_space<hbm>> -> memref<2x128xi32, #tpu.memory_space<hbm>>
        %dma_start3A_829 = arith.constant 0 : i32
        %dma_start3A_830 = arith.constant 0 : i32
        %dma_start3A_831 = tpu.memref_slice %arg5[%run_scoped3A_575, %dma_start3A_829, %dma_start3A_830] : memref<4x2x128xi32, #tpu.memory_space<vmem>> -> memref<1x2x128xi32, #tpu.memory_space<vmem>>
        %dma_start3A_832 = tpu.memref_squeeze %dma_start3A_831 : memref<1x2x128xi32, #tpu.memory_space<vmem>> -> memref<2x128xi32, #tpu.memory_space<vmem>>
        %dma_start3A_833 = arith.constant 0 : i32
        %dma_start3A_834 = tpu.memref_slice %arg2[%add3A_574, %dma_start3A_833] : memref<6400x128xi32, #tpu.memory_space<hbm>> -> memref<2x128xi32, #tpu.memory_space<hbm>>
        tpu.enqueue_dma source(%dma_start3A_834 : memref<2x128xi32, #tpu.memory_space<hbm>>) target(%dma_start3A_832 : memref<2x128xi32, #tpu.memory_space<vmem>>) target_semaphore(%run_scoped3A_822 : memref<!tpu.dma_semaphore, #tpu.memory_space<semaphore_mem>>)
        %dma_wait3A_835 = arith.constant 0 : i32
        %dma_wait3A_836 = arith.constant 0 : i32
        %dma_wait3A_837 = tpu.memref_slice %arg5[%run_scoped3A_575, %dma_wait3A_835, %dma_wait3A_836] : memref<4x2x128xi32, #tpu.memory_space<vmem>> -> memref<1x2x128xi32, #tpu.memory_space<vmem>>
        %dma_wait3A_838 = tpu.memref_squeeze %dma_wait3A_837 : memref<1x2x128xi32, #tpu.memory_space<vmem>> -> memref<2x128xi32, #tpu.memory_space<vmem>>
        %dma_wait3A_839 = arith.constant 0 : i32
        %dma_wait3A_840 = tpu.memref_slice %arg2[%add3A_574, %dma_wait3A_839] : memref<6400x128xi32, #tpu.memory_space<hbm>> -> memref<2x128xi32, #tpu.memory_space<hbm>>
        %dma_wait3A_841 = arith.constant 0 : i32
        %dma_wait3A_842 = arith.constant 0 : i32
        %dma_wait3A_843 = tpu.memref_slice %arg5[%run_scoped3A_575, %dma_wait3A_841, %dma_wait3A_842] : memref<4x2x128xi32, #tpu.memory_space<vmem>> -> memref<1x2x128xi32, #tpu.memory_space<vmem>>
        %dma_wait3A_844 = tpu.memref_squeeze %dma_wait3A_843 : memref<1x2x128xi32, #tpu.memory_space<vmem>> -> memref<2x128xi32, #tpu.memory_space<vmem>>
        %dma_wait3A_845 = arith.constant 0 : i32
        %dma_wait3A_846 = tpu.memref_slice %arg2[%add3A_574, %dma_wait3A_845] : memref<6400x128xi32, #tpu.memory_space<hbm>> -> memref<2x128xi32, #tpu.memory_space<hbm>>
        tpu.wait_dma2 semaphore(%run_scoped3A_822 : memref<!tpu.dma_semaphore, #tpu.memory_space<semaphore_mem>>) src(%dma_wait3A_846 : memref<2x128xi32, #tpu.memory_space<hbm>>) dst(%dma_wait3A_844 : memref<2x128xi32, #tpu.memory_space<vmem>>)
        tpu.yield
      }) : () -> ()
      %dma_start3A_576 = arith.constant 1 : i32
      %dma_start3A_577 = arith.constant 0 : i32
      %dma_start3A_578 = arith.constant 1 : i32
      %dma_start3A_579 = arith.constant 1 : i32
      %dma_start3A_580 = arith.constant 0 : i32
      %dma_start3A_581 = arith.constant 0 : i32
      %dma_start3A_582 = tpu.memref_slice %arg6[%dma_start3A_578, %dma_start3A_580, %dma_start3A_581] : memref<4x256x64xf32, #tpu.memory_space<vmem>> -> memref<1x128x64xf32, #tpu.memory_space<vmem>>
      %dma_start3A_583 = tpu.memref_squeeze %dma_start3A_582 : memref<1x128x64xf32, #tpu.memory_space<vmem>> -> memref<128x64xf32, #tpu.memory_space<vmem>>
      %dma_start3A_584 = arith.constant 0 : i32
      %dma_start3A_585 = tpu.memref_slice %arg5[%dma_start3A_576, %dma_start3A_577, %dma_start3A_584] : memref<4x2x128xi32, #tpu.memory_space<vmem>> -> memref<1x1x128xi32, #tpu.memory_space<vmem>>
      %dma_start3A_586 = tpu.memref_squeeze %dma_start3A_585 : memref<1x1x128xi32, #tpu.memory_space<vmem>> -> memref<128xi32, #tpu.memory_space<vmem>>
      %dma_start3A_587 = arith.constant 0 : i32
      %dma_start3A_588 = arith.constant 0 : i32
      %dma_start3A_589 = tpu.memref_slice %arg3[%dma_start3A_587, %dma_start3A_588] : memref<1000000x64xf32, #tpu.memory_space<hbm>> -> memref<1000000x64xf32, #tpu.memory_space<hbm>>
      %dma_start3A_590 = tpu.memref_slice %arg7[%dma_start3A_579] : memref<4x!tpu.dma_semaphore, #tpu.memory_space<semaphore_mem>> -> memref<1x!tpu.dma_semaphore, #tpu.memory_space<semaphore_mem>>
      %dma_start3A_591 = tpu.memref_squeeze %dma_start3A_590 : memref<1x!tpu.dma_semaphore, #tpu.memory_space<semaphore_mem>> -> memref<!tpu.dma_semaphore, #tpu.memory_space<semaphore_mem>>
      tpu.enqueue_indirect_dma source(%dma_start3A_589 : memref<1000000x64xf32, #tpu.memory_space<hbm>>) target(%dma_start3A_583 : memref<128x64xf32, #tpu.memory_space<vmem>>) offsets(%dma_start3A_586 : memref<128xi32, #tpu.memory_space<vmem>>) semaphore(%dma_start3A_591 : memref<!tpu.dma_semaphore, #tpu.memory_space<semaphore_mem>>)
      %dma_start3A_592 = arith.constant 1 : i32
      %dma_start3A_593 = arith.constant 1 : i32
      %dma_start3A_594 = arith.constant 1 : i32
      %dma_start3A_595 = arith.constant 1 : i32
      %dma_start3A_596 = arith.constant 128 : i32
      %dma_start3A_597 = arith.constant 0 : i32
      %dma_start3A_598 = tpu.memref_slice %arg6[%dma_start3A_594, %dma_start3A_596, %dma_start3A_597] : memref<4x256x64xf32, #tpu.memory_space<vmem>> -> memref<1x128x64xf32, #tpu.memory_space<vmem>>
      %dma_start3A_599 = tpu.memref_squeeze %dma_start3A_598 : memref<1x128x64xf32, #tpu.memory_space<vmem>> -> memref<128x64xf32, #tpu.memory_space<vmem>>
      %dma_start3A_600 = arith.constant 0 : i32
      %dma_start3A_601 = tpu.memref_slice %arg5[%dma_start3A_592, %dma_start3A_593, %dma_start3A_600] : memref<4x2x128xi32, #tpu.memory_space<vmem>> -> memref<1x1x128xi32, #tpu.memory_space<vmem>>
      %dma_start3A_602 = tpu.memref_squeeze %dma_start3A_601 : memref<1x1x128xi32, #tpu.memory_space<vmem>> -> memref<128xi32, #tpu.memory_space<vmem>>
      %dma_start3A_603 = arith.constant 0 : i32
      %dma_start3A_604 = arith.constant 0 : i32
      %dma_start3A_605 = tpu.memref_slice %arg3[%dma_start3A_603, %dma_start3A_604] : memref<1000000x64xf32, #tpu.memory_space<hbm>> -> memref<1000000x64xf32, #tpu.memory_space<hbm>>
      %dma_start3A_606 = tpu.memref_slice %arg7[%dma_start3A_595] : memref<4x!tpu.dma_semaphore, #tpu.memory_space<semaphore_mem>> -> memref<1x!tpu.dma_semaphore, #tpu.memory_space<semaphore_mem>>
      %dma_start3A_607 = tpu.memref_squeeze %dma_start3A_606 : memref<1x!tpu.dma_semaphore, #tpu.memory_space<semaphore_mem>> -> memref<!tpu.dma_semaphore, #tpu.memory_space<semaphore_mem>>
      tpu.enqueue_indirect_dma source(%dma_start3A_605 : memref<1000000x64xf32, #tpu.memory_space<hbm>>) target(%dma_start3A_599 : memref<128x64xf32, #tpu.memory_space<vmem>>) offsets(%dma_start3A_602 : memref<128xi32, #tpu.memory_space<vmem>>) semaphore(%dma_start3A_607 : memref<!tpu.dma_semaphore, #tpu.memory_space<semaphore_mem>>)
      %mul3A_608 = arith.constant 4 : i32
      %mul3A_609 = arith.muli %scan3A_393, %mul3A_608 : i32
      %add3A_610 = arith.constant 2 : i32
      %add3A_611 = arith.addi %add3A_610, %mul3A_609 : i32
      %add3A_612 = arith.constant 2 : i32
      %add3A_613 = arith.addi %add3A_611, %add3A_612 : i32
      %dma_wait3A_614 = arith.constant 0 : i32
      %dma_wait3A_615 = arith.constant 0 : i32
      %dma_wait3A_616 = arith.constant 0 : i32
      %dma_wait3A_617 = arith.constant 0 : i32
      %dma_wait3A_618 = tpu.memref_slice %arg6[%dma_wait3A_614, %dma_wait3A_616, %dma_wait3A_617] : memref<4x256x64xf32, #tpu.memory_space<vmem>> -> memref<1x256x64xf32, #tpu.memory_space<vmem>>
      %dma_wait3A_619 = tpu.memref_squeeze %dma_wait3A_618 : memref<1x256x64xf32, #tpu.memory_space<vmem>> -> memref<256x64xf32, #tpu.memory_space<vmem>>
      %dma_wait3A_620 = arith.constant 0 : i32
      %dma_wait3A_621 = arith.constant 0 : i32
      %dma_wait3A_622 = tpu.memref_slice %arg3[%dma_wait3A_620, %dma_wait3A_621] : memref<1000000x64xf32, #tpu.memory_space<hbm>> -> memref<256x64xf32, #tpu.memory_space<hbm>>
      %dma_wait3A_623 = tpu.memref_slice %arg7[%dma_wait3A_615] : memref<4x!tpu.dma_semaphore, #tpu.memory_space<semaphore_mem>> -> memref<1x!tpu.dma_semaphore, #tpu.memory_space<semaphore_mem>>
      %dma_wait3A_624 = tpu.memref_squeeze %dma_wait3A_623 : memref<1x!tpu.dma_semaphore, #tpu.memory_space<semaphore_mem>> -> memref<!tpu.dma_semaphore, #tpu.memory_space<semaphore_mem>>
      %dma_wait3A_625 = arith.constant 0 : i32
      %dma_wait3A_626 = arith.constant 0 : i32
      %dma_wait3A_627 = tpu.memref_slice %arg6[%dma_wait3A_614, %dma_wait3A_625, %dma_wait3A_626] : memref<4x256x64xf32, #tpu.memory_space<vmem>> -> memref<1x256x64xf32, #tpu.memory_space<vmem>>
      %dma_wait3A_628 = tpu.memref_squeeze %dma_wait3A_627 : memref<1x256x64xf32, #tpu.memory_space<vmem>> -> memref<256x64xf32, #tpu.memory_space<vmem>>
      %dma_wait3A_629 = arith.constant 0 : i32
      %dma_wait3A_630 = arith.constant 0 : i32
      %dma_wait3A_631 = tpu.memref_slice %arg3[%dma_wait3A_629, %dma_wait3A_630] : memref<1000000x64xf32, #tpu.memory_space<hbm>> -> memref<256x64xf32, #tpu.memory_space<hbm>>
      tpu.wait_dma2 semaphore(%dma_wait3A_624 : memref<!tpu.dma_semaphore, #tpu.memory_space<semaphore_mem>>) src(%dma_wait3A_631 : memref<256x64xf32, #tpu.memory_space<hbm>>) dst(%dma_wait3A_628 : memref<256x64xf32, #tpu.memory_space<vmem>>)
      %scan3A_632 = arith.constant 0 : i32
      %scan3A_633 = arith.constant 0 : i32
      %scan3A_634 = arith.constant 64 : i32
      %scan3A_635 = arith.addi %scan3A_633, %scan3A_634 : i32
      %scan3A_636 = arith.constant 1 : i32
      scf.for %scan3A_822 = %scan3A_633 to %scan3A_635 step %scan3A_636  : i32 {
        %mul3A_823 = arith.constant 4 : i32
        %mul3A_824 = arith.muli %scan3A_822, %mul3A_823 : i32
        %add3A_825 = arith.constant 0 : i32
        %add3A_826 = arith.addi %mul3A_824, %add3A_825 : i32
        %get3A = arith.constant 0 : i32
        %get3A_827 = arith.index_cast %get3A : i32 to index
        %get3A_828 = arith.index_cast %add3A_826 : i32 to index
        %get3A_829 = arith.constant 0 : index
        %get3A_830 = tpu.vector_load %arg6[%get3A_827, %get3A_828, %get3A_829] {strides = array<i32>} : memref<4x256x64xf32, #tpu.memory_space<vmem>>, vector<1x1x16xf32>,
        %get3A_831 = vector.shape_cast %get3A_830 : vector<1x1x16xf32> to vector<16xf32>
        %mul3A_832 = arith.constant 8.000000e+00 : f32
        %mul3A_833 = vector.broadcast %mul3A_832 : f32 to vector<16xf32>
        %mul3A_834 = arith.mulf %get3A_831, %mul3A_833 : vector<16xf32>
        %swap3A = arith.constant 0 : i32
        %swap3A_835 = arith.index_cast %swap3A : i32 to index
        %swap3A_836 = arith.index_cast %add3A_826 : i32 to index
        %swap3A_837 = arith.constant 0 : index
        %swap3A_838 = tpu.vector_load %arg6[%swap3A_835, %swap3A_836, %swap3A_837] {strides = array<i32>} : memref<4x256x64xf32, #tpu.memory_space<vmem>>, vector<1x1x16xf32>,
        %swap3A_839 = vector.shape_cast %swap3A_838 : vector<1x1x16xf32> to vector<16xf32>
        %swap3A_840 = vector.shape_cast %mul3A_834 : vector<16xf32> to vector<1x1x16xf32>
        tpu.vector_store %arg6[%swap3A_835, %swap3A_836, %swap3A_837], %swap3A_840 {strides = array<i32>} : memref<4x256x64xf32, #tpu.memory_space<vmem>>, vector<1x1x16xf32>,
        %add3A_841 = arith.constant 0 : i32
        %add3A_842 = arith.addi %mul3A_824, %add3A_841 : i32
        %get3A_843 = arith.constant 0 : i32
        %get3A_844 = arith.index_cast %get3A_843 : i32 to index
        %get3A_845 = arith.index_cast %add3A_842 : i32 to index
        %get3A_846 = arith.constant 16 : index
        %get3A_847 = tpu.vector_load %arg6[%get3A_844, %get3A_845, %get3A_846] {strides = array<i32>} : memref<4x256x64xf32, #tpu.memory_space<vmem>>, vector<1x1x16xf32>,
        %get3A_848 = vector.shape_cast %get3A_847 : vector<1x1x16xf32> to vector<16xf32>
        %mul3A_849 = arith.constant 8.000000e+00 : f32
        %mul3A_850 = vector.broadcast %mul3A_849 : f32 to vector<16xf32>
        %mul3A_851 = arith.mulf %get3A_848, %mul3A_850 : vector<16xf32>
        %swap3A_852 = arith.constant 0 : i32
        %swap3A_853 = arith.index_cast %swap3A_852 : i32 to index
        %swap3A_854 = arith.index_cast %add3A_842 : i32 to index
        %swap3A_855 = arith.constant 16 : index
        %swap3A_856 = tpu.vector_load %arg6[%swap3A_853, %swap3A_854, %swap3A_855] {strides = array<i32>} : memref<4x256x64xf32, #tpu.memory_space<vmem>>, vector<1x1x16xf32>,
        %swap3A_857 = vector.shape_cast %swap3A_856 : vector<1x1x16xf32> to vector<16xf32>
        %swap3A_858 = vector.shape_cast %mul3A_851 : vector<16xf32> to vector<1x1x16xf32>
        tpu.vector_store %arg6[%swap3A_853, %swap3A_854, %swap3A_855], %swap3A_858 {strides = array<i32>} : memref<4x256x64xf32, #tpu.memory_space<vmem>>, vector<1x1x16xf32>,
        %add3A_859 = arith.constant 0 : i32
        %add3A_860 = arith.addi %mul3A_824, %add3A_859 : i32
        %get3A_861 = arith.constant 0 : i32
        %get3A_862 = arith.index_cast %get3A_861 : i32 to index
        %get3A_863 = arith.index_cast %add3A_860 : i32 to index
        %get3A_864 = arith.constant 32 : index
        %get3A_865 = tpu.vector_load %arg6[%get3A_862, %get3A_863, %get3A_864] {strides = array<i32>} : memref<4x256x64xf32, #tpu.memory_space<vmem>>, vector<1x1x16xf32>,
        %get3A_866 = vector.shape_cast %get3A_865 : vector<1x1x16xf32> to vector<16xf32>
        %mul3A_867 = arith.constant 8.000000e+00 : f32
        %mul3A_868 = vector.broadcast %mul3A_867 : f32 to vector<16xf32>
        %mul3A_869 = arith.mulf %get3A_866, %mul3A_868 : vector<16xf32>
        %swap3A_870 = arith.constant 0 : i32
        %swap3A_871 = arith.index_cast %swap3A_870 : i32 to index
        %swap3A_872 = arith.index_cast %add3A_860 : i32 to index
        %swap3A_873 = arith.constant 32 : index
        %swap3A_874 = tpu.vector_load %arg6[%swap3A_871, %swap3A_872, %swap3A_873] {strides = array<i32>} : memref<4x256x64xf32, #tpu.memory_space<vmem>>, vector<1x1x16xf32>,
        %swap3A_875 = vector.shape_cast %swap3A_874 : vector<1x1x16xf32> to vector<16xf32>
        %swap3A_876 = vector.shape_cast %mul3A_869 : vector<16xf32> to vector<1x1x16xf32>
        tpu.vector_store %arg6[%swap3A_871, %swap3A_872, %swap3A_873], %swap3A_876 {strides = array<i32>} : memref<4x256x64xf32, #tpu.memory_space<vmem>>, vector<1x1x16xf32>,
        %add3A_877 = arith.constant 0 : i32
        %add3A_878 = arith.addi %mul3A_824, %add3A_877 : i32
        %get3A_879 = arith.constant 0 : i32
        %get3A_880 = arith.index_cast %get3A_879 : i32 to index
        %get3A_881 = arith.index_cast %add3A_878 : i32 to index
        %get3A_882 = arith.constant 48 : index
        %get3A_883 = tpu.vector_load %arg6[%get3A_880, %get3A_881, %get3A_882] {strides = array<i32>} : memref<4x256x64xf32, #tpu.memory_space<vmem>>, vector<1x1x16xf32>,
        %get3A_884 = vector.shape_cast %get3A_883 : vector<1x1x16xf32> to vector<16xf32>
        %mul3A_885 = arith.constant 8.000000e+00 : f32
        %mul3A_886 = vector.broadcast %mul3A_885 : f32 to vector<16xf32>
        %mul3A_887 = arith.mulf %get3A_884, %mul3A_886 : vector<16xf32>
        %swap3A_888 = arith.constant 0 : i32
        %swap3A_889 = arith.index_cast %swap3A_888 : i32 to index
        %swap3A_890 = arith.index_cast %add3A_878 : i32 to index
        %swap3A_891 = arith.constant 48 : index
        %swap3A_892 = tpu.vector_load %arg6[%swap3A_889, %swap3A_890, %swap3A_891] {strides = array<i32>} : memref<4x256x64xf32, #tpu.memory_space<vmem>>, vector<1x1x16xf32>,
        %swap3A_893 = vector.shape_cast %swap3A_892 : vector<1x1x16xf32> to vector<16xf32>
        %swap3A_894 = vector.shape_cast %mul3A_887 : vector<16xf32> to vector<1x1x16xf32>
        tpu.vector_store %arg6[%swap3A_889, %swap3A_890, %swap3A_891], %swap3A_894 {strides = array<i32>} : memref<4x256x64xf32, #tpu.memory_space<vmem>>, vector<1x1x16xf32>,
        %add3A_895 = arith.constant 1 : i32
        %add3A_896 = arith.addi %mul3A_824, %add3A_895 : i32
        %get3A_897 = arith.constant 0 : i32
        %get3A_898 = arith.index_cast %get3A_897 : i32 to index
        %get3A_899 = arith.index_cast %add3A_896 : i32 to index
        %get3A_900 = arith.constant 0 : index
        %get3A_901 = tpu.vector_load %arg6[%get3A_898, %get3A_899, %get3A_900] {strides = array<i32>} : memref<4x256x64xf32, #tpu.memory_space<vmem>>, vector<1x1x16xf32>,
        %get3A_902 = vector.shape_cast %get3A_901 : vector<1x1x16xf32> to vector<16xf32>
        %mul3A_903 = arith.constant 8.000000e+00 : f32
        %mul3A_904 = vector.broadcast %mul3A_903 : f32 to vector<16xf32>
        %mul3A_905 = arith.mulf %get3A_902, %mul3A_904 : vector<16xf32>
        %swap3A_906 = arith.constant 0 : i32
        %swap3A_907 = arith.index_cast %swap3A_906 : i32 to index
        %swap3A_908 = arith.index_cast %add3A_896 : i32 to index
        %swap3A_909 = arith.constant 0 : index
        %swap3A_910 = tpu.vector_load %arg6[%swap3A_907, %swap3A_908, %swap3A_909] {strides = array<i32>} : memref<4x256x64xf32, #tpu.memory_space<vmem>>, vector<1x1x16xf32>,
        %swap3A_911 = vector.shape_cast %swap3A_910 : vector<1x1x16xf32> to vector<16xf32>
        %swap3A_912 = vector.shape_cast %mul3A_905 : vector<16xf32> to vector<1x1x16xf32>
        tpu.vector_store %arg6[%swap3A_907, %swap3A_908, %swap3A_909], %swap3A_912 {strides = array<i32>} : memref<4x256x64xf32, #tpu.memory_space<vmem>>, vector<1x1x16xf32>,
        %add3A_913 = arith.constant 1 : i32
        %add3A_914 = arith.addi %mul3A_824, %add3A_913 : i32
        %get3A_915 = arith.constant 0 : i32
        %get3A_916 = arith.index_cast %get3A_915 : i32 to index
        %get3A_917 = arith.index_cast %add3A_914 : i32 to index
        %get3A_918 = arith.constant 16 : index
        %get3A_919 = tpu.vector_load %arg6[%get3A_916, %get3A_917, %get3A_918] {strides = array<i32>} : memref<4x256x64xf32, #tpu.memory_space<vmem>>, vector<1x1x16xf32>,
        %get3A_920 = vector.shape_cast %get3A_919 : vector<1x1x16xf32> to vector<16xf32>
        %mul3A_921 = arith.constant 8.000000e+00 : f32
        %mul3A_922 = vector.broadcast %mul3A_921 : f32 to vector<16xf32>
        %mul3A_923 = arith.mulf %get3A_920, %mul3A_922 : vector<16xf32>
        %swap3A_924 = arith.constant 0 : i32
        %swap3A_925 = arith.index_cast %swap3A_924 : i32 to index
        %swap3A_926 = arith.index_cast %add3A_914 : i32 to index
        %swap3A_927 = arith.constant 16 : index
        %swap3A_928 = tpu.vector_load %arg6[%swap3A_925, %swap3A_926, %swap3A_927] {strides = array<i32>} : memref<4x256x64xf32, #tpu.memory_space<vmem>>, vector<1x1x16xf32>,
        %swap3A_929 = vector.shape_cast %swap3A_928 : vector<1x1x16xf32> to vector<16xf32>
        %swap3A_930 = vector.shape_cast %mul3A_923 : vector<16xf32> to vector<1x1x16xf32>
        tpu.vector_store %arg6[%swap3A_925, %swap3A_926, %swap3A_927], %swap3A_930 {strides = array<i32>} : memref<4x256x64xf32, #tpu.memory_space<vmem>>, vector<1x1x16xf32>,
        %add3A_931 = arith.constant 1 : i32
        %add3A_932 = arith.addi %mul3A_824, %add3A_931 : i32
        %get3A_933 = arith.constant 0 : i32
        %get3A_934 = arith.index_cast %get3A_933 : i32 to index
        %get3A_935 = arith.index_cast %add3A_932 : i32 to index
        %get3A_936 = arith.constant 32 : index
        %get3A_937 = tpu.vector_load %arg6[%get3A_934, %get3A_935, %get3A_936] {strides = array<i32>} : memref<4x256x64xf32, #tpu.memory_space<vmem>>, vector<1x1x16xf32>,
        %get3A_938 = vector.shape_cast %get3A_937 : vector<1x1x16xf32> to vector<16xf32>
        %mul3A_939 = arith.constant 8.000000e+00 : f32
        %mul3A_940 = vector.broadcast %mul3A_939 : f32 to vector<16xf32>
        %mul3A_941 = arith.mulf %get3A_938, %mul3A_940 : vector<16xf32>
        %swap3A_942 = arith.constant 0 : i32
        %swap3A_943 = arith.index_cast %swap3A_942 : i32 to index
        %swap3A_944 = arith.index_cast %add3A_932 : i32 to index
        %swap3A_945 = arith.constant 32 : index
        %swap3A_946 = tpu.vector_load %arg6[%swap3A_943, %swap3A_944, %swap3A_945] {strides = array<i32>} : memref<4x256x64xf32, #tpu.memory_space<vmem>>, vector<1x1x16xf32>,
        %swap3A_947 = vector.shape_cast %swap3A_946 : vector<1x1x16xf32> to vector<16xf32>
        %swap3A_948 = vector.shape_cast %mul3A_941 : vector<16xf32> to vector<1x1x16xf32>
        tpu.vector_store %arg6[%swap3A_943, %swap3A_944, %swap3A_945], %swap3A_948 {strides = array<i32>} : memref<4x256x64xf32, #tpu.memory_space<vmem>>, vector<1x1x16xf32>,
        %add3A_949 = arith.constant 1 : i32
        %add3A_950 = arith.addi %mul3A_824, %add3A_949 : i32
        %get3A_951 = arith.constant 0 : i32
        %get3A_952 = arith.index_cast %get3A_951 : i32 to index
        %get3A_953 = arith.index_cast %add3A_950 : i32 to index
        %get3A_954 = arith.constant 48 : index
        %get3A_955 = tpu.vector_load %arg6[%get3A_952, %get3A_953, %get3A_954] {strides = array<i32>} : memref<4x256x64xf32, #tpu.memory_space<vmem>>, vector<1x1x16xf32>,
        %get3A_956 = vector.shape_cast %get3A_955 : vector<1x1x16xf32> to vector<16xf32>
        %mul3A_957 = arith.constant 8.000000e+00 : f32
        %mul3A_958 = vector.broadcast %mul3A_957 : f32 to vector<16xf32>
        %mul3A_959 = arith.mulf %get3A_956, %mul3A_958 : vector<16xf32>
        %swap3A_960 = arith.constant 0 : i32
        %swap3A_961 = arith.index_cast %swap3A_960 : i32 to index
        %swap3A_962 = arith.index_cast %add3A_950 : i32 to index
        %swap3A_963 = arith.constant 48 : index
        %swap3A_964 = tpu.vector_load %arg6[%swap3A_961, %swap3A_962, %swap3A_963] {strides = array<i32>} : memref<4x256x64xf32, #tpu.memory_space<vmem>>, vector<1x1x16xf32>,
        %swap3A_965 = vector.shape_cast %swap3A_964 : vector<1x1x16xf32> to vector<16xf32>
        %swap3A_966 = vector.shape_cast %mul3A_959 : vector<16xf32> to vector<1x1x16xf32>
        tpu.vector_store %arg6[%swap3A_961, %swap3A_962, %swap3A_963], %swap3A_966 {strides = array<i32>} : memref<4x256x64xf32, #tpu.memory_space<vmem>>, vector<1x1x16xf32>,
        %add3A_967 = arith.constant 2 : i32
        %add3A_968 = arith.addi %mul3A_824, %add3A_967 : i32
        %get3A_969 = arith.constant 0 : i32
        %get3A_970 = arith.index_cast %get3A_969 : i32 to index
        %get3A_971 = arith.index_cast %add3A_968 : i32 to index
        %get3A_972 = arith.constant 0 : index
        %get3A_973 = tpu.vector_load %arg6[%get3A_970, %get3A_971, %get3A_972] {strides = array<i32>} : memref<4x256x64xf32, #tpu.memory_space<vmem>>, vector<1x1x16xf32>,
        %get3A_974 = vector.shape_cast %get3A_973 : vector<1x1x16xf32> to vector<16xf32>
        %mul3A_975 = arith.constant 8.000000e+00 : f32
        %mul3A_976 = vector.broadcast %mul3A_975 : f32 to vector<16xf32>
        %mul3A_977 = arith.mulf %get3A_974, %mul3A_976 : vector<16xf32>
        %swap3A_978 = arith.constant 0 : i32
        %swap3A_979 = arith.index_cast %swap3A_978 : i32 to index
        %swap3A_980 = arith.index_cast %add3A_968 : i32 to index
        %swap3A_981 = arith.constant 0 : index
        %swap3A_982 = tpu.vector_load %arg6[%swap3A_979, %swap3A_980, %swap3A_981] {strides = array<i32>} : memref<4x256x64xf32, #tpu.memory_space<vmem>>, vector<1x1x16xf32>,
        %swap3A_983 = vector.shape_cast %swap3A_982 : vector<1x1x16xf32> to vector<16xf32>
        %swap3A_984 = vector.shape_cast %mul3A_977 : vector<16xf32> to vector<1x1x16xf32>
        tpu.vector_store %arg6[%swap3A_979, %swap3A_980, %swap3A_981], %swap3A_984 {strides = array<i32>} : memref<4x256x64xf32, #tpu.memory_space<vmem>>, vector<1x1x16xf32>,
        %add3A_985 = arith.constant 2 : i32
        %add3A_986 = arith.addi %mul3A_824, %add3A_985 : i32
        %get3A_987 = arith.constant 0 : i32
        %get3A_988 = arith.index_cast %get3A_987 : i32 to index
        %get3A_989 = arith.index_cast %add3A_986 : i32 to index
        %get3A_990 = arith.constant 16 : index
        %get3A_991 = tpu.vector_load %arg6[%get3A_988, %get3A_989, %get3A_990] {strides = array<i32>} : memref<4x256x64xf32, #tpu.memory_space<vmem>>, vector<1x1x16xf32>,
        %get3A_992 = vector.shape_cast %get3A_991 : vector<1x1x16xf32> to vector<16xf32>
        %mul3A_993 = arith.constant 8.000000e+00 : f32
        %mul3A_994 = vector.broadcast %mul3A_993 : f32 to vector<16xf32>
        %mul3A_995 = arith.mulf %get3A_992, %mul3A_994 : vector<16xf32>
        %swap3A_996 = arith.constant 0 : i32
        %swap3A_997 = arith.index_cast %swap3A_996 : i32 to index
        %swap3A_998 = arith.index_cast %add3A_986 : i32 to index
        %swap3A_999 = arith.constant 16 : index
        %swap3A_1000 = tpu.vector_load %arg6[%swap3A_997, %swap3A_998, %swap3A_999] {strides = array<i32>} : memref<4x256x64xf32, #tpu.memory_space<vmem>>, vector<1x1x16xf32>,
        %swap3A_1001 = vector.shape_cast %swap3A_1000 : vector<1x1x16xf32> to vector<16xf32>
        %swap3A_1002 = vector.shape_cast %mul3A_995 : vector<16xf32> to vector<1x1x16xf32>
        tpu.vector_store %arg6[%swap3A_997, %swap3A_998, %swap3A_999], %swap3A_1002 {strides = array<i32>} : memref<4x256x64xf32, #tpu.memory_space<vmem>>, vector<1x1x16xf32>,
        %add3A_1003 = arith.constant 2 : i32
        %add3A_1004 = arith.addi %mul3A_824, %add3A_1003 : i32
        %get3A_1005 = arith.constant 0 : i32
        %get3A_1006 = arith.index_cast %get3A_1005 : i32 to index
        %get3A_1007 = arith.index_cast %add3A_1004 : i32 to index
        %get3A_1008 = arith.constant 32 : index
        %get3A_1009 = tpu.vector_load %arg6[%get3A_1006, %get3A_1007, %get3A_1008] {strides = array<i32>} : memref<4x256x64xf32, #tpu.memory_space<vmem>>, vector<1x1x16xf32>,
        %get3A_1010 = vector.shape_cast %get3A_1009 : vector<1x1x16xf32> to vector<16xf32>
        %mul3A_1011 = arith.constant 8.000000e+00 : f32
        %mul3A_1012 = vector.broadcast %mul3A_1011 : f32 to vector<16xf32>
        %mul3A_1013 = arith.mulf %get3A_1010, %mul3A_1012 : vector<16xf32>
        %swap3A_1014 = arith.constant 0 : i32
        %swap3A_1015 = arith.index_cast %swap3A_1014 : i32 to index
        %swap3A_1016 = arith.index_cast %add3A_1004 : i32 to index
        %swap3A_1017 = arith.constant 32 : index
        %swap3A_1018 = tpu.vector_load %arg6[%swap3A_1015, %swap3A_1016, %swap3A_1017] {strides = array<i32>} : memref<4x256x64xf32, #tpu.memory_space<vmem>>, vector<1x1x16xf32>,
        %swap3A_1019 = vector.shape_cast %swap3A_1018 : vector<1x1x16xf32> to vector<16xf32>
        %swap3A_1020 = vector.shape_cast %mul3A_1013 : vector<16xf32> to vector<1x1x16xf32>
        tpu.vector_store %arg6[%swap3A_1015, %swap3A_1016, %swap3A_1017], %swap3A_1020 {strides = array<i32>} : memref<4x256x64xf32, #tpu.memory_space<vmem>>, vector<1x1x16xf32>,
        %add3A_1021 = arith.constant 2 : i32
        %add3A_1022 = arith.addi %mul3A_824, %add3A_1021 : i32
        %get3A_1023 = arith.constant 0 : i32
        %get3A_1024 = arith.index_cast %get3A_1023 : i32 to index
        %get3A_1025 = arith.index_cast %add3A_1022 : i32 to index
        %get3A_1026 = arith.constant 48 : index
        %get3A_1027 = tpu.vector_load %arg6[%get3A_1024, %get3A_1025, %get3A_1026] {strides = array<i32>} : memref<4x256x64xf32, #tpu.memory_space<vmem>>, vector<1x1x16xf32>,
        %get3A_1028 = vector.shape_cast %get3A_1027 : vector<1x1x16xf32> to vector<16xf32>
        %mul3A_1029 = arith.constant 8.000000e+00 : f32
        %mul3A_1030 = vector.broadcast %mul3A_1029 : f32 to vector<16xf32>
        %mul3A_1031 = arith.mulf %get3A_1028, %mul3A_1030 : vector<16xf32>
        %swap3A_1032 = arith.constant 0 : i32
        %swap3A_1033 = arith.index_cast %swap3A_1032 : i32 to index
        %swap3A_1034 = arith.index_cast %add3A_1022 : i32 to index
        %swap3A_1035 = arith.constant 48 : index
        %swap3A_1036 = tpu.vector_load %arg6[%swap3A_1033, %swap3A_1034, %swap3A_1035] {strides = array<i32>} : memref<4x256x64xf32, #tpu.memory_space<vmem>>, vector<1x1x16xf32>,
        %swap3A_1037 = vector.shape_cast %swap3A_1036 : vector<1x1x16xf32> to vector<16xf32>
        %swap3A_1038 = vector.shape_cast %mul3A_1031 : vector<16xf32> to vector<1x1x16xf32>
        tpu.vector_store %arg6[%swap3A_1033, %swap3A_1034, %swap3A_1035], %swap3A_1038 {strides = array<i32>} : memref<4x256x64xf32, #tpu.memory_space<vmem>>, vector<1x1x16xf32>,
        %add3A_1039 = arith.constant 3 : i32
        %add3A_1040 = arith.addi %mul3A_824, %add3A_1039 : i32
        %get3A_1041 = arith.constant 0 : i32
        %get3A_1042 = arith.index_cast %get3A_1041 : i32 to index
        %get3A_1043 = arith.index_cast %add3A_1040 : i32 to index
        %get3A_1044 = arith.constant 0 : index
        %get3A_1045 = tpu.vector_load %arg6[%get3A_1042, %get3A_1043, %get3A_1044] {strides = array<i32>} : memref<4x256x64xf32, #tpu.memory_space<vmem>>, vector<1x1x16xf32>,
        %get3A_1046 = vector.shape_cast %get3A_1045 : vector<1x1x16xf32> to vector<16xf32>
        %mul3A_1047 = arith.constant 8.000000e+00 : f32
        %mul3A_1048 = vector.broadcast %mul3A_1047 : f32 to vector<16xf32>
        %mul3A_1049 = arith.mulf %get3A_1046, %mul3A_1048 : vector<16xf32>
        %swap3A_1050 = arith.constant 0 : i32
        %swap3A_1051 = arith.index_cast %swap3A_1050 : i32 to index
        %swap3A_1052 = arith.index_cast %add3A_1040 : i32 to index
        %swap3A_1053 = arith.constant 0 : index
        %swap3A_1054 = tpu.vector_load %arg6[%swap3A_1051, %swap3A_1052, %swap3A_1053] {strides = array<i32>} : memref<4x256x64xf32, #tpu.memory_space<vmem>>, vector<1x1x16xf32>,
        %swap3A_1055 = vector.shape_cast %swap3A_1054 : vector<1x1x16xf32> to vector<16xf32>
        %swap3A_1056 = vector.shape_cast %mul3A_1049 : vector<16xf32> to vector<1x1x16xf32>
        tpu.vector_store %arg6[%swap3A_1051, %swap3A_1052, %swap3A_1053], %swap3A_1056 {strides = array<i32>} : memref<4x256x64xf32, #tpu.memory_space<vmem>>, vector<1x1x16xf32>,
        %add3A_1057 = arith.constant 3 : i32
        %add3A_1058 = arith.addi %mul3A_824, %add3A_1057 : i32
        %get3A_1059 = arith.constant 0 : i32
        %get3A_1060 = arith.index_cast %get3A_1059 : i32 to index
        %get3A_1061 = arith.index_cast %add3A_1058 : i32 to index
        %get3A_1062 = arith.constant 16 : index
        %get3A_1063 = tpu.vector_load %arg6[%get3A_1060, %get3A_1061, %get3A_1062] {strides = array<i32>} : memref<4x256x64xf32, #tpu.memory_space<vmem>>, vector<1x1x16xf32>,
        %get3A_1064 = vector.shape_cast %get3A_1063 : vector<1x1x16xf32> to vector<16xf32>
        %mul3A_1065 = arith.constant 8.000000e+00 : f32
        %mul3A_1066 = vector.broadcast %mul3A_1065 : f32 to vector<16xf32>
        %mul3A_1067 = arith.mulf %get3A_1064, %mul3A_1066 : vector<16xf32>
        %swap3A_1068 = arith.constant 0 : i32
        %swap3A_1069 = arith.index_cast %swap3A_1068 : i32 to index
        %swap3A_1070 = arith.index_cast %add3A_1058 : i32 to index
        %swap3A_1071 = arith.constant 16 : index
        %swap3A_1072 = tpu.vector_load %arg6[%swap3A_1069, %swap3A_1070, %swap3A_1071] {strides = array<i32>} : memref<4x256x64xf32, #tpu.memory_space<vmem>>, vector<1x1x16xf32>,
        %swap3A_1073 = vector.shape_cast %swap3A_1072 : vector<1x1x16xf32> to vector<16xf32>
        %swap3A_1074 = vector.shape_cast %mul3A_1067 : vector<16xf32> to vector<1x1x16xf32>
        tpu.vector_store %arg6[%swap3A_1069, %swap3A_1070, %swap3A_1071], %swap3A_1074 {strides = array<i32>} : memref<4x256x64xf32, #tpu.memory_space<vmem>>, vector<1x1x16xf32>,
        %add3A_1075 = arith.constant 3 : i32
        %add3A_1076 = arith.addi %mul3A_824, %add3A_1075 : i32
        %get3A_1077 = arith.constant 0 : i32
        %get3A_1078 = arith.index_cast %get3A_1077 : i32 to index
        %get3A_1079 = arith.index_cast %add3A_1076 : i32 to index
        %get3A_1080 = arith.constant 32 : index
        %get3A_1081 = tpu.vector_load %arg6[%get3A_1078, %get3A_1079, %get3A_1080] {strides = array<i32>} : memref<4x256x64xf32, #tpu.memory_space<vmem>>, vector<1x1x16xf32>,
        %get3A_1082 = vector.shape_cast %get3A_1081 : vector<1x1x16xf32> to vector<16xf32>
        %mul3A_1083 = arith.constant 8.000000e+00 : f32
        %mul3A_1084 = vector.broadcast %mul3A_1083 : f32 to vector<16xf32>
        %mul3A_1085 = arith.mulf %get3A_1082, %mul3A_1084 : vector<16xf32>
        %swap3A_1086 = arith.constant 0 : i32
        %swap3A_1087 = arith.index_cast %swap3A_1086 : i32 to index
        %swap3A_1088 = arith.index_cast %add3A_1076 : i32 to index
        %swap3A_1089 = arith.constant 32 : index
        %swap3A_1090 = tpu.vector_load %arg6[%swap3A_1087, %swap3A_1088, %swap3A_1089] {strides = array<i32>} : memref<4x256x64xf32, #tpu.memory_space<vmem>>, vector<1x1x16xf32>,
        %swap3A_1091 = vector.shape_cast %swap3A_1090 : vector<1x1x16xf32> to vector<16xf32>
        %swap3A_1092 = vector.shape_cast %mul3A_1085 : vector<16xf32> to vector<1x1x16xf32>
        tpu.vector_store %arg6[%swap3A_1087, %swap3A_1088, %swap3A_1089], %swap3A_1092 {strides = array<i32>} : memref<4x256x64xf32, #tpu.memory_space<vmem>>, vector<1x1x16xf32>,
        %add3A_1093 = arith.constant 3 : i32
        %add3A_1094 = arith.addi %mul3A_824, %add3A_1093 : i32
        %get3A_1095 = arith.constant 0 : i32
        %get3A_1096 = arith.index_cast %get3A_1095 : i32 to index
        %get3A_1097 = arith.index_cast %add3A_1094 : i32 to index
        %get3A_1098 = arith.constant 48 : index
        %get3A_1099 = tpu.vector_load %arg6[%get3A_1096, %get3A_1097, %get3A_1098] {strides = array<i32>} : memref<4x256x64xf32, #tpu.memory_space<vmem>>, vector<1x1x16xf32>,
        %get3A_1100 = vector.shape_cast %get3A_1099 : vector<1x1x16xf32> to vector<16xf32>
        %mul3A_1101 = arith.constant 8.000000e+00 : f32
        %mul3A_1102 = vector.broadcast %mul3A_1101 : f32 to vector<16xf32>
        %mul3A_1103 = arith.mulf %get3A_1100, %mul3A_1102 : vector<16xf32>
        %swap3A_1104 = arith.constant 0 : i32
        %swap3A_1105 = arith.index_cast %swap3A_1104 : i32 to index
        %swap3A_1106 = arith.index_cast %add3A_1094 : i32 to index
        %swap3A_1107 = arith.constant 48 : index
        %swap3A_1108 = tpu.vector_load %arg6[%swap3A_1105, %swap3A_1106, %swap3A_1107] {strides = array<i32>} : memref<4x256x64xf32, #tpu.memory_space<vmem>>, vector<1x1x16xf32>,
        %swap3A_1109 = vector.shape_cast %swap3A_1108 : vector<1x1x16xf32> to vector<16xf32>
        %swap3A_1110 = vector.shape_cast %mul3A_1103 : vector<16xf32> to vector<1x1x16xf32>
        tpu.vector_store %arg6[%swap3A_1105, %swap3A_1106, %swap3A_1107], %swap3A_1110 {strides = array<i32>} : memref<4x256x64xf32, #tpu.memory_space<vmem>>, vector<1x1x16xf32>,
      }
      %scan3A_637 = arith.constant 64 : i32
      %mul3A_638 = arith.constant 2 : i32
      %mul3A_639 = arith.muli %add3A_613, %mul3A_638 : i32
      %add3A_640 = arith.addi %mul3A_2, %mul3A_639 : i32
      %mul3A_641 = arith.constant 128 : i32
      %mul3A_642 = arith.muli %add3A_640, %mul3A_641 : i32
      %dma_start3A_643 = arith.constant 0 : i32
      %dma_start3A_644 = arith.constant 0 : i32
      %dma_start3A_645 = arith.constant 0 : i32
      %dma_start3A_646 = arith.constant 0 : i32
      %dma_start3A_647 = tpu.memref_slice %arg6[%dma_start3A_643, %dma_start3A_645, %dma_start3A_646] : memref<4x256x64xf32, #tpu.memory_space<vmem>> -> memref<1x256x64xf32, #tpu.memory_space<vmem>>
      %dma_start3A_648 = tpu.memref_squeeze %dma_start3A_647 : memref<1x256x64xf32, #tpu.memory_space<vmem>> -> memref<256x64xf32, #tpu.memory_space<vmem>>
      %dma_start3A_649 = arith.constant 0 : i32
      %dma_start3A_650 = tpu.memref_slice %arg4[%mul3A_642, %dma_start3A_649] : memref<819200x128xf32, #tpu.memory_space<hbm>> -> memref<256x64xf32, #tpu.memory_space<hbm>>
      %dma_start3A_651 = tpu.memref_slice %arg8[%dma_start3A_644] : memref<4x!tpu.dma_semaphore, #tpu.memory_space<semaphore_mem>> -> memref<1x!tpu.dma_semaphore, #tpu.memory_space<semaphore_mem>>
      %dma_start3A_652 = tpu.memref_squeeze %dma_start3A_651 : memref<1x!tpu.dma_semaphore, #tpu.memory_space<semaphore_mem>> -> memref<!tpu.dma_semaphore, #tpu.memory_space<semaphore_mem>>
      %dma_start3A_653 = arith.constant 0 : i32
      %dma_start3A_654 = tpu.memref_slice %arg4[%mul3A_642, %dma_start3A_653] : memref<819200x128xf32, #tpu.memory_space<hbm>> -> memref<256x64xf32, #tpu.memory_space<hbm>>
      %dma_start3A_655 = arith.constant 0 : i32
      %dma_start3A_656 = arith.constant 0 : i32
      %dma_start3A_657 = tpu.memref_slice %arg6[%dma_start3A_643, %dma_start3A_655, %dma_start3A_656] : memref<4x256x64xf32, #tpu.memory_space<vmem>> -> memref<1x256x64xf32, #tpu.memory_space<vmem>>
      %dma_start3A_658 = tpu.memref_squeeze %dma_start3A_657 : memref<1x256x64xf32, #tpu.memory_space<vmem>> -> memref<256x64xf32, #tpu.memory_space<vmem>>
      tpu.enqueue_dma source(%dma_start3A_658 : memref<256x64xf32, #tpu.memory_space<vmem>>) target(%dma_start3A_654 : memref<256x64xf32, #tpu.memory_space<hbm>>) target_semaphore(%dma_start3A_652 : memref<!tpu.dma_semaphore, #tpu.memory_space<semaphore_mem>>)
      %dma_wait3A_659 = arith.constant 2 : i32
      %dma_wait3A_660 = arith.constant 2 : i32
      %dma_wait3A_661 = arith.constant 0 : i32
      %dma_wait3A_662 = arith.constant 0 : i32
      %dma_wait3A_663 = tpu.memref_slice %arg6[%dma_wait3A_659, %dma_wait3A_661, %dma_wait3A_662] : memref<4x256x64xf32, #tpu.memory_space<vmem>> -> memref<1x256x64xf32, #tpu.memory_space<vmem>>
      %dma_wait3A_664 = tpu.memref_squeeze %dma_wait3A_663 : memref<1x256x64xf32, #tpu.memory_space<vmem>> -> memref<256x64xf32, #tpu.memory_space<vmem>>
      %dma_wait3A_665 = arith.constant 0 : i32
      %dma_wait3A_666 = arith.constant 0 : i32
      %dma_wait3A_667 = tpu.memref_slice %arg4[%dma_wait3A_665, %dma_wait3A_666] : memref<819200x128xf32, #tpu.memory_space<hbm>> -> memref<256x64xf32, #tpu.memory_space<hbm>>
      %dma_wait3A_668 = tpu.memref_slice %arg8[%dma_wait3A_660] : memref<4x!tpu.dma_semaphore, #tpu.memory_space<semaphore_mem>> -> memref<1x!tpu.dma_semaphore, #tpu.memory_space<semaphore_mem>>
      %dma_wait3A_669 = tpu.memref_squeeze %dma_wait3A_668 : memref<1x!tpu.dma_semaphore, #tpu.memory_space<semaphore_mem>> -> memref<!tpu.dma_semaphore, #tpu.memory_space<semaphore_mem>>
      %dma_wait3A_670 = arith.constant 0 : i32
      %dma_wait3A_671 = arith.constant 0 : i32
      %dma_wait3A_672 = tpu.memref_slice %arg4[%dma_wait3A_670, %dma_wait3A_671] : memref<819200x128xf32, #tpu.memory_space<hbm>> -> memref<256x64xf32, #tpu.memory_space<hbm>>
      %dma_wait3A_673 = arith.constant 0 : i32
      %dma_wait3A_674 = arith.constant 0 : i32
      %dma_wait3A_675 = tpu.memref_slice %arg6[%dma_wait3A_659, %dma_wait3A_673, %dma_wait3A_674] : memref<4x256x64xf32, #tpu.memory_space<vmem>> -> memref<1x256x64xf32, #tpu.memory_space<vmem>>
      %dma_wait3A_676 = tpu.memref_squeeze %dma_wait3A_675 : memref<1x256x64xf32, #tpu.memory_space<vmem>> -> memref<256x64xf32, #tpu.memory_space<vmem>>
      tpu.wait_dma2 semaphore(%dma_wait3A_669 : memref<!tpu.dma_semaphore, #tpu.memory_space<semaphore_mem>>) src(%dma_wait3A_676 : memref<256x64xf32, #tpu.memory_space<vmem>>) dst(%dma_wait3A_672 : memref<256x64xf32, #tpu.memory_space<hbm>>)
      %add3A_677 = arith.constant 2 : i32
      %add3A_678 = arith.addi %add3A_613, %add3A_677 : i32
      %mul3A_679 = arith.constant 2 : i32
      %mul3A_680 = arith.muli %add3A_678, %mul3A_679 : i32
      %add3A_681 = arith.addi %mul3A_2, %mul3A_680 : i32
      %run_scoped3A_682 = arith.constant 2 : i32
      "tpu.region"() ({
        %run_scoped3A_822 = tpu.sem_alloc : memref<!tpu.dma_semaphore, #tpu.memory_space<semaphore_mem>>
        %dma_start3A_823 = arith.constant 0 : i32
        %dma_start3A_824 = arith.constant 0 : i32
        %dma_start3A_825 = tpu.memref_slice %arg5[%run_scoped3A_682, %dma_start3A_823, %dma_start3A_824] : memref<4x2x128xi32, #tpu.memory_space<vmem>> -> memref<1x2x128xi32, #tpu.memory_space<vmem>>
        %dma_start3A_826 = tpu.memref_squeeze %dma_start3A_825 : memref<1x2x128xi32, #tpu.memory_space<vmem>> -> memref<2x128xi32, #tpu.memory_space<vmem>>
        %dma_start3A_827 = arith.constant 0 : i32
        %dma_start3A_828 = tpu.memref_slice %arg2[%add3A_681, %dma_start3A_827] : memref<6400x128xi32, #tpu.memory_space<hbm>> -> memref<2x128xi32, #tpu.memory_space<hbm>>
        %dma_start3A_829 = arith.constant 0 : i32
        %dma_start3A_830 = arith.constant 0 : i32
        %dma_start3A_831 = tpu.memref_slice %arg5[%run_scoped3A_682, %dma_start3A_829, %dma_start3A_830] : memref<4x2x128xi32, #tpu.memory_space<vmem>> -> memref<1x2x128xi32, #tpu.memory_space<vmem>>
        %dma_start3A_832 = tpu.memref_squeeze %dma_start3A_831 : memref<1x2x128xi32, #tpu.memory_space<vmem>> -> memref<2x128xi32, #tpu.memory_space<vmem>>
        %dma_start3A_833 = arith.constant 0 : i32
        %dma_start3A_834 = tpu.memref_slice %arg2[%add3A_681, %dma_start3A_833] : memref<6400x128xi32, #tpu.memory_space<hbm>> -> memref<2x128xi32, #tpu.memory_space<hbm>>
        tpu.enqueue_dma source(%dma_start3A_834 : memref<2x128xi32, #tpu.memory_space<hbm>>) target(%dma_start3A_832 : memref<2x128xi32, #tpu.memory_space<vmem>>) target_semaphore(%run_scoped3A_822 : memref<!tpu.dma_semaphore, #tpu.memory_space<semaphore_mem>>)
        %dma_wait3A_835 = arith.constant 0 : i32
        %dma_wait3A_836 = arith.constant 0 : i32
        %dma_wait3A_837 = tpu.memref_slice %arg5[%run_scoped3A_682, %dma_wait3A_835, %dma_wait3A_836] : memref<4x2x128xi32, #tpu.memory_space<vmem>> -> memref<1x2x128xi32, #tpu.memory_space<vmem>>
        %dma_wait3A_838 = tpu.memref_squeeze %dma_wait3A_837 : memref<1x2x128xi32, #tpu.memory_space<vmem>> -> memref<2x128xi32, #tpu.memory_space<vmem>>
        %dma_wait3A_839 = arith.constant 0 : i32
        %dma_wait3A_840 = tpu.memref_slice %arg2[%add3A_681, %dma_wait3A_839] : memref<6400x128xi32, #tpu.memory_space<hbm>> -> memref<2x128xi32, #tpu.memory_space<hbm>>
        %dma_wait3A_841 = arith.constant 0 : i32
        %dma_wait3A_842 = arith.constant 0 : i32
        %dma_wait3A_843 = tpu.memref_slice %arg5[%run_scoped3A_682, %dma_wait3A_841, %dma_wait3A_842] : memref<4x2x128xi32, #tpu.memory_space<vmem>> -> memref<1x2x128xi32, #tpu.memory_space<vmem>>
        %dma_wait3A_844 = tpu.memref_squeeze %dma_wait3A_843 : memref<1x2x128xi32, #tpu.memory_space<vmem>> -> memref<2x128xi32, #tpu.memory_space<vmem>>
        %dma_wait3A_845 = arith.constant 0 : i32
        %dma_wait3A_846 = tpu.memref_slice %arg2[%add3A_681, %dma_wait3A_845] : memref<6400x128xi32, #tpu.memory_space<hbm>> -> memref<2x128xi32, #tpu.memory_space<hbm>>
        tpu.wait_dma2 semaphore(%run_scoped3A_822 : memref<!tpu.dma_semaphore, #tpu.memory_space<semaphore_mem>>) src(%dma_wait3A_846 : memref<2x128xi32, #tpu.memory_space<hbm>>) dst(%dma_wait3A_844 : memref<2x128xi32, #tpu.memory_space<vmem>>)
        tpu.yield
      }) : () -> ()
      %dma_start3A_683 = arith.constant 2 : i32
      %dma_start3A_684 = arith.constant 0 : i32
      %dma_start3A_685 = arith.constant 2 : i32
      %dma_start3A_686 = arith.constant 2 : i32
      %dma_start3A_687 = arith.constant 0 : i32
      %dma_start3A_688 = arith.constant 0 : i32
      %dma_start3A_689 = tpu.memref_slice %arg6[%dma_start3A_685, %dma_start3A_687, %dma_start3A_688] : memref<4x256x64xf32, #tpu.memory_space<vmem>> -> memref<1x128x64xf32, #tpu.memory_space<vmem>>
      %dma_start3A_690 = tpu.memref_squeeze %dma_start3A_689 : memref<1x128x64xf32, #tpu.memory_space<vmem>> -> memref<128x64xf32, #tpu.memory_space<vmem>>
      %dma_start3A_691 = arith.constant 0 : i32
      %dma_start3A_692 = tpu.memref_slice %arg5[%dma_start3A_683, %dma_start3A_684, %dma_start3A_691] : memref<4x2x128xi32, #tpu.memory_space<vmem>> -> memref<1x1x128xi32, #tpu.memory_space<vmem>>
      %dma_start3A_693 = tpu.memref_squeeze %dma_start3A_692 : memref<1x1x128xi32, #tpu.memory_space<vmem>> -> memref<128xi32, #tpu.memory_space<vmem>>
      %dma_start3A_694 = arith.constant 0 : i32
      %dma_start3A_695 = arith.constant 0 : i32
      %dma_start3A_696 = tpu.memref_slice %arg3[%dma_start3A_694, %dma_start3A_695] : memref<1000000x64xf32, #tpu.memory_space<hbm>> -> memref<1000000x64xf32, #tpu.memory_space<hbm>>
      %dma_start3A_697 = tpu.memref_slice %arg7[%dma_start3A_686] : memref<4x!tpu.dma_semaphore, #tpu.memory_space<semaphore_mem>> -> memref<1x!tpu.dma_semaphore, #tpu.memory_space<semaphore_mem>>
      %dma_start3A_698 = tpu.memref_squeeze %dma_start3A_697 : memref<1x!tpu.dma_semaphore, #tpu.memory_space<semaphore_mem>> -> memref<!tpu.dma_semaphore, #tpu.memory_space<semaphore_mem>>
      tpu.enqueue_indirect_dma source(%dma_start3A_696 : memref<1000000x64xf32, #tpu.memory_space<hbm>>) target(%dma_start3A_690 : memref<128x64xf32, #tpu.memory_space<vmem>>) offsets(%dma_start3A_693 : memref<128xi32, #tpu.memory_space<vmem>>) semaphore(%dma_start3A_698 : memref<!tpu.dma_semaphore, #tpu.memory_space<semaphore_mem>>)
      %dma_start3A_699 = arith.constant 2 : i32
      %dma_start3A_700 = arith.constant 1 : i32
      %dma_start3A_701 = arith.constant 2 : i32
      %dma_start3A_702 = arith.constant 2 : i32
      %dma_start3A_703 = arith.constant 128 : i32
      %dma_start3A_704 = arith.constant 0 : i32
      %dma_start3A_705 = tpu.memref_slice %arg6[%dma_start3A_701, %dma_start3A_703, %dma_start3A_704] : memref<4x256x64xf32, #tpu.memory_space<vmem>> -> memref<1x128x64xf32, #tpu.memory_space<vmem>>
      %dma_start3A_706 = tpu.memref_squeeze %dma_start3A_705 : memref<1x128x64xf32, #tpu.memory_space<vmem>> -> memref<128x64xf32, #tpu.memory_space<vmem>>
      %dma_start3A_707 = arith.constant 0 : i32
      %dma_start3A_708 = tpu.memref_slice %arg5[%dma_start3A_699, %dma_start3A_700, %dma_start3A_707] : memref<4x2x128xi32, #tpu.memory_space<vmem>> -> memref<1x1x128xi32, #tpu.memory_space<vmem>>
      %dma_start3A_709 = tpu.memref_squeeze %dma_start3A_708 : memref<1x1x128xi32, #tpu.memory_space<vmem>> -> memref<128xi32, #tpu.memory_space<vmem>>
      %dma_start3A_710 = arith.constant 0 : i32
      %dma_start3A_711 = arith.constant 0 : i32
      %dma_start3A_712 = tpu.memref_slice %arg3[%dma_start3A_710, %dma_start3A_711] : memref<1000000x64xf32, #tpu.memory_space<hbm>> -> memref<1000000x64xf32, #tpu.memory_space<hbm>>
      %dma_start3A_713 = tpu.memref_slice %arg7[%dma_start3A_702] : memref<4x!tpu.dma_semaphore, #tpu.memory_space<semaphore_mem>> -> memref<1x!tpu.dma_semaphore, #tpu.memory_space<semaphore_mem>>
      %dma_start3A_714 = tpu.memref_squeeze %dma_start3A_713 : memref<1x!tpu.dma_semaphore, #tpu.memory_space<semaphore_mem>> -> memref<!tpu.dma_semaphore, #tpu.memory_space<semaphore_mem>>
      tpu.enqueue_indirect_dma source(%dma_start3A_712 : memref<1000000x64xf32, #tpu.memory_space<hbm>>) target(%dma_start3A_706 : memref<128x64xf32, #tpu.memory_space<vmem>>) offsets(%dma_start3A_709 : memref<128xi32, #tpu.memory_space<vmem>>) semaphore(%dma_start3A_714 : memref<!tpu.dma_semaphore, #tpu.memory_space<semaphore_mem>>)
      %mul3A_715 = arith.constant 4 : i32
      %mul3A_716 = arith.muli %scan3A_393, %mul3A_715 : i32
      %add3A_717 = arith.constant 2 : i32
      %add3A_718 = arith.addi %add3A_717, %mul3A_716 : i32
      %add3A_719 = arith.constant 3 : i32
      %add3A_720 = arith.addi %add3A_718, %add3A_719 : i32
      %dma_wait3A_721 = arith.constant 1 : i32
      %dma_wait3A_722 = arith.constant 1 : i32
      %dma_wait3A_723 = arith.constant 0 : i32
      %dma_wait3A_724 = arith.constant 0 : i32
      %dma_wait3A_725 = tpu.memref_slice %arg6[%dma_wait3A_721, %dma_wait3A_723, %dma_wait3A_724] : memref<4x256x64xf32, #tpu.memory_space<vmem>> -> memref<1x256x64xf32, #tpu.memory_space<vmem>>
      %dma_wait3A_726 = tpu.memref_squeeze %dma_wait3A_725 : memref<1x256x64xf32, #tpu.memory_space<vmem>> -> memref<256x64xf32, #tpu.memory_space<vmem>>
      %dma_wait3A_727 = arith.constant 0 : i32
      %dma_wait3A_728 = arith.constant 0 : i32
      %dma_wait3A_729 = tpu.memref_slice %arg3[%dma_wait3A_727, %dma_wait3A_728] : memref<1000000x64xf32, #tpu.memory_space<hbm>> -> memref<256x64xf32, #tpu.memory_space<hbm>>
      %dma_wait3A_730 = tpu.memref_slice %arg7[%dma_wait3A_722] : memref<4x!tpu.dma_semaphore, #tpu.memory_space<semaphore_mem>> -> memref<1x!tpu.dma_semaphore, #tpu.memory_space<semaphore_mem>>
      %dma_wait3A_731 = tpu.memref_squeeze %dma_wait3A_730 : memref<1x!tpu.dma_semaphore, #tpu.memory_space<semaphore_mem>> -> memref<!tpu.dma_semaphore, #tpu.memory_space<semaphore_mem>>
      %dma_wait3A_732 = arith.constant 0 : i32
      %dma_wait3A_733 = arith.constant 0 : i32
      %dma_wait3A_734 = tpu.memref_slice %arg6[%dma_wait3A_721, %dma_wait3A_732, %dma_wait3A_733] : memref<4x256x64xf32, #tpu.memory_space<vmem>> -> memref<1x256x64xf32, #tpu.memory_space<vmem>>
      %dma_wait3A_735 = tpu.memref_squeeze %dma_wait3A_734 : memref<1x256x64xf32, #tpu.memory_space<vmem>> -> memref<256x64xf32, #tpu.memory_space<vmem>>
      %dma_wait3A_736 = arith.constant 0 : i32
      %dma_wait3A_737 = arith.constant 0 : i32
      %dma_wait3A_738 = tpu.memref_slice %arg3[%dma_wait3A_736, %dma_wait3A_737] : memref<1000000x64xf32, #tpu.memory_space<hbm>> -> memref<256x64xf32, #tpu.memory_space<hbm>>
      tpu.wait_dma2 semaphore(%dma_wait3A_731 : memref<!tpu.dma_semaphore, #tpu.memory_space<semaphore_mem>>) src(%dma_wait3A_738 : memref<256x64xf32, #tpu.memory_space<hbm>>) dst(%dma_wait3A_735 : memref<256x64xf32, #tpu.memory_space<vmem>>)
      %scan3A_739 = arith.constant 0 : i32
      %scan3A_740 = arith.constant 0 : i32
      %scan3A_741 = arith.constant 64 : i32
      %scan3A_742 = arith.addi %scan3A_740, %scan3A_741 : i32
      %scan3A_743 = arith.constant 1 : i32
      scf.for %scan3A_822 = %scan3A_740 to %scan3A_742 step %scan3A_743  : i32 {
        %mul3A_823 = arith.constant 4 : i32
        %mul3A_824 = arith.muli %scan3A_822, %mul3A_823 : i32
        %add3A_825 = arith.constant 0 : i32
        %add3A_826 = arith.addi %mul3A_824, %add3A_825 : i32
        %get3A = arith.constant 1 : i32
        %get3A_827 = arith.index_cast %get3A : i32 to index
        %get3A_828 = arith.index_cast %add3A_826 : i32 to index
        %get3A_829 = arith.constant 0 : index
        %get3A_830 = tpu.vector_load %arg6[%get3A_827, %get3A_828, %get3A_829] {strides = array<i32>} : memref<4x256x64xf32, #tpu.memory_space<vmem>>, vector<1x1x16xf32>,
        %get3A_831 = vector.shape_cast %get3A_830 : vector<1x1x16xf32> to vector<16xf32>
        %mul3A_832 = arith.constant 8.000000e+00 : f32
        %mul3A_833 = vector.broadcast %mul3A_832 : f32 to vector<16xf32>
        %mul3A_834 = arith.mulf %get3A_831, %mul3A_833 : vector<16xf32>
        %swap3A = arith.constant 1 : i32
        %swap3A_835 = arith.index_cast %swap3A : i32 to index
        %swap3A_836 = arith.index_cast %add3A_826 : i32 to index
        %swap3A_837 = arith.constant 0 : index
        %swap3A_838 = tpu.vector_load %arg6[%swap3A_835, %swap3A_836, %swap3A_837] {strides = array<i32>} : memref<4x256x64xf32, #tpu.memory_space<vmem>>, vector<1x1x16xf32>,
        %swap3A_839 = vector.shape_cast %swap3A_838 : vector<1x1x16xf32> to vector<16xf32>
        %swap3A_840 = vector.shape_cast %mul3A_834 : vector<16xf32> to vector<1x1x16xf32>
        tpu.vector_store %arg6[%swap3A_835, %swap3A_836, %swap3A_837], %swap3A_840 {strides = array<i32>} : memref<4x256x64xf32, #tpu.memory_space<vmem>>, vector<1x1x16xf32>,
        %add3A_841 = arith.constant 0 : i32
        %add3A_842 = arith.addi %mul3A_824, %add3A_841 : i32
        %get3A_843 = arith.constant 1 : i32
        %get3A_844 = arith.index_cast %get3A_843 : i32 to index
        %get3A_845 = arith.index_cast %add3A_842 : i32 to index
        %get3A_846 = arith.constant 16 : index
        %get3A_847 = tpu.vector_load %arg6[%get3A_844, %get3A_845, %get3A_846] {strides = array<i32>} : memref<4x256x64xf32, #tpu.memory_space<vmem>>, vector<1x1x16xf32>,
        %get3A_848 = vector.shape_cast %get3A_847 : vector<1x1x16xf32> to vector<16xf32>
        %mul3A_849 = arith.constant 8.000000e+00 : f32
        %mul3A_850 = vector.broadcast %mul3A_849 : f32 to vector<16xf32>
        %mul3A_851 = arith.mulf %get3A_848, %mul3A_850 : vector<16xf32>
        %swap3A_852 = arith.constant 1 : i32
        %swap3A_853 = arith.index_cast %swap3A_852 : i32 to index
        %swap3A_854 = arith.index_cast %add3A_842 : i32 to index
        %swap3A_855 = arith.constant 16 : index
        %swap3A_856 = tpu.vector_load %arg6[%swap3A_853, %swap3A_854, %swap3A_855] {strides = array<i32>} : memref<4x256x64xf32, #tpu.memory_space<vmem>>, vector<1x1x16xf32>,
        %swap3A_857 = vector.shape_cast %swap3A_856 : vector<1x1x16xf32> to vector<16xf32>
        %swap3A_858 = vector.shape_cast %mul3A_851 : vector<16xf32> to vector<1x1x16xf32>
        tpu.vector_store %arg6[%swap3A_853, %swap3A_854, %swap3A_855], %swap3A_858 {strides = array<i32>} : memref<4x256x64xf32, #tpu.memory_space<vmem>>, vector<1x1x16xf32>,
        %add3A_859 = arith.constant 0 : i32
        %add3A_860 = arith.addi %mul3A_824, %add3A_859 : i32
        %get3A_861 = arith.constant 1 : i32
        %get3A_862 = arith.index_cast %get3A_861 : i32 to index
        %get3A_863 = arith.index_cast %add3A_860 : i32 to index
        %get3A_864 = arith.constant 32 : index
        %get3A_865 = tpu.vector_load %arg6[%get3A_862, %get3A_863, %get3A_864] {strides = array<i32>} : memref<4x256x64xf32, #tpu.memory_space<vmem>>, vector<1x1x16xf32>,
        %get3A_866 = vector.shape_cast %get3A_865 : vector<1x1x16xf32> to vector<16xf32>
        %mul3A_867 = arith.constant 8.000000e+00 : f32
        %mul3A_868 = vector.broadcast %mul3A_867 : f32 to vector<16xf32>
        %mul3A_869 = arith.mulf %get3A_866, %mul3A_868 : vector<16xf32>
        %swap3A_870 = arith.constant 1 : i32
        %swap3A_871 = arith.index_cast %swap3A_870 : i32 to index
        %swap3A_872 = arith.index_cast %add3A_860 : i32 to index
        %swap3A_873 = arith.constant 32 : index
        %swap3A_874 = tpu.vector_load %arg6[%swap3A_871, %swap3A_872, %swap3A_873] {strides = array<i32>} : memref<4x256x64xf32, #tpu.memory_space<vmem>>, vector<1x1x16xf32>,
        %swap3A_875 = vector.shape_cast %swap3A_874 : vector<1x1x16xf32> to vector<16xf32>
        %swap3A_876 = vector.shape_cast %mul3A_869 : vector<16xf32> to vector<1x1x16xf32>
        tpu.vector_store %arg6[%swap3A_871, %swap3A_872, %swap3A_873], %swap3A_876 {strides = array<i32>} : memref<4x256x64xf32, #tpu.memory_space<vmem>>, vector<1x1x16xf32>,
        %add3A_877 = arith.constant 0 : i32
        %add3A_878 = arith.addi %mul3A_824, %add3A_877 : i32
        %get3A_879 = arith.constant 1 : i32
        %get3A_880 = arith.index_cast %get3A_879 : i32 to index
        %get3A_881 = arith.index_cast %add3A_878 : i32 to index
        %get3A_882 = arith.constant 48 : index
        %get3A_883 = tpu.vector_load %arg6[%get3A_880, %get3A_881, %get3A_882] {strides = array<i32>} : memref<4x256x64xf32, #tpu.memory_space<vmem>>, vector<1x1x16xf32>,
        %get3A_884 = vector.shape_cast %get3A_883 : vector<1x1x16xf32> to vector<16xf32>
        %mul3A_885 = arith.constant 8.000000e+00 : f32
        %mul3A_886 = vector.broadcast %mul3A_885 : f32 to vector<16xf32>
        %mul3A_887 = arith.mulf %get3A_884, %mul3A_886 : vector<16xf32>
        %swap3A_888 = arith.constant 1 : i32
        %swap3A_889 = arith.index_cast %swap3A_888 : i32 to index
        %swap3A_890 = arith.index_cast %add3A_878 : i32 to index
        %swap3A_891 = arith.constant 48 : index
        %swap3A_892 = tpu.vector_load %arg6[%swap3A_889, %swap3A_890, %swap3A_891] {strides = array<i32>} : memref<4x256x64xf32, #tpu.memory_space<vmem>>, vector<1x1x16xf32>,
        %swap3A_893 = vector.shape_cast %swap3A_892 : vector<1x1x16xf32> to vector<16xf32>
        %swap3A_894 = vector.shape_cast %mul3A_887 : vector<16xf32> to vector<1x1x16xf32>
        tpu.vector_store %arg6[%swap3A_889, %swap3A_890, %swap3A_891], %swap3A_894 {strides = array<i32>} : memref<4x256x64xf32, #tpu.memory_space<vmem>>, vector<1x1x16xf32>,
        %add3A_895 = arith.constant 1 : i32
        %add3A_896 = arith.addi %mul3A_824, %add3A_895 : i32
        %get3A_897 = arith.constant 1 : i32
        %get3A_898 = arith.index_cast %get3A_897 : i32 to index
        %get3A_899 = arith.index_cast %add3A_896 : i32 to index
        %get3A_900 = arith.constant 0 : index
        %get3A_901 = tpu.vector_load %arg6[%get3A_898, %get3A_899, %get3A_900] {strides = array<i32>} : memref<4x256x64xf32, #tpu.memory_space<vmem>>, vector<1x1x16xf32>,
        %get3A_902 = vector.shape_cast %get3A_901 : vector<1x1x16xf32> to vector<16xf32>
        %mul3A_903 = arith.constant 8.000000e+00 : f32
        %mul3A_904 = vector.broadcast %mul3A_903 : f32 to vector<16xf32>
        %mul3A_905 = arith.mulf %get3A_902, %mul3A_904 : vector<16xf32>
        %swap3A_906 = arith.constant 1 : i32
        %swap3A_907 = arith.index_cast %swap3A_906 : i32 to index
        %swap3A_908 = arith.index_cast %add3A_896 : i32 to index
        %swap3A_909 = arith.constant 0 : index
        %swap3A_910 = tpu.vector_load %arg6[%swap3A_907, %swap3A_908, %swap3A_909] {strides = array<i32>} : memref<4x256x64xf32, #tpu.memory_space<vmem>>, vector<1x1x16xf32>,
        %swap3A_911 = vector.shape_cast %swap3A_910 : vector<1x1x16xf32> to vector<16xf32>
        %swap3A_912 = vector.shape_cast %mul3A_905 : vector<16xf32> to vector<1x1x16xf32>
        tpu.vector_store %arg6[%swap3A_907, %swap3A_908, %swap3A_909], %swap3A_912 {strides = array<i32>} : memref<4x256x64xf32, #tpu.memory_space<vmem>>, vector<1x1x16xf32>,
        %add3A_913 = arith.constant 1 : i32
        %add3A_914 = arith.addi %mul3A_824, %add3A_913 : i32
        %get3A_915 = arith.constant 1 : i32
        %get3A_916 = arith.index_cast %get3A_915 : i32 to index
        %get3A_917 = arith.index_cast %add3A_914 : i32 to index
        %get3A_918 = arith.constant 16 : index
        %get3A_919 = tpu.vector_load %arg6[%get3A_916, %get3A_917, %get3A_918] {strides = array<i32>} : memref<4x256x64xf32, #tpu.memory_space<vmem>>, vector<1x1x16xf32>,
        %get3A_920 = vector.shape_cast %get3A_919 : vector<1x1x16xf32> to vector<16xf32>
        %mul3A_921 = arith.constant 8.000000e+00 : f32
        %mul3A_922 = vector.broadcast %mul3A_921 : f32 to vector<16xf32>
        %mul3A_923 = arith.mulf %get3A_920, %mul3A_922 : vector<16xf32>
        %swap3A_924 = arith.constant 1 : i32
        %swap3A_925 = arith.index_cast %swap3A_924 : i32 to index
        %swap3A_926 = arith.index_cast %add3A_914 : i32 to index
        %swap3A_927 = arith.constant 16 : index
        %swap3A_928 = tpu.vector_load %arg6[%swap3A_925, %swap3A_926, %swap3A_927] {strides = array<i32>} : memref<4x256x64xf32, #tpu.memory_space<vmem>>, vector<1x1x16xf32>,
        %swap3A_929 = vector.shape_cast %swap3A_928 : vector<1x1x16xf32> to vector<16xf32>
        %swap3A_930 = vector.shape_cast %mul3A_923 : vector<16xf32> to vector<1x1x16xf32>
        tpu.vector_store %arg6[%swap3A_925, %swap3A_926, %swap3A_927], %swap3A_930 {strides = array<i32>} : memref<4x256x64xf32, #tpu.memory_space<vmem>>, vector<1x1x16xf32>,
        %add3A_931 = arith.constant 1 : i32
        %add3A_932 = arith.addi %mul3A_824, %add3A_931 : i32
        %get3A_933 = arith.constant 1 : i32
        %get3A_934 = arith.index_cast %get3A_933 : i32 to index
        %get3A_935 = arith.index_cast %add3A_932 : i32 to index
        %get3A_936 = arith.constant 32 : index
        %get3A_937 = tpu.vector_load %arg6[%get3A_934, %get3A_935, %get3A_936] {strides = array<i32>} : memref<4x256x64xf32, #tpu.memory_space<vmem>>, vector<1x1x16xf32>,
        %get3A_938 = vector.shape_cast %get3A_937 : vector<1x1x16xf32> to vector<16xf32>
        %mul3A_939 = arith.constant 8.000000e+00 : f32
        %mul3A_940 = vector.broadcast %mul3A_939 : f32 to vector<16xf32>
        %mul3A_941 = arith.mulf %get3A_938, %mul3A_940 : vector<16xf32>
        %swap3A_942 = arith.constant 1 : i32
        %swap3A_943 = arith.index_cast %swap3A_942 : i32 to index
        %swap3A_944 = arith.index_cast %add3A_932 : i32 to index
        %swap3A_945 = arith.constant 32 : index
        %swap3A_946 = tpu.vector_load %arg6[%swap3A_943, %swap3A_944, %swap3A_945] {strides = array<i32>} : memref<4x256x64xf32, #tpu.memory_space<vmem>>, vector<1x1x16xf32>,
        %swap3A_947 = vector.shape_cast %swap3A_946 : vector<1x1x16xf32> to vector<16xf32>
        %swap3A_948 = vector.shape_cast %mul3A_941 : vector<16xf32> to vector<1x1x16xf32>
        tpu.vector_store %arg6[%swap3A_943, %swap3A_944, %swap3A_945], %swap3A_948 {strides = array<i32>} : memref<4x256x64xf32, #tpu.memory_space<vmem>>, vector<1x1x16xf32>,
        %add3A_949 = arith.constant 1 : i32
        %add3A_950 = arith.addi %mul3A_824, %add3A_949 : i32
        %get3A_951 = arith.constant 1 : i32
        %get3A_952 = arith.index_cast %get3A_951 : i32 to index
        %get3A_953 = arith.index_cast %add3A_950 : i32 to index
        %get3A_954 = arith.constant 48 : index
        %get3A_955 = tpu.vector_load %arg6[%get3A_952, %get3A_953, %get3A_954] {strides = array<i32>} : memref<4x256x64xf32, #tpu.memory_space<vmem>>, vector<1x1x16xf32>,
        %get3A_956 = vector.shape_cast %get3A_955 : vector<1x1x16xf32> to vector<16xf32>
        %mul3A_957 = arith.constant 8.000000e+00 : f32
        %mul3A_958 = vector.broadcast %mul3A_957 : f32 to vector<16xf32>
        %mul3A_959 = arith.mulf %get3A_956, %mul3A_958 : vector<16xf32>
        %swap3A_960 = arith.constant 1 : i32
        %swap3A_961 = arith.index_cast %swap3A_960 : i32 to index
        %swap3A_962 = arith.index_cast %add3A_950 : i32 to index
        %swap3A_963 = arith.constant 48 : index
        %swap3A_964 = tpu.vector_load %arg6[%swap3A_961, %swap3A_962, %swap3A_963] {strides = array<i32>} : memref<4x256x64xf32, #tpu.memory_space<vmem>>, vector<1x1x16xf32>,
        %swap3A_965 = vector.shape_cast %swap3A_964 : vector<1x1x16xf32> to vector<16xf32>
        %swap3A_966 = vector.shape_cast %mul3A_959 : vector<16xf32> to vector<1x1x16xf32>
        tpu.vector_store %arg6[%swap3A_961, %swap3A_962, %swap3A_963], %swap3A_966 {strides = array<i32>} : memref<4x256x64xf32, #tpu.memory_space<vmem>>, vector<1x1x16xf32>,
        %add3A_967 = arith.constant 2 : i32
        %add3A_968 = arith.addi %mul3A_824, %add3A_967 : i32
        %get3A_969 = arith.constant 1 : i32
        %get3A_970 = arith.index_cast %get3A_969 : i32 to index
        %get3A_971 = arith.index_cast %add3A_968 : i32 to index
        %get3A_972 = arith.constant 0 : index
        %get3A_973 = tpu.vector_load %arg6[%get3A_970, %get3A_971, %get3A_972] {strides = array<i32>} : memref<4x256x64xf32, #tpu.memory_space<vmem>>, vector<1x1x16xf32>,
        %get3A_974 = vector.shape_cast %get3A_973 : vector<1x1x16xf32> to vector<16xf32>
        %mul3A_975 = arith.constant 8.000000e+00 : f32
        %mul3A_976 = vector.broadcast %mul3A_975 : f32 to vector<16xf32>
        %mul3A_977 = arith.mulf %get3A_974, %mul3A_976 : vector<16xf32>
        %swap3A_978 = arith.constant 1 : i32
        %swap3A_979 = arith.index_cast %swap3A_978 : i32 to index
        %swap3A_980 = arith.index_cast %add3A_968 : i32 to index
        %swap3A_981 = arith.constant 0 : index
        %swap3A_982 = tpu.vector_load %arg6[%swap3A_979, %swap3A_980, %swap3A_981] {strides = array<i32>} : memref<4x256x64xf32, #tpu.memory_space<vmem>>, vector<1x1x16xf32>,
        %swap3A_983 = vector.shape_cast %swap3A_982 : vector<1x1x16xf32> to vector<16xf32>
        %swap3A_984 = vector.shape_cast %mul3A_977 : vector<16xf32> to vector<1x1x16xf32>
        tpu.vector_store %arg6[%swap3A_979, %swap3A_980, %swap3A_981], %swap3A_984 {strides = array<i32>} : memref<4x256x64xf32, #tpu.memory_space<vmem>>, vector<1x1x16xf32>,
        %add3A_985 = arith.constant 2 : i32
        %add3A_986 = arith.addi %mul3A_824, %add3A_985 : i32
        %get3A_987 = arith.constant 1 : i32
        %get3A_988 = arith.index_cast %get3A_987 : i32 to index
        %get3A_989 = arith.index_cast %add3A_986 : i32 to index
        %get3A_990 = arith.constant 16 : index
        %get3A_991 = tpu.vector_load %arg6[%get3A_988, %get3A_989, %get3A_990] {strides = array<i32>} : memref<4x256x64xf32, #tpu.memory_space<vmem>>, vector<1x1x16xf32>,
        %get3A_992 = vector.shape_cast %get3A_991 : vector<1x1x16xf32> to vector<16xf32>
        %mul3A_993 = arith.constant 8.000000e+00 : f32
        %mul3A_994 = vector.broadcast %mul3A_993 : f32 to vector<16xf32>
        %mul3A_995 = arith.mulf %get3A_992, %mul3A_994 : vector<16xf32>
        %swap3A_996 = arith.constant 1 : i32
        %swap3A_997 = arith.index_cast %swap3A_996 : i32 to index
        %swap3A_998 = arith.index_cast %add3A_986 : i32 to index
        %swap3A_999 = arith.constant 16 : index
        %swap3A_1000 = tpu.vector_load %arg6[%swap3A_997, %swap3A_998, %swap3A_999] {strides = array<i32>} : memref<4x256x64xf32, #tpu.memory_space<vmem>>, vector<1x1x16xf32>,
        %swap3A_1001 = vector.shape_cast %swap3A_1000 : vector<1x1x16xf32> to vector<16xf32>
        %swap3A_1002 = vector.shape_cast %mul3A_995 : vector<16xf32> to vector<1x1x16xf32>
        tpu.vector_store %arg6[%swap3A_997, %swap3A_998, %swap3A_999], %swap3A_1002 {strides = array<i32>} : memref<4x256x64xf32, #tpu.memory_space<vmem>>, vector<1x1x16xf32>,
        %add3A_1003 = arith.constant 2 : i32
        %add3A_1004 = arith.addi %mul3A_824, %add3A_1003 : i32
        %get3A_1005 = arith.constant 1 : i32
        %get3A_1006 = arith.index_cast %get3A_1005 : i32 to index
        %get3A_1007 = arith.index_cast %add3A_1004 : i32 to index
        %get3A_1008 = arith.constant 32 : index
        %get3A_1009 = tpu.vector_load %arg6[%get3A_1006, %get3A_1007, %get3A_1008] {strides = array<i32>} : memref<4x256x64xf32, #tpu.memory_space<vmem>>, vector<1x1x16xf32>,
        %get3A_1010 = vector.shape_cast %get3A_1009 : vector<1x1x16xf32> to vector<16xf32>
        %mul3A_1011 = arith.constant 8.000000e+00 : f32
        %mul3A_1012 = vector.broadcast %mul3A_1011 : f32 to vector<16xf32>
        %mul3A_1013 = arith.mulf %get3A_1010, %mul3A_1012 : vector<16xf32>
        %swap3A_1014 = arith.constant 1 : i32
        %swap3A_1015 = arith.index_cast %swap3A_1014 : i32 to index
        %swap3A_1016 = arith.index_cast %add3A_1004 : i32 to index
        %swap3A_1017 = arith.constant 32 : index
        %swap3A_1018 = tpu.vector_load %arg6[%swap3A_1015, %swap3A_1016, %swap3A_1017] {strides = array<i32>} : memref<4x256x64xf32, #tpu.memory_space<vmem>>, vector<1x1x16xf32>,
        %swap3A_1019 = vector.shape_cast %swap3A_1018 : vector<1x1x16xf32> to vector<16xf32>
        %swap3A_1020 = vector.shape_cast %mul3A_1013 : vector<16xf32> to vector<1x1x16xf32>
        tpu.vector_store %arg6[%swap3A_1015, %swap3A_1016, %swap3A_1017], %swap3A_1020 {strides = array<i32>} : memref<4x256x64xf32, #tpu.memory_space<vmem>>, vector<1x1x16xf32>,
        %add3A_1021 = arith.constant 2 : i32
        %add3A_1022 = arith.addi %mul3A_824, %add3A_1021 : i32
        %get3A_1023 = arith.constant 1 : i32
        %get3A_1024 = arith.index_cast %get3A_1023 : i32 to index
        %get3A_1025 = arith.index_cast %add3A_1022 : i32 to index
        %get3A_1026 = arith.constant 48 : index
        %get3A_1027 = tpu.vector_load %arg6[%get3A_1024, %get3A_1025, %get3A_1026] {strides = array<i32>} : memref<4x256x64xf32, #tpu.memory_space<vmem>>, vector<1x1x16xf32>,
        %get3A_1028 = vector.shape_cast %get3A_1027 : vector<1x1x16xf32> to vector<16xf32>
        %mul3A_1029 = arith.constant 8.000000e+00 : f32
        %mul3A_1030 = vector.broadcast %mul3A_1029 : f32 to vector<16xf32>
        %mul3A_1031 = arith.mulf %get3A_1028, %mul3A_1030 : vector<16xf32>
        %swap3A_1032 = arith.constant 1 : i32
        %swap3A_1033 = arith.index_cast %swap3A_1032 : i32 to index
        %swap3A_1034 = arith.index_cast %add3A_1022 : i32 to index
        %swap3A_1035 = arith.constant 48 : index
        %swap3A_1036 = tpu.vector_load %arg6[%swap3A_1033, %swap3A_1034, %swap3A_1035] {strides = array<i32>} : memref<4x256x64xf32, #tpu.memory_space<vmem>>, vector<1x1x16xf32>,
        %swap3A_1037 = vector.shape_cast %swap3A_1036 : vector<1x1x16xf32> to vector<16xf32>
        %swap3A_1038 = vector.shape_cast %mul3A_1031 : vector<16xf32> to vector<1x1x16xf32>
        tpu.vector_store %arg6[%swap3A_1033, %swap3A_1034, %swap3A_1035], %swap3A_1038 {strides = array<i32>} : memref<4x256x64xf32, #tpu.memory_space<vmem>>, vector<1x1x16xf32>,
        %add3A_1039 = arith.constant 3 : i32
        %add3A_1040 = arith.addi %mul3A_824, %add3A_1039 : i32
        %get3A_1041 = arith.constant 1 : i32
        %get3A_1042 = arith.index_cast %get3A_1041 : i32 to index
        %get3A_1043 = arith.index_cast %add3A_1040 : i32 to index
        %get3A_1044 = arith.constant 0 : index
        %get3A_1045 = tpu.vector_load %arg6[%get3A_1042, %get3A_1043, %get3A_1044] {strides = array<i32>} : memref<4x256x64xf32, #tpu.memory_space<vmem>>, vector<1x1x16xf32>,
        %get3A_1046 = vector.shape_cast %get3A_1045 : vector<1x1x16xf32> to vector<16xf32>
        %mul3A_1047 = arith.constant 8.000000e+00 : f32
        %mul3A_1048 = vector.broadcast %mul3A_1047 : f32 to vector<16xf32>
        %mul3A_1049 = arith.mulf %get3A_1046, %mul3A_1048 : vector<16xf32>
        %swap3A_1050 = arith.constant 1 : i32
        %swap3A_1051 = arith.index_cast %swap3A_1050 : i32 to index
        %swap3A_1052 = arith.index_cast %add3A_1040 : i32 to index
        %swap3A_1053 = arith.constant 0 : index
        %swap3A_1054 = tpu.vector_load %arg6[%swap3A_1051, %swap3A_1052, %swap3A_1053] {strides = array<i32>} : memref<4x256x64xf32, #tpu.memory_space<vmem>>, vector<1x1x16xf32>,
        %swap3A_1055 = vector.shape_cast %swap3A_1054 : vector<1x1x16xf32> to vector<16xf32>
        %swap3A_1056 = vector.shape_cast %mul3A_1049 : vector<16xf32> to vector<1x1x16xf32>
        tpu.vector_store %arg6[%swap3A_1051, %swap3A_1052, %swap3A_1053], %swap3A_1056 {strides = array<i32>} : memref<4x256x64xf32, #tpu.memory_space<vmem>>, vector<1x1x16xf32>,
        %add3A_1057 = arith.constant 3 : i32
        %add3A_1058 = arith.addi %mul3A_824, %add3A_1057 : i32
        %get3A_1059 = arith.constant 1 : i32
        %get3A_1060 = arith.index_cast %get3A_1059 : i32 to index
        %get3A_1061 = arith.index_cast %add3A_1058 : i32 to index
        %get3A_1062 = arith.constant 16 : index
        %get3A_1063 = tpu.vector_load %arg6[%get3A_1060, %get3A_1061, %get3A_1062] {strides = array<i32>} : memref<4x256x64xf32, #tpu.memory_space<vmem>>, vector<1x1x16xf32>,
        %get3A_1064 = vector.shape_cast %get3A_1063 : vector<1x1x16xf32> to vector<16xf32>
        %mul3A_1065 = arith.constant 8.000000e+00 : f32
        %mul3A_1066 = vector.broadcast %mul3A_1065 : f32 to vector<16xf32>
        %mul3A_1067 = arith.mulf %get3A_1064, %mul3A_1066 : vector<16xf32>
        %swap3A_1068 = arith.constant 1 : i32
        %swap3A_1069 = arith.index_cast %swap3A_1068 : i32 to index
        %swap3A_1070 = arith.index_cast %add3A_1058 : i32 to index
        %swap3A_1071 = arith.constant 16 : index
        %swap3A_1072 = tpu.vector_load %arg6[%swap3A_1069, %swap3A_1070, %swap3A_1071] {strides = array<i32>} : memref<4x256x64xf32, #tpu.memory_space<vmem>>, vector<1x1x16xf32>,
        %swap3A_1073 = vector.shape_cast %swap3A_1072 : vector<1x1x16xf32> to vector<16xf32>
        %swap3A_1074 = vector.shape_cast %mul3A_1067 : vector<16xf32> to vector<1x1x16xf32>
        tpu.vector_store %arg6[%swap3A_1069, %swap3A_1070, %swap3A_1071], %swap3A_1074 {strides = array<i32>} : memref<4x256x64xf32, #tpu.memory_space<vmem>>, vector<1x1x16xf32>,
        %add3A_1075 = arith.constant 3 : i32
        %add3A_1076 = arith.addi %mul3A_824, %add3A_1075 : i32
        %get3A_1077 = arith.constant 1 : i32
        %get3A_1078 = arith.index_cast %get3A_1077 : i32 to index
        %get3A_1079 = arith.index_cast %add3A_1076 : i32 to index
        %get3A_1080 = arith.constant 32 : index
        %get3A_1081 = tpu.vector_load %arg6[%get3A_1078, %get3A_1079, %get3A_1080] {strides = array<i32>} : memref<4x256x64xf32, #tpu.memory_space<vmem>>, vector<1x1x16xf32>,
        %get3A_1082 = vector.shape_cast %get3A_1081 : vector<1x1x16xf32> to vector<16xf32>
        %mul3A_1083 = arith.constant 8.000000e+00 : f32
        %mul3A_1084 = vector.broadcast %mul3A_1083 : f32 to vector<16xf32>
        %mul3A_1085 = arith.mulf %get3A_1082, %mul3A_1084 : vector<16xf32>
        %swap3A_1086 = arith.constant 1 : i32
        %swap3A_1087 = arith.index_cast %swap3A_1086 : i32 to index
        %swap3A_1088 = arith.index_cast %add3A_1076 : i32 to index
        %swap3A_1089 = arith.constant 32 : index
        %swap3A_1090 = tpu.vector_load %arg6[%swap3A_1087, %swap3A_1088, %swap3A_1089] {strides = array<i32>} : memref<4x256x64xf32, #tpu.memory_space<vmem>>, vector<1x1x16xf32>,
        %swap3A_1091 = vector.shape_cast %swap3A_1090 : vector<1x1x16xf32> to vector<16xf32>
        %swap3A_1092 = vector.shape_cast %mul3A_1085 : vector<16xf32> to vector<1x1x16xf32>
        tpu.vector_store %arg6[%swap3A_1087, %swap3A_1088, %swap3A_1089], %swap3A_1092 {strides = array<i32>} : memref<4x256x64xf32, #tpu.memory_space<vmem>>, vector<1x1x16xf32>,
        %add3A_1093 = arith.constant 3 : i32
        %add3A_1094 = arith.addi %mul3A_824, %add3A_1093 : i32
        %get3A_1095 = arith.constant 1 : i32
        %get3A_1096 = arith.index_cast %get3A_1095 : i32 to index
        %get3A_1097 = arith.index_cast %add3A_1094 : i32 to index
        %get3A_1098 = arith.constant 48 : index
        %get3A_1099 = tpu.vector_load %arg6[%get3A_1096, %get3A_1097, %get3A_1098] {strides = array<i32>} : memref<4x256x64xf32, #tpu.memory_space<vmem>>, vector<1x1x16xf32>,
        %get3A_1100 = vector.shape_cast %get3A_1099 : vector<1x1x16xf32> to vector<16xf32>
        %mul3A_1101 = arith.constant 8.000000e+00 : f32
        %mul3A_1102 = vector.broadcast %mul3A_1101 : f32 to vector<16xf32>
        %mul3A_1103 = arith.mulf %get3A_1100, %mul3A_1102 : vector<16xf32>
        %swap3A_1104 = arith.constant 1 : i32
        %swap3A_1105 = arith.index_cast %swap3A_1104 : i32 to index
        %swap3A_1106 = arith.index_cast %add3A_1094 : i32 to index
        %swap3A_1107 = arith.constant 48 : index
        %swap3A_1108 = tpu.vector_load %arg6[%swap3A_1105, %swap3A_1106, %swap3A_1107] {strides = array<i32>} : memref<4x256x64xf32, #tpu.memory_space<vmem>>, vector<1x1x16xf32>,
        %swap3A_1109 = vector.shape_cast %swap3A_1108 : vector<1x1x16xf32> to vector<16xf32>
        %swap3A_1110 = vector.shape_cast %mul3A_1103 : vector<16xf32> to vector<1x1x16xf32>
        tpu.vector_store %arg6[%swap3A_1105, %swap3A_1106, %swap3A_1107], %swap3A_1110 {strides = array<i32>} : memref<4x256x64xf32, #tpu.memory_space<vmem>>, vector<1x1x16xf32>,
      }
      %scan3A_744 = arith.constant 64 : i32
      %mul3A_745 = arith.constant 2 : i32
      %mul3A_746 = arith.muli %add3A_720, %mul3A_745 : i32
      %add3A_747 = arith.addi %mul3A_2, %mul3A_746 : i32
      %mul3A_748 = arith.constant 128 : i32
      %mul3A_749 = arith.muli %add3A_747, %mul3A_748 : i32
      %dma_start3A_750 = arith.constant 1 : i32
      %dma_start3A_751 = arith.constant 1 : i32
      %dma_start3A_752 = arith.constant 0 : i32
      %dma_start3A_753 = arith.constant 0 : i32
      %dma_start3A_754 = tpu.memref_slice %arg6[%dma_start3A_750, %dma_start3A_752, %dma_start3A_753] : memref<4x256x64xf32, #tpu.memory_space<vmem>> -> memref<1x256x64xf32, #tpu.memory_space<vmem>>
      %dma_start3A_755 = tpu.memref_squeeze %dma_start3A_754 : memref<1x256x64xf32, #tpu.memory_space<vmem>> -> memref<256x64xf32, #tpu.memory_space<vmem>>
      %dma_start3A_756 = arith.constant 0 : i32
      %dma_start3A_757 = tpu.memref_slice %arg4[%mul3A_749, %dma_start3A_756] : memref<819200x128xf32, #tpu.memory_space<hbm>> -> memref<256x64xf32, #tpu.memory_space<hbm>>
      %dma_start3A_758 = tpu.memref_slice %arg8[%dma_start3A_751] : memref<4x!tpu.dma_semaphore, #tpu.memory_space<semaphore_mem>> -> memref<1x!tpu.dma_semaphore, #tpu.memory_space<semaphore_mem>>
      %dma_start3A_759 = tpu.memref_squeeze %dma_start3A_758 : memref<1x!tpu.dma_semaphore, #tpu.memory_space<semaphore_mem>> -> memref<!tpu.dma_semaphore, #tpu.memory_space<semaphore_mem>>
      %dma_start3A_760 = arith.constant 0 : i32
      %dma_start3A_761 = tpu.memref_slice %arg4[%mul3A_749, %dma_start3A_760] : memref<819200x128xf32, #tpu.memory_space<hbm>> -> memref<256x64xf32, #tpu.memory_space<hbm>>
      %dma_start3A_762 = arith.constant 0 : i32
      %dma_start3A_763 = arith.constant 0 : i32
      %dma_start3A_764 = tpu.memref_slice %arg6[%dma_start3A_750, %dma_start3A_762, %dma_start3A_763] : memref<4x256x64xf32, #tpu.memory_space<vmem>> -> memref<1x256x64xf32, #tpu.memory_space<vmem>>
      %dma_start3A_765 = tpu.memref_squeeze %dma_start3A_764 : memref<1x256x64xf32, #tpu.memory_space<vmem>> -> memref<256x64xf32, #tpu.memory_space<vmem>>
      tpu.enqueue_dma source(%dma_start3A_765 : memref<256x64xf32, #tpu.memory_space<vmem>>) target(%dma_start3A_761 : memref<256x64xf32, #tpu.memory_space<hbm>>) target_semaphore(%dma_start3A_759 : memref<!tpu.dma_semaphore, #tpu.memory_space<semaphore_mem>>)
      %dma_wait3A_766 = arith.constant 3 : i32
      %dma_wait3A_767 = arith.constant 3 : i32
      %dma_wait3A_768 = arith.constant 0 : i32
      %dma_wait3A_769 = arith.constant 0 : i32
      %dma_wait3A_770 = tpu.memref_slice %arg6[%dma_wait3A_766, %dma_wait3A_768, %dma_wait3A_769] : memref<4x256x64xf32, #tpu.memory_space<vmem>> -> memref<1x256x64xf32, #tpu.memory_space<vmem>>
      %dma_wait3A_771 = tpu.memref_squeeze %dma_wait3A_770 : memref<1x256x64xf32, #tpu.memory_space<vmem>> -> memref<256x64xf32, #tpu.memory_space<vmem>>
      %dma_wait3A_772 = arith.constant 0 : i32
      %dma_wait3A_773 = arith.constant 0 : i32
      %dma_wait3A_774 = tpu.memref_slice %arg4[%dma_wait3A_772, %dma_wait3A_773] : memref<819200x128xf32, #tpu.memory_space<hbm>> -> memref<256x64xf32, #tpu.memory_space<hbm>>
      %dma_wait3A_775 = tpu.memref_slice %arg8[%dma_wait3A_767] : memref<4x!tpu.dma_semaphore, #tpu.memory_space<semaphore_mem>> -> memref<1x!tpu.dma_semaphore, #tpu.memory_space<semaphore_mem>>
      %dma_wait3A_776 = tpu.memref_squeeze %dma_wait3A_775 : memref<1x!tpu.dma_semaphore, #tpu.memory_space<semaphore_mem>> -> memref<!tpu.dma_semaphore, #tpu.memory_space<semaphore_mem>>
      %dma_wait3A_777 = arith.constant 0 : i32
      %dma_wait3A_778 = arith.constant 0 : i32
      %dma_wait3A_779 = tpu.memref_slice %arg4[%dma_wait3A_777, %dma_wait3A_778] : memref<819200x128xf32, #tpu.memory_space<hbm>> -> memref<256x64xf32, #tpu.memory_space<hbm>>
      %dma_wait3A_780 = arith.constant 0 : i32
      %dma_wait3A_781 = arith.constant 0 : i32
      %dma_wait3A_782 = tpu.memref_slice %arg6[%dma_wait3A_766, %dma_wait3A_780, %dma_wait3A_781] : memref<4x256x64xf32, #tpu.memory_space<vmem>> -> memref<1x256x64xf32, #tpu.memory_space<vmem>>
      %dma_wait3A_783 = tpu.memref_squeeze %dma_wait3A_782 : memref<1x256x64xf32, #tpu.memory_space<vmem>> -> memref<256x64xf32, #tpu.memory_space<vmem>>
      tpu.wait_dma2 semaphore(%dma_wait3A_776 : memref<!tpu.dma_semaphore, #tpu.memory_space<semaphore_mem>>) src(%dma_wait3A_783 : memref<256x64xf32, #tpu.memory_space<vmem>>) dst(%dma_wait3A_779 : memref<256x64xf32, #tpu.memory_space<hbm>>)
      %add3A_784 = arith.constant 2 : i32
      %add3A_785 = arith.addi %add3A_720, %add3A_784 : i32
      %mul3A_786 = arith.constant 2 : i32
      %mul3A_787 = arith.muli %add3A_785, %mul3A_786 : i32
      %add3A_788 = arith.addi %mul3A_2, %mul3A_787 : i32
      %run_scoped3A_789 = arith.constant 3 : i32
      "tpu.region"() ({
        %run_scoped3A_822 = tpu.sem_alloc : memref<!tpu.dma_semaphore, #tpu.memory_space<semaphore_mem>>
        %dma_start3A_823 = arith.constant 0 : i32
        %dma_start3A_824 = arith.constant 0 : i32
        %dma_start3A_825 = tpu.memref_slice %arg5[%run_scoped3A_789, %dma_start3A_823, %dma_start3A_824] : memref<4x2x128xi32, #tpu.memory_space<vmem>> -> memref<1x2x128xi32, #tpu.memory_space<vmem>>
        %dma_start3A_826 = tpu.memref_squeeze %dma_start3A_825 : memref<1x2x128xi32, #tpu.memory_space<vmem>> -> memref<2x128xi32, #tpu.memory_space<vmem>>
        %dma_start3A_827 = arith.constant 0 : i32
        %dma_start3A_828 = tpu.memref_slice %arg2[%add3A_788, %dma_start3A_827] : memref<6400x128xi32, #tpu.memory_space<hbm>> -> memref<2x128xi32, #tpu.memory_space<hbm>>
        %dma_start3A_829 = arith.constant 0 : i32
        %dma_start3A_830 = arith.constant 0 : i32
        %dma_start3A_831 = tpu.memref_slice %arg5[%run_scoped3A_789, %dma_start3A_829, %dma_start3A_830] : memref<4x2x128xi32, #tpu.memory_space<vmem>> -> memref<1x2x128xi32, #tpu.memory_space<vmem>>
        %dma_start3A_832 = tpu.memref_squeeze %dma_start3A_831 : memref<1x2x128xi32, #tpu.memory_space<vmem>> -> memref<2x128xi32, #tpu.memory_space<vmem>>
        %dma_start3A_833 = arith.constant 0 : i32
        %dma_start3A_834 = tpu.memref_slice %arg2[%add3A_788, %dma_start3A_833] : memref<6400x128xi32, #tpu.memory_space<hbm>> -> memref<2x128xi32, #tpu.memory_space<hbm>>
        tpu.enqueue_dma source(%dma_start3A_834 : memref<2x128xi32, #tpu.memory_space<hbm>>) target(%dma_start3A_832 : memref<2x128xi32, #tpu.memory_space<vmem>>) target_semaphore(%run_scoped3A_822 : memref<!tpu.dma_semaphore, #tpu.memory_space<semaphore_mem>>)
        %dma_wait3A_835 = arith.constant 0 : i32
        %dma_wait3A_836 = arith.constant 0 : i32
        %dma_wait3A_837 = tpu.memref_slice %arg5[%run_scoped3A_789, %dma_wait3A_835, %dma_wait3A_836] : memref<4x2x128xi32, #tpu.memory_space<vmem>> -> memref<1x2x128xi32, #tpu.memory_space<vmem>>
        %dma_wait3A_838 = tpu.memref_squeeze %dma_wait3A_837 : memref<1x2x128xi32, #tpu.memory_space<vmem>> -> memref<2x128xi32, #tpu.memory_space<vmem>>
        %dma_wait3A_839 = arith.constant 0 : i32
        %dma_wait3A_840 = tpu.memref_slice %arg2[%add3A_788, %dma_wait3A_839] : memref<6400x128xi32, #tpu.memory_space<hbm>> -> memref<2x128xi32, #tpu.memory_space<hbm>>
        %dma_wait3A_841 = arith.constant 0 : i32
        %dma_wait3A_842 = arith.constant 0 : i32
        %dma_wait3A_843 = tpu.memref_slice %arg5[%run_scoped3A_789, %dma_wait3A_841, %dma_wait3A_842] : memref<4x2x128xi32, #tpu.memory_space<vmem>> -> memref<1x2x128xi32, #tpu.memory_space<vmem>>
        %dma_wait3A_844 = tpu.memref_squeeze %dma_wait3A_843 : memref<1x2x128xi32, #tpu.memory_space<vmem>> -> memref<2x128xi32, #tpu.memory_space<vmem>>
        %dma_wait3A_845 = arith.constant 0 : i32
        %dma_wait3A_846 = tpu.memref_slice %arg2[%add3A_788, %dma_wait3A_845] : memref<6400x128xi32, #tpu.memory_space<hbm>> -> memref<2x128xi32, #tpu.memory_space<hbm>>
        tpu.wait_dma2 semaphore(%run_scoped3A_822 : memref<!tpu.dma_semaphore, #tpu.memory_space<semaphore_mem>>) src(%dma_wait3A_846 : memref<2x128xi32, #tpu.memory_space<hbm>>) dst(%dma_wait3A_844 : memref<2x128xi32, #tpu.memory_space<vmem>>)
        tpu.yield
      }) : () -> ()
      %dma_start3A_790 = arith.constant 3 : i32
      %dma_start3A_791 = arith.constant 0 : i32
      %dma_start3A_792 = arith.constant 3 : i32
      %dma_start3A_793 = arith.constant 3 : i32
      %dma_start3A_794 = arith.constant 0 : i32
      %dma_start3A_795 = arith.constant 0 : i32
      %dma_start3A_796 = tpu.memref_slice %arg6[%dma_start3A_792, %dma_start3A_794, %dma_start3A_795] : memref<4x256x64xf32, #tpu.memory_space<vmem>> -> memref<1x128x64xf32, #tpu.memory_space<vmem>>
      %dma_start3A_797 = tpu.memref_squeeze %dma_start3A_796 : memref<1x128x64xf32, #tpu.memory_space<vmem>> -> memref<128x64xf32, #tpu.memory_space<vmem>>
      %dma_start3A_798 = arith.constant 0 : i32
      %dma_start3A_799 = tpu.memref_slice %arg5[%dma_start3A_790, %dma_start3A_791, %dma_start3A_798] : memref<4x2x128xi32, #tpu.memory_space<vmem>> -> memref<1x1x128xi32, #tpu.memory_space<vmem>>
      %dma_start3A_800 = tpu.memref_squeeze %dma_start3A_799 : memref<1x1x128xi32, #tpu.memory_space<vmem>> -> memref<128xi32, #tpu.memory_space<vmem>>
      %dma_start3A_801 = arith.constant 0 : i32
      %dma_start3A_802 = arith.constant 0 : i32
      %dma_start3A_803 = tpu.memref_slice %arg3[%dma_start3A_801, %dma_start3A_802] : memref<1000000x64xf32, #tpu.memory_space<hbm>> -> memref<1000000x64xf32, #tpu.memory_space<hbm>>
      %dma_start3A_804 = tpu.memref_slice %arg7[%dma_start3A_793] : memref<4x!tpu.dma_semaphore, #tpu.memory_space<semaphore_mem>> -> memref<1x!tpu.dma_semaphore, #tpu.memory_space<semaphore_mem>>
      %dma_start3A_805 = tpu.memref_squeeze %dma_start3A_804 : memref<1x!tpu.dma_semaphore, #tpu.memory_space<semaphore_mem>> -> memref<!tpu.dma_semaphore, #tpu.memory_space<semaphore_mem>>
      tpu.enqueue_indirect_dma source(%dma_start3A_803 : memref<1000000x64xf32, #tpu.memory_space<hbm>>) target(%dma_start3A_797 : memref<128x64xf32, #tpu.memory_space<vmem>>) offsets(%dma_start3A_800 : memref<128xi32, #tpu.memory_space<vmem>>) semaphore(%dma_start3A_805 : memref<!tpu.dma_semaphore, #tpu.memory_space<semaphore_mem>>)
      %dma_start3A_806 = arith.constant 3 : i32
      %dma_start3A_807 = arith.constant 1 : i32
      %dma_start3A_808 = arith.constant 3 : i32
      %dma_start3A_809 = arith.constant 3 : i32
      %dma_start3A_810 = arith.constant 128 : i32
      %dma_start3A_811 = arith.constant 0 : i32
      %dma_start3A_812 = tpu.memref_slice %arg6[%dma_start3A_808, %dma_start3A_810, %dma_start3A_811] : memref<4x256x64xf32, #tpu.memory_space<vmem>> -> memref<1x128x64xf32, #tpu.memory_space<vmem>>
      %dma_start3A_813 = tpu.memref_squeeze %dma_start3A_812 : memref<1x128x64xf32, #tpu.memory_space<vmem>> -> memref<128x64xf32, #tpu.memory_space<vmem>>
      %dma_start3A_814 = arith.constant 0 : i32
      %dma_start3A_815 = tpu.memref_slice %arg5[%dma_start3A_806, %dma_start3A_807, %dma_start3A_814] : memref<4x2x128xi32, #tpu.memory_space<vmem>> -> memref<1x1x128xi32, #tpu.memory_space<vmem>>
      %dma_start3A_816 = tpu.memref_squeeze %dma_start3A_815 : memref<1x1x128xi32, #tpu.memory_space<vmem>> -> memref<128xi32, #tpu.memory_space<vmem>>
      %dma_start3A_817 = arith.constant 0 : i32
      %dma_start3A_818 = arith.constant 0 : i32
      %dma_start3A_819 = tpu.memref_slice %arg3[%dma_start3A_817, %dma_start3A_818] : memref<1000000x64xf32, #tpu.memory_space<hbm>> -> memref<1000000x64xf32, #tpu.memory_space<hbm>>
      %dma_start3A_820 = tpu.memref_slice %arg7[%dma_start3A_809] : memref<4x!tpu.dma_semaphore, #tpu.memory_space<semaphore_mem>> -> memref<1x!tpu.dma_semaphore, #tpu.memory_space<semaphore_mem>>
      %dma_start3A_821 = tpu.memref_squeeze %dma_start3A_820 : memref<1x!tpu.dma_semaphore, #tpu.memory_space<semaphore_mem>> -> memref<!tpu.dma_semaphore, #tpu.memory_space<semaphore_mem>>
      tpu.enqueue_indirect_dma source(%dma_start3A_819 : memref<1000000x64xf32, #tpu.memory_space<hbm>>) target(%dma_start3A_813 : memref<128x64xf32, #tpu.memory_space<vmem>>) offsets(%dma_start3A_816 : memref<128xi32, #tpu.memory_space<vmem>>) semaphore(%dma_start3A_821 : memref<!tpu.dma_semaphore, #tpu.memory_space<semaphore_mem>>)
    }
    %scan3A_232 = arith.constant 24 : i32
    %dma_wait3A_233 = arith.constant 2 : i32
    %dma_wait3A_234 = arith.constant 2 : i32
    %dma_wait3A_235 = arith.constant 0 : i32
    %dma_wait3A_236 = arith.constant 0 : i32
    %dma_wait3A_237 = tpu.memref_slice %arg6[%dma_wait3A_233, %dma_wait3A_235, %dma_wait3A_236] : memref<4x256x64xf32, #tpu.memory_space<vmem>> -> memref<1x256x64xf32, #tpu.memory_space<vmem>>
    %dma_wait3A_238 = tpu.memref_squeeze %dma_wait3A_237 : memref<1x256x64xf32, #tpu.memory_space<vmem>> -> memref<256x64xf32, #tpu.memory_space<vmem>>
    %dma_wait3A_239 = arith.constant 0 : i32
    %dma_wait3A_240 = arith.constant 0 : i32
    %dma_wait3A_241 = tpu.memref_slice %arg3[%dma_wait3A_239, %dma_wait3A_240] : memref<1000000x64xf32, #tpu.memory_space<hbm>> -> memref<256x64xf32, #tpu.memory_space<hbm>>
    %dma_wait3A_242 = tpu.memref_slice %arg7[%dma_wait3A_234] : memref<4x!tpu.dma_semaphore, #tpu.memory_space<semaphore_mem>> -> memref<1x!tpu.dma_semaphore, #tpu.memory_space<semaphore_mem>>
    %dma_wait3A_243 = tpu.memref_squeeze %dma_wait3A_242 : memref<1x!tpu.dma_semaphore, #tpu.memory_space<semaphore_mem>> -> memref<!tpu.dma_semaphore, #tpu.memory_space<semaphore_mem>>
    %dma_wait3A_244 = arith.constant 0 : i32
    %dma_wait3A_245 = arith.constant 0 : i32
    %dma_wait3A_246 = tpu.memref_slice %arg6[%dma_wait3A_233, %dma_wait3A_244, %dma_wait3A_245] : memref<4x256x64xf32, #tpu.memory_space<vmem>> -> memref<1x256x64xf32, #tpu.memory_space<vmem>>
    %dma_wait3A_247 = tpu.memref_squeeze %dma_wait3A_246 : memref<1x256x64xf32, #tpu.memory_space<vmem>> -> memref<256x64xf32, #tpu.memory_space<vmem>>
    %dma_wait3A_248 = arith.constant 0 : i32
    %dma_wait3A_249 = arith.constant 0 : i32
    %dma_wait3A_250 = tpu.memref_slice %arg3[%dma_wait3A_248, %dma_wait3A_249] : memref<1000000x64xf32, #tpu.memory_space<hbm>> -> memref<256x64xf32, #tpu.memory_space<hbm>>
    tpu.wait_dma2 semaphore(%dma_wait3A_243 : memref<!tpu.dma_semaphore, #tpu.memory_space<semaphore_mem>>) src(%dma_wait3A_250 : memref<256x64xf32, #tpu.memory_space<hbm>>) dst(%dma_wait3A_247 : memref<256x64xf32, #tpu.memory_space<vmem>>)
    %scan3A_251 = arith.constant 0 : i32
    %scan3A_252 = arith.constant 0 : i32
    %scan3A_253 = arith.constant 64 : i32
    %scan3A_254 = arith.addi %scan3A_252, %scan3A_253 : i32
    %scan3A_255 = arith.constant 1 : i32
    scf.for %scan3A_393 = %scan3A_252 to %scan3A_254 step %scan3A_255  : i32 {
      %mul3A_394 = arith.constant 4 : i32
      %mul3A_395 = arith.muli %scan3A_393, %mul3A_394 : i32
      %add3A_396 = arith.constant 0 : i32
      %add3A_397 = arith.addi %mul3A_395, %add3A_396 : i32
      %get3A = arith.constant 2 : i32
      %get3A_398 = arith.index_cast %get3A : i32 to index
      %get3A_399 = arith.index_cast %add3A_397 : i32 to index
      %get3A_400 = arith.constant 0 : index
      %get3A_401 = tpu.vector_load %arg6[%get3A_398, %get3A_399, %get3A_400] {strides = array<i32>} : memref<4x256x64xf32, #tpu.memory_space<vmem>>, vector<1x1x16xf32>,
      %get3A_402 = vector.shape_cast %get3A_401 : vector<1x1x16xf32> to vector<16xf32>
      %mul3A_403 = arith.constant 8.000000e+00 : f32
      %mul3A_404 = vector.broadcast %mul3A_403 : f32 to vector<16xf32>
      %mul3A_405 = arith.mulf %get3A_402, %mul3A_404 : vector<16xf32>
      %swap3A = arith.constant 2 : i32
      %swap3A_406 = arith.index_cast %swap3A : i32 to index
      %swap3A_407 = arith.index_cast %add3A_397 : i32 to index
      %swap3A_408 = arith.constant 0 : index
      %swap3A_409 = tpu.vector_load %arg6[%swap3A_406, %swap3A_407, %swap3A_408] {strides = array<i32>} : memref<4x256x64xf32, #tpu.memory_space<vmem>>, vector<1x1x16xf32>,
      %swap3A_410 = vector.shape_cast %swap3A_409 : vector<1x1x16xf32> to vector<16xf32>
      %swap3A_411 = vector.shape_cast %mul3A_405 : vector<16xf32> to vector<1x1x16xf32>
      tpu.vector_store %arg6[%swap3A_406, %swap3A_407, %swap3A_408], %swap3A_411 {strides = array<i32>} : memref<4x256x64xf32, #tpu.memory_space<vmem>>, vector<1x1x16xf32>,
      %add3A_412 = arith.constant 0 : i32
      %add3A_413 = arith.addi %mul3A_395, %add3A_412 : i32
      %get3A_414 = arith.constant 2 : i32
      %get3A_415 = arith.index_cast %get3A_414 : i32 to index
      %get3A_416 = arith.index_cast %add3A_413 : i32 to index
      %get3A_417 = arith.constant 16 : index
      %get3A_418 = tpu.vector_load %arg6[%get3A_415, %get3A_416, %get3A_417] {strides = array<i32>} : memref<4x256x64xf32, #tpu.memory_space<vmem>>, vector<1x1x16xf32>,
      %get3A_419 = vector.shape_cast %get3A_418 : vector<1x1x16xf32> to vector<16xf32>
      %mul3A_420 = arith.constant 8.000000e+00 : f32
      %mul3A_421 = vector.broadcast %mul3A_420 : f32 to vector<16xf32>
      %mul3A_422 = arith.mulf %get3A_419, %mul3A_421 : vector<16xf32>
      %swap3A_423 = arith.constant 2 : i32
      %swap3A_424 = arith.index_cast %swap3A_423 : i32 to index
      %swap3A_425 = arith.index_cast %add3A_413 : i32 to index
      %swap3A_426 = arith.constant 16 : index
      %swap3A_427 = tpu.vector_load %arg6[%swap3A_424, %swap3A_425, %swap3A_426] {strides = array<i32>} : memref<4x256x64xf32, #tpu.memory_space<vmem>>, vector<1x1x16xf32>,
      %swap3A_428 = vector.shape_cast %swap3A_427 : vector<1x1x16xf32> to vector<16xf32>
      %swap3A_429 = vector.shape_cast %mul3A_422 : vector<16xf32> to vector<1x1x16xf32>
      tpu.vector_store %arg6[%swap3A_424, %swap3A_425, %swap3A_426], %swap3A_429 {strides = array<i32>} : memref<4x256x64xf32, #tpu.memory_space<vmem>>, vector<1x1x16xf32>,
      %add3A_430 = arith.constant 0 : i32
      %add3A_431 = arith.addi %mul3A_395, %add3A_430 : i32
      %get3A_432 = arith.constant 2 : i32
      %get3A_433 = arith.index_cast %get3A_432 : i32 to index
      %get3A_434 = arith.index_cast %add3A_431 : i32 to index
      %get3A_435 = arith.constant 32 : index
      %get3A_436 = tpu.vector_load %arg6[%get3A_433, %get3A_434, %get3A_435] {strides = array<i32>} : memref<4x256x64xf32, #tpu.memory_space<vmem>>, vector<1x1x16xf32>,
      %get3A_437 = vector.shape_cast %get3A_436 : vector<1x1x16xf32> to vector<16xf32>
      %mul3A_438 = arith.constant 8.000000e+00 : f32
      %mul3A_439 = vector.broadcast %mul3A_438 : f32 to vector<16xf32>
      %mul3A_440 = arith.mulf %get3A_437, %mul3A_439 : vector<16xf32>
      %swap3A_441 = arith.constant 2 : i32
      %swap3A_442 = arith.index_cast %swap3A_441 : i32 to index
      %swap3A_443 = arith.index_cast %add3A_431 : i32 to index
      %swap3A_444 = arith.constant 32 : index
      %swap3A_445 = tpu.vector_load %arg6[%swap3A_442, %swap3A_443, %swap3A_444] {strides = array<i32>} : memref<4x256x64xf32, #tpu.memory_space<vmem>>, vector<1x1x16xf32>,
      %swap3A_446 = vector.shape_cast %swap3A_445 : vector<1x1x16xf32> to vector<16xf32>
      %swap3A_447 = vector.shape_cast %mul3A_440 : vector<16xf32> to vector<1x1x16xf32>
      tpu.vector_store %arg6[%swap3A_442, %swap3A_443, %swap3A_444], %swap3A_447 {strides = array<i32>} : memref<4x256x64xf32, #tpu.memory_space<vmem>>, vector<1x1x16xf32>,
      %add3A_448 = arith.constant 0 : i32
      %add3A_449 = arith.addi %mul3A_395, %add3A_448 : i32
      %get3A_450 = arith.constant 2 : i32
      %get3A_451 = arith.index_cast %get3A_450 : i32 to index
      %get3A_452 = arith.index_cast %add3A_449 : i32 to index
      %get3A_453 = arith.constant 48 : index
      %get3A_454 = tpu.vector_load %arg6[%get3A_451, %get3A_452, %get3A_453] {strides = array<i32>} : memref<4x256x64xf32, #tpu.memory_space<vmem>>, vector<1x1x16xf32>,
      %get3A_455 = vector.shape_cast %get3A_454 : vector<1x1x16xf32> to vector<16xf32>
      %mul3A_456 = arith.constant 8.000000e+00 : f32
      %mul3A_457 = vector.broadcast %mul3A_456 : f32 to vector<16xf32>
      %mul3A_458 = arith.mulf %get3A_455, %mul3A_457 : vector<16xf32>
      %swap3A_459 = arith.constant 2 : i32
      %swap3A_460 = arith.index_cast %swap3A_459 : i32 to index
      %swap3A_461 = arith.index_cast %add3A_449 : i32 to index
      %swap3A_462 = arith.constant 48 : index
      %swap3A_463 = tpu.vector_load %arg6[%swap3A_460, %swap3A_461, %swap3A_462] {strides = array<i32>} : memref<4x256x64xf32, #tpu.memory_space<vmem>>, vector<1x1x16xf32>,
      %swap3A_464 = vector.shape_cast %swap3A_463 : vector<1x1x16xf32> to vector<16xf32>
      %swap3A_465 = vector.shape_cast %mul3A_458 : vector<16xf32> to vector<1x1x16xf32>
      tpu.vector_store %arg6[%swap3A_460, %swap3A_461, %swap3A_462], %swap3A_465 {strides = array<i32>} : memref<4x256x64xf32, #tpu.memory_space<vmem>>, vector<1x1x16xf32>,
      %add3A_466 = arith.constant 1 : i32
      %add3A_467 = arith.addi %mul3A_395, %add3A_466 : i32
      %get3A_468 = arith.constant 2 : i32
      %get3A_469 = arith.index_cast %get3A_468 : i32 to index
      %get3A_470 = arith.index_cast %add3A_467 : i32 to index
      %get3A_471 = arith.constant 0 : index
      %get3A_472 = tpu.vector_load %arg6[%get3A_469, %get3A_470, %get3A_471] {strides = array<i32>} : memref<4x256x64xf32, #tpu.memory_space<vmem>>, vector<1x1x16xf32>,
      %get3A_473 = vector.shape_cast %get3A_472 : vector<1x1x16xf32> to vector<16xf32>
      %mul3A_474 = arith.constant 8.000000e+00 : f32
      %mul3A_475 = vector.broadcast %mul3A_474 : f32 to vector<16xf32>
      %mul3A_476 = arith.mulf %get3A_473, %mul3A_475 : vector<16xf32>
      %swap3A_477 = arith.constant 2 : i32
      %swap3A_478 = arith.index_cast %swap3A_477 : i32 to index
      %swap3A_479 = arith.index_cast %add3A_467 : i32 to index
      %swap3A_480 = arith.constant 0 : index
      %swap3A_481 = tpu.vector_load %arg6[%swap3A_478, %swap3A_479, %swap3A_480] {strides = array<i32>} : memref<4x256x64xf32, #tpu.memory_space<vmem>>, vector<1x1x16xf32>,
      %swap3A_482 = vector.shape_cast %swap3A_481 : vector<1x1x16xf32> to vector<16xf32>
      %swap3A_483 = vector.shape_cast %mul3A_476 : vector<16xf32> to vector<1x1x16xf32>
      tpu.vector_store %arg6[%swap3A_478, %swap3A_479, %swap3A_480], %swap3A_483 {strides = array<i32>} : memref<4x256x64xf32, #tpu.memory_space<vmem>>, vector<1x1x16xf32>,
      %add3A_484 = arith.constant 1 : i32
      %add3A_485 = arith.addi %mul3A_395, %add3A_484 : i32
      %get3A_486 = arith.constant 2 : i32
      %get3A_487 = arith.index_cast %get3A_486 : i32 to index
      %get3A_488 = arith.index_cast %add3A_485 : i32 to index
      %get3A_489 = arith.constant 16 : index
      %get3A_490 = tpu.vector_load %arg6[%get3A_487, %get3A_488, %get3A_489] {strides = array<i32>} : memref<4x256x64xf32, #tpu.memory_space<vmem>>, vector<1x1x16xf32>,
      %get3A_491 = vector.shape_cast %get3A_490 : vector<1x1x16xf32> to vector<16xf32>
      %mul3A_492 = arith.constant 8.000000e+00 : f32
      %mul3A_493 = vector.broadcast %mul3A_492 : f32 to vector<16xf32>
      %mul3A_494 = arith.mulf %get3A_491, %mul3A_493 : vector<16xf32>
      %swap3A_495 = arith.constant 2 : i32
      %swap3A_496 = arith.index_cast %swap3A_495 : i32 to index
      %swap3A_497 = arith.index_cast %add3A_485 : i32 to index
      %swap3A_498 = arith.constant 16 : index
      %swap3A_499 = tpu.vector_load %arg6[%swap3A_496, %swap3A_497, %swap3A_498] {strides = array<i32>} : memref<4x256x64xf32, #tpu.memory_space<vmem>>, vector<1x1x16xf32>,
      %swap3A_500 = vector.shape_cast %swap3A_499 : vector<1x1x16xf32> to vector<16xf32>
      %swap3A_501 = vector.shape_cast %mul3A_494 : vector<16xf32> to vector<1x1x16xf32>
      tpu.vector_store %arg6[%swap3A_496, %swap3A_497, %swap3A_498], %swap3A_501 {strides = array<i32>} : memref<4x256x64xf32, #tpu.memory_space<vmem>>, vector<1x1x16xf32>,
      %add3A_502 = arith.constant 1 : i32
      %add3A_503 = arith.addi %mul3A_395, %add3A_502 : i32
      %get3A_504 = arith.constant 2 : i32
      %get3A_505 = arith.index_cast %get3A_504 : i32 to index
      %get3A_506 = arith.index_cast %add3A_503 : i32 to index
      %get3A_507 = arith.constant 32 : index
      %get3A_508 = tpu.vector_load %arg6[%get3A_505, %get3A_506, %get3A_507] {strides = array<i32>} : memref<4x256x64xf32, #tpu.memory_space<vmem>>, vector<1x1x16xf32>,
      %get3A_509 = vector.shape_cast %get3A_508 : vector<1x1x16xf32> to vector<16xf32>
      %mul3A_510 = arith.constant 8.000000e+00 : f32
      %mul3A_511 = vector.broadcast %mul3A_510 : f32 to vector<16xf32>
      %mul3A_512 = arith.mulf %get3A_509, %mul3A_511 : vector<16xf32>
      %swap3A_513 = arith.constant 2 : i32
      %swap3A_514 = arith.index_cast %swap3A_513 : i32 to index
      %swap3A_515 = arith.index_cast %add3A_503 : i32 to index
      %swap3A_516 = arith.constant 32 : index
      %swap3A_517 = tpu.vector_load %arg6[%swap3A_514, %swap3A_515, %swap3A_516] {strides = array<i32>} : memref<4x256x64xf32, #tpu.memory_space<vmem>>, vector<1x1x16xf32>,
      %swap3A_518 = vector.shape_cast %swap3A_517 : vector<1x1x16xf32> to vector<16xf32>
      %swap3A_519 = vector.shape_cast %mul3A_512 : vector<16xf32> to vector<1x1x16xf32>
      tpu.vector_store %arg6[%swap3A_514, %swap3A_515, %swap3A_516], %swap3A_519 {strides = array<i32>} : memref<4x256x64xf32, #tpu.memory_space<vmem>>, vector<1x1x16xf32>,
      %add3A_520 = arith.constant 1 : i32
      %add3A_521 = arith.addi %mul3A_395, %add3A_520 : i32
      %get3A_522 = arith.constant 2 : i32
      %get3A_523 = arith.index_cast %get3A_522 : i32 to index
      %get3A_524 = arith.index_cast %add3A_521 : i32 to index
      %get3A_525 = arith.constant 48 : index
      %get3A_526 = tpu.vector_load %arg6[%get3A_523, %get3A_524, %get3A_525] {strides = array<i32>} : memref<4x256x64xf32, #tpu.memory_space<vmem>>, vector<1x1x16xf32>,
      %get3A_527 = vector.shape_cast %get3A_526 : vector<1x1x16xf32> to vector<16xf32>
      %mul3A_528 = arith.constant 8.000000e+00 : f32
      %mul3A_529 = vector.broadcast %mul3A_528 : f32 to vector<16xf32>
      %mul3A_530 = arith.mulf %get3A_527, %mul3A_529 : vector<16xf32>
      %swap3A_531 = arith.constant 2 : i32
      %swap3A_532 = arith.index_cast %swap3A_531 : i32 to index
      %swap3A_533 = arith.index_cast %add3A_521 : i32 to index
      %swap3A_534 = arith.constant 48 : index
      %swap3A_535 = tpu.vector_load %arg6[%swap3A_532, %swap3A_533, %swap3A_534] {strides = array<i32>} : memref<4x256x64xf32, #tpu.memory_space<vmem>>, vector<1x1x16xf32>,
      %swap3A_536 = vector.shape_cast %swap3A_535 : vector<1x1x16xf32> to vector<16xf32>
      %swap3A_537 = vector.shape_cast %mul3A_530 : vector<16xf32> to vector<1x1x16xf32>
      tpu.vector_store %arg6[%swap3A_532, %swap3A_533, %swap3A_534], %swap3A_537 {strides = array<i32>} : memref<4x256x64xf32, #tpu.memory_space<vmem>>, vector<1x1x16xf32>,
      %add3A_538 = arith.constant 2 : i32
      %add3A_539 = arith.addi %mul3A_395, %add3A_538 : i32
      %get3A_540 = arith.constant 2 : i32
      %get3A_541 = arith.index_cast %get3A_540 : i32 to index
      %get3A_542 = arith.index_cast %add3A_539 : i32 to index
      %get3A_543 = arith.constant 0 : index
      %get3A_544 = tpu.vector_load %arg6[%get3A_541, %get3A_542, %get3A_543] {strides = array<i32>} : memref<4x256x64xf32, #tpu.memory_space<vmem>>, vector<1x1x16xf32>,
      %get3A_545 = vector.shape_cast %get3A_544 : vector<1x1x16xf32> to vector<16xf32>
      %mul3A_546 = arith.constant 8.000000e+00 : f32
      %mul3A_547 = vector.broadcast %mul3A_546 : f32 to vector<16xf32>
      %mul3A_548 = arith.mulf %get3A_545, %mul3A_547 : vector<16xf32>
      %swap3A_549 = arith.constant 2 : i32
      %swap3A_550 = arith.index_cast %swap3A_549 : i32 to index
      %swap3A_551 = arith.index_cast %add3A_539 : i32 to index
      %swap3A_552 = arith.constant 0 : index
      %swap3A_553 = tpu.vector_load %arg6[%swap3A_550, %swap3A_551, %swap3A_552] {strides = array<i32>} : memref<4x256x64xf32, #tpu.memory_space<vmem>>, vector<1x1x16xf32>,
      %swap3A_554 = vector.shape_cast %swap3A_553 : vector<1x1x16xf32> to vector<16xf32>
      %swap3A_555 = vector.shape_cast %mul3A_548 : vector<16xf32> to vector<1x1x16xf32>
      tpu.vector_store %arg6[%swap3A_550, %swap3A_551, %swap3A_552], %swap3A_555 {strides = array<i32>} : memref<4x256x64xf32, #tpu.memory_space<vmem>>, vector<1x1x16xf32>,
      %add3A_556 = arith.constant 2 : i32
      %add3A_557 = arith.addi %mul3A_395, %add3A_556 : i32
      %get3A_558 = arith.constant 2 : i32
      %get3A_559 = arith.index_cast %get3A_558 : i32 to index
      %get3A_560 = arith.index_cast %add3A_557 : i32 to index
      %get3A_561 = arith.constant 16 : index
      %get3A_562 = tpu.vector_load %arg6[%get3A_559, %get3A_560, %get3A_561] {strides = array<i32>} : memref<4x256x64xf32, #tpu.memory_space<vmem>>, vector<1x1x16xf32>,
      %get3A_563 = vector.shape_cast %get3A_562 : vector<1x1x16xf32> to vector<16xf32>
      %mul3A_564 = arith.constant 8.000000e+00 : f32
      %mul3A_565 = vector.broadcast %mul3A_564 : f32 to vector<16xf32>
      %mul3A_566 = arith.mulf %get3A_563, %mul3A_565 : vector<16xf32>
      %swap3A_567 = arith.constant 2 : i32
      %swap3A_568 = arith.index_cast %swap3A_567 : i32 to index
      %swap3A_569 = arith.index_cast %add3A_557 : i32 to index
      %swap3A_570 = arith.constant 16 : index
      %swap3A_571 = tpu.vector_load %arg6[%swap3A_568, %swap3A_569, %swap3A_570] {strides = array<i32>} : memref<4x256x64xf32, #tpu.memory_space<vmem>>, vector<1x1x16xf32>,
      %swap3A_572 = vector.shape_cast %swap3A_571 : vector<1x1x16xf32> to vector<16xf32>
      %swap3A_573 = vector.shape_cast %mul3A_566 : vector<16xf32> to vector<1x1x16xf32>
      tpu.vector_store %arg6[%swap3A_568, %swap3A_569, %swap3A_570], %swap3A_573 {strides = array<i32>} : memref<4x256x64xf32, #tpu.memory_space<vmem>>, vector<1x1x16xf32>,
      %add3A_574 = arith.constant 2 : i32
      %add3A_575 = arith.addi %mul3A_395, %add3A_574 : i32
      %get3A_576 = arith.constant 2 : i32
      %get3A_577 = arith.index_cast %get3A_576 : i32 to index
      %get3A_578 = arith.index_cast %add3A_575 : i32 to index
      %get3A_579 = arith.constant 32 : index
      %get3A_580 = tpu.vector_load %arg6[%get3A_577, %get3A_578, %get3A_579] {strides = array<i32>} : memref<4x256x64xf32, #tpu.memory_space<vmem>>, vector<1x1x16xf32>,
      %get3A_581 = vector.shape_cast %get3A_580 : vector<1x1x16xf32> to vector<16xf32>
      %mul3A_582 = arith.constant 8.000000e+00 : f32
      %mul3A_583 = vector.broadcast %mul3A_582 : f32 to vector<16xf32>
      %mul3A_584 = arith.mulf %get3A_581, %mul3A_583 : vector<16xf32>
      %swap3A_585 = arith.constant 2 : i32
      %swap3A_586 = arith.index_cast %swap3A_585 : i32 to index
      %swap3A_587 = arith.index_cast %add3A_575 : i32 to index
      %swap3A_588 = arith.constant 32 : index
      %swap3A_589 = tpu.vector_load %arg6[%swap3A_586, %swap3A_587, %swap3A_588] {strides = array<i32>} : memref<4x256x64xf32, #tpu.memory_space<vmem>>, vector<1x1x16xf32>,
      %swap3A_590 = vector.shape_cast %swap3A_589 : vector<1x1x16xf32> to vector<16xf32>
      %swap3A_591 = vector.shape_cast %mul3A_584 : vector<16xf32> to vector<1x1x16xf32>
      tpu.vector_store %arg6[%swap3A_586, %swap3A_587, %swap3A_588], %swap3A_591 {strides = array<i32>} : memref<4x256x64xf32, #tpu.memory_space<vmem>>, vector<1x1x16xf32>,
      %add3A_592 = arith.constant 2 : i32
      %add3A_593 = arith.addi %mul3A_395, %add3A_592 : i32
      %get3A_594 = arith.constant 2 : i32
      %get3A_595 = arith.index_cast %get3A_594 : i32 to index
      %get3A_596 = arith.index_cast %add3A_593 : i32 to index
      %get3A_597 = arith.constant 48 : index
      %get3A_598 = tpu.vector_load %arg6[%get3A_595, %get3A_596, %get3A_597] {strides = array<i32>} : memref<4x256x64xf32, #tpu.memory_space<vmem>>, vector<1x1x16xf32>,
      %get3A_599 = vector.shape_cast %get3A_598 : vector<1x1x16xf32> to vector<16xf32>
      %mul3A_600 = arith.constant 8.000000e+00 : f32
      %mul3A_601 = vector.broadcast %mul3A_600 : f32 to vector<16xf32>
      %mul3A_602 = arith.mulf %get3A_599, %mul3A_601 : vector<16xf32>
      %swap3A_603 = arith.constant 2 : i32
      %swap3A_604 = arith.index_cast %swap3A_603 : i32 to index
      %swap3A_605 = arith.index_cast %add3A_593 : i32 to index
      %swap3A_606 = arith.constant 48 : index
      %swap3A_607 = tpu.vector_load %arg6[%swap3A_604, %swap3A_605, %swap3A_606] {strides = array<i32>} : memref<4x256x64xf32, #tpu.memory_space<vmem>>, vector<1x1x16xf32>,
      %swap3A_608 = vector.shape_cast %swap3A_607 : vector<1x1x16xf32> to vector<16xf32>
      %swap3A_609 = vector.shape_cast %mul3A_602 : vector<16xf32> to vector<1x1x16xf32>
      tpu.vector_store %arg6[%swap3A_604, %swap3A_605, %swap3A_606], %swap3A_609 {strides = array<i32>} : memref<4x256x64xf32, #tpu.memory_space<vmem>>, vector<1x1x16xf32>,
      %add3A_610 = arith.constant 3 : i32
      %add3A_611 = arith.addi %mul3A_395, %add3A_610 : i32
      %get3A_612 = arith.constant 2 : i32
      %get3A_613 = arith.index_cast %get3A_612 : i32 to index
      %get3A_614 = arith.index_cast %add3A_611 : i32 to index
      %get3A_615 = arith.constant 0 : index
      %get3A_616 = tpu.vector_load %arg6[%get3A_613, %get3A_614, %get3A_615] {strides = array<i32>} : memref<4x256x64xf32, #tpu.memory_space<vmem>>, vector<1x1x16xf32>,
      %get3A_617 = vector.shape_cast %get3A_616 : vector<1x1x16xf32> to vector<16xf32>
      %mul3A_618 = arith.constant 8.000000e+00 : f32
      %mul3A_619 = vector.broadcast %mul3A_618 : f32 to vector<16xf32>
      %mul3A_620 = arith.mulf %get3A_617, %mul3A_619 : vector<16xf32>
      %swap3A_621 = arith.constant 2 : i32
      %swap3A_622 = arith.index_cast %swap3A_621 : i32 to index
      %swap3A_623 = arith.index_cast %add3A_611 : i32 to index
      %swap3A_624 = arith.constant 0 : index
      %swap3A_625 = tpu.vector_load %arg6[%swap3A_622, %swap3A_623, %swap3A_624] {strides = array<i32>} : memref<4x256x64xf32, #tpu.memory_space<vmem>>, vector<1x1x16xf32>,
      %swap3A_626 = vector.shape_cast %swap3A_625 : vector<1x1x16xf32> to vector<16xf32>
      %swap3A_627 = vector.shape_cast %mul3A_620 : vector<16xf32> to vector<1x1x16xf32>
      tpu.vector_store %arg6[%swap3A_622, %swap3A_623, %swap3A_624], %swap3A_627 {strides = array<i32>} : memref<4x256x64xf32, #tpu.memory_space<vmem>>, vector<1x1x16xf32>,
      %add3A_628 = arith.constant 3 : i32
      %add3A_629 = arith.addi %mul3A_395, %add3A_628 : i32
      %get3A_630 = arith.constant 2 : i32
      %get3A_631 = arith.index_cast %get3A_630 : i32 to index
      %get3A_632 = arith.index_cast %add3A_629 : i32 to index
      %get3A_633 = arith.constant 16 : index
      %get3A_634 = tpu.vector_load %arg6[%get3A_631, %get3A_632, %get3A_633] {strides = array<i32>} : memref<4x256x64xf32, #tpu.memory_space<vmem>>, vector<1x1x16xf32>,
      %get3A_635 = vector.shape_cast %get3A_634 : vector<1x1x16xf32> to vector<16xf32>
      %mul3A_636 = arith.constant 8.000000e+00 : f32
      %mul3A_637 = vector.broadcast %mul3A_636 : f32 to vector<16xf32>
      %mul3A_638 = arith.mulf %get3A_635, %mul3A_637 : vector<16xf32>
      %swap3A_639 = arith.constant 2 : i32
      %swap3A_640 = arith.index_cast %swap3A_639 : i32 to index
      %swap3A_641 = arith.index_cast %add3A_629 : i32 to index
      %swap3A_642 = arith.constant 16 : index
      %swap3A_643 = tpu.vector_load %arg6[%swap3A_640, %swap3A_641, %swap3A_642] {strides = array<i32>} : memref<4x256x64xf32, #tpu.memory_space<vmem>>, vector<1x1x16xf32>,
      %swap3A_644 = vector.shape_cast %swap3A_643 : vector<1x1x16xf32> to vector<16xf32>
      %swap3A_645 = vector.shape_cast %mul3A_638 : vector<16xf32> to vector<1x1x16xf32>
      tpu.vector_store %arg6[%swap3A_640, %swap3A_641, %swap3A_642], %swap3A_645 {strides = array<i32>} : memref<4x256x64xf32, #tpu.memory_space<vmem>>, vector<1x1x16xf32>,
      %add3A_646 = arith.constant 3 : i32
      %add3A_647 = arith.addi %mul3A_395, %add3A_646 : i32
      %get3A_648 = arith.constant 2 : i32
      %get3A_649 = arith.index_cast %get3A_648 : i32 to index
      %get3A_650 = arith.index_cast %add3A_647 : i32 to index
      %get3A_651 = arith.constant 32 : index
      %get3A_652 = tpu.vector_load %arg6[%get3A_649, %get3A_650, %get3A_651] {strides = array<i32>} : memref<4x256x64xf32, #tpu.memory_space<vmem>>, vector<1x1x16xf32>,
      %get3A_653 = vector.shape_cast %get3A_652 : vector<1x1x16xf32> to vector<16xf32>
      %mul3A_654 = arith.constant 8.000000e+00 : f32
      %mul3A_655 = vector.broadcast %mul3A_654 : f32 to vector<16xf32>
      %mul3A_656 = arith.mulf %get3A_653, %mul3A_655 : vector<16xf32>
      %swap3A_657 = arith.constant 2 : i32
      %swap3A_658 = arith.index_cast %swap3A_657 : i32 to index
      %swap3A_659 = arith.index_cast %add3A_647 : i32 to index
      %swap3A_660 = arith.constant 32 : index
      %swap3A_661 = tpu.vector_load %arg6[%swap3A_658, %swap3A_659, %swap3A_660] {strides = array<i32>} : memref<4x256x64xf32, #tpu.memory_space<vmem>>, vector<1x1x16xf32>,
      %swap3A_662 = vector.shape_cast %swap3A_661 : vector<1x1x16xf32> to vector<16xf32>
      %swap3A_663 = vector.shape_cast %mul3A_656 : vector<16xf32> to vector<1x1x16xf32>
      tpu.vector_store %arg6[%swap3A_658, %swap3A_659, %swap3A_660], %swap3A_663 {strides = array<i32>} : memref<4x256x64xf32, #tpu.memory_space<vmem>>, vector<1x1x16xf32>,
      %add3A_664 = arith.constant 3 : i32
      %add3A_665 = arith.addi %mul3A_395, %add3A_664 : i32
      %get3A_666 = arith.constant 2 : i32
      %get3A_667 = arith.index_cast %get3A_666 : i32 to index
      %get3A_668 = arith.index_cast %add3A_665 : i32 to index
      %get3A_669 = arith.constant 48 : index
      %get3A_670 = tpu.vector_load %arg6[%get3A_667, %get3A_668, %get3A_669] {strides = array<i32>} : memref<4x256x64xf32, #tpu.memory_space<vmem>>, vector<1x1x16xf32>,
      %get3A_671 = vector.shape_cast %get3A_670 : vector<1x1x16xf32> to vector<16xf32>
      %mul3A_672 = arith.constant 8.000000e+00 : f32
      %mul3A_673 = vector.broadcast %mul3A_672 : f32 to vector<16xf32>
      %mul3A_674 = arith.mulf %get3A_671, %mul3A_673 : vector<16xf32>
      %swap3A_675 = arith.constant 2 : i32
      %swap3A_676 = arith.index_cast %swap3A_675 : i32 to index
      %swap3A_677 = arith.index_cast %add3A_665 : i32 to index
      %swap3A_678 = arith.constant 48 : index
      %swap3A_679 = tpu.vector_load %arg6[%swap3A_676, %swap3A_677, %swap3A_678] {strides = array<i32>} : memref<4x256x64xf32, #tpu.memory_space<vmem>>, vector<1x1x16xf32>,
      %swap3A_680 = vector.shape_cast %swap3A_679 : vector<1x1x16xf32> to vector<16xf32>
      %swap3A_681 = vector.shape_cast %mul3A_674 : vector<16xf32> to vector<1x1x16xf32>
      tpu.vector_store %arg6[%swap3A_676, %swap3A_677, %swap3A_678], %swap3A_681 {strides = array<i32>} : memref<4x256x64xf32, #tpu.memory_space<vmem>>, vector<1x1x16xf32>,
    }
    %scan3A_256 = arith.constant 64 : i32
    %add3A_257 = arith.constant 196 : i32
    %add3A_258 = arith.addi %mul3A_2, %add3A_257 : i32
    %mul3A_259 = arith.constant 128 : i32
    %mul3A_260 = arith.muli %add3A_258, %mul3A_259 : i32
    %dma_start3A_261 = arith.constant 2 : i32
    %dma_start3A_262 = arith.constant 2 : i32
    %dma_start3A_263 = arith.constant 0 : i32
    %dma_start3A_264 = arith.constant 0 : i32
    %dma_start3A_265 = tpu.memref_slice %arg6[%dma_start3A_261, %dma_start3A_263, %dma_start3A_264] : memref<4x256x64xf32, #tpu.memory_space<vmem>> -> memref<1x256x64xf32, #tpu.memory_space<vmem>>
    %dma_start3A_266 = tpu.memref_squeeze %dma_start3A_265 : memref<1x256x64xf32, #tpu.memory_space<vmem>> -> memref<256x64xf32, #tpu.memory_space<vmem>>
    %dma_start3A_267 = arith.constant 0 : i32
    %dma_start3A_268 = tpu.memref_slice %arg4[%mul3A_260, %dma_start3A_267] : memref<819200x128xf32, #tpu.memory_space<hbm>> -> memref<256x64xf32, #tpu.memory_space<hbm>>
    %dma_start3A_269 = tpu.memref_slice %arg8[%dma_start3A_262] : memref<4x!tpu.dma_semaphore, #tpu.memory_space<semaphore_mem>> -> memref<1x!tpu.dma_semaphore, #tpu.memory_space<semaphore_mem>>
    %dma_start3A_270 = tpu.memref_squeeze %dma_start3A_269 : memref<1x!tpu.dma_semaphore, #tpu.memory_space<semaphore_mem>> -> memref<!tpu.dma_semaphore, #tpu.memory_space<semaphore_mem>>
    %dma_start3A_271 = arith.constant 0 : i32
    %dma_start3A_272 = tpu.memref_slice %arg4[%mul3A_260, %dma_start3A_271] : memref<819200x128xf32, #tpu.memory_space<hbm>> -> memref<256x64xf32, #tpu.memory_space<hbm>>
    %dma_start3A_273 = arith.constant 0 : i32
    %dma_start3A_274 = arith.constant 0 : i32
    %dma_start3A_275 = tpu.memref_slice %arg6[%dma_start3A_261, %dma_start3A_273, %dma_start3A_274] : memref<4x256x64xf32, #tpu.memory_space<vmem>> -> memref<1x256x64xf32, #tpu.memory_space<vmem>>
    %dma_start3A_276 = tpu.memref_squeeze %dma_start3A_275 : memref<1x256x64xf32, #tpu.memory_space<vmem>> -> memref<256x64xf32, #tpu.memory_space<vmem>>
    tpu.enqueue_dma source(%dma_start3A_276 : memref<256x64xf32, #tpu.memory_space<vmem>>) target(%dma_start3A_272 : memref<256x64xf32, #tpu.memory_space<hbm>>) target_semaphore(%dma_start3A_270 : memref<!tpu.dma_semaphore, #tpu.memory_space<semaphore_mem>>)
    %dma_wait3A_277 = arith.constant 3 : i32
    %dma_wait3A_278 = arith.constant 3 : i32
    %dma_wait3A_279 = arith.constant 0 : i32
    %dma_wait3A_280 = arith.constant 0 : i32
    %dma_wait3A_281 = tpu.memref_slice %arg6[%dma_wait3A_277, %dma_wait3A_279, %dma_wait3A_280] : memref<4x256x64xf32, #tpu.memory_space<vmem>> -> memref<1x256x64xf32, #tpu.memory_space<vmem>>
    %dma_wait3A_282 = tpu.memref_squeeze %dma_wait3A_281 : memref<1x256x64xf32, #tpu.memory_space<vmem>> -> memref<256x64xf32, #tpu.memory_space<vmem>>
    %dma_wait3A_283 = arith.constant 0 : i32
    %dma_wait3A_284 = arith.constant 0 : i32
    %dma_wait3A_285 = tpu.memref_slice %arg3[%dma_wait3A_283, %dma_wait3A_284] : memref<1000000x64xf32, #tpu.memory_space<hbm>> -> memref<256x64xf32, #tpu.memory_space<hbm>>
    %dma_wait3A_286 = tpu.memref_slice %arg7[%dma_wait3A_278] : memref<4x!tpu.dma_semaphore, #tpu.memory_space<semaphore_mem>> -> memref<1x!tpu.dma_semaphore, #tpu.memory_space<semaphore_mem>>
    %dma_wait3A_287 = tpu.memref_squeeze %dma_wait3A_286 : memref<1x!tpu.dma_semaphore, #tpu.memory_space<semaphore_mem>> -> memref<!tpu.dma_semaphore, #tpu.memory_space<semaphore_mem>>
    %dma_wait3A_288 = arith.constant 0 : i32
    %dma_wait3A_289 = arith.constant 0 : i32
    %dma_wait3A_290 = tpu.memref_slice %arg6[%dma_wait3A_277, %dma_wait3A_288, %dma_wait3A_289] : memref<4x256x64xf32, #tpu.memory_space<vmem>> -> memref<1x256x64xf32, #tpu.memory_space<vmem>>
    %dma_wait3A_291 = tpu.memref_squeeze %dma_wait3A_290 : memref<1x256x64xf32, #tpu.memory_space<vmem>> -> memref<256x64xf32, #tpu.memory_space<vmem>>
    %dma_wait3A_292 = arith.constant 0 : i32
    %dma_wait3A_293 = arith.constant 0 : i32
    %dma_wait3A_294 = tpu.memref_slice %arg3[%dma_wait3A_292, %dma_wait3A_293] : memref<1000000x64xf32, #tpu.memory_space<hbm>> -> memref<256x64xf32, #tpu.memory_space<hbm>>
    tpu.wait_dma2 semaphore(%dma_wait3A_287 : memref<!tpu.dma_semaphore, #tpu.memory_space<semaphore_mem>>) src(%dma_wait3A_294 : memref<256x64xf32, #tpu.memory_space<hbm>>) dst(%dma_wait3A_291 : memref<256x64xf32, #tpu.memory_space<vmem>>)
    %scan3A_295 = arith.constant 0 : i32
    %scan3A_296 = arith.constant 0 : i32
    %scan3A_297 = arith.constant 64 : i32
    %scan3A_298 = arith.addi %scan3A_296, %scan3A_297 : i32
    %scan3A_299 = arith.constant 1 : i32
    scf.for %scan3A_393 = %scan3A_296 to %scan3A_298 step %scan3A_299  : i32 {
      %mul3A_394 = arith.constant 4 : i32
      %mul3A_395 = arith.muli %scan3A_393, %mul3A_394 : i32
      %add3A_396 = arith.constant 0 : i32
      %add3A_397 = arith.addi %mul3A_395, %add3A_396 : i32
      %get3A = arith.constant 3 : i32
      %get3A_398 = arith.index_cast %get3A : i32 to index
      %get3A_399 = arith.index_cast %add3A_397 : i32 to index
      %get3A_400 = arith.constant 0 : index
      %get3A_401 = tpu.vector_load %arg6[%get3A_398, %get3A_399, %get3A_400] {strides = array<i32>} : memref<4x256x64xf32, #tpu.memory_space<vmem>>, vector<1x1x16xf32>,
      %get3A_402 = vector.shape_cast %get3A_401 : vector<1x1x16xf32> to vector<16xf32>
      %mul3A_403 = arith.constant 8.000000e+00 : f32
      %mul3A_404 = vector.broadcast %mul3A_403 : f32 to vector<16xf32>
      %mul3A_405 = arith.mulf %get3A_402, %mul3A_404 : vector<16xf32>
      %swap3A = arith.constant 3 : i32
      %swap3A_406 = arith.index_cast %swap3A : i32 to index
      %swap3A_407 = arith.index_cast %add3A_397 : i32 to index
      %swap3A_408 = arith.constant 0 : index
      %swap3A_409 = tpu.vector_load %arg6[%swap3A_406, %swap3A_407, %swap3A_408] {strides = array<i32>} : memref<4x256x64xf32, #tpu.memory_space<vmem>>, vector<1x1x16xf32>,
      %swap3A_410 = vector.shape_cast %swap3A_409 : vector<1x1x16xf32> to vector<16xf32>
      %swap3A_411 = vector.shape_cast %mul3A_405 : vector<16xf32> to vector<1x1x16xf32>
      tpu.vector_store %arg6[%swap3A_406, %swap3A_407, %swap3A_408], %swap3A_411 {strides = array<i32>} : memref<4x256x64xf32, #tpu.memory_space<vmem>>, vector<1x1x16xf32>,
      %add3A_412 = arith.constant 0 : i32
      %add3A_413 = arith.addi %mul3A_395, %add3A_412 : i32
      %get3A_414 = arith.constant 3 : i32
      %get3A_415 = arith.index_cast %get3A_414 : i32 to index
      %get3A_416 = arith.index_cast %add3A_413 : i32 to index
      %get3A_417 = arith.constant 16 : index
      %get3A_418 = tpu.vector_load %arg6[%get3A_415, %get3A_416, %get3A_417] {strides = array<i32>} : memref<4x256x64xf32, #tpu.memory_space<vmem>>, vector<1x1x16xf32>,
      %get3A_419 = vector.shape_cast %get3A_418 : vector<1x1x16xf32> to vector<16xf32>
      %mul3A_420 = arith.constant 8.000000e+00 : f32
      %mul3A_421 = vector.broadcast %mul3A_420 : f32 to vector<16xf32>
      %mul3A_422 = arith.mulf %get3A_419, %mul3A_421 : vector<16xf32>
      %swap3A_423 = arith.constant 3 : i32
      %swap3A_424 = arith.index_cast %swap3A_423 : i32 to index
      %swap3A_425 = arith.index_cast %add3A_413 : i32 to index
      %swap3A_426 = arith.constant 16 : index
      %swap3A_427 = tpu.vector_load %arg6[%swap3A_424, %swap3A_425, %swap3A_426] {strides = array<i32>} : memref<4x256x64xf32, #tpu.memory_space<vmem>>, vector<1x1x16xf32>,
      %swap3A_428 = vector.shape_cast %swap3A_427 : vector<1x1x16xf32> to vector<16xf32>
      %swap3A_429 = vector.shape_cast %mul3A_422 : vector<16xf32> to vector<1x1x16xf32>
      tpu.vector_store %arg6[%swap3A_424, %swap3A_425, %swap3A_426], %swap3A_429 {strides = array<i32>} : memref<4x256x64xf32, #tpu.memory_space<vmem>>, vector<1x1x16xf32>,
      %add3A_430 = arith.constant 0 : i32
      %add3A_431 = arith.addi %mul3A_395, %add3A_430 : i32
      %get3A_432 = arith.constant 3 : i32
      %get3A_433 = arith.index_cast %get3A_432 : i32 to index
      %get3A_434 = arith.index_cast %add3A_431 : i32 to index
      %get3A_435 = arith.constant 32 : index
      %get3A_436 = tpu.vector_load %arg6[%get3A_433, %get3A_434, %get3A_435] {strides = array<i32>} : memref<4x256x64xf32, #tpu.memory_space<vmem>>, vector<1x1x16xf32>,
      %get3A_437 = vector.shape_cast %get3A_436 : vector<1x1x16xf32> to vector<16xf32>
      %mul3A_438 = arith.constant 8.000000e+00 : f32
      %mul3A_439 = vector.broadcast %mul3A_438 : f32 to vector<16xf32>
      %mul3A_440 = arith.mulf %get3A_437, %mul3A_439 : vector<16xf32>
      %swap3A_441 = arith.constant 3 : i32
      %swap3A_442 = arith.index_cast %swap3A_441 : i32 to index
      %swap3A_443 = arith.index_cast %add3A_431 : i32 to index
      %swap3A_444 = arith.constant 32 : index
      %swap3A_445 = tpu.vector_load %arg6[%swap3A_442, %swap3A_443, %swap3A_444] {strides = array<i32>} : memref<4x256x64xf32, #tpu.memory_space<vmem>>, vector<1x1x16xf32>,
      %swap3A_446 = vector.shape_cast %swap3A_445 : vector<1x1x16xf32> to vector<16xf32>
      %swap3A_447 = vector.shape_cast %mul3A_440 : vector<16xf32> to vector<1x1x16xf32>
      tpu.vector_store %arg6[%swap3A_442, %swap3A_443, %swap3A_444], %swap3A_447 {strides = array<i32>} : memref<4x256x64xf32, #tpu.memory_space<vmem>>, vector<1x1x16xf32>,
      %add3A_448 = arith.constant 0 : i32
      %add3A_449 = arith.addi %mul3A_395, %add3A_448 : i32
      %get3A_450 = arith.constant 3 : i32
      %get3A_451 = arith.index_cast %get3A_450 : i32 to index
      %get3A_452 = arith.index_cast %add3A_449 : i32 to index
      %get3A_453 = arith.constant 48 : index
      %get3A_454 = tpu.vector_load %arg6[%get3A_451, %get3A_452, %get3A_453] {strides = array<i32>} : memref<4x256x64xf32, #tpu.memory_space<vmem>>, vector<1x1x16xf32>,
      %get3A_455 = vector.shape_cast %get3A_454 : vector<1x1x16xf32> to vector<16xf32>
      %mul3A_456 = arith.constant 8.000000e+00 : f32
      %mul3A_457 = vector.broadcast %mul3A_456 : f32 to vector<16xf32>
      %mul3A_458 = arith.mulf %get3A_455, %mul3A_457 : vector<16xf32>
      %swap3A_459 = arith.constant 3 : i32
      %swap3A_460 = arith.index_cast %swap3A_459 : i32 to index
      %swap3A_461 = arith.index_cast %add3A_449 : i32 to index
      %swap3A_462 = arith.constant 48 : index
      %swap3A_463 = tpu.vector_load %arg6[%swap3A_460, %swap3A_461, %swap3A_462] {strides = array<i32>} : memref<4x256x64xf32, #tpu.memory_space<vmem>>, vector<1x1x16xf32>,
      %swap3A_464 = vector.shape_cast %swap3A_463 : vector<1x1x16xf32> to vector<16xf32>
      %swap3A_465 = vector.shape_cast %mul3A_458 : vector<16xf32> to vector<1x1x16xf32>
      tpu.vector_store %arg6[%swap3A_460, %swap3A_461, %swap3A_462], %swap3A_465 {strides = array<i32>} : memref<4x256x64xf32, #tpu.memory_space<vmem>>, vector<1x1x16xf32>,
      %add3A_466 = arith.constant 1 : i32
      %add3A_467 = arith.addi %mul3A_395, %add3A_466 : i32
      %get3A_468 = arith.constant 3 : i32
      %get3A_469 = arith.index_cast %get3A_468 : i32 to index
      %get3A_470 = arith.index_cast %add3A_467 : i32 to index
      %get3A_471 = arith.constant 0 : index
      %get3A_472 = tpu.vector_load %arg6[%get3A_469, %get3A_470, %get3A_471] {strides = array<i32>} : memref<4x256x64xf32, #tpu.memory_space<vmem>>, vector<1x1x16xf32>,
      %get3A_473 = vector.shape_cast %get3A_472 : vector<1x1x16xf32> to vector<16xf32>
      %mul3A_474 = arith.constant 8.000000e+00 : f32
      %mul3A_475 = vector.broadcast %mul3A_474 : f32 to vector<16xf32>
      %mul3A_476 = arith.mulf %get3A_473, %mul3A_475 : vector<16xf32>
      %swap3A_477 = arith.constant 3 : i32
      %swap3A_478 = arith.index_cast %swap3A_477 : i32 to index
      %swap3A_479 = arith.index_cast %add3A_467 : i32 to index
      %swap3A_480 = arith.constant 0 : index
      %swap3A_481 = tpu.vector_load %arg6[%swap3A_478, %swap3A_479, %swap3A_480] {strides = array<i32>} : memref<4x256x64xf32, #tpu.memory_space<vmem>>, vector<1x1x16xf32>,
      %swap3A_482 = vector.shape_cast %swap3A_481 : vector<1x1x16xf32> to vector<16xf32>
      %swap3A_483 = vector.shape_cast %mul3A_476 : vector<16xf32> to vector<1x1x16xf32>
      tpu.vector_store %arg6[%swap3A_478, %swap3A_479, %swap3A_480], %swap3A_483 {strides = array<i32>} : memref<4x256x64xf32, #tpu.memory_space<vmem>>, vector<1x1x16xf32>,
      %add3A_484 = arith.constant 1 : i32
      %add3A_485 = arith.addi %mul3A_395, %add3A_484 : i32
      %get3A_486 = arith.constant 3 : i32
      %get3A_487 = arith.index_cast %get3A_486 : i32 to index
      %get3A_488 = arith.index_cast %add3A_485 : i32 to index
      %get3A_489 = arith.constant 16 : index
      %get3A_490 = tpu.vector_load %arg6[%get3A_487, %get3A_488, %get3A_489] {strides = array<i32>} : memref<4x256x64xf32, #tpu.memory_space<vmem>>, vector<1x1x16xf32>,
      %get3A_491 = vector.shape_cast %get3A_490 : vector<1x1x16xf32> to vector<16xf32>
      %mul3A_492 = arith.constant 8.000000e+00 : f32
      %mul3A_493 = vector.broadcast %mul3A_492 : f32 to vector<16xf32>
      %mul3A_494 = arith.mulf %get3A_491, %mul3A_493 : vector<16xf32>
      %swap3A_495 = arith.constant 3 : i32
      %swap3A_496 = arith.index_cast %swap3A_495 : i32 to index
      %swap3A_497 = arith.index_cast %add3A_485 : i32 to index
      %swap3A_498 = arith.constant 16 : index
      %swap3A_499 = tpu.vector_load %arg6[%swap3A_496, %swap3A_497, %swap3A_498] {strides = array<i32>} : memref<4x256x64xf32, #tpu.memory_space<vmem>>, vector<1x1x16xf32>,
      %swap3A_500 = vector.shape_cast %swap3A_499 : vector<1x1x16xf32> to vector<16xf32>
      %swap3A_501 = vector.shape_cast %mul3A_494 : vector<16xf32> to vector<1x1x16xf32>
      tpu.vector_store %arg6[%swap3A_496, %swap3A_497, %swap3A_498], %swap3A_501 {strides = array<i32>} : memref<4x256x64xf32, #tpu.memory_space<vmem>>, vector<1x1x16xf32>,
      %add3A_502 = arith.constant 1 : i32
      %add3A_503 = arith.addi %mul3A_395, %add3A_502 : i32
      %get3A_504 = arith.constant 3 : i32
      %get3A_505 = arith.index_cast %get3A_504 : i32 to index
      %get3A_506 = arith.index_cast %add3A_503 : i32 to index
      %get3A_507 = arith.constant 32 : index
      %get3A_508 = tpu.vector_load %arg6[%get3A_505, %get3A_506, %get3A_507] {strides = array<i32>} : memref<4x256x64xf32, #tpu.memory_space<vmem>>, vector<1x1x16xf32>,
      %get3A_509 = vector.shape_cast %get3A_508 : vector<1x1x16xf32> to vector<16xf32>
      %mul3A_510 = arith.constant 8.000000e+00 : f32
      %mul3A_511 = vector.broadcast %mul3A_510 : f32 to vector<16xf32>
      %mul3A_512 = arith.mulf %get3A_509, %mul3A_511 : vector<16xf32>
      %swap3A_513 = arith.constant 3 : i32
      %swap3A_514 = arith.index_cast %swap3A_513 : i32 to index
      %swap3A_515 = arith.index_cast %add3A_503 : i32 to index
      %swap3A_516 = arith.constant 32 : index
      %swap3A_517 = tpu.vector_load %arg6[%swap3A_514, %swap3A_515, %swap3A_516] {strides = array<i32>} : memref<4x256x64xf32, #tpu.memory_space<vmem>>, vector<1x1x16xf32>,
      %swap3A_518 = vector.shape_cast %swap3A_517 : vector<1x1x16xf32> to vector<16xf32>
      %swap3A_519 = vector.shape_cast %mul3A_512 : vector<16xf32> to vector<1x1x16xf32>
      tpu.vector_store %arg6[%swap3A_514, %swap3A_515, %swap3A_516], %swap3A_519 {strides = array<i32>} : memref<4x256x64xf32, #tpu.memory_space<vmem>>, vector<1x1x16xf32>,
      %add3A_520 = arith.constant 1 : i32
      %add3A_521 = arith.addi %mul3A_395, %add3A_520 : i32
      %get3A_522 = arith.constant 3 : i32
      %get3A_523 = arith.index_cast %get3A_522 : i32 to index
      %get3A_524 = arith.index_cast %add3A_521 : i32 to index
      %get3A_525 = arith.constant 48 : index
      %get3A_526 = tpu.vector_load %arg6[%get3A_523, %get3A_524, %get3A_525] {strides = array<i32>} : memref<4x256x64xf32, #tpu.memory_space<vmem>>, vector<1x1x16xf32>,
      %get3A_527 = vector.shape_cast %get3A_526 : vector<1x1x16xf32> to vector<16xf32>
      %mul3A_528 = arith.constant 8.000000e+00 : f32
      %mul3A_529 = vector.broadcast %mul3A_528 : f32 to vector<16xf32>
      %mul3A_530 = arith.mulf %get3A_527, %mul3A_529 : vector<16xf32>
      %swap3A_531 = arith.constant 3 : i32
      %swap3A_532 = arith.index_cast %swap3A_531 : i32 to index
      %swap3A_533 = arith.index_cast %add3A_521 : i32 to index
      %swap3A_534 = arith.constant 48 : index
      %swap3A_535 = tpu.vector_load %arg6[%swap3A_532, %swap3A_533, %swap3A_534] {strides = array<i32>} : memref<4x256x64xf32, #tpu.memory_space<vmem>>, vector<1x1x16xf32>,
      %swap3A_536 = vector.shape_cast %swap3A_535 : vector<1x1x16xf32> to vector<16xf32>
      %swap3A_537 = vector.shape_cast %mul3A_530 : vector<16xf32> to vector<1x1x16xf32>
      tpu.vector_store %arg6[%swap3A_532, %swap3A_533, %swap3A_534], %swap3A_537 {strides = array<i32>} : memref<4x256x64xf32, #tpu.memory_space<vmem>>, vector<1x1x16xf32>,
      %add3A_538 = arith.constant 2 : i32
      %add3A_539 = arith.addi %mul3A_395, %add3A_538 : i32
      %get3A_540 = arith.constant 3 : i32
      %get3A_541 = arith.index_cast %get3A_540 : i32 to index
      %get3A_542 = arith.index_cast %add3A_539 : i32 to index
      %get3A_543 = arith.constant 0 : index
      %get3A_544 = tpu.vector_load %arg6[%get3A_541, %get3A_542, %get3A_543] {strides = array<i32>} : memref<4x256x64xf32, #tpu.memory_space<vmem>>, vector<1x1x16xf32>,
      %get3A_545 = vector.shape_cast %get3A_544 : vector<1x1x16xf32> to vector<16xf32>
      %mul3A_546 = arith.constant 8.000000e+00 : f32
      %mul3A_547 = vector.broadcast %mul3A_546 : f32 to vector<16xf32>
      %mul3A_548 = arith.mulf %get3A_545, %mul3A_547 : vector<16xf32>
      %swap3A_549 = arith.constant 3 : i32
      %swap3A_550 = arith.index_cast %swap3A_549 : i32 to index
      %swap3A_551 = arith.index_cast %add3A_539 : i32 to index
      %swap3A_552 = arith.constant 0 : index
      %swap3A_553 = tpu.vector_load %arg6[%swap3A_550, %swap3A_551, %swap3A_552] {strides = array<i32>} : memref<4x256x64xf32, #tpu.memory_space<vmem>>, vector<1x1x16xf32>,
      %swap3A_554 = vector.shape_cast %swap3A_553 : vector<1x1x16xf32> to vector<16xf32>
      %swap3A_555 = vector.shape_cast %mul3A_548 : vector<16xf32> to vector<1x1x16xf32>
      tpu.vector_store %arg6[%swap3A_550, %swap3A_551, %swap3A_552], %swap3A_555 {strides = array<i32>} : memref<4x256x64xf32, #tpu.memory_space<vmem>>, vector<1x1x16xf32>,
      %add3A_556 = arith.constant 2 : i32
      %add3A_557 = arith.addi %mul3A_395, %add3A_556 : i32
      %get3A_558 = arith.constant 3 : i32
      %get3A_559 = arith.index_cast %get3A_558 : i32 to index
      %get3A_560 = arith.index_cast %add3A_557 : i32 to index
      %get3A_561 = arith.constant 16 : index
      %get3A_562 = tpu.vector_load %arg6[%get3A_559, %get3A_560, %get3A_561] {strides = array<i32>} : memref<4x256x64xf32, #tpu.memory_space<vmem>>, vector<1x1x16xf32>,
      %get3A_563 = vector.shape_cast %get3A_562 : vector<1x1x16xf32> to vector<16xf32>
      %mul3A_564 = arith.constant 8.000000e+00 : f32
      %mul3A_565 = vector.broadcast %mul3A_564 : f32 to vector<16xf32>
      %mul3A_566 = arith.mulf %get3A_563, %mul3A_565 : vector<16xf32>
      %swap3A_567 = arith.constant 3 : i32
      %swap3A_568 = arith.index_cast %swap3A_567 : i32 to index
      %swap3A_569 = arith.index_cast %add3A_557 : i32 to index
      %swap3A_570 = arith.constant 16 : index
      %swap3A_571 = tpu.vector_load %arg6[%swap3A_568, %swap3A_569, %swap3A_570] {strides = array<i32>} : memref<4x256x64xf32, #tpu.memory_space<vmem>>, vector<1x1x16xf32>,
      %swap3A_572 = vector.shape_cast %swap3A_571 : vector<1x1x16xf32> to vector<16xf32>
      %swap3A_573 = vector.shape_cast %mul3A_566 : vector<16xf32> to vector<1x1x16xf32>
      tpu.vector_store %arg6[%swap3A_568, %swap3A_569, %swap3A_570], %swap3A_573 {strides = array<i32>} : memref<4x256x64xf32, #tpu.memory_space<vmem>>, vector<1x1x16xf32>,
      %add3A_574 = arith.constant 2 : i32
      %add3A_575 = arith.addi %mul3A_395, %add3A_574 : i32
      %get3A_576 = arith.constant 3 : i32
      %get3A_577 = arith.index_cast %get3A_576 : i32 to index
      %get3A_578 = arith.index_cast %add3A_575 : i32 to index
      %get3A_579 = arith.constant 32 : index
      %get3A_580 = tpu.vector_load %arg6[%get3A_577, %get3A_578, %get3A_579] {strides = array<i32>} : memref<4x256x64xf32, #tpu.memory_space<vmem>>, vector<1x1x16xf32>,
      %get3A_581 = vector.shape_cast %get3A_580 : vector<1x1x16xf32> to vector<16xf32>
      %mul3A_582 = arith.constant 8.000000e+00 : f32
      %mul3A_583 = vector.broadcast %mul3A_582 : f32 to vector<16xf32>
      %mul3A_584 = arith.mulf %get3A_581, %mul3A_583 : vector<16xf32>
      %swap3A_585 = arith.constant 3 : i32
      %swap3A_586 = arith.index_cast %swap3A_585 : i32 to index
      %swap3A_587 = arith.index_cast %add3A_575 : i32 to index
      %swap3A_588 = arith.constant 32 : index
      %swap3A_589 = tpu.vector_load %arg6[%swap3A_586, %swap3A_587, %swap3A_588] {strides = array<i32>} : memref<4x256x64xf32, #tpu.memory_space<vmem>>, vector<1x1x16xf32>,
      %swap3A_590 = vector.shape_cast %swap3A_589 : vector<1x1x16xf32> to vector<16xf32>
      %swap3A_591 = vector.shape_cast %mul3A_584 : vector<16xf32> to vector<1x1x16xf32>
      tpu.vector_store %arg6[%swap3A_586, %swap3A_587, %swap3A_588], %swap3A_591 {strides = array<i32>} : memref<4x256x64xf32, #tpu.memory_space<vmem>>, vector<1x1x16xf32>,
      %add3A_592 = arith.constant 2 : i32
      %add3A_593 = arith.addi %mul3A_395, %add3A_592 : i32
      %get3A_594 = arith.constant 3 : i32
      %get3A_595 = arith.index_cast %get3A_594 : i32 to index
      %get3A_596 = arith.index_cast %add3A_593 : i32 to index
      %get3A_597 = arith.constant 48 : index
      %get3A_598 = tpu.vector_load %arg6[%get3A_595, %get3A_596, %get3A_597] {strides = array<i32>} : memref<4x256x64xf32, #tpu.memory_space<vmem>>, vector<1x1x16xf32>,
      %get3A_599 = vector.shape_cast %get3A_598 : vector<1x1x16xf32> to vector<16xf32>
      %mul3A_600 = arith.constant 8.000000e+00 : f32
      %mul3A_601 = vector.broadcast %mul3A_600 : f32 to vector<16xf32>
      %mul3A_602 = arith.mulf %get3A_599, %mul3A_601 : vector<16xf32>
      %swap3A_603 = arith.constant 3 : i32
      %swap3A_604 = arith.index_cast %swap3A_603 : i32 to index
      %swap3A_605 = arith.index_cast %add3A_593 : i32 to index
      %swap3A_606 = arith.constant 48 : index
      %swap3A_607 = tpu.vector_load %arg6[%swap3A_604, %swap3A_605, %swap3A_606] {strides = array<i32>} : memref<4x256x64xf32, #tpu.memory_space<vmem>>, vector<1x1x16xf32>,
      %swap3A_608 = vector.shape_cast %swap3A_607 : vector<1x1x16xf32> to vector<16xf32>
      %swap3A_609 = vector.shape_cast %mul3A_602 : vector<16xf32> to vector<1x1x16xf32>
      tpu.vector_store %arg6[%swap3A_604, %swap3A_605, %swap3A_606], %swap3A_609 {strides = array<i32>} : memref<4x256x64xf32, #tpu.memory_space<vmem>>, vector<1x1x16xf32>,
      %add3A_610 = arith.constant 3 : i32
      %add3A_611 = arith.addi %mul3A_395, %add3A_610 : i32
      %get3A_612 = arith.constant 3 : i32
      %get3A_613 = arith.index_cast %get3A_612 : i32 to index
      %get3A_614 = arith.index_cast %add3A_611 : i32 to index
      %get3A_615 = arith.constant 0 : index
      %get3A_616 = tpu.vector_load %arg6[%get3A_613, %get3A_614, %get3A_615] {strides = array<i32>} : memref<4x256x64xf32, #tpu.memory_space<vmem>>, vector<1x1x16xf32>,
      %get3A_617 = vector.shape_cast %get3A_616 : vector<1x1x16xf32> to vector<16xf32>
      %mul3A_618 = arith.constant 8.000000e+00 : f32
      %mul3A_619 = vector.broadcast %mul3A_618 : f32 to vector<16xf32>
      %mul3A_620 = arith.mulf %get3A_617, %mul3A_619 : vector<16xf32>
      %swap3A_621 = arith.constant 3 : i32
      %swap3A_622 = arith.index_cast %swap3A_621 : i32 to index
      %swap3A_623 = arith.index_cast %add3A_611 : i32 to index
      %swap3A_624 = arith.constant 0 : index
      %swap3A_625 = tpu.vector_load %arg6[%swap3A_622, %swap3A_623, %swap3A_624] {strides = array<i32>} : memref<4x256x64xf32, #tpu.memory_space<vmem>>, vector<1x1x16xf32>,
      %swap3A_626 = vector.shape_cast %swap3A_625 : vector<1x1x16xf32> to vector<16xf32>
      %swap3A_627 = vector.shape_cast %mul3A_620 : vector<16xf32> to vector<1x1x16xf32>
      tpu.vector_store %arg6[%swap3A_622, %swap3A_623, %swap3A_624], %swap3A_627 {strides = array<i32>} : memref<4x256x64xf32, #tpu.memory_space<vmem>>, vector<1x1x16xf32>,
      %add3A_628 = arith.constant 3 : i32
      %add3A_629 = arith.addi %mul3A_395, %add3A_628 : i32
      %get3A_630 = arith.constant 3 : i32
      %get3A_631 = arith.index_cast %get3A_630 : i32 to index
      %get3A_632 = arith.index_cast %add3A_629 : i32 to index
      %get3A_633 = arith.constant 16 : index
      %get3A_634 = tpu.vector_load %arg6[%get3A_631, %get3A_632, %get3A_633] {strides = array<i32>} : memref<4x256x64xf32, #tpu.memory_space<vmem>>, vector<1x1x16xf32>,
      %get3A_635 = vector.shape_cast %get3A_634 : vector<1x1x16xf32> to vector<16xf32>
      %mul3A_636 = arith.constant 8.000000e+00 : f32
      %mul3A_637 = vector.broadcast %mul3A_636 : f32 to vector<16xf32>
      %mul3A_638 = arith.mulf %get3A_635, %mul3A_637 : vector<16xf32>
      %swap3A_639 = arith.constant 3 : i32
      %swap3A_640 = arith.index_cast %swap3A_639 : i32 to index
      %swap3A_641 = arith.index_cast %add3A_629 : i32 to index
      %swap3A_642 = arith.constant 16 : index
      %swap3A_643 = tpu.vector_load %arg6[%swap3A_640, %swap3A_641, %swap3A_642] {strides = array<i32>} : memref<4x256x64xf32, #tpu.memory_space<vmem>>, vector<1x1x16xf32>,
      %swap3A_644 = vector.shape_cast %swap3A_643 : vector<1x1x16xf32> to vector<16xf32>
      %swap3A_645 = vector.shape_cast %mul3A_638 : vector<16xf32> to vector<1x1x16xf32>
      tpu.vector_store %arg6[%swap3A_640, %swap3A_641, %swap3A_642], %swap3A_645 {strides = array<i32>} : memref<4x256x64xf32, #tpu.memory_space<vmem>>, vector<1x1x16xf32>,
      %add3A_646 = arith.constant 3 : i32
      %add3A_647 = arith.addi %mul3A_395, %add3A_646 : i32
      %get3A_648 = arith.constant 3 : i32
      %get3A_649 = arith.index_cast %get3A_648 : i32 to index
      %get3A_650 = arith.index_cast %add3A_647 : i32 to index
      %get3A_651 = arith.constant 32 : index
      %get3A_652 = tpu.vector_load %arg6[%get3A_649, %get3A_650, %get3A_651] {strides = array<i32>} : memref<4x256x64xf32, #tpu.memory_space<vmem>>, vector<1x1x16xf32>,
      %get3A_653 = vector.shape_cast %get3A_652 : vector<1x1x16xf32> to vector<16xf32>
      %mul3A_654 = arith.constant 8.000000e+00 : f32
      %mul3A_655 = vector.broadcast %mul3A_654 : f32 to vector<16xf32>
      %mul3A_656 = arith.mulf %get3A_653, %mul3A_655 : vector<16xf32>
      %swap3A_657 = arith.constant 3 : i32
      %swap3A_658 = arith.index_cast %swap3A_657 : i32 to index
      %swap3A_659 = arith.index_cast %add3A_647 : i32 to index
      %swap3A_660 = arith.constant 32 : index
      %swap3A_661 = tpu.vector_load %arg6[%swap3A_658, %swap3A_659, %swap3A_660] {strides = array<i32>} : memref<4x256x64xf32, #tpu.memory_space<vmem>>, vector<1x1x16xf32>,
      %swap3A_662 = vector.shape_cast %swap3A_661 : vector<1x1x16xf32> to vector<16xf32>
      %swap3A_663 = vector.shape_cast %mul3A_656 : vector<16xf32> to vector<1x1x16xf32>
      tpu.vector_store %arg6[%swap3A_658, %swap3A_659, %swap3A_660], %swap3A_663 {strides = array<i32>} : memref<4x256x64xf32, #tpu.memory_space<vmem>>, vector<1x1x16xf32>,
      %add3A_664 = arith.constant 3 : i32
      %add3A_665 = arith.addi %mul3A_395, %add3A_664 : i32
      %get3A_666 = arith.constant 3 : i32
      %get3A_667 = arith.index_cast %get3A_666 : i32 to index
      %get3A_668 = arith.index_cast %add3A_665 : i32 to index
      %get3A_669 = arith.constant 48 : index
      %get3A_670 = tpu.vector_load %arg6[%get3A_667, %get3A_668, %get3A_669] {strides = array<i32>} : memref<4x256x64xf32, #tpu.memory_space<vmem>>, vector<1x1x16xf32>,
      %get3A_671 = vector.shape_cast %get3A_670 : vector<1x1x16xf32> to vector<16xf32>
      %mul3A_672 = arith.constant 8.000000e+00 : f32
      %mul3A_673 = vector.broadcast %mul3A_672 : f32 to vector<16xf32>
      %mul3A_674 = arith.mulf %get3A_671, %mul3A_673 : vector<16xf32>
      %swap3A_675 = arith.constant 3 : i32
      %swap3A_676 = arith.index_cast %swap3A_675 : i32 to index
      %swap3A_677 = arith.index_cast %add3A_665 : i32 to index
      %swap3A_678 = arith.constant 48 : index
      %swap3A_679 = tpu.vector_load %arg6[%swap3A_676, %swap3A_677, %swap3A_678] {strides = array<i32>} : memref<4x256x64xf32, #tpu.memory_space<vmem>>, vector<1x1x16xf32>,
      %swap3A_680 = vector.shape_cast %swap3A_679 : vector<1x1x16xf32> to vector<16xf32>
      %swap3A_681 = vector.shape_cast %mul3A_674 : vector<16xf32> to vector<1x1x16xf32>
      tpu.vector_store %arg6[%swap3A_676, %swap3A_677, %swap3A_678], %swap3A_681 {strides = array<i32>} : memref<4x256x64xf32, #tpu.memory_space<vmem>>, vector<1x1x16xf32>,
    }
    %scan3A_300 = arith.constant 64 : i32
    %add3A_301 = arith.constant 198 : i32
    %add3A_302 = arith.addi %mul3A_2, %add3A_301 : i32
    %mul3A_303 = arith.constant 128 : i32
    %mul3A_304 = arith.muli %add3A_302, %mul3A_303 : i32
    %dma_start3A_305 = arith.constant 3 : i32
    %dma_start3A_306 = arith.constant 3 : i32
    %dma_start3A_307 = arith.constant 0 : i32
    %dma_start3A_308 = arith.constant 0 : i32
    %dma_start3A_309 = tpu.memref_slice %arg6[%dma_start3A_305, %dma_start3A_307, %dma_start3A_308] : memref<4x256x64xf32, #tpu.memory_space<vmem>> -> memref<1x256x64xf32, #tpu.memory_space<vmem>>
    %dma_start3A_310 = tpu.memref_squeeze %dma_start3A_309 : memref<1x256x64xf32, #tpu.memory_space<vmem>> -> memref<256x64xf32, #tpu.memory_space<vmem>>
    %dma_start3A_311 = arith.constant 0 : i32
    %dma_start3A_312 = tpu.memref_slice %arg4[%mul3A_304, %dma_start3A_311] : memref<819200x128xf32, #tpu.memory_space<hbm>> -> memref<256x64xf32, #tpu.memory_space<hbm>>
    %dma_start3A_313 = tpu.memref_slice %arg8[%dma_start3A_306] : memref<4x!tpu.dma_semaphore, #tpu.memory_space<semaphore_mem>> -> memref<1x!tpu.dma_semaphore, #tpu.memory_space<semaphore_mem>>
    %dma_start3A_314 = tpu.memref_squeeze %dma_start3A_313 : memref<1x!tpu.dma_semaphore, #tpu.memory_space<semaphore_mem>> -> memref<!tpu.dma_semaphore, #tpu.memory_space<semaphore_mem>>
    %dma_start3A_315 = arith.constant 0 : i32
    %dma_start3A_316 = tpu.memref_slice %arg4[%mul3A_304, %dma_start3A_315] : memref<819200x128xf32, #tpu.memory_space<hbm>> -> memref<256x64xf32, #tpu.memory_space<hbm>>
    %dma_start3A_317 = arith.constant 0 : i32
    %dma_start3A_318 = arith.constant 0 : i32
    %dma_start3A_319 = tpu.memref_slice %arg6[%dma_start3A_305, %dma_start3A_317, %dma_start3A_318] : memref<4x256x64xf32, #tpu.memory_space<vmem>> -> memref<1x256x64xf32, #tpu.memory_space<vmem>>
    %dma_start3A_320 = tpu.memref_squeeze %dma_start3A_319 : memref<1x256x64xf32, #tpu.memory_space<vmem>> -> memref<256x64xf32, #tpu.memory_space<vmem>>
    tpu.enqueue_dma source(%dma_start3A_320 : memref<256x64xf32, #tpu.memory_space<vmem>>) target(%dma_start3A_316 : memref<256x64xf32, #tpu.memory_space<hbm>>) target_semaphore(%dma_start3A_314 : memref<!tpu.dma_semaphore, #tpu.memory_space<semaphore_mem>>)
    %dma_wait3A_321 = arith.constant 0 : i32
    %dma_wait3A_322 = arith.constant 0 : i32
    %dma_wait3A_323 = arith.constant 0 : i32
    %dma_wait3A_324 = arith.constant 0 : i32
    %dma_wait3A_325 = tpu.memref_slice %arg6[%dma_wait3A_321, %dma_wait3A_323, %dma_wait3A_324] : memref<4x256x64xf32, #tpu.memory_space<vmem>> -> memref<1x256x64xf32, #tpu.memory_space<vmem>>
    %dma_wait3A_326 = tpu.memref_squeeze %dma_wait3A_325 : memref<1x256x64xf32, #tpu.memory_space<vmem>> -> memref<256x64xf32, #tpu.memory_space<vmem>>
    %dma_wait3A_327 = arith.constant 0 : i32
    %dma_wait3A_328 = arith.constant 0 : i32
    %dma_wait3A_329 = tpu.memref_slice %arg4[%dma_wait3A_327, %dma_wait3A_328] : memref<819200x128xf32, #tpu.memory_space<hbm>> -> memref<256x64xf32, #tpu.memory_space<hbm>>
    %dma_wait3A_330 = tpu.memref_slice %arg8[%dma_wait3A_322] : memref<4x!tpu.dma_semaphore, #tpu.memory_space<semaphore_mem>> -> memref<1x!tpu.dma_semaphore, #tpu.memory_space<semaphore_mem>>
    %dma_wait3A_331 = tpu.memref_squeeze %dma_wait3A_330 : memref<1x!tpu.dma_semaphore, #tpu.memory_space<semaphore_mem>> -> memref<!tpu.dma_semaphore, #tpu.memory_space<semaphore_mem>>
    %dma_wait3A_332 = arith.constant 0 : i32
    %dma_wait3A_333 = arith.constant 0 : i32
    %dma_wait3A_334 = tpu.memref_slice %arg4[%dma_wait3A_332, %dma_wait3A_333] : memref<819200x128xf32, #tpu.memory_space<hbm>> -> memref<256x64xf32, #tpu.memory_space<hbm>>
    %dma_wait3A_335 = arith.constant 0 : i32
    %dma_wait3A_336 = arith.constant 0 : i32
    %dma_wait3A_337 = tpu.memref_slice %arg6[%dma_wait3A_321, %dma_wait3A_335, %dma_wait3A_336] : memref<4x256x64xf32, #tpu.memory_space<vmem>> -> memref<1x256x64xf32, #tpu.memory_space<vmem>>
    %dma_wait3A_338 = tpu.memref_squeeze %dma_wait3A_337 : memref<1x256x64xf32, #tpu.memory_space<vmem>> -> memref<256x64xf32, #tpu.memory_space<vmem>>
    tpu.wait_dma2 semaphore(%dma_wait3A_331 : memref<!tpu.dma_semaphore, #tpu.memory_space<semaphore_mem>>) src(%dma_wait3A_338 : memref<256x64xf32, #tpu.memory_space<vmem>>) dst(%dma_wait3A_334 : memref<256x64xf32, #tpu.memory_space<hbm>>)
    %dma_wait3A_339 = arith.constant 1 : i32
    %dma_wait3A_340 = arith.constant 1 : i32
    %dma_wait3A_341 = arith.constant 0 : i32
    %dma_wait3A_342 = arith.constant 0 : i32
    %dma_wait3A_343 = tpu.memref_slice %arg6[%dma_wait3A_339, %dma_wait3A_341, %dma_wait3A_342] : memref<4x256x64xf32, #tpu.memory_space<vmem>> -> memref<1x256x64xf32, #tpu.memory_space<vmem>>
    %dma_wait3A_344 = tpu.memref_squeeze %dma_wait3A_343 : memref<1x256x64xf32, #tpu.memory_space<vmem>> -> memref<256x64xf32, #tpu.memory_space<vmem>>
    %dma_wait3A_345 = arith.constant 0 : i32
    %dma_wait3A_346 = arith.constant 0 : i32
    %dma_wait3A_347 = tpu.memref_slice %arg4[%dma_wait3A_345, %dma_wait3A_346] : memref<819200x128xf32, #tpu.memory_space<hbm>> -> memref<256x64xf32, #tpu.memory_space<hbm>>
    %dma_wait3A_348 = tpu.memref_slice %arg8[%dma_wait3A_340] : memref<4x!tpu.dma_semaphore, #tpu.memory_space<semaphore_mem>> -> memref<1x!tpu.dma_semaphore, #tpu.memory_space<semaphore_mem>>
    %dma_wait3A_349 = tpu.memref_squeeze %dma_wait3A_348 : memref<1x!tpu.dma_semaphore, #tpu.memory_space<semaphore_mem>> -> memref<!tpu.dma_semaphore, #tpu.memory_space<semaphore_mem>>
    %dma_wait3A_350 = arith.constant 0 : i32
    %dma_wait3A_351 = arith.constant 0 : i32
    %dma_wait3A_352 = tpu.memref_slice %arg4[%dma_wait3A_350, %dma_wait3A_351] : memref<819200x128xf32, #tpu.memory_space<hbm>> -> memref<256x64xf32, #tpu.memory_space<hbm>>
    %dma_wait3A_353 = arith.constant 0 : i32
    %dma_wait3A_354 = arith.constant 0 : i32
    %dma_wait3A_355 = tpu.memref_slice %arg6[%dma_wait3A_339, %dma_wait3A_353, %dma_wait3A_354] : memref<4x256x64xf32, #tpu.memory_space<vmem>> -> memref<1x256x64xf32, #tpu.memory_space<vmem>>
    %dma_wait3A_356 = tpu.memref_squeeze %dma_wait3A_355 : memref<1x256x64xf32, #tpu.memory_space<vmem>> -> memref<256x64xf32, #tpu.memory_space<vmem>>
    tpu.wait_dma2 semaphore(%dma_wait3A_349 : memref<!tpu.dma_semaphore, #tpu.memory_space<semaphore_mem>>) src(%dma_wait3A_356 : memref<256x64xf32, #tpu.memory_space<vmem>>) dst(%dma_wait3A_352 : memref<256x64xf32, #tpu.memory_space<hbm>>)
    %dma_wait3A_357 = arith.constant 2 : i32
    %dma_wait3A_358 = arith.constant 2 : i32
    %dma_wait3A_359 = arith.constant 0 : i32
    %dma_wait3A_360 = arith.constant 0 : i32
    %dma_wait3A_361 = tpu.memref_slice %arg6[%dma_wait3A_357, %dma_wait3A_359, %dma_wait3A_360] : memref<4x256x64xf32, #tpu.memory_space<vmem>> -> memref<1x256x64xf32, #tpu.memory_space<vmem>>
    %dma_wait3A_362 = tpu.memref_squeeze %dma_wait3A_361 : memref<1x256x64xf32, #tpu.memory_space<vmem>> -> memref<256x64xf32, #tpu.memory_space<vmem>>
    %dma_wait3A_363 = arith.constant 0 : i32
    %dma_wait3A_364 = arith.constant 0 : i32
    %dma_wait3A_365 = tpu.memref_slice %arg4[%dma_wait3A_363, %dma_wait3A_364] : memref<819200x128xf32, #tpu.memory_space<hbm>> -> memref<256x64xf32, #tpu.memory_space<hbm>>
    %dma_wait3A_366 = tpu.memref_slice %arg8[%dma_wait3A_358] : memref<4x!tpu.dma_semaphore, #tpu.memory_space<semaphore_mem>> -> memref<1x!tpu.dma_semaphore, #tpu.memory_space<semaphore_mem>>
    %dma_wait3A_367 = tpu.memref_squeeze %dma_wait3A_366 : memref<1x!tpu.dma_semaphore, #tpu.memory_space<semaphore_mem>> -> memref<!tpu.dma_semaphore, #tpu.memory_space<semaphore_mem>>
    %dma_wait3A_368 = arith.constant 0 : i32
    %dma_wait3A_369 = arith.constant 0 : i32
    %dma_wait3A_370 = tpu.memref_slice %arg4[%dma_wait3A_368, %dma_wait3A_369] : memref<819200x128xf32, #tpu.memory_space<hbm>> -> memref<256x64xf32, #tpu.memory_space<hbm>>
    %dma_wait3A_371 = arith.constant 0 : i32
    %dma_wait3A_372 = arith.constant 0 : i32
    %dma_wait3A_373 = tpu.memref_slice %arg6[%dma_wait3A_357, %dma_wait3A_371, %dma_wait3A_372] : memref<4x256x64xf32, #tpu.memory_space<vmem>> -> memref<1x256x64xf32, #tpu.memory_space<vmem>>
    %dma_wait3A_374 = tpu.memref_squeeze %dma_wait3A_373 : memref<1x256x64xf32, #tpu.memory_space<vmem>> -> memref<256x64xf32, #tpu.memory_space<vmem>>
    tpu.wait_dma2 semaphore(%dma_wait3A_367 : memref<!tpu.dma_semaphore, #tpu.memory_space<semaphore_mem>>) src(%dma_wait3A_374 : memref<256x64xf32, #tpu.memory_space<vmem>>) dst(%dma_wait3A_370 : memref<256x64xf32, #tpu.memory_space<hbm>>)
    %dma_wait3A_375 = arith.constant 3 : i32
    %dma_wait3A_376 = arith.constant 3 : i32
    %dma_wait3A_377 = arith.constant 0 : i32
    %dma_wait3A_378 = arith.constant 0 : i32
    %dma_wait3A_379 = tpu.memref_slice %arg6[%dma_wait3A_375, %dma_wait3A_377, %dma_wait3A_378] : memref<4x256x64xf32, #tpu.memory_space<vmem>> -> memref<1x256x64xf32, #tpu.memory_space<vmem>>
    %dma_wait3A_380 = tpu.memref_squeeze %dma_wait3A_379 : memref<1x256x64xf32, #tpu.memory_space<vmem>> -> memref<256x64xf32, #tpu.memory_space<vmem>>
    %dma_wait3A_381 = arith.constant 0 : i32
    %dma_wait3A_382 = arith.constant 0 : i32
    %dma_wait3A_383 = tpu.memref_slice %arg4[%dma_wait3A_381, %dma_wait3A_382] : memref<819200x128xf32, #tpu.memory_space<hbm>> -> memref<256x64xf32, #tpu.memory_space<hbm>>
    %dma_wait3A_384 = tpu.memref_slice %arg8[%dma_wait3A_376] : memref<4x!tpu.dma_semaphore, #tpu.memory_space<semaphore_mem>> -> memref<1x!tpu.dma_semaphore, #tpu.memory_space<semaphore_mem>>
    %dma_wait3A_385 = tpu.memref_squeeze %dma_wait3A_384 : memref<1x!tpu.dma_semaphore, #tpu.memory_space<semaphore_mem>> -> memref<!tpu.dma_semaphore, #tpu.memory_space<semaphore_mem>>
    %dma_wait3A_386 = arith.constant 0 : i32
    %dma_wait3A_387 = arith.constant 0 : i32
    %dma_wait3A_388 = tpu.memref_slice %arg4[%dma_wait3A_386, %dma_wait3A_387] : memref<819200x128xf32, #tpu.memory_space<hbm>> -> memref<256x64xf32, #tpu.memory_space<hbm>>
    %dma_wait3A_389 = arith.constant 0 : i32
    %dma_wait3A_390 = arith.constant 0 : i32
    %dma_wait3A_391 = tpu.memref_slice %arg6[%dma_wait3A_375, %dma_wait3A_389, %dma_wait3A_390] : memref<4x256x64xf32, #tpu.memory_space<vmem>> -> memref<1x256x64xf32, #tpu.memory_space<vmem>>
    %dma_wait3A_392 = tpu.memref_squeeze %dma_wait3A_391 : memref<1x256x64xf32, #tpu.memory_space<vmem>> -> memref<256x64xf32, #tpu.memory_space<vmem>>
    tpu.wait_dma2 semaphore(%dma_wait3A_385 : memref<!tpu.dma_semaphore, #tpu.memory_space<semaphore_mem>>) src(%dma_wait3A_392 : memref<256x64xf32, #tpu.memory_space<vmem>>) dst(%dma_wait3A_388 : memref<256x64xf32, #tpu.memory_space<hbm>>)
    return
  }
}

</mosaic_0001>

<sc_bundles>
// kernel: kernel.3.cloned.1.call-start
scs
__scs_entry_jumppad:
0x0: {  	(pc) =	sbr.rel $0x88, $3  }
0x1: {  	(tag) =	ssettag $0x0;
	lr =	simm.s32 $0x1  }
0x2: {  	[smem:$0x3F9F] =	sst lr;
	_ =	strace $0xD0000000  }
0x3: {  	_ = 	snop  }
0x4: {  	_ = 	snop  }
0x5: {  	_ = 	snop  }
0x6: {  	_ = 	snop  }
0x7: {  	_ = 	snop  }
__scs_overlays_trampoline_lowered:
0x8: {  	[smem:$0x3FAE] =	sst s0  }
0x9: {  	[smem:$0x3FAF] =	sst s1  }
0xa: {  	[smem:$0x3FB0] =	sst s2  }
0xb: {  	[smem:$0x3FB1] =	sst s3  }
0xc: {  	[smem:$0x3FB2] =	sst s4  }
0xd: {  	[smem:$0x3FB3] =	sst s5  }
0xe: {  	[smem:$0x3FB4] =	sst s6  }
0xf: {  	[smem:$0x3FB5] =	sst s7  }
0x10: {  	[smem:$0x3FB6] =	sst s8  }
0x11: {  	[smem:$0x3FB7] =	sst s9;
	s0 =	simm.s32 @!p0 $0x0  }
0x12: {  	s1 =	sld [smem:$0x3F9D];
	s0 =	simm.s32 @p0 $0x1  }
0x13: {  	[smem:$0x3FB8] =	sst s0;
	s0 =	simm.s32 @!p1 $0x0  }
0x14: {  	s2 =	sld [smem:$0x3F9C];
	s0 =	simm.s32 @p1 $0x1  }
0x15: {  	[smem:$0x3FB9] =	sst s0;
	s0 =	simm.s32 @!p2 $0x0  }
0x16: {  	s3 =	sld [smem:$0x3FDB];
	s0 =	simm.s32 @p2 $0x1  }
0x17: {  	s4 =	simm.s32 $0x1BF5;
	[smem:$0x3FBB] =	sst s0  }
0x18: {  	s0 =	sld [smem:$0x3F9E];
	_ =	swait.ge [sflag:s4], $0x0  }
0x19: {  	s7 =	sld [smem:$0x3F9F]  }
0x1a: {  	s8 =	sadd.s32 $0xFFFFE003, lr  }
0x1b: {  	s9 =	sadd.s32 $0xFFFFFEF7, lr;
	s5 =	simm.s32 $0xFFFFFFFF;
	p2 =	slt.u32 s8, $0xFFFFF086  }
0x1c: {  	p1 =	slt.u32 s9, $0xF7A;
	s5 =	simm.s32 @!p2 $0x0  }
0x1d: {  	s5 =	simm.s32 @p1 $0x1;
	p0 =	seq.s32 s7, s2  }
0x1e: {  	s7 =	smul.u32 @!p0 $0xF7A, s2;
	p2 =	seq.s32 @!p0 s5, $0x0  }
0x1f: {  	s9 =	smul.u32 $0xF7A, s1;
	s8 =	simm.s32 @!p0 $0x1BF5;
	p2 =	por !p2, p0  }
0x20: {  	[sflag:s8] =	ssyncset.s32 @!p0 $0xFFFFF086;
	s6 =	sadd.s32 @!p0 s3, s7;
	s7 =	simm.s32 @!p0 $0x108  }
0x21: {  	s3 =	sadd.s32 s3, s9;
	s6 =	sadd.s32 @!p0 $0x88, s6;
	s7 =	simm.s32 @p2 $0x1082  }
0x22: {  	[simem:s7], [sflag:s8] =	dma.local @!p0 [hbm:s6], $0xF7A  }
0x23: {  	s9 =	sor.u32 $0xD0000000, s2;
	s6 =	simm.s32 $0x108;
	_ =	swait.ge @!p0 [sflag:s8], $0x0  }
0x24: {  	s3 =	sadd.s32 $0x88, s3;
	s6 =	simm.s32 @!p1 $0x1082;
	[sflag:s4] =	ssyncset.s32 $0xFFFFF086  }
0x25: {  	[simem:s6], [sflag:s4] =	dma.local [hbm:s3], $0xF7A  }
0x26: {  	[smem:$0x3F9F] =	sst s1;
	(tag) =	ssettag s2;
	_ =	strace s9  }
0x27: {  	s1 =	sld [smem:$0x3FAF]  }
0x28: {  	s2 =	sld [smem:$0x3FB0]  }
0x29: {  	s4 =	sld [smem:$0x3FB2]  }
0x2a: {  	p0 =	seq.s32 s5, $0x0;
	s5 =	sld [smem:$0x3FB3]  }
0x2b: {  	s6 =	sld [smem:$0x3FB4]  }
0x2c: {  	s7 =	sld [smem:$0x3FB5]  }
0x2d: {  	s3 =	simm.s32 $0x108;
	s8 =	sld [smem:$0x3FB6]  }
0x2e: {  	s3 =	simm.s32 @!p0 $0x1082;
	s9 =	sld [smem:$0x3FB7]  }
0x2f: {  	lr =	sadd.s32 s0, s3;
	s0 =	sld [smem:$0x3FAE]  }
0x30: {  	s3 =	sld [smem:$0x3FB1]  }
0x31: {  	[smem:$0x3FBA] =	sst s10  }
0x32: {  	s10 =	sld [smem:$0x3FB8];
	_ =	sdelay $0x3  }
0x33: {  	p0 =	seq.s32 s10, $0x1;
	s10 =	sld [smem:$0x3FBA];
	_ =	sdelay $0x3  }
0x34: {  	[smem:$0x3FBA] =	sst s10  }
0x35: {  	s10 =	sld [smem:$0x3FB9];
	_ =	sdelay $0x3  }
0x36: {  	p1 =	seq.s32 s10, $0x1;
	s10 =	sld [smem:$0x3FBA];
	_ =	sdelay $0x3  }
0x37: {  	[smem:$0x3FBA] =	sst s10  }
0x38: {  	s10 =	sld [smem:$0x3FBB]  }
0x39: {  	_ = 	snop;
	(pc) =	sbr.ind lr, $3  }
0x3a: {  	_ = 	snop  }
0x3b: {  	_ = 	snop  }
0x3c: {  	p2 =	seq.s32 s10, $0x1;
	s10 =	sld [smem:$0x3FBA]  }
0x3d: {  	_ =	shalt  }
0x3e: {  	_ =	shalt  }
0x3f: {  	_ =	shalt  }
0x40: {  	_ =	shalt  }
0x41: {  	_ =	shalt  }
0x42: {  	_ =	shalt  }
0x43: {  	_ =	shalt  }
0x44: {  	_ =	shalt  }
0x45: {  	_ =	shalt  }
0x46: {  	_ =	shalt  }
0x47: {  	_ =	shalt  }
0x48: {  	_ =	shalt  }
0x49: {  	_ =	shalt  }
0x4a: {  	_ =	shalt  }
0x4b: {  	_ =	shalt  }
0x4c: {  	_ =	shalt  }
0x4d: {  	_ =	shalt  }
0x4e: {  	_ =	shalt  }
0x4f: {  	_ =	shalt  }
0x50: {  	_ =	shalt  }
0x51: {  	_ =	shalt  }
0x52: {  	_ =	shalt  }
0x53: {  	_ =	shalt  }
0x54: {  	_ =	shalt  }
0x55: {  	_ =	shalt  }
0x56: {  	_ =	shalt  }
0x57: {  	_ =	shalt  }
0x58: {  	_ =	shalt  }
0x59: {  	_ =	shalt  }
0x5a: {  	_ =	shalt  }
0x5b: {  	_ =	shalt  }
0x5c: {  	_ =	shalt  }
0x5d: {  	_ =	shalt  }
0x5e: {  	_ =	shalt  }
0x5f: {  	_ =	shalt  }
0x60: {  	_ =	shalt  }
0x61: {  	_ =	shalt  }
0x62: {  	_ =	shalt  }
0x63: {  	_ =	shalt  }
0x64: {  	_ =	shalt  }
0x65: {  	_ =	shalt  }
0x66: {  	_ =	shalt  }
0x67: {  	_ =	shalt  }
0x68: {  	_ =	shalt  }
0x69: {  	_ =	shalt  }
0x6a: {  	_ =	shalt  }
0x6b: {  	_ =	shalt  }
0x6c: {  	_ =	shalt  }
0x6d: {  	_ =	shalt  }
0x6e: {  	_ =	shalt  }
0x6f: {  	_ =	shalt  }
0x70: {  	_ =	shalt  }
0x71: {  	_ =	shalt  }
0x72: {  	_ =	shalt  }
0x73: {  	_ =	shalt  }
0x74: {  	_ =	shalt  }
0x75: {  	_ =	shalt  }
0x76: {  	_ =	shalt  }
0x77: {  	_ =	shalt  }
0x78: {  	_ =	shalt  }
0x79: {  	_ =	shalt  }
0x7a: {  	_ =	shalt  }
0x7b: {  	_ =	shalt  }
0x7c: {  	_ =	shalt  }
0x7d: {  	_ =	shalt  }
0x7e: {  	_ =	shalt  }
0x7f: {  	_ =	shalt  }
0x80: {  	_ =	shalt  }
0x81: {  	_ =	shalt  }
0x82: {  	_ =	shalt  }
0x83: {  	_ =	shalt  }
0x84: {  	_ =	shalt  }
0x85: {  	_ =	shalt  }
0x86: {  	_ =	shalt  }
0x87: {  	_ =	shalt  }
.Lfunc_end0:
.L_simem_size_0:
called_computation.1_lowered:
.L_overlay_start_0:
0x88: {  	s2 =	sld [smem:$0x3FD9]  }
0x89: {  	s3 =	sld [smem:$0x3FFE];
	_ =	sdelay $0x1  }
0x8a: {  	s1 =	srdreg.scid  }
0x8b: {  	s0 =	sand.u32 $0x1, s1  }
0x8c: {  	s17 =	sshll.u32 s0, $0xA;
	s2 =	sadd.s32 s3, s2  }
0x8d: {  	s2 =	sadd.s32 s2, s17  }
0x8e: {  	[smem:$0x3FC6] =	sst s2  }
0x8f: {  	_ = 	snop  }
0x90: {  	s2 =	sld [smem:$0x3FD0];
	(tm) =	ssettm $0x1  }
0x91: {  	s18 =	sld [smem:$0x3FFB];
	_ =	sdelay $0x3  }
0x92: {  	_ =	strace s18  }
0x93: {  	s3 =	sld [smem:$0x3FFC];
	_ =	sdelay $0x3  }
0x94: {  	_ =	strace s3  }
0x95: {  	s3 =	sld [smem:$0x3FFD];
	_ =	sdelay $0x3  }
0x96: {  	_ =	strace s3  }
0x97: {  	_ =	strace $0x8FFFFFFF  }
0x98: {  	s19 =	sld [smem:$0x3FDB];
	_ =	sdelay $0x1  }
0x99: {  	s4 =	simm.s32 $_scs_section_size  }
0x9a: {  	s5 =	simm.s32 $_size__tile_overlayer_lowered;
	s6 =	simm.s32 $_tile_overlayer_lowered  }
0x9b: {  	s22 =	simm.s32 $0x1BFF;
	s21 =	sshll.u32 s6, $0x1;
	s3 =	sadd.s32 s4, s19  }
0x9c: {  	s7 =	simm.s32 $0x0;
	s20 =	sshll.u32 s5, $0x1;
	s5 =	sadd.s32 s21, s3  }
0x9d: {  	[timem:s7], [sflag:s22] =	dma.local [hbm:s5], s20  }
0x9e: {  	_ =	swait.ge [sflag:s22], s20  }
0x9f: {  	s4 =	ssub.s32 $0x0, s20;
	[sflag:s22] =	ssyncset.done $0x0  }
0xa0: {  	[sflag:s22] =	ssyncadd.s32 s4;
	_ =	sdelay $0x1  }
0xa1: {  	s23 =	simm.s32 $0x1B8B  }
0xa2: {  	_ =	swait.ge [sflag:s23], $0x1  }
0xa3: {  	[sflag:s23] =	ssyncset.done $0x0  }
0xa4: {  	s25 =	simm.s32 $0x1B8E;
	s24 =	sld [smem:$0x3FFE];
	[sflag:s23] =	ssyncadd.s32 $0xFFFFFFFF  }
0xa5: {  	s26 =	simm.s32 $execute0_lowered;
	[smem:$0x3FD2] =	sst s25  }
0xa6: {  	s5 =	sshll.u32 s26, $0x1;
	_ =	strace $0x80000046;
	[dreg:$0x1] =	wrdreg $0xFFFFFFFF  }
0xa7: {  	s28 =	simm.s32 $_size_execute0_lowered;
	s3 =	sadd.s32 s3, s5;
	[dreg:$0x0] =	wrdreg $0x0  }
0xa8: {  	s5 =	sshll.u32 s28, $0x1;
	[dreg:$0x2] =	wrdreg s3  }
0xa9: {  	[dreg:$0x3] =	wrdreg s5  }
0xaa: {  	[dreg:$0x4] =	wrdreg $0xC0  }
0xab: {  	_ =	task [dreg:s7], $0x5FFFF  }
0xac: {  	[dreg:$0x1] =	wrdreg $0xFFFFFFFF  }
0xad: {  	[dreg:$0x0] =	wrdreg $0x60  }
0xae: {  	[dreg:$0x2] =	wrdreg s2  }
0xaf: {  	[dreg:$0x3] =	wrdreg s24  }
0xb0: {  	[dreg:$0x4] =	wrdreg $0x9  }
0xb1: {  	_ =	task.clear_ibuf [dreg:s7], $0x5FFFF;
	_ =	strace $0x90000046  }
0xb2: {  	s29 =	simm.s32 $0x9;
	_ =	strace $0x80000048  }
0xb3: {  	_ =	swait.ge [sflag:s29], $0x1  }
0xb4: {  	[sflag:s29] =	ssyncadd.s32 $0xFFFFFFFF  }
0xb5: {  	_ =	strace $0x90000048  }
0xb6: {  	_ =	sfence  }
0xb7: {  	s30 =	sld [smem:$0x0];
	_ =	sdelay $0x2  }
0xb8: {  	s31 =	sshll.u32 s1, $0xD;
	s1 =	sshrl.u32 s1, $0x2  }
0xb9: {  	s3 =	sand.u32 $0x4000, s31;
	s1 =	sadd.s32 s1, s30  }
0xba: {  	s0 =	sor.u32 s3, s0;
	s1 =	sshll.u32 s1, $0x11  }
0xbb: {  	s0 =	sor.u32 s1, s0  }
0xbc: {  	s0 =	sadd.s32 $0x8F2B, s0  }
0xbd: {  	[sflag:s0] =	ssyncadd.remote.s32 $0x1  }
0xbe: {  	_ =	sfence.sel $0xFFFF  }
0xbf: {  	[dreg:$0x0] =	wrdreg $0xFFFFFFFF;
	(pc) =	sbr.abs _section_cstart, $3  }
0xc0: {  	[dreg:$0x1] =	wrdreg $0xFFFFFFFF  }
0xc1: {  	_ =	task.clear_ibuf [dreg:s7], $0x2FFFF;
	_ =	strace $0x9FFFFFFF  }
0xc2: {  	(tm) =	ssettm $0x7FFFFFFF  }
0xc3: {  	_ =	shalt  }
tec
execute0_lowered:
.L_overlay_start_1:
0x0: {  	(tag) =	ssettag $0x1  }
0x1: {  	s1 =	rddreg [dreg:$0x0]  }
0x2: {  	s0 =	rddreg [dreg:$0x1]  }
0x3: {  	s4 =	simm.s32 $0x0;
	s2 =	srdreg.scid;
	s3 =	stileid.u32  }
0x4: {  	s30 =	simm.s32 $0x1;
	s2 =	sand.u32 $0x1, s2;
	s3 =	sshll.u32 s3, $0x1  }
0x5: {  	s31 =	simm.s32 $0x40;
	s11 =	simm.s32 $0xC400;
	s3 =	sor.u32 s2, s3  }
0x6: {  	s28 =	simm.s32 $0x6;
	s29 =	simm.s32 $0x7;
	s6 =	smul.u32 $0x6400, s3  }
0x7: {  	[smem:$0x7FF] =	sst s4;
	s4 =	sadd.s32 $0xF42E00, s0;
	s13 =	smul.u32 $0xC80, s3  }
0x8: {  	s5 =	sadd.s32 $0xA00, s0;
	s12 =	ssub.s32 $0x2, s2;
	s8 =	smul.u32 $0x64000, s3  }
0x9: {  	_ =	strace $0x80000047;
	s7 =	sshrl.u32 s12, $0x1;
	s14 =	smul.u32 $0xC8, s3  }
0xa: {  	s3 =	smul.u32 $0x320000, s3;
	s0 =	ssub.s32 s12, s7;
	s7 =	simm.s32 $0x8  }
0xb: {  	s6 =	sor.u32 $0x100, s6;
	s10 =	sadd.s32 s1, s13;
	s18 =	sadd.s32 s5, s8  }
0xc: {  	s22 =	sor.u32 $0x4, s14;
	s23 =	sadd.s32 $0x8, s14;
	[dreg:$0x5] =	wrdreg s18  }
0xd: {  	s24 =	sor.u32 $0x6, s14;
	s25 =	sshrl.u32 s3, $0x3;
	[dreg:$0x3] =	wrdreg s10  }
0xe: {  	s15 =	sadd.s32 $0xA, s14;
	s16 =	sadd.s32 $0xC, s14;
	[dreg:$0x9] =	wrdreg s22  }
0xf: {  	s0 =	smax.u32 s0, $0x1;
	s8 =	simm.s32 $0x0;
	[dreg:$0xa] =	wrdreg s23  }
0x10: {  	s9 =	sshrl.u32 s6, $0x3;
	s19 =	sadd.s32 $0x40, s10;
	[dreg:$0xb] =	wrdreg s24  }
0x11: {  	s20 =	sshll.u32 s6, $0x4;
	s21 =	sadd.s32 $0x60, s10;
	[dreg:$0xe] =	wrdreg s0  }
0x12: {  	s22 =	simm.s32 $0x80;
	s23 =	simm.s32 $0x400;
	s0 =	simm.s32 $0x200  }
0x13: {  	s10 =	simm.s32 $0x300;
	s6 =	simm.s32 $0x5;
	s24 =	simm.s32 $0x4  }
0x14: {  	s17 =	sadd.s32 s1, s9;
	[dreg:$0x6] =	wrdreg s19;
	s2 =	sadd.s32 s5, s20  }
0x15: {  	[dreg:$0x8] =	wrdreg s21;
	s21 =	simm.s32 $0x9;
	s9 =	simm.s32 $0x2  }
0x16: {  	s20 =	simm.s32 $0x3;
	[dreg:$0x7] =	wrdreg s2;
	s2 =	sadd.s32 s5, s25  }
0x17: {  	[dreg:$0x4] =	wrdreg s17;
	s17 =	sadd.s32 $0xE, s14;
	s26 =	sadd.s32 $0x62000, s2  }
0x18: {  	s25 =	simm.s32 $0x100;
	s2 =	sadd.s32 $0x63000, s2;
	[dreg:$0xc] =	wrdreg s26  }
0x19: {  	[dreg:$0xd] =	wrdreg s2;
	s26 =	simm.s32 $0x4400;
	s2 =	simm.s32 $0x8400  }
.LBB2_1:
0x1a: {  	[dreg:$0xf] =	wrdreg s8  }
0x1b: {  	s3 =	simm.s32 $0x0;
	s12 =	rddreg [dreg:$0x3]  }
0x1c: {  	[tilespmem:s3], [sflag:$0x9] =	stream.linear.gather [hbm4b:s12+s3], $0x100, $0x38;
	[tilespmem:$0x10400] =	vst v63  }
0x1d: {  	_ =	swait.ge [sflag:s21], $0x100  }
0x1e: {  	[sflag:s21] =	ssyncset.done $0x0  }
0x1f: {  	[sflag:s21] =	ssyncadd.s32 $0xFFFFFF00  }
0x20: {  	[tilespmem:s23], [sflag:$0x1] =	stream.indirect.gather [hbm4b:s4+s22], $0x40, s3, s22, $0xb8;
	[tilespmem:$0x10400] =	vst v63  }
0x21: {  	s13 =	simm.s32 $0x2400  }
0x22: {  	[tilespmem:s13], [sflag:$0x1] =	stream.indirect.gather [hbm4b:s4+s22], $0x40, s22, s22, $0xb8;
	[tilespmem:$0x10400] =	vst v63  }
0x23: {  	s14 =	rddreg [dreg:$0x4]  }
0x24: {  	[tilespmem:s25], [sflag:$0x9] =	stream.linear.gather [hbm4b:s14+s3], $0x100, $0x38;
	[tilespmem:$0x10400] =	vst v63  }
0x25: {  	_ =	swait.ge [sflag:s21], $0x100  }
0x26: {  	[sflag:s21] =	ssyncset.done $0x0  }
0x27: {  	[sflag:s21] =	ssyncadd.s32 $0xFFFFFF00  }
0x28: {  	[tilespmem:s26], [sflag:$0x2] =	stream.indirect.gather [hbm4b:s4+s22], $0x40, s25, s22, $0xb8;
	[tilespmem:$0x10400] =	vst v63  }
0x29: {  	s18 =	simm.s32 $0x180;
	s19 =	simm.s32 $0x6400  }
0x2a: {  	[tilespmem:s19], [sflag:$0x2] =	stream.indirect.gather [hbm4b:s4+s22], $0x40, s18, s22, $0xb8;
	[tilespmem:$0x10400] =	vst v63  }
0x2b: {  	_ =	swait.ge [sflag:s30], $0x4000  }
0x2c: {  	[sflag:s30] =	ssyncset.done $0x0  }
0x2d: {  	s3 =	simm.s32 $0x0;
	[sflag:s30] =	ssyncadd.s32 $0xFFFFC000  }
0x2e: {  	v0 =	vld [tilespmem:s3+$0x400]  }
0x2f: {  	v1 =	vld [tilespmem:s3+$0x410]  }
0x30: {  	v2 =	vld [tilespmem:s3+$0x420]  }
0x31: {  	v3 =	vld [tilespmem:s3+$0x430]  }
0x32: {  	v4 =	vld [tilespmem:s3+$0x440]  }
0x33: {  	v5 =	vld [tilespmem:s3+$0x450];
	v0 =	vmul.f32 $8.000000000e+00, v0  }
0x34: {  	v6 =	vld [tilespmem:s3+$0x460];
	v1 =	vmul.f32 $8.000000000e+00, v1  }
0x35: {  	v7 =	vld [tilespmem:s3+$0x470];
	[tilespmem:s3+$0x400] =	vst v0;
	v0 =	vmul.f32 $8.000000000e+00, v2  }
0x36: {  	v8 =	vld [tilespmem:s3+$0x480];
	[tilespmem:s3+$0x410] =	vst v1;
	v1 =	vmul.f32 $8.000000000e+00, v3  }
0x37: {  	v9 =	vld [tilespmem:s3+$0x490];
	[tilespmem:s3+$0x420] =	vst v0;
	v0 =	vmul.f32 $8.000000000e+00, v4  }
0x38: {  	v2 =	vmul.f32 $8.000000000e+00, v5;
	[tilespmem:s3+$0x430] =	vst v1;
	v1 =	vld [tilespmem:s3+$0x4A0]  }
0x39: {  	v3 =	vmul.f32 $8.000000000e+00, v6;
	[tilespmem:s3+$0x440] =	vst v0;
	v0 =	vld [tilespmem:s3+$0x4B0]  }
0x3a: {  	[tilespmem:s3+$0x450] =	vst v2;
	v2 =	vld [tilespmem:s3+$0x4C0];
	v4 =	vmul.f32 $8.000000000e+00, v7  }
0x3b: {  	v6 =	vmul.f32 $8.000000000e+00, v8;
	[tilespmem:s3+$0x460] =	vst v3;
	v3 =	vld [tilespmem:s3+$0x4D0]  }
0x3c: {  	s8 =	simm.s32 $0x400;
	v5 =	vmul.f32 $8.000000000e+00, v9;
	[tilespmem:s3+$0x470] =	vst v4;
	v4 =	vld [tilespmem:s3+$0x4E0]  }
.LBB2_2:
0x3d: {  	s12 =	sshra.s32 s8, $0x2;
	p0 =	sne.s32 s8, $0xFC00;
	[tilespmem:s3+$0x480] =	vst v6;
	v1 =	vmul.f32 $8.000000000e+00, v1;
	v6 =	vld [tilespmem:s3+$0x4F0]  }
0x3e: {  	v7 =	vld [tilespmem:s12+$0x400];
	[tilespmem:s3+$0x490] =	vst v5;
	v0 =	vmul.f32 $8.000000000e+00, v0  }
0x3f: {  	v5 =	vld [tilespmem:s12+$0x410];
	[tilespmem:s3+$0x4A0] =	vst v1;
	v1 =	vmul.f32 $8.000000000e+00, v2  }
0x40: {  	v2 =	vld [tilespmem:s12+$0x420];
	[tilespmem:s3+$0x4B0] =	vst v0;
	v0 =	vmul.f32 $8.000000000e+00, v3  }
0x41: {  	v3 =	vld [tilespmem:s12+$0x430];
	[tilespmem:s3+$0x4C0] =	vst v1;
	v1 =	vmul.f32 $8.000000000e+00, v4  }
0x42: {  	v4 =	vld [tilespmem:s12+$0x440];
	[tilespmem:s3+$0x4D0] =	vst v0;
	v0 =	vmul.f32 $8.000000000e+00, v6  }
0x43: {  	v6 =	vmul.f32 $8.000000000e+00, v7;
	v7 =	vld [tilespmem:s12+$0x450];
	[tilespmem:s3+$0x4E0] =	vst v1  }
0x44: {  	v1 =	vmul.f32 $8.000000000e+00, v5;
	v5 =	vld [tilespmem:s12+$0x460];
	[tilespmem:s3+$0x4F0] =	vst v0;
	s3 =	smov.u32 s12  }
0x45: {  	[tilespmem:s3+$0x400] =	vst v6;
	v0 =	vmul.f32 $8.000000000e+00, v2;
	v2 =	vld [tilespmem:s3+$0x470]  }
0x46: {  	[tilespmem:s3+$0x410] =	vst v1;
	v1 =	vmul.f32 $8.000000000e+00, v3;
	v3 =	vld [tilespmem:s3+$0x480]  }
0x47: {  	[tilespmem:s3+$0x420] =	vst v0;
	v0 =	vmul.f32 $8.000000000e+00, v4;
	v4 =	vld [tilespmem:s3+$0x490]  }
.Ltmp0:
0x48: {  	[tilespmem:s3+$0x430] =	vst v1;
	v6 =	vmul.f32 $8.000000000e+00, v7;
	v1 =	vld [tilespmem:s3+$0x4A0];
	(pc) =	sbr.rel @p0 .LBB2_2-.Ltmp0, $4  }
0x49: {  	[tilespmem:s3+$0x440] =	vst v0;
	v5 =	vmul.f32 $8.000000000e+00, v5;
	v0 =	vld [tilespmem:s3+$0x4B0]  }
0x4a: {  	[tilespmem:s3+$0x450] =	vst v6;
	v7 =	vmul.f32 $8.000000000e+00, v2;
	v2 =	vld [tilespmem:s3+$0x4C0]  }
0x4b: {  	[tilespmem:s3+$0x460] =	vst v5;
	v6 =	vmul.f32 $8.000000000e+00, v3;
	v3 =	vld [tilespmem:s3+$0x4D0]  }
0x4c: {  	s8 =	sadd.s32 $0x400, s8;
	[tilespmem:s3+$0x470] =	vst v7;
	v5 =	vmul.f32 $8.000000000e+00, v4;
	v4 =	vld [tilespmem:s3+$0x4E0]  }
0x4d: {  	[tilespmem:s3+$0x480] =	vst v6;
	v1 =	vmul.f32 $8.000000000e+00, v1;
	v6 =	vld [tilespmem:s3+$0x4F0]  }
0x4e: {  	[tilespmem:s3+$0x490] =	vst v5;
	v0 =	vmul.f32 $8.000000000e+00, v0  }
0x4f: {  	[tilespmem:s3+$0x4A0] =	vst v1;
	v1 =	vmul.f32 $8.000000000e+00, v2  }
0x50: {  	[tilespmem:s3+$0x4B0] =	vst v0;
	v0 =	vmul.f32 $8.000000000e+00, v3  }
0x51: {  	[tilespmem:s3+$0x4C0] =	vst v1;
	v1 =	vmul.f32 $8.000000000e+00, v4  }
0x52: {  	[tilespmem:s3+$0x4D0] =	vst v0;
	v0 =	vmul.f32 $8.000000000e+00, v6  }
0x53: {  	[tilespmem:s3+$0x4E0] =	vst v1  }
0x54: {  	s13 =	rddreg [dreg:$0x5];
	[tilespmem:s3+$0x4F0] =	vst v0  }
0x55: {  	[hbm4b:s13+s31] =	stream.strided.scatter [tilespmem:s23], [sflag:$0x5], $0x4000, s22, s31, $0x38;
	[tilespmem:$0x10400] =	vst v63  }
0x56: {  	s14 =	simm.s32 $0x0;
	s8 =	rddreg [dreg:$0x6]  }
0x57: {  	[tilespmem:s0], [sflag:$0x9] =	stream.linear.gather [hbm4b:s8+s14], $0x100, $0x38;
	[tilespmem:$0x10400] =	vst v63  }
0x58: {  	_ =	swait.ge [sflag:s21], $0x100  }
0x59: {  	[sflag:s21] =	ssyncset.done $0x0  }
0x5a: {  	[sflag:s21] =	ssyncadd.s32 $0xFFFFFF00  }
0x5b: {  	[tilespmem:s2], [sflag:$0x3] =	stream.indirect.gather [hbm4b:s4+s22], $0x40, s0, s22, $0xb8;
	[tilespmem:$0x10400] =	vst v63  }
0x5c: {  	s18 =	simm.s32 $0x280;
	s19 =	simm.s32 $0xA400  }
0x5d: {  	[tilespmem:s19], [sflag:$0x3] =	stream.indirect.gather [hbm4b:s4+s22], $0x40, s18, s22, $0xb8;
	[tilespmem:$0x10400] =	vst v63  }
0x5e: {  	_ =	swait.ge [sflag:s9], $0x4000  }
0x5f: {  	[sflag:s9] =	ssyncset.done $0x0  }
0x60: {  	s3 =	simm.s32 $0x0;
	[sflag:s9] =	ssyncadd.s32 $0xFFFFC000  }
0x61: {  	v0 =	vld [tilespmem:s3+$0x4400]  }
0x62: {  	v1 =	vld [tilespmem:s3+$0x4410]  }
0x63: {  	v2 =	vld [tilespmem:s3+$0x4420]  }
0x64: {  	v3 =	vld [tilespmem:s3+$0x4430]  }
0x65: {  	v4 =	vld [tilespmem:s3+$0x4440]  }
0x66: {  	v5 =	vld [tilespmem:s3+$0x4450];
	v0 =	vmul.f32 $8.000000000e+00, v0  }
0x67: {  	v6 =	vld [tilespmem:s3+$0x4460];
	v1 =	vmul.f32 $8.000000000e+00, v1  }
0x68: {  	v7 =	vld [tilespmem:s3+$0x4470];
	[tilespmem:s3+$0x4400] =	vst v0;
	v0 =	vmul.f32 $8.000000000e+00, v2  }
0x69: {  	v8 =	vld [tilespmem:s3+$0x4480];
	[tilespmem:s3+$0x4410] =	vst v1;
	v1 =	vmul.f32 $8.000000000e+00, v3  }
0x6a: {  	v9 =	vld [tilespmem:s3+$0x4490];
	[tilespmem:s3+$0x4420] =	vst v0;
	v0 =	vmul.f32 $8.000000000e+00, v4  }
0x6b: {  	v2 =	vmul.f32 $8.000000000e+00, v5;
	[tilespmem:s3+$0x4430] =	vst v1;
	v1 =	vld [tilespmem:s3+$0x44A0]  }
0x6c: {  	v3 =	vmul.f32 $8.000000000e+00, v6;
	[tilespmem:s3+$0x4440] =	vst v0;
	v0 =	vld [tilespmem:s3+$0x44B0]  }
0x6d: {  	[tilespmem:s3+$0x4450] =	vst v2;
	v2 =	vld [tilespmem:s3+$0x44C0];
	v4 =	vmul.f32 $8.000000000e+00, v7  }
0x6e: {  	v6 =	vmul.f32 $8.000000000e+00, v8;
	[tilespmem:s3+$0x4460] =	vst v3;
	v3 =	vld [tilespmem:s3+$0x44D0]  }
0x6f: {  	s8 =	simm.s32 $0x400;
	v5 =	vmul.f32 $8.000000000e+00, v9;
	[tilespmem:s3+$0x4470] =	vst v4;
	v4 =	vld [tilespmem:s3+$0x44E0]  }
.LBB2_4:
0x70: {  	s12 =	sshra.s32 s8, $0x2;
	p0 =	sne.s32 s8, $0xFC00;
	[tilespmem:s3+$0x4480] =	vst v6;
	v1 =	vmul.f32 $8.000000000e+00, v1;
	v6 =	vld [tilespmem:s3+$0x44F0]  }
0x71: {  	v7 =	vld [tilespmem:s12+$0x4400];
	[tilespmem:s3+$0x4490] =	vst v5;
	v0 =	vmul.f32 $8.000000000e+00, v0  }
0x72: {  	v5 =	vld [tilespmem:s12+$0x4410];
	[tilespmem:s3+$0x44A0] =	vst v1;
	v1 =	vmul.f32 $8.000000000e+00, v2  }
0x73: {  	v2 =	vld [tilespmem:s12+$0x4420];
	[tilespmem:s3+$0x44B0] =	vst v0;
	v0 =	vmul.f32 $8.000000000e+00, v3  }
0x74: {  	v3 =	vld [tilespmem:s12+$0x4430];
	[tilespmem:s3+$0x44C0] =	vst v1;
	v1 =	vmul.f32 $8.000000000e+00, v4  }
0x75: {  	v4 =	vld [tilespmem:s12+$0x4440];
	[tilespmem:s3+$0x44D0] =	vst v0;
	v0 =	vmul.f32 $8.000000000e+00, v6  }
0x76: {  	v6 =	vmul.f32 $8.000000000e+00, v7;
	v7 =	vld [tilespmem:s12+$0x4450];
	[tilespmem:s3+$0x44E0] =	vst v1  }
0x77: {  	v1 =	vmul.f32 $8.000000000e+00, v5;
	v5 =	vld [tilespmem:s12+$0x4460];
	[tilespmem:s3+$0x44F0] =	vst v0;
	s3 =	smov.u32 s12  }
0x78: {  	[tilespmem:s3+$0x4400] =	vst v6;
	v0 =	vmul.f32 $8.000000000e+00, v2;
	v2 =	vld [tilespmem:s3+$0x4470]  }
0x79: {  	[tilespmem:s3+$0x4410] =	vst v1;
	v1 =	vmul.f32 $8.000000000e+00, v3;
	v3 =	vld [tilespmem:s3+$0x4480]  }
0x7a: {  	[tilespmem:s3+$0x4420] =	vst v0;
	v0 =	vmul.f32 $8.000000000e+00, v4;
	v4 =	vld [tilespmem:s3+$0x4490]  }
.Ltmp1:
0x7b: {  	[tilespmem:s3+$0x4430] =	vst v1;
	v6 =	vmul.f32 $8.000000000e+00, v7;
	v1 =	vld [tilespmem:s3+$0x44A0];
	(pc) =	sbr.rel @p0 .LBB2_4-.Ltmp1, $4  }
0x7c: {  	[tilespmem:s3+$0x4440] =	vst v0;
	v5 =	vmul.f32 $8.000000000e+00, v5;
	v0 =	vld [tilespmem:s3+$0x44B0]  }
0x7d: {  	[tilespmem:s3+$0x4450] =	vst v6;
	v7 =	vmul.f32 $8.000000000e+00, v2;
	v2 =	vld [tilespmem:s3+$0x44C0]  }
0x7e: {  	[tilespmem:s3+$0x4460] =	vst v5;
	v6 =	vmul.f32 $8.000000000e+00, v3;
	v3 =	vld [tilespmem:s3+$0x44D0]  }
0x7f: {  	s8 =	sadd.s32 $0x400, s8;
	[tilespmem:s3+$0x4470] =	vst v7;
	v5 =	vmul.f32 $8.000000000e+00, v4;
	v4 =	vld [tilespmem:s3+$0x44E0]  }
0x80: {  	[tilespmem:s3+$0x4480] =	vst v6;
	v1 =	vmul.f32 $8.000000000e+00, v1;
	v59 =	vld [tilespmem:s3+$0x44F0]  }
0x81: {  	[tilespmem:s3+$0x4490] =	vst v5;
	v0 =	vmul.f32 $8.000000000e+00, v0  }
0x82: {  	[tilespmem:s3+$0x44A0] =	vst v1;
	v60 =	vmul.f32 $8.000000000e+00, v2  }
0x83: {  	[tilespmem:s3+$0x44B0] =	vst v0;
	v61 =	vmul.f32 $8.000000000e+00, v3  }
0x84: {  	[tilespmem:s3+$0x44C0] =	vst v60;
	v62 =	vmul.f32 $8.000000000e+00, v4  }
0x85: {  	[tilespmem:s3+$0x44D0] =	vst v61;
	v63 =	vmul.f32 $8.000000000e+00, v59  }
0x86: {  	[tilespmem:s3+$0x44E0] =	vst v62  }
0x87: {  	s14 =	rddreg [dreg:$0x7];
	[tilespmem:s3+$0x44F0] =	vst v63  }
0x88: {  	[hbm4b:s14+s31] =	stream.strided.scatter [tilespmem:s26], [sflag:$0x6], $0x4000, s22, s31, $0x38;
	[tilespmem:$0x10400] =	vst v63  }
0x89: {  	s8 =	simm.s32 $0x0;
	s18 =	rddreg [dreg:$0x8]  }
0x8a: {  	[tilespmem:s10], [sflag:$0x9] =	stream.linear.gather [hbm4b:s18+s8], $0x100, $0x38;
	[tilespmem:$0x10400] =	vst v63  }
0x8b: {  	_ =	swait.ge [sflag:s21], $0x100  }
0x8c: {  	[sflag:s21] =	ssyncset.done $0x0  }
0x8d: {  	[sflag:s21] =	ssyncadd.s32 $0xFFFFFF00  }
0x8e: {  	[tilespmem:s11], [sflag:$0x4] =	stream.indirect.gather [hbm4b:s4+s22], $0x40, s10, s22, $0xb8;
	[tilespmem:$0x10400] =	vst v63  }
0x8f: {  	s19 =	simm.s32 $0x380;
	s12 =	simm.s32 $0xE400  }
0x90: {  	[tilespmem:s12], [sflag:$0x4] =	stream.indirect.gather [hbm4b:s4+s22], $0x40, s19, s22, $0xb8;
	[tilespmem:$0x10400] =	vst v63  }
.LBB2_6:
0x91: {  	_ =	swait.ge [sflag:s20], $0x4000  }
0x92: {  	[sflag:s20] =	ssyncset.done $0x0  }
0x93: {  	s3 =	simm.s32 $0x0;
	[sflag:s20] =	ssyncadd.s32 $0xFFFFC000  }
0x94: {  	v0 =	vld [tilespmem:s3+$0x8400]  }
0x95: {  	v1 =	vld [tilespmem:s3+$0x8410]  }
0x96: {  	v2 =	vld [tilespmem:s3+$0x8420]  }
0x97: {  	v3 =	vld [tilespmem:s3+$0x8430]  }
0x98: {  	v4 =	vld [tilespmem:s3+$0x8440]  }
0x99: {  	v5 =	vld [tilespmem:s3+$0x8450];
	v0 =	vmul.f32 $8.000000000e+00, v0  }
0x9a: {  	v6 =	vld [tilespmem:s3+$0x8460];
	v1 =	vmul.f32 $8.000000000e+00, v1  }
0x9b: {  	v7 =	vld [tilespmem:s3+$0x8470];
	[tilespmem:s3+$0x8400] =	vst v0;
	v0 =	vmul.f32 $8.000000000e+00, v2  }
0x9c: {  	v8 =	vld [tilespmem:s3+$0x8480];
	[tilespmem:s3+$0x8410] =	vst v1;
	v1 =	vmul.f32 $8.000000000e+00, v3  }
0x9d: {  	v9 =	vld [tilespmem:s3+$0x8490];
	[tilespmem:s3+$0x8420] =	vst v0;
	v0 =	vmul.f32 $8.000000000e+00, v4  }
0x9e: {  	v2 =	vmul.f32 $8.000000000e+00, v5;
	[tilespmem:s3+$0x8430] =	vst v1;
	v1 =	vld [tilespmem:s3+$0x84A0]  }
0x9f: {  	v3 =	vmul.f32 $8.000000000e+00, v6;
	[tilespmem:s3+$0x8440] =	vst v0;
	v0 =	vld [tilespmem:s3+$0x84B0]  }
0xa0: {  	[tilespmem:s3+$0x8450] =	vst v2;
	v2 =	vld [tilespmem:s3+$0x84C0];
	v4 =	vmul.f32 $8.000000000e+00, v7  }
0xa1: {  	v6 =	vmul.f32 $8.000000000e+00, v8;
	[tilespmem:s3+$0x8460] =	vst v3;
	v3 =	vld [tilespmem:s3+$0x84D0]  }
0xa2: {  	s12 =	simm.s32 $0x400;
	v5 =	vmul.f32 $8.000000000e+00, v9;
	[tilespmem:s3+$0x8470] =	vst v4;
	v4 =	vld [tilespmem:s3+$0x84E0]  }
.LBB2_7:
0xa3: {  	s13 =	sshra.s32 s12, $0x2;
	p0 =	sne.s32 s12, $0xFC00;
	[tilespmem:s3+$0x8480] =	vst v6;
	v1 =	vmul.f32 $8.000000000e+00, v1;
	v6 =	vld [tilespmem:s3+$0x84F0]  }
0xa4: {  	v7 =	vld [tilespmem:s13+$0x8400];
	[tilespmem:s3+$0x8490] =	vst v5;
	v0 =	vmul.f32 $8.000000000e+00, v0  }
0xa5: {  	v5 =	vld [tilespmem:s13+$0x8410];
	[tilespmem:s3+$0x84A0] =	vst v1;
	v1 =	vmul.f32 $8.000000000e+00, v2  }
0xa6: {  	v2 =	vld [tilespmem:s13+$0x8420];
	[tilespmem:s3+$0x84B0] =	vst v0;
	v0 =	vmul.f32 $8.000000000e+00, v3  }
0xa7: {  	v3 =	vld [tilespmem:s13+$0x8430];
	[tilespmem:s3+$0x84C0] =	vst v1;
	v1 =	vmul.f32 $8.000000000e+00, v4  }
0xa8: {  	v4 =	vld [tilespmem:s13+$0x8440];
	[tilespmem:s3+$0x84D0] =	vst v0;
	v0 =	vmul.f32 $8.000000000e+00, v6  }
0xa9: {  	v6 =	vmul.f32 $8.000000000e+00, v7;
	v7 =	vld [tilespmem:s13+$0x8450];
	[tilespmem:s3+$0x84E0] =	vst v1  }
0xaa: {  	v1 =	vmul.f32 $8.000000000e+00, v5;
	v5 =	vld [tilespmem:s13+$0x8460];
	[tilespmem:s3+$0x84F0] =	vst v0;
	s3 =	smov.u32 s13  }
0xab: {  	[tilespmem:s3+$0x8400] =	vst v6;
	v0 =	vmul.f32 $8.000000000e+00, v2;
	v2 =	vld [tilespmem:s3+$0x8470]  }
0xac: {  	[tilespmem:s3+$0x8410] =	vst v1;
	v1 =	vmul.f32 $8.000000000e+00, v3;
	v3 =	vld [tilespmem:s3+$0x8480]  }
0xad: {  	[tilespmem:s3+$0x8420] =	vst v0;
	v0 =	vmul.f32 $8.000000000e+00, v4;
	v4 =	vld [tilespmem:s3+$0x8490]  }
.Ltmp2:
0xae: {  	[tilespmem:s3+$0x8430] =	vst v1;
	v6 =	vmul.f32 $8.000000000e+00, v7;
	v1 =	vld [tilespmem:s3+$0x84A0];
	(pc) =	sbr.rel @p0 .LBB2_7-.Ltmp2, $4  }
0xaf: {  	[tilespmem:s3+$0x8440] =	vst v0;
	v5 =	vmul.f32 $8.000000000e+00, v5;
	v0 =	vld [tilespmem:s3+$0x84B0]  }
0xb0: {  	[tilespmem:s3+$0x8450] =	vst v6;
	v7 =	vmul.f32 $8.000000000e+00, v2;
	v2 =	vld [tilespmem:s3+$0x84C0]  }
0xb1: {  	[tilespmem:s3+$0x8460] =	vst v5;
	v6 =	vmul.f32 $8.000000000e+00, v3;
	v3 =	vld [tilespmem:s3+$0x84D0]  }
0xb2: {  	s12 =	sadd.s32 $0x400, s12;
	[tilespmem:s3+$0x8470] =	vst v7;
	v5 =	vmul.f32 $8.000000000e+00, v4;
	v4 =	vld [tilespmem:s3+$0x84E0]  }
0xb3: {  	[tilespmem:s3+$0x8480] =	vst v6;
	v1 =	vmul.f32 $8.000000000e+00, v1;
	v6 =	vld [tilespmem:s3+$0x84F0]  }
0xb4: {  	[tilespmem:s3+$0x8490] =	vst v5;
	v0 =	vmul.f32 $8.000000000e+00, v0  }
0xb5: {  	[tilespmem:s3+$0x84A0] =	vst v1;
	v1 =	vmul.f32 $8.000000000e+00, v2  }
0xb6: {  	s18 =	sshll.u32 s8, $0x3;
	s12 =	rddreg [dreg:$0x9];
	[tilespmem:s3+$0x84B0] =	vst v0;
	v0 =	vmul.f32 $8.000000000e+00, v3  }
0xb7: {  	s12 =	sadd.s32 s18, s12;
	[tilespmem:s3+$0x84C0] =	vst v1;
	v1 =	vmul.f32 $8.000000000e+00, v4  }
0xb8: {  	s12 =	sshll.u32 s12, $0xB;
	[tilespmem:s3+$0x84D0] =	vst v0;
	v0 =	vmul.f32 $8.000000000e+00, v6  }
0xb9: {  	s12 =	sand.u32 $0x1FFFE000, s12;
	[tilespmem:s3+$0x84E0] =	vst v1  }
0xba: {  	s19 =	sadd.s32 s5, s12;
	s12 =	rddreg [dreg:$0xa];
	[tilespmem:s3+$0x84F0] =	vst v0  }
0xbb: {  	[hbm4b:s19+s31] =	stream.strided.scatter [tilespmem:s2], [sflag:$0x7], $0x4000, s22, s31, $0x38;
	[tilespmem:$0x10400] =	vst v63  }
0xbc: {  	s19 =	sadd.s32 s18, s12  }
0xbd: {  	_ =	swait.ge [sflag:s6], $0x4000;
	s3 =	sshll.u32 s19, $0x4  }
0xbe: {  	[sflag:s6] =	ssyncset.done $0x0;
	s3 =	sand.u32 $0x1FFFFF80, s3  }
0xbf: {  	s13 =	simm.s32 $0x0;
	[sflag:s6] =	ssyncadd.s32 $0xFFFFC000;
	s3 =	sadd.s32 s1, s3  }
0xc0: {  	[tilespmem:s13], [sflag:$0x9] =	stream.linear.gather [hbm4b:s3+s13], $0x100, $0x38;
	[tilespmem:$0x10400] =	vst v63  }
0xc1: {  	_ =	swait.ge [sflag:s21], $0x100  }
0xc2: {  	[sflag:s21] =	ssyncset.done $0x0  }
0xc3: {  	[sflag:s21] =	ssyncadd.s32 $0xFFFFFF00  }
0xc4: {  	[tilespmem:s23], [sflag:$0x1] =	stream.indirect.gather [hbm4b:s4+s22], $0x40, s13, s22, $0xb8;
	[tilespmem:$0x10400] =	vst v63  }
0xc5: {  	s14 =	simm.s32 $0x2400  }
0xc6: {  	[tilespmem:s14], [sflag:$0x1] =	stream.indirect.gather [hbm4b:s4+s22], $0x40, s22, s22, $0xb8;
	[tilespmem:$0x10400] =	vst v63  }
0xc7: {  	_ =	swait.ge [sflag:s24], $0x4000  }
0xc8: {  	[sflag:s24] =	ssyncset.done $0x0  }
0xc9: {  	s3 =	simm.s32 $0x0;
	[sflag:s24] =	ssyncadd.s32 $0xFFFFC000  }
0xca: {  	v0 =	vld [tilespmem:s3+$0xC400]  }
0xcb: {  	v1 =	vld [tilespmem:s3+$0xC410]  }
0xcc: {  	v2 =	vld [tilespmem:s3+$0xC420]  }
0xcd: {  	v3 =	vld [tilespmem:s3+$0xC430]  }
0xce: {  	v4 =	vld [tilespmem:s3+$0xC440]  }
0xcf: {  	v5 =	vld [tilespmem:s3+$0xC450];
	v0 =	vmul.f32 $8.000000000e+00, v0  }
0xd0: {  	v6 =	vld [tilespmem:s3+$0xC460];
	v1 =	vmul.f32 $8.000000000e+00, v1  }
0xd1: {  	v7 =	vld [tilespmem:s3+$0xC470];
	[tilespmem:s3+$0xC400] =	vst v0;
	v0 =	vmul.f32 $8.000000000e+00, v2  }
0xd2: {  	v8 =	vld [tilespmem:s3+$0xC480];
	[tilespmem:s3+$0xC410] =	vst v1;
	v1 =	vmul.f32 $8.000000000e+00, v3  }
0xd3: {  	v9 =	vld [tilespmem:s3+$0xC490];
	[tilespmem:s3+$0xC420] =	vst v0;
	v0 =	vmul.f32 $8.000000000e+00, v4  }
0xd4: {  	v2 =	vmul.f32 $8.000000000e+00, v5;
	[tilespmem:s3+$0xC430] =	vst v1;
	v1 =	vld [tilespmem:s3+$0xC4A0]  }
0xd5: {  	v3 =	vmul.f32 $8.000000000e+00, v6;
	[tilespmem:s3+$0xC440] =	vst v0;
	v0 =	vld [tilespmem:s3+$0xC4B0]  }
0xd6: {  	[tilespmem:s3+$0xC450] =	vst v2;
	v2 =	vld [tilespmem:s3+$0xC4C0];
	v4 =	vmul.f32 $8.000000000e+00, v7  }
0xd7: {  	v6 =	vmul.f32 $8.000000000e+00, v8;
	[tilespmem:s3+$0xC460] =	vst v3;
	v3 =	vld [tilespmem:s3+$0xC4D0]  }
0xd8: {  	s12 =	simm.s32 $0x400;
	v5 =	vmul.f32 $8.000000000e+00, v9;
	[tilespmem:s3+$0xC470] =	vst v4;
	v4 =	vld [tilespmem:s3+$0xC4E0]  }
.LBB2_9:
0xd9: {  	s13 =	sshra.s32 s12, $0x2;
	p0 =	sne.s32 s12, $0xFC00;
	[tilespmem:s3+$0xC480] =	vst v6;
	v1 =	vmul.f32 $8.000000000e+00, v1;
	v6 =	vld [tilespmem:s3+$0xC4F0]  }
0xda: {  	v7 =	vld [tilespmem:s13+$0xC400];
	[tilespmem:s3+$0xC490] =	vst v5;
	v0 =	vmul.f32 $8.000000000e+00, v0  }
0xdb: {  	v5 =	vld [tilespmem:s13+$0xC410];
	[tilespmem:s3+$0xC4A0] =	vst v1;
	v1 =	vmul.f32 $8.000000000e+00, v2  }
0xdc: {  	v2 =	vld [tilespmem:s13+$0xC420];
	[tilespmem:s3+$0xC4B0] =	vst v0;
	v0 =	vmul.f32 $8.000000000e+00, v3  }
0xdd: {  	v3 =	vld [tilespmem:s13+$0xC430];
	[tilespmem:s3+$0xC4C0] =	vst v1;
	v1 =	vmul.f32 $8.000000000e+00, v4  }
0xde: {  	v4 =	vld [tilespmem:s13+$0xC440];
	[tilespmem:s3+$0xC4D0] =	vst v0;
	v0 =	vmul.f32 $8.000000000e+00, v6  }
0xdf: {  	v6 =	vmul.f32 $8.000000000e+00, v7;
	v7 =	vld [tilespmem:s13+$0xC450];
	[tilespmem:s3+$0xC4E0] =	vst v1  }
0xe0: {  	v1 =	vmul.f32 $8.000000000e+00, v5;
	v5 =	vld [tilespmem:s13+$0xC460];
	[tilespmem:s3+$0xC4F0] =	vst v0;
	s3 =	smov.u32 s13  }
0xe1: {  	[tilespmem:s3+$0xC400] =	vst v6;
	v0 =	vmul.f32 $8.000000000e+00, v2;
	v2 =	vld [tilespmem:s3+$0xC470]  }
0xe2: {  	[tilespmem:s3+$0xC410] =	vst v1;
	v1 =	vmul.f32 $8.000000000e+00, v3;
	v3 =	vld [tilespmem:s3+$0xC480]  }
0xe3: {  	[tilespmem:s3+$0xC420] =	vst v0;
	v0 =	vmul.f32 $8.000000000e+00, v4;
	v4 =	vld [tilespmem:s3+$0xC490]  }
.Ltmp3:
0xe4: {  	[tilespmem:s3+$0xC430] =	vst v1;
	v6 =	vmul.f32 $8.000000000e+00, v7;
	v1 =	vld [tilespmem:s3+$0xC4A0];
	(pc) =	sbr.rel @p0 .LBB2_9-.Ltmp3, $4  }
0xe5: {  	[tilespmem:s3+$0xC440] =	vst v0;
	v5 =	vmul.f32 $8.000000000e+00, v5;
	v0 =	vld [tilespmem:s3+$0xC4B0]  }
0xe6: {  	[tilespmem:s3+$0xC450] =	vst v6;
	v7 =	vmul.f32 $8.000000000e+00, v2;
	v2 =	vld [tilespmem:s3+$0xC4C0]  }
0xe7: {  	[tilespmem:s3+$0xC460] =	vst v5;
	v6 =	vmul.f32 $8.000000000e+00, v3;
	v3 =	vld [tilespmem:s3+$0xC4D0]  }
0xe8: {  	s12 =	sadd.s32 $0x400, s12;
	[tilespmem:s3+$0xC470] =	vst v7;
	v5 =	vmul.f32 $8.000000000e+00, v4;
	v4 =	vld [tilespmem:s3+$0xC4E0]  }
0xe9: {  	[tilespmem:s3+$0xC480] =	vst v6;
	v1 =	vmul.f32 $8.000000000e+00, v1;
	v6 =	vld [tilespmem:s3+$0xC4F0]  }
0xea: {  	[tilespmem:s3+$0xC490] =	vst v5;
	v0 =	vmul.f32 $8.000000000e+00, v0  }
0xeb: {  	[tilespmem:s3+$0xC4A0] =	vst v1;
	v1 =	vmul.f32 $8.000000000e+00, v2  }
0xec: {  	s12 =	rddreg [dreg:$0xb];
	[tilespmem:s3+$0xC4B0] =	vst v0;
	v0 =	vmul.f32 $8.000000000e+00, v3  }
0xed: {  	s12 =	sadd.s32 s18, s12;
	[tilespmem:s3+$0xC4C0] =	vst v1;
	v1 =	vmul.f32 $8.000000000e+00, v4  }
0xee: {  	s12 =	sshll.u32 s12, $0xB;
	[tilespmem:s3+$0xC4D0] =	vst v0;
	v0 =	vmul.f32 $8.000000000e+00, v6  }
0xef: {  	s12 =	sand.u32 $0x1FFFF000, s12;
	[tilespmem:s3+$0xC4E0] =	vst v1  }
0xf0: {  	s13 =	sadd.s32 s5, s12;
	[tilespmem:s3+$0xC4F0] =	vst v0;
	s3 =	sadd.s32 s18, s15  }
0xf1: {  	[hbm4b:s13+s31] =	stream.strided.scatter [tilespmem:s11], [sflag:$0x8], $0x4000, s22, s31, $0x38;
	[tilespmem:$0x10400] =	vst v63  }
0xf2: {  	s14 =	sshll.u32 s3, $0x4;
	_ =	swait.ge [sflag:s28], $0x4000  }
0xf3: {  	s12 =	sand.u32 $0x1FFFFFA0, s14;
	[sflag:s28] =	ssyncset.done $0x0  }
0xf4: {  	s13 =	simm.s32 $0x0;
	s12 =	sadd.s32 s1, s12;
	[sflag:s28] =	ssyncadd.s32 $0xFFFFC000  }
0xf5: {  	[tilespmem:s25], [sflag:$0x9] =	stream.linear.gather [hbm4b:s12+s13], $0x100, $0x38;
	[tilespmem:$0x10400] =	vst v63  }
0xf6: {  	_ =	swait.ge [sflag:s21], $0x100  }
0xf7: {  	[sflag:s21] =	ssyncset.done $0x0  }
0xf8: {  	[sflag:s21] =	ssyncadd.s32 $0xFFFFFF00  }
0xf9: {  	[tilespmem:s26], [sflag:$0x2] =	stream.indirect.gather [hbm4b:s4+s22], $0x40, s25, s22, $0xb8;
	[tilespmem:$0x10400] =	vst v63  }
0xfa: {  	s14 =	simm.s32 $0x6400;
	s13 =	simm.s32 $0x180  }
0xfb: {  	[tilespmem:s14], [sflag:$0x2] =	stream.indirect.gather [hbm4b:s4+s22], $0x40, s13, s22, $0xb8;
	[tilespmem:$0x10400] =	vst v63  }
0xfc: {  	_ =	swait.ge [sflag:s30], $0x4000  }
0xfd: {  	[sflag:s30] =	ssyncset.done $0x0  }
0xfe: {  	s12 =	simm.s32 $0x0;
	[sflag:s30] =	ssyncadd.s32 $0xFFFFC000  }
0xff: {  	v0 =	vld [tilespmem:s12+$0x400]  }
0x100: {  	v1 =	vld [tilespmem:s12+$0x410]  }
0x101: {  	v2 =	vld [tilespmem:s12+$0x420]  }
0x102: {  	v3 =	vld [tilespmem:s12+$0x430]  }
0x103: {  	v4 =	vld [tilespmem:s12+$0x440]  }
0x104: {  	v5 =	vld [tilespmem:s12+$0x450];
	v0 =	vmul.f32 $8.000000000e+00, v0  }
0x105: {  	v6 =	vld [tilespmem:s12+$0x460];
	v1 =	vmul.f32 $8.000000000e+00, v1  }
0x106: {  	v7 =	vld [tilespmem:s12+$0x470];
	[tilespmem:s12+$0x400] =	vst v0;
	v0 =	vmul.f32 $8.000000000e+00, v2  }
0x107: {  	v8 =	vld [tilespmem:s12+$0x480];
	[tilespmem:s12+$0x410] =	vst v1;
	v1 =	vmul.f32 $8.000000000e+00, v3  }
0x108: {  	v9 =	vld [tilespmem:s12+$0x490];
	[tilespmem:s12+$0x420] =	vst v0;
	v0 =	vmul.f32 $8.000000000e+00, v4  }
0x109: {  	v2 =	vmul.f32 $8.000000000e+00, v5;
	[tilespmem:s12+$0x430] =	vst v1;
	v1 =	vld [tilespmem:s12+$0x4A0]  }
0x10a: {  	v3 =	vmul.f32 $8.000000000e+00, v6;
	[tilespmem:s12+$0x440] =	vst v0;
	v0 =	vld [tilespmem:s12+$0x4B0]  }
0x10b: {  	[tilespmem:s12+$0x450] =	vst v2;
	v2 =	vld [tilespmem:s12+$0x4C0];
	v4 =	vmul.f32 $8.000000000e+00, v7  }
0x10c: {  	v6 =	vmul.f32 $8.000000000e+00, v8;
	[tilespmem:s12+$0x460] =	vst v3;
	v3 =	vld [tilespmem:s12+$0x4D0]  }
0x10d: {  	s13 =	simm.s32 $0x400;
	v5 =	vmul.f32 $8.000000000e+00, v9;
	[tilespmem:s12+$0x470] =	vst v4;
	v4 =	vld [tilespmem:s12+$0x4E0]  }
.LBB2_11:
0x10e: {  	s14 =	sshra.s32 s13, $0x2;
	p0 =	sne.s32 s13, $0xFC00;
	[tilespmem:s12+$0x480] =	vst v6;
	v1 =	vmul.f32 $8.000000000e+00, v1;
	v6 =	vld [tilespmem:s12+$0x4F0]  }
0x10f: {  	v7 =	vld [tilespmem:s14+$0x400];
	[tilespmem:s12+$0x490] =	vst v5;
	v0 =	vmul.f32 $8.000000000e+00, v0  }
0x110: {  	v5 =	vld [tilespmem:s14+$0x410];
	[tilespmem:s12+$0x4A0] =	vst v1;
	v1 =	vmul.f32 $8.000000000e+00, v2  }
0x111: {  	v2 =	vld [tilespmem:s14+$0x420];
	[tilespmem:s12+$0x4B0] =	vst v0;
	v0 =	vmul.f32 $8.000000000e+00, v3  }
0x112: {  	v3 =	vld [tilespmem:s14+$0x430];
	[tilespmem:s12+$0x4C0] =	vst v1;
	v1 =	vmul.f32 $8.000000000e+00, v4  }
0x113: {  	v4 =	vld [tilespmem:s14+$0x440];
	[tilespmem:s12+$0x4D0] =	vst v0;
	v0 =	vmul.f32 $8.000000000e+00, v6  }
0x114: {  	v6 =	vmul.f32 $8.000000000e+00, v7;
	v7 =	vld [tilespmem:s14+$0x450];
	[tilespmem:s12+$0x4E0] =	vst v1  }
0x115: {  	v1 =	vmul.f32 $8.000000000e+00, v5;
	v5 =	vld [tilespmem:s14+$0x460];
	[tilespmem:s12+$0x4F0] =	vst v0;
	s12 =	smov.u32 s14  }
0x116: {  	[tilespmem:s12+$0x400] =	vst v6;
	v0 =	vmul.f32 $8.000000000e+00, v2;
	v2 =	vld [tilespmem:s12+$0x470]  }
0x117: {  	[tilespmem:s12+$0x410] =	vst v1;
	v1 =	vmul.f32 $8.000000000e+00, v3;
	v3 =	vld [tilespmem:s12+$0x480]  }
0x118: {  	[tilespmem:s12+$0x420] =	vst v0;
	v0 =	vmul.f32 $8.000000000e+00, v4;
	v4 =	vld [tilespmem:s12+$0x490]  }
.Ltmp4:
0x119: {  	[tilespmem:s12+$0x430] =	vst v1;
	v6 =	vmul.f32 $8.000000000e+00, v7;
	v1 =	vld [tilespmem:s12+$0x4A0];
	(pc) =	sbr.rel @p0 .LBB2_11-.Ltmp4, $4  }
0x11a: {  	[tilespmem:s12+$0x440] =	vst v0;
	v5 =	vmul.f32 $8.000000000e+00, v5;
	v0 =	vld [tilespmem:s12+$0x4B0]  }
0x11b: {  	[tilespmem:s12+$0x450] =	vst v6;
	v7 =	vmul.f32 $8.000000000e+00, v2;
	v2 =	vld [tilespmem:s12+$0x4C0]  }
0x11c: {  	[tilespmem:s12+$0x460] =	vst v5;
	v6 =	vmul.f32 $8.000000000e+00, v3;
	v3 =	vld [tilespmem:s12+$0x4D0]  }
0x11d: {  	s13 =	sadd.s32 $0x400, s13;
	[tilespmem:s12+$0x470] =	vst v7;
	v5 =	vmul.f32 $8.000000000e+00, v4;
	v4 =	vld [tilespmem:s12+$0x4E0]  }
0x11e: {  	[tilespmem:s12+$0x480] =	vst v6;
	v1 =	vmul.f32 $8.000000000e+00, v1;
	v6 =	vld [tilespmem:s12+$0x4F0]  }
0x11f: {  	[tilespmem:s12+$0x490] =	vst v5;
	v0 =	vmul.f32 $8.000000000e+00, v0  }
0x120: {  	[tilespmem:s12+$0x4A0] =	vst v1;
	v1 =	vmul.f32 $8.000000000e+00, v2  }
0x121: {  	[tilespmem:s12+$0x4B0] =	vst v0;
	v0 =	vmul.f32 $8.000000000e+00, v3  }
0x122: {  	[tilespmem:s12+$0x4C0] =	vst v1;
	v1 =	vmul.f32 $8.000000000e+00, v4  }
0x123: {  	s13 =	sshll.u32 s19, $0xB;
	[tilespmem:s12+$0x4D0] =	vst v0;
	v0 =	vmul.f32 $8.000000000e+00, v6  }
0x124: {  	s13 =	sand.u32 $0x1FFFC000, s13;
	[tilespmem:s12+$0x4E0] =	vst v1  }
0x125: {  	s14 =	sadd.s32 s18, s16;
	s13 =	sadd.s32 s5, s13;
	[tilespmem:s12+$0x4F0] =	vst v0  }
0x126: {  	[hbm4b:s13+s31] =	stream.strided.scatter [tilespmem:s23], [sflag:$0x5], $0x4000, s22, s31, $0x38;
	[tilespmem:$0x10400] =	vst v63  }
0x127: {  	s12 =	sshll.u32 s14, $0x4;
	_ =	swait.ge [sflag:s29], $0x4000  }
0x128: {  	s12 =	sand.u32 $0x1FFFFFC0, s12;
	[sflag:s29] =	ssyncset.done $0x0  }
0x129: {  	s19 =	simm.s32 $0x0;
	s12 =	sadd.s32 s1, s12;
	[sflag:s29] =	ssyncadd.s32 $0xFFFFC000  }
0x12a: {  	[tilespmem:s0], [sflag:$0x9] =	stream.linear.gather [hbm4b:s12+s19], $0x100, $0x38;
	[tilespmem:$0x10400] =	vst v63  }
0x12b: {  	_ =	swait.ge [sflag:s21], $0x100  }
0x12c: {  	[sflag:s21] =	ssyncset.done $0x0  }
0x12d: {  	[sflag:s21] =	ssyncadd.s32 $0xFFFFFF00  }
0x12e: {  	[tilespmem:s2], [sflag:$0x3] =	stream.indirect.gather [hbm4b:s4+s22], $0x40, s0, s22, $0xb8;
	[tilespmem:$0x10400] =	vst v63  }
0x12f: {  	s14 =	simm.s32 $0x280;
	s19 =	simm.s32 $0xA400  }
0x130: {  	[tilespmem:s19], [sflag:$0x3] =	stream.indirect.gather [hbm4b:s4+s22], $0x40, s14, s22, $0xb8;
	[tilespmem:$0x10400] =	vst v63  }
0x131: {  	_ =	swait.ge [sflag:s9], $0x4000  }
0x132: {  	[sflag:s9] =	ssyncset.done $0x0  }
0x133: {  	s12 =	simm.s32 $0x0;
	[sflag:s9] =	ssyncadd.s32 $0xFFFFC000  }
0x134: {  	v0 =	vld [tilespmem:s12+$0x4400]  }
0x135: {  	v1 =	vld [tilespmem:s12+$0x4410]  }
0x136: {  	v2 =	vld [tilespmem:s12+$0x4420]  }
0x137: {  	v3 =	vld [tilespmem:s12+$0x4430]  }
0x138: {  	v4 =	vld [tilespmem:s12+$0x4440]  }
0x139: {  	v5 =	vld [tilespmem:s12+$0x4450];
	v0 =	vmul.f32 $8.000000000e+00, v0  }
0x13a: {  	v6 =	vld [tilespmem:s12+$0x4460];
	v1 =	vmul.f32 $8.000000000e+00, v1  }
0x13b: {  	v7 =	vld [tilespmem:s12+$0x4470];
	[tilespmem:s12+$0x4400] =	vst v0;
	v0 =	vmul.f32 $8.000000000e+00, v2  }
0x13c: {  	v8 =	vld [tilespmem:s12+$0x4480];
	[tilespmem:s12+$0x4410] =	vst v1;
	v1 =	vmul.f32 $8.000000000e+00, v3  }
0x13d: {  	v9 =	vld [tilespmem:s12+$0x4490];
	[tilespmem:s12+$0x4420] =	vst v0;
	v0 =	vmul.f32 $8.000000000e+00, v4  }
0x13e: {  	v2 =	vmul.f32 $8.000000000e+00, v5;
	[tilespmem:s12+$0x4430] =	vst v1;
	v1 =	vld [tilespmem:s12+$0x44A0]  }
0x13f: {  	v3 =	vmul.f32 $8.000000000e+00, v6;
	[tilespmem:s12+$0x4440] =	vst v0;
	v0 =	vld [tilespmem:s12+$0x44B0]  }
0x140: {  	[tilespmem:s12+$0x4450] =	vst v2;
	v2 =	vld [tilespmem:s12+$0x44C0];
	v4 =	vmul.f32 $8.000000000e+00, v7  }
0x141: {  	v6 =	vmul.f32 $8.000000000e+00, v8;
	[tilespmem:s12+$0x4460] =	vst v3;
	v3 =	vld [tilespmem:s12+$0x44D0]  }
0x142: {  	s13 =	simm.s32 $0x400;
	v5 =	vmul.f32 $8.000000000e+00, v9;
	[tilespmem:s12+$0x4470] =	vst v4;
	v4 =	vld [tilespmem:s12+$0x44E0]  }
.LBB2_13:
0x143: {  	s14 =	sshra.s32 s13, $0x2;
	p0 =	sne.s32 s13, $0xFC00;
	[tilespmem:s12+$0x4480] =	vst v6;
	v1 =	vmul.f32 $8.000000000e+00, v1;
	v6 =	vld [tilespmem:s12+$0x44F0]  }
0x144: {  	v7 =	vld [tilespmem:s14+$0x4400];
	[tilespmem:s12+$0x4490] =	vst v5;
	v0 =	vmul.f32 $8.000000000e+00, v0  }
0x145: {  	v5 =	vld [tilespmem:s14+$0x4410];
	[tilespmem:s12+$0x44A0] =	vst v1;
	v1 =	vmul.f32 $8.000000000e+00, v2  }
0x146: {  	v2 =	vld [tilespmem:s14+$0x4420];
	[tilespmem:s12+$0x44B0] =	vst v0;
	v0 =	vmul.f32 $8.000000000e+00, v3  }
0x147: {  	v3 =	vld [tilespmem:s14+$0x4430];
	[tilespmem:s12+$0x44C0] =	vst v1;
	v1 =	vmul.f32 $8.000000000e+00, v4  }
0x148: {  	v4 =	vld [tilespmem:s14+$0x4440];
	[tilespmem:s12+$0x44D0] =	vst v0;
	v0 =	vmul.f32 $8.000000000e+00, v6  }
0x149: {  	v6 =	vmul.f32 $8.000000000e+00, v7;
	v7 =	vld [tilespmem:s14+$0x4450];
	[tilespmem:s12+$0x44E0] =	vst v1  }
0x14a: {  	v1 =	vmul.f32 $8.000000000e+00, v5;
	v5 =	vld [tilespmem:s14+$0x4460];
	[tilespmem:s12+$0x44F0] =	vst v0;
	s12 =	smov.u32 s14  }
0x14b: {  	[tilespmem:s12+$0x4400] =	vst v6;
	v0 =	vmul.f32 $8.000000000e+00, v2;
	v2 =	vld [tilespmem:s12+$0x4470]  }
0x14c: {  	[tilespmem:s12+$0x4410] =	vst v1;
	v1 =	vmul.f32 $8.000000000e+00, v3;
	v3 =	vld [tilespmem:s12+$0x4480]  }
0x14d: {  	[tilespmem:s12+$0x4420] =	vst v0;
	v0 =	vmul.f32 $8.000000000e+00, v4;
	v4 =	vld [tilespmem:s12+$0x4490]  }
.Ltmp5:
0x14e: {  	[tilespmem:s12+$0x4430] =	vst v1;
	v6 =	vmul.f32 $8.000000000e+00, v7;
	v1 =	vld [tilespmem:s12+$0x44A0];
	(pc) =	sbr.rel @p0 .LBB2_13-.Ltmp5, $4  }
0x14f: {  	[tilespmem:s12+$0x4440] =	vst v0;
	v5 =	vmul.f32 $8.000000000e+00, v5;
	v0 =	vld [tilespmem:s12+$0x44B0]  }
0x150: {  	[tilespmem:s12+$0x4450] =	vst v6;
	v7 =	vmul.f32 $8.000000000e+00, v2;
	v2 =	vld [tilespmem:s12+$0x44C0]  }
0x151: {  	[tilespmem:s12+$0x4460] =	vst v5;
	v6 =	vmul.f32 $8.000000000e+00, v3;
	v3 =	vld [tilespmem:s12+$0x44D0]  }
0x152: {  	s13 =	sadd.s32 $0x400, s13;
	[tilespmem:s12+$0x4470] =	vst v7;
	v5 =	vmul.f32 $8.000000000e+00, v4;
	v4 =	vld [tilespmem:s12+$0x44E0]  }
0x153: {  	[tilespmem:s12+$0x4480] =	vst v6;
	v1 =	vmul.f32 $8.000000000e+00, v1;
	v59 =	vld [tilespmem:s12+$0x44F0]  }
0x154: {  	[tilespmem:s12+$0x4490] =	vst v5;
	v0 =	vmul.f32 $8.000000000e+00, v0  }
0x155: {  	[tilespmem:s12+$0x44A0] =	vst v1;
	v60 =	vmul.f32 $8.000000000e+00, v2  }
0x156: {  	[tilespmem:s12+$0x44B0] =	vst v0;
	v61 =	vmul.f32 $8.000000000e+00, v3  }
0x157: {  	[tilespmem:s12+$0x44C0] =	vst v60;
	v62 =	vmul.f32 $8.000000000e+00, v4  }
0x158: {  	s3 =	sshll.u32 s3, $0xB;
	[tilespmem:s12+$0x44D0] =	vst v61;
	v63 =	vmul.f32 $8.000000000e+00, v59  }
0x159: {  	s3 =	sand.u32 $0x1FFFD000, s3;
	[tilespmem:s12+$0x44E0] =	vst v62  }
0x15a: {  	s13 =	sadd.s32 s18, s17;
	s3 =	sadd.s32 s5, s3;
	[tilespmem:s12+$0x44F0] =	vst v63  }
0x15b: {  	[hbm4b:s3+s31] =	stream.strided.scatter [tilespmem:s26], [sflag:$0x6], $0x4000, s22, s31, $0x38;
	[tilespmem:$0x10400] =	vst v63  }
0x15c: {  	s3 =	sshll.u32 s13, $0x4;
	_ =	swait.ge [sflag:s7], $0x4000  }
0x15d: {  	s14 =	simm.s32 $0x0;
	s3 =	sand.u32 $0x1FFFFFE0, s3;
	[sflag:s7] =	ssyncset.done $0x0  }
0x15e: {  	s8 =	sadd.s32 $0x1, s8;
	s3 =	sadd.s32 s1, s3;
	[sflag:s7] =	ssyncadd.s32 $0xFFFFC000  }
0x15f: {  	[tilespmem:s10], [sflag:$0x9] =	stream.linear.gather [hbm4b:s3+s14], $0x100, $0x38;
	[tilespmem:$0x10400] =	vst v63  }
0x160: {  	p0 =	sne.s32 s8, $0x18;
	_ =	swait.ge [sflag:s21], $0x100  }
.Ltmp6:
0x161: {  	[sflag:s21] =	ssyncset.done $0x0;
	(pc) =	sbr.rel @p0 .LBB2_6-.Ltmp6, $4  }
0x162: {  	[sflag:s21] =	ssyncadd.s32 $0xFFFFFF00  }
0x163: {  	[tilespmem:s11], [sflag:$0x4] =	stream.indirect.gather [hbm4b:s4+s22], $0x40, s10, s22, $0xb8;
	[tilespmem:$0x10400] =	vst v63  }
0x164: {  	s18 =	simm.s32 $0x380;
	s19 =	simm.s32 $0xE400  }
0x165: {  	[tilespmem:s19], [sflag:$0x4] =	stream.indirect.gather [hbm4b:s4+s22], $0x40, s18, s22, $0xb8;
	[tilespmem:$0x10400] =	vst v63  }
0x166: {  	_ =	swait.ge [sflag:s20], $0x4000  }
0x167: {  	[sflag:s20] =	ssyncset.done $0x0  }
0x168: {  	s3 =	simm.s32 $0x0;
	[sflag:s20] =	ssyncadd.s32 $0xFFFFC000  }
0x169: {  	v0 =	vld [tilespmem:s3+$0x8400]  }
0x16a: {  	v1 =	vld [tilespmem:s3+$0x8410]  }
0x16b: {  	v2 =	vld [tilespmem:s3+$0x8420]  }
0x16c: {  	v3 =	vld [tilespmem:s3+$0x8430]  }
0x16d: {  	v4 =	vld [tilespmem:s3+$0x8440]  }
0x16e: {  	v5 =	vld [tilespmem:s3+$0x8450];
	v0 =	vmul.f32 $8.000000000e+00, v0  }
0x16f: {  	v6 =	vld [tilespmem:s3+$0x8460];
	v1 =	vmul.f32 $8.000000000e+00, v1  }
0x170: {  	v7 =	vld [tilespmem:s3+$0x8470];
	[tilespmem:s3+$0x8400] =	vst v0;
	v0 =	vmul.f32 $8.000000000e+00, v2  }
0x171: {  	v8 =	vld [tilespmem:s3+$0x8480];
	[tilespmem:s3+$0x8410] =	vst v1;
	v1 =	vmul.f32 $8.000000000e+00, v3  }
0x172: {  	v9 =	vld [tilespmem:s3+$0x8490];
	[tilespmem:s3+$0x8420] =	vst v0;
	v0 =	vmul.f32 $8.000000000e+00, v4  }
0x173: {  	v2 =	vmul.f32 $8.000000000e+00, v5;
	[tilespmem:s3+$0x8430] =	vst v1;
	v1 =	vld [tilespmem:s3+$0x84A0]  }
0x174: {  	v3 =	vmul.f32 $8.000000000e+00, v6;
	[tilespmem:s3+$0x8440] =	vst v0;
	v0 =	vld [tilespmem:s3+$0x84B0]  }
0x175: {  	[tilespmem:s3+$0x8450] =	vst v2;
	v2 =	vld [tilespmem:s3+$0x84C0];
	v4 =	vmul.f32 $8.000000000e+00, v7  }
0x176: {  	v6 =	vmul.f32 $8.000000000e+00, v8;
	[tilespmem:s3+$0x8460] =	vst v3;
	v3 =	vld [tilespmem:s3+$0x84D0]  }
0x177: {  	s8 =	simm.s32 $0x400;
	v5 =	vmul.f32 $8.000000000e+00, v9;
	[tilespmem:s3+$0x8470] =	vst v4;
	v4 =	vld [tilespmem:s3+$0x84E0]  }
.LBB2_16:
0x178: {  	s12 =	sshra.s32 s8, $0x2;
	p0 =	sne.s32 s8, $0xFC00;
	[tilespmem:s3+$0x8480] =	vst v6;
	v1 =	vmul.f32 $8.000000000e+00, v1;
	v6 =	vld [tilespmem:s3+$0x84F0]  }
0x179: {  	v7 =	vld [tilespmem:s12+$0x8400];
	[tilespmem:s3+$0x8490] =	vst v5;
	v0 =	vmul.f32 $8.000000000e+00, v0  }
0x17a: {  	v5 =	vld [tilespmem:s12+$0x8410];
	[tilespmem:s3+$0x84A0] =	vst v1;
	v1 =	vmul.f32 $8.000000000e+00, v2  }
0x17b: {  	v2 =	vld [tilespmem:s12+$0x8420];
	[tilespmem:s3+$0x84B0] =	vst v0;
	v0 =	vmul.f32 $8.000000000e+00, v3  }
0x17c: {  	v3 =	vld [tilespmem:s12+$0x8430];
	[tilespmem:s3+$0x84C0] =	vst v1;
	v1 =	vmul.f32 $8.000000000e+00, v4  }
0x17d: {  	v4 =	vld [tilespmem:s12+$0x8440];
	[tilespmem:s3+$0x84D0] =	vst v0;
	v0 =	vmul.f32 $8.000000000e+00, v6  }
0x17e: {  	v6 =	vmul.f32 $8.000000000e+00, v7;
	v7 =	vld [tilespmem:s12+$0x8450];
	[tilespmem:s3+$0x84E0] =	vst v1  }
0x17f: {  	v1 =	vmul.f32 $8.000000000e+00, v5;
	v5 =	vld [tilespmem:s12+$0x8460];
	[tilespmem:s3+$0x84F0] =	vst v0;
	s3 =	smov.u32 s12  }
0x180: {  	[tilespmem:s3+$0x8400] =	vst v6;
	v0 =	vmul.f32 $8.000000000e+00, v2;
	v2 =	vld [tilespmem:s3+$0x8470]  }
0x181: {  	[tilespmem:s3+$0x8410] =	vst v1;
	v1 =	vmul.f32 $8.000000000e+00, v3;
	v3 =	vld [tilespmem:s3+$0x8480]  }
0x182: {  	[tilespmem:s3+$0x8420] =	vst v0;
	v0 =	vmul.f32 $8.000000000e+00, v4;
	v4 =	vld [tilespmem:s3+$0x8490]  }
.Ltmp7:
0x183: {  	[tilespmem:s3+$0x8430] =	vst v1;
	v6 =	vmul.f32 $8.000000000e+00, v7;
	v1 =	vld [tilespmem:s3+$0x84A0];
	(pc) =	sbr.rel @p0 .LBB2_16-.Ltmp7, $4  }
0x184: {  	[tilespmem:s3+$0x8440] =	vst v0;
	v5 =	vmul.f32 $8.000000000e+00, v5;
	v0 =	vld [tilespmem:s3+$0x84B0]  }
0x185: {  	[tilespmem:s3+$0x8450] =	vst v6;
	v7 =	vmul.f32 $8.000000000e+00, v2;
	v2 =	vld [tilespmem:s3+$0x84C0]  }
0x186: {  	[tilespmem:s3+$0x8460] =	vst v5;
	v6 =	vmul.f32 $8.000000000e+00, v3;
	v3 =	vld [tilespmem:s3+$0x84D0]  }
0x187: {  	s8 =	sadd.s32 $0x400, s8;
	[tilespmem:s3+$0x8470] =	vst v7;
	v5 =	vmul.f32 $8.000000000e+00, v4;
	v4 =	vld [tilespmem:s3+$0x84E0]  }
0x188: {  	[tilespmem:s3+$0x8480] =	vst v6;
	v1 =	vmul.f32 $8.000000000e+00, v1;
	v6 =	vld [tilespmem:s3+$0x84F0]  }
0x189: {  	[tilespmem:s3+$0x8490] =	vst v5;
	v0 =	vmul.f32 $8.000000000e+00, v0  }
0x18a: {  	[tilespmem:s3+$0x84A0] =	vst v1;
	v1 =	vmul.f32 $8.000000000e+00, v2  }
0x18b: {  	[tilespmem:s3+$0x84B0] =	vst v0;
	v0 =	vmul.f32 $8.000000000e+00, v3  }
0x18c: {  	[tilespmem:s3+$0x84C0] =	vst v1;
	v1 =	vmul.f32 $8.000000000e+00, v4  }
0x18d: {  	[tilespmem:s3+$0x84D0] =	vst v0;
	v0 =	vmul.f32 $8.000000000e+00, v6  }
0x18e: {  	[tilespmem:s3+$0x84E0] =	vst v1  }
0x18f: {  	s19 =	rddreg [dreg:$0xc];
	[tilespmem:s3+$0x84F0] =	vst v0  }
0x190: {  	[hbm4b:s19+s31] =	stream.strided.scatter [tilespmem:s2], [sflag:$0x7], $0x4000, s22, s31, $0x38;
	[tilespmem:$0x10400] =	vst v63  }
0x191: {  	_ =	swait.ge [sflag:s24], $0x4000  }
0x192: {  	[sflag:s24] =	ssyncset.done $0x0  }
0x193: {  	s3 =	simm.s32 $0x0;
	[sflag:s24] =	ssyncadd.s32 $0xFFFFC000  }
0x194: {  	v0 =	vld [tilespmem:s3+$0xC400]  }
0x195: {  	v1 =	vld [tilespmem:s3+$0xC410]  }
0x196: {  	v2 =	vld [tilespmem:s3+$0xC420]  }
0x197: {  	v3 =	vld [tilespmem:s3+$0xC430]  }
0x198: {  	v4 =	vld [tilespmem:s3+$0xC440]  }
0x199: {  	v5 =	vld [tilespmem:s3+$0xC450];
	v0 =	vmul.f32 $8.000000000e+00, v0  }
0x19a: {  	v6 =	vld [tilespmem:s3+$0xC460];
	v1 =	vmul.f32 $8.000000000e+00, v1  }
0x19b: {  	v7 =	vld [tilespmem:s3+$0xC470];
	[tilespmem:s3+$0xC400] =	vst v0;
	v0 =	vmul.f32 $8.000000000e+00, v2  }
0x19c: {  	v8 =	vld [tilespmem:s3+$0xC480];
	[tilespmem:s3+$0xC410] =	vst v1;
	v1 =	vmul.f32 $8.000000000e+00, v3  }
0x19d: {  	v9 =	vld [tilespmem:s3+$0xC490];
	[tilespmem:s3+$0xC420] =	vst v0;
	v0 =	vmul.f32 $8.000000000e+00, v4  }
0x19e: {  	v2 =	vmul.f32 $8.000000000e+00, v5;
	[tilespmem:s3+$0xC430] =	vst v1;
	v1 =	vld [tilespmem:s3+$0xC4A0]  }
0x19f: {  	v3 =	vmul.f32 $8.000000000e+00, v6;
	[tilespmem:s3+$0xC440] =	vst v0;
	v0 =	vld [tilespmem:s3+$0xC4B0]  }
0x1a0: {  	[tilespmem:s3+$0xC450] =	vst v2;
	v2 =	vld [tilespmem:s3+$0xC4C0];
	v4 =	vmul.f32 $8.000000000e+00, v7  }
0x1a1: {  	v6 =	vmul.f32 $8.000000000e+00, v8;
	[tilespmem:s3+$0xC460] =	vst v3;
	v3 =	vld [tilespmem:s3+$0xC4D0]  }
0x1a2: {  	s8 =	simm.s32 $0x400;
	v5 =	vmul.f32 $8.000000000e+00, v9;
	[tilespmem:s3+$0xC470] =	vst v4;
	v4 =	vld [tilespmem:s3+$0xC4E0]  }
.LBB2_18:
0x1a3: {  	s12 =	sshra.s32 s8, $0x2;
	p0 =	sne.s32 s8, $0xFC00;
	[tilespmem:s3+$0xC480] =	vst v6;
	v1 =	vmul.f32 $8.000000000e+00, v1;
	v6 =	vld [tilespmem:s3+$0xC4F0]  }
0x1a4: {  	v7 =	vld [tilespmem:s12+$0xC400];
	[tilespmem:s3+$0xC490] =	vst v5;
	v0 =	vmul.f32 $8.000000000e+00, v0  }
0x1a5: {  	v5 =	vld [tilespmem:s12+$0xC410];
	[tilespmem:s3+$0xC4A0] =	vst v1;
	v1 =	vmul.f32 $8.000000000e+00, v2  }
0x1a6: {  	v2 =	vld [tilespmem:s12+$0xC420];
	[tilespmem:s3+$0xC4B0] =	vst v0;
	v0 =	vmul.f32 $8.000000000e+00, v3  }
0x1a7: {  	v3 =	vld [tilespmem:s12+$0xC430];
	[tilespmem:s3+$0xC4C0] =	vst v1;
	v1 =	vmul.f32 $8.000000000e+00, v4  }
0x1a8: {  	v4 =	vld [tilespmem:s12+$0xC440];
	[tilespmem:s3+$0xC4D0] =	vst v0;
	v0 =	vmul.f32 $8.000000000e+00, v6  }
0x1a9: {  	v6 =	vmul.f32 $8.000000000e+00, v7;
	v7 =	vld [tilespmem:s12+$0xC450];
	[tilespmem:s3+$0xC4E0] =	vst v1  }
0x1aa: {  	v1 =	vmul.f32 $8.000000000e+00, v5;
	v5 =	vld [tilespmem:s12+$0xC460];
	[tilespmem:s3+$0xC4F0] =	vst v0;
	s3 =	smov.u32 s12  }
0x1ab: {  	[tilespmem:s3+$0xC400] =	vst v6;
	v0 =	vmul.f32 $8.000000000e+00, v2;
	v2 =	vld [tilespmem:s3+$0xC470]  }
0x1ac: {  	[tilespmem:s3+$0xC410] =	vst v1;
	v1 =	vmul.f32 $8.000000000e+00, v3;
	v3 =	vld [tilespmem:s3+$0xC480]  }
0x1ad: {  	[tilespmem:s3+$0xC420] =	vst v0;
	v0 =	vmul.f32 $8.000000000e+00, v4;
	v4 =	vld [tilespmem:s3+$0xC490]  }
.Ltmp8:
0x1ae: {  	[tilespmem:s3+$0xC430] =	vst v1;
	v6 =	vmul.f32 $8.000000000e+00, v7;
	v1 =	vld [tilespmem:s3+$0xC4A0];
	(pc) =	sbr.rel @p0 .LBB2_18-.Ltmp8, $4  }
0x1af: {  	[tilespmem:s3+$0xC440] =	vst v0;
	v5 =	vmul.f32 $8.000000000e+00, v5;
	v0 =	vld [tilespmem:s3+$0xC4B0]  }
0x1b0: {  	[tilespmem:s3+$0xC450] =	vst v6;
	v7 =	vmul.f32 $8.000000000e+00, v2;
	v2 =	vld [tilespmem:s3+$0xC4C0]  }
0x1b1: {  	[tilespmem:s3+$0xC460] =	vst v5;
	v6 =	vmul.f32 $8.000000000e+00, v3;
	v3 =	vld [tilespmem:s3+$0xC4D0]  }
0x1b2: {  	s8 =	sadd.s32 $0x400, s8;
	[tilespmem:s3+$0xC470] =	vst v7;
	v5 =	vmul.f32 $8.000000000e+00, v4;
	v4 =	vld [tilespmem:s3+$0xC4E0]  }
0x1b3: {  	[tilespmem:s3+$0xC480] =	vst v6;
	v1 =	vmul.f32 $8.000000000e+00, v1;
	v59 =	vld [tilespmem:s3+$0xC4F0]  }
0x1b4: {  	[tilespmem:s3+$0xC490] =	vst v5;
	v0 =	vmul.f32 $8.000000000e+00, v0  }
0x1b5: {  	[tilespmem:s3+$0xC4A0] =	vst v1;
	v60 =	vmul.f32 $8.000000000e+00, v2  }
0x1b6: {  	[tilespmem:s3+$0xC4B0] =	vst v0;
	v61 =	vmul.f32 $8.000000000e+00, v3  }
0x1b7: {  	[tilespmem:s3+$0xC4C0] =	vst v60;
	v62 =	vmul.f32 $8.000000000e+00, v4  }
0x1b8: {  	[tilespmem:s3+$0xC4D0] =	vst v61;
	v63 =	vmul.f32 $8.000000000e+00, v59  }
0x1b9: {  	[tilespmem:s3+$0xC4E0] =	vst v62  }
0x1ba: {  	s18 =	rddreg [dreg:$0xd];
	[tilespmem:s3+$0xC4F0] =	vst v63  }
0x1bb: {  	[hbm4b:s18+s31] =	stream.strided.scatter [tilespmem:s11], [sflag:$0x8], $0x4000, s22, s31, $0x38;
	[tilespmem:$0x10400] =	vst v63  }
0x1bc: {  	_ =	swait.ge [sflag:s6], $0x4000  }
0x1bd: {  	[sflag:s6] =	ssyncset.done $0x0  }
0x1be: {  	[sflag:s6] =	ssyncadd.s32 $0xFFFFC000  }
0x1bf: {  	_ =	swait.ge [sflag:s28], $0x4000  }
0x1c0: {  	[sflag:s28] =	ssyncset.done $0x0  }
0x1c1: {  	[sflag:s28] =	ssyncadd.s32 $0xFFFFC000  }
0x1c2: {  	_ =	swait.ge [sflag:s29], $0x4000  }
0x1c3: {  	[sflag:s29] =	ssyncset.done $0x0  }
0x1c4: {  	[sflag:s29] =	ssyncadd.s32 $0xFFFFC000  }
0x1c5: {  	_ =	swait.ge [sflag:s7], $0x4000  }
0x1c6: {  	s8 =	rddreg [dreg:$0xf]  }
0x1c7: {  	s19 =	rddreg [dreg:$0xe];
	s8 =	sadd.s32 $0x1, s8  }
0x1c8: {  	p0 =	sne.s32 s8, s19  }
.Ltmp9:
0x1c9: {  	_ = 	snop;
	(pc) =	sbr.rel @p0 .LBB2_1-.Ltmp9, $3  }
0x1ca: {  	_ =	sdelay $0x1  }
0x1cb: {  	[sflag:s7] =	ssyncset.done $0x0  }
0x1cc: {  	[sflag:s7] =	ssyncadd.s32 $0xFFFFC000  }
0x1cd: {  	_ =	sfence.sel $0x180000  }
0x1ce: {  	[bflag:$0x0] =	sbarrier.arrive $0xFFFF  }
0x1cf: {  	_ =	strace $0x90000047  }
0x1d0: {  	s0 =	stileid.u32;
	[bflag:$0x2] =	sbarrier.arrive $0xFFFF  }
0x1d1: {  	p0 =	sne.s32 s0, $0x0;
	s0 =	rddreg [dreg:$0x2]  }
0x1d2: {  	s0 =	sadd.s32 @!p0 $0x100000, s0  }
0x1d3: {  	[sflag:s0] =	ssyncadd.tile.s32 @!p0 $0x1;
	_ =	shalt  }
.Lfunc_end2:
_tile_overlayer_lowered:
.L_overlay_start_2:
0x1d4: {  	(tag) =	ssettag $0x2  }
0x1d5: {  	s0 =	rddreg [dreg:$0x0];
	s2 =	stileid.u32  }
0x1d6: {  	s1 =	rddreg [dreg:$0x1];
	p0 =	sne.s32 s2, $0x0  }
0x1d7: {  	s3 =	rddreg [dreg:$0x2];
	[bflag:$0x3] =	sbarrier.arrive $0xFFFF;
	s2 =	simm.s32 @!p0 $0x1C09  }
0x1d8: {  	[timem:s3], [sflag:s2] =	dma.local @!p0 [hbm:s0], s1  }
0x1d9: {  	s0 =	simm.s32 @!p0 $0x9  }
0x1da: {  	_ =	swait.ge @!p0 [sflag:s0], s1  }
0x1db: {  	s1 =	ssub.s32 @!p0 $0x0, s1;
	[sflag:s0] =	ssyncset.done @!p0 $0x0  }
0x1dc: {  	[sflag:s0] =	ssyncadd.s32 @!p0 s1  }
0x1dd: {  	[bflag:$0x3] =	sbarrier.arrive $0xFFFF  }
0x1de: {  	_ =	shalt  }

// kernel: sparse-core-data-format-call.cloned.1.call-start
scs
called_computation_lowered:
.L_overlay_start_0:
0x0: {  	s2 =	sld [smem:$0x3FD9]  }
0x1: {  	s3 =	sld [smem:$0x3FFE];
	_ =	sdelay $0x1  }
0x2: {  	s1 =	srdreg.scid  }
0x3: {  	s0 =	sand.u32 $0x1, s1  }
0x4: {  	s18 =	sshll.u32 s0, $0xA;
	s2 =	sadd.s32 s3, s2  }
0x5: {  	s2 =	sadd.s32 s2, s18  }
0x6: {  	[smem:$0x3FC6] =	sst s2  }
0x7: {  	_ = 	snop  }
0x8: {  	s2 =	sld [smem:$0x3FD0];
	(tm) =	ssettm $0x1  }
0x9: {  	s19 =	sld [smem:$0x3FFB];
	_ =	sdelay $0x3  }
0xa: {  	_ =	strace s19  }
0xb: {  	s3 =	sld [smem:$0x3FFC];
	_ =	sdelay $0x3  }
0xc: {  	_ =	strace s3  }
0xd: {  	s3 =	sld [smem:$0x3FFD];
	_ =	sdelay $0x3  }
0xe: {  	_ =	strace s3  }
0xf: {  	_ =	strace $0x8FFFFFFF  }
0x10: {  	s20 =	sld [smem:$0x3FDB];
	_ =	sdelay $0x1  }
0x11: {  	s4 =	simm.s32 $_scs_section_size  }
0x12: {  	s5 =	simm.s32 $_size__tile_overlayer_lowered;
	s6 =	simm.s32 $_tile_overlayer_lowered  }
0x13: {  	s23 =	simm.s32 $0x1BFF;
	s22 =	sshll.u32 s6, $0x1;
	s3 =	sadd.s32 s4, s20  }
0x14: {  	s7 =	simm.s32 $0x0;
	s21 =	sshll.u32 s5, $0x1;
	s5 =	sadd.s32 s22, s3  }
0x15: {  	[timem:s7], [sflag:s23] =	dma.local [hbm:s5], s21  }
0x16: {  	_ =	swait.ge [sflag:s23], s21  }
0x17: {  	s4 =	ssub.s32 $0x0, s21;
	[sflag:s23] =	ssyncset.done $0x0  }
0x18: {  	[sflag:s23] =	ssyncadd.s32 s4;
	_ =	sdelay $0x1  }
0x19: {  	s24 =	simm.s32 $0x1B8B  }
0x1a: {  	_ =	swait.ge [sflag:s24], $0x1  }
0x1b: {  	[sflag:s24] =	ssyncset.done $0x0  }
0x1c: {  	s26 =	simm.s32 $0x1B8E;
	s25 =	sld [smem:$0x3FFE];
	[sflag:s24] =	ssyncadd.s32 $0xFFFFFFFF  }
0x1d: {  	s27 =	simm.s32 $execute0_lowered;
	[smem:$0x3FD2] =	sst s26  }
0x1e: {  	s5 =	sshll.u32 s27, $0x1;
	_ =	strace $0x80000049;
	[dreg:$0x1] =	wrdreg $0xFFFFFFFF  }
0x1f: {  	s28 =	simm.s32 $_size_execute0_lowered;
	s3 =	sadd.s32 s3, s5;
	[dreg:$0x0] =	wrdreg $0x0  }
0x20: {  	s5 =	sshll.u32 s28, $0x1;
	[dreg:$0x2] =	wrdreg s3  }
0x21: {  	[dreg:$0x3] =	wrdreg s5  }
0x22: {  	[dreg:$0x4] =	wrdreg $0xC0  }
0x23: {  	_ =	task [dreg:s7], $0x5FFFF  }
0x24: {  	[dreg:$0x1] =	wrdreg $0xFFFFFFFF  }
0x25: {  	[dreg:$0x0] =	wrdreg $0x60  }
0x26: {  	[dreg:$0x2] =	wrdreg s25  }
0x27: {  	[dreg:$0x3] =	wrdreg s2  }
0x28: {  	[dreg:$0x4] =	wrdreg $0x9  }
0x29: {  	_ =	task.clear_ibuf [dreg:s7], $0x5FFFF;
	_ =	strace $0x90000049  }
0x2a: {  	s29 =	simm.s32 $0x9;
	_ =	strace $0x8000004B  }
0x2b: {  	_ =	swait.ge [sflag:s29], $0x1  }
0x2c: {  	[sflag:s29] =	ssyncadd.s32 $0xFFFFFFFF  }
0x2d: {  	_ =	strace $0x9000004B  }
0x2e: {  	_ =	sfence  }
0x2f: {  	s30 =	sld [smem:$0x0];
	_ =	sdelay $0x2  }
0x30: {  	s31 =	sshll.u32 s1, $0xD;
	s1 =	sshrl.u32 s1, $0x2  }
0x31: {  	s3 =	sand.u32 $0x4000, s31;
	s1 =	sadd.s32 s1, s30  }
0x32: {  	s0 =	sor.u32 s3, s0;
	s1 =	sshll.u32 s1, $0x11  }
0x33: {  	s0 =	sor.u32 s1, s0  }
0x34: {  	s0 =	sadd.s32 $0x8F2B, s0  }
0x35: {  	[sflag:s0] =	ssyncadd.remote.s32 $0x1  }
0x36: {  	_ =	sfence.sel $0xFFFF  }
0x37: {  	[dreg:$0x0] =	wrdreg $0xFFFFFFFF;
	(pc) =	sbr.abs _section_cstart, $3  }
0x38: {  	[dreg:$0x1] =	wrdreg $0xFFFFFFFF  }
0x39: {  	_ =	task.clear_ibuf [dreg:s7], $0x2FFFF;
	_ =	strace $0x9FFFFFFF  }
0x3a: {  	(tm) =	ssettm $0x7FFFFFFF  }
0x3b: {  	_ =	shalt  }
tec
execute0_lowered:
.L_overlay_start_1:
0x0: {  	(tag) =	ssettag $0x1  }
0x1: {  	s0 =	srdreg.scid  }
0x2: {  	s1 =	sshll.u32 s0, $0x4  }
0x3: {  	s0 =	stileid.u32;
	s1 =	sand.u32 $0x10, s1  }
0x4: {  	s1 =	sor.u32 s0, s1  }
0x5: {  	s6 =	rddreg [dreg:$0x0];
	s4 =	simm.s32 $0x1;
	s2 =	sshll.u32 s1, $0x7  }
0x6: {  	s7 =	simm.s32 $0x2;
	s12 =	simm.s32 $0x0;
	s1 =	ssub.s32 $0x1000, s2  }
0x7: {  	s8 =	simm.s32 $0x8000;
	s13 =	simm.s32 $0x0;
	s3 =	sand.u32 $0xF80, s1  }
0x8: {  	s9 =	simm.s32 $0x0;
	s5 =	sshrl.u32 s1, $0xC;
	p0 =	sne.s32 s3, $0x0  }
.Ltmp0:
0x9: {  	s1 =	rddreg [dreg:$0x2];
	s4 =	simm.s32 @!p0 $0x0;
	(pc) =	sbr.rel .LBB1_1-.Ltmp0, $4  }
0xa: {  	s11 =	simm.s32 $0x0;
	s3 =	rddreg [dreg:$0x1];
	s5 =	sadd.s32 s4, s5  }
0xb: {  	_ =	strace $0x8000004A;
	s4 =	simm.s32 $0x1;
	s5 =	smul.u32 $0xC8, s5  }
0xc: {  	s6 =	sadd.s32 $0xA00, s6;
	s10 =	smov.u32 s2;
	[sflag:s4] =	ssyncpa.u1 $0x0  }
0xd: {  	p0 =	por $0x0, $0x0;
	[sflag:s7] =	ssyncpa.u1 $0x0;
	s7 =	sor.u32 $0x1, s5  }
.LBB1_4:
0xe: {  	s16 =	sshll.u32 s13, $0x3;
	s17 =	sand.u32 $0x78, s13  }
0xf: {  	s30 =	sand.u32 $0x7E00, s13;
	s12 =	sshll.u32 s12, $0xF;
	s16 =	sand.u32 $0xC00, s16  }
0x10: {  	[tilespmem:s15+$0x810 ss:$0x81] =	vst.msk $0xffff, v2;
	s31 =	sand.u32 $0x7, s13;
	s16 =	sor.u32 s17, s16;
	s17 =	sadd.s32 s3, s30  }
0x11: {  	[tilespmem:s15+$0x1020 ss:$0x81] =	vst.msk $0xffff, v0;
	s13 =	sshll.u32 s31, $0x12;
	s12 =	sadd.s32 s12, s17;
	s16 =	sshrl.u32 s16, $0x3  }
0x12: {  	[tilespmem:s15+$0x0 ss:$0x81] =	vst.msk $0xffff, v1;
	s13 =	sor.u32 $0x400, s13;
	s12 =	sadd.s32 s16, s12  }
0x13: {  	[hbm4b:s12+s13] =	stream.strided.scatter [tilespmem:s14], [sflag:$0x2], $0x2000, s8, s13, $0x20;
	[tilespmem:$0x8080] =	vst v63  }
.LBB1_5:
0x14: {  	s14 =	sadd.s32 $0x1, s9  }
0x15: {  	s12 =	sadd.s32 $0x1000, s10;
	s16 =	smov.u32 s10;
	p2 =	sgt.s32 s14, $0xC7  }
0x16: {  	s16 =	smov.u32 @p2 s12  }
0x17: {  	s14 =	simm.s32 @p2 $0x0;
	p2 =	sgt.s32 s16, $0xFFF  }
0x18: {  	s16 =	smov.u32 @p2 s2;
	p2 =	sne.s32 s11, s7  }
.Ltmp1:
0x19: {  	p1 =	slt.u32 s11, $0x2;
	(pc) =	sbr.rel @!p2 .LBB1_6-.Ltmp1, $4  }
0x1a: {  	s15 =	simm.s32 @!p1 $0x2  }
0x1b: {  	s13 =	smov.u32 s10;
	p0 =	por !p0, !p0;
	_ =	swait.ge @!p1 [sflag:s15], $0x2000  }
0x1c: {  	s12 =	smov.u32 s9;
	[sflag:s15] =	ssyncset.done @!p1 $0x0;
	s9 =	smov.u32 s14  }
0x1d: {  	s11 =	sadd.s32 $0x1, s11;
	[sflag:s15] =	ssyncadd.s32 @!p1 $0xFFFFE000;
	s10 =	smov.u32 s16  }
.LBB1_1:
0x1e: {  	p1 =	sge.u32 s11, s5  }
0x1f: {  	s14 =	sand.u32 @!p1 $0x1FFFFFF, s9  }
0x20: {  	s15 =	smulhi.u32 @!p1 $0x147AE15, s14;
	_ =	sdelay $0x1  }
0x21: {  	s15 =	smul.u32 @!p1 $0xC8, s15  }
0x22: {  	s16 =	sxor.u32 @!p1 $0xFFFFFFFF, s11;
	s17 =	smul.u32 @!p1 $0xC80, s10  }
0x23: {  	s31 =	sadd.s32 $0xFFFFFFFF, s11;
	s16 =	sshll.u32 @!p1 s16, $0xD;
	s14 =	ssub.s32 @!p1 s14, s15  }
0x24: {  	s15 =	sand.u32 @!p1 $0x2000, s16;
	s16 =	sadd.s32 @!p1 s6, s17;
	s14 =	sshll.u32 @!p1 s14, $0x4  }
0x25: {  	s17 =	simm.s32 @!p1 $0x6400;
	s14 =	sadd.s32 @!p1 s14, s16;
	s16 =	simm.s32 @!p1 $0x40  }
0x26: {  	[tilespmem:s15], [sflag:$0x1] =	stream.strided.gather @!p1 [hbm4b:s14+s16], $0x2000, s17, s16, $0x38;
	[tilespmem:$0x8080] =	vst v63  }
0x27: {  	p1 =	sge.u32 s31, s5  }
.Ltmp2:
0x28: {  	_ = 	snop;
	(pc) =	sbr.rel @p1 .LBB1_5-.Ltmp2, $1  }
0x29: {  	_ =	sdelay $0x3  }
0x2a: {  	s14 =	simm.s32 $0x1  }
0x2b: {  	_ =	swait.ge [sflag:s4], $0x2000;
	s14 =	simm.s32 @!p0 $0x0  }
0x2c: {  	[sflag:s4] =	ssyncset.done $0x0;
	s15 =	sshll.u32 s14, $0xD  }
0x2d: {  	[sflag:s4] =	ssyncadd.s32 $0xFFFFE000;
	s18 =	sor.u32 $0x20, s15  }
0x2e: {  	s14 =	smul.u32 $0x8100, s14;
	v3 =	vld [tilespmem:s18+$0x10]  }
0x2f: {  	s30 =	sand.u32 $0x1, s11;
	v2 =	vld [tilespmem:s18+$0xFFFFFFF0]  }
0x30: {  	s15 =	smul.u32 $0x8100, s30;
	s14 =	sshrl.u32 s14, $0x2;
	v0 =	vld [tilespmem:s18+$0x0]  }
0x31: {  	v1 =	vld [tilespmem:s18+$0xFFFFFFE0];
	s16 =	sor.u32 $0x4000, s14  }
0x32: {  	s31 =	sshrl.u32 s15, $0x2;
	s15 =	sadd.s32 $0x0, s16  }
0x33: {  	s17 =	simm.s32 $0x4;
	s18 =	sadd.s32 $0x40, s18;
	s14 =	sor.u32 $0x4000, s31;
	[tilespmem:s15+$0x1830 ss:$0x81] =	vst.msk $0xffff, v3  }
.LBB1_3:
0x34: {  	v3 =	vld [tilespmem:s18+$0x10];
	p1 =	sne.s32 s17, $0x1FC;
	[tilespmem:s15+$0x810 ss:$0x81] =	vst.msk $0xffff, v2;
	s19 =	smov.u32 s17;
	s17 =	sadd.s32 $0x4, s17  }
.Ltmp3:
0x35: {  	v2 =	vld [tilespmem:s18+$0xFFFFFFF0];
	[tilespmem:s15+$0x1020 ss:$0x81] =	vst.msk $0xffff, v0;
	(pc) =	sbr.rel @p1 .LBB1_3-.Ltmp3, $4  }
0x36: {  	v0 =	vld [tilespmem:s18+$0x0];
	[tilespmem:s15+$0x0 ss:$0x81] =	vst.msk $0xffff, v1  }
0x37: {  	s15 =	sshra.s32 s19, $0x2;
	v1 =	vld [tilespmem:s18+$0xFFFFFFE0]  }
0x38: {  	s15 =	sadd.s32 s15, s16  }
0x39: {  	s18 =	sadd.s32 $0x40, s18;
	[tilespmem:s15+$0x1830 ss:$0x81] =	vst.msk $0xffff, v3  }
.Ltmp4:
0x3a: {  	_ = 	snop;
	(pc) =	sbr.rel .LBB1_4-.Ltmp4, $1  }
0x3b: {  	_ =	sdelay $0x3  }
.LBB1_6:
0x3c: {  	_ =	sfence.sel $0x180000  }
0x3d: {  	s2 =	simm.s32 $0x1;
	[bflag:$0x0] =	sbarrier.arrive $0xFFFF  }
0x3e: {  	s31 =	simm.s32 $0x2;
	[sflag:s2] =	ssyncpa.u1 $0x1  }
0x3f: {  	[sflag:s31] =	ssyncpa.u1 $0x1  }
0x40: {  	p0 =	sne.s32 s0, $0x0;
	_ =	strace $0x9000004A  }
0x41: {  	s0 =	sadd.s32 @!p0 $0x100000, s1;
	[bflag:$0x2] =	sbarrier.arrive $0xFFFF  }
0x42: {  	[sflag:s0] =	ssyncadd.tile.s32 @!p0 $0x1;
	_ =	shalt  }
.Lfunc_end1:
_tile_overlayer_lowered:
.L_overlay_start_2:
0x43: {  	(tag) =	ssettag $0x2  }
0x44: {  	s0 =	rddreg [dreg:$0x0];
	s2 =	stileid.u32  }
0x45: {  	s1 =	rddreg [dreg:$0x1];
	p0 =	sne.s32 s2, $0x0  }
0x46: {  	s3 =	rddreg [dreg:$0x2];
	[bflag:$0x3] =	sbarrier.arrive $0xFFFF;
	s2 =	simm.s32 @!p0 $0x1C01  }
0x47: {  	[timem:s3], [sflag:s2] =	dma.local @!p0 [hbm:s0], s1  }
0x48: {  	s0 =	simm.s32 @!p0 $0x1  }
0x49: {  	_ =	swait.ge @!p0 [sflag:s0], s1  }
0x4a: {  	s1 =	ssub.s32 @!p0 $0x0, s1;
	[sflag:s0] =	ssyncset.done @!p0 $0x0  }
0x4b: {  	[sflag:s0] =	ssyncadd.s32 @!p0 s1  }
0x4c: {  	[bflag:$0x3] =	sbarrier.arrive $0xFFFF  }
0x4d: {  	_ =	shalt  }

</sc_bundles>
